<compile_context>
chip_gen: v7x
topology: tpu7x:2x2x1
jax: 0.10.2.dev20260603
libtpu: 0.0.44.dev20260713+nightly
codegen_flags: <defaults>
</compile_context>

<pallas_src>
import functools
import jax
import jax.numpy as jnp
from jax import lax
from jax.experimental import pallas as pl
from jax.experimental.pallas import tpu as pltpu
from jax.experimental.pallas import tpu_sc as plsc

B = 16
N = 32768
H = 128
BLK = 8192
NBLK = N // BLK
NCH = BLK // 1024
NCORES = 2
NTILES = 32
TOK = N // NTILES
SUB = 256
NSUB = TOK // SUB
NV = H // 16



def _tc_body(last_sm, x_any, x_ref, seg_ref, W1_ref, b12_ref, W2_ref, qw_ref,
             qb_ref, lg_ref, s_ref, hist_ref, u_sc, s_sc, vi_sc, usm,
             sem):
    i = pl.program_id(0)

    @pl.when(i == 0)
    def _init():
        cps = [
            pltpu.make_async_copy(x_any.at[pl.ds(last_sm[b], 1)],
                                  vi_sc.at[pl.ds(b, 1)], sem)
            for b in range(B)
        ]
        for cp in cps:
            cp.start()
        for cp in cps:
            cp.wait()
        u_sc[...] = jnp.dot(vi_sc[...], W1_ref[...],
                            preferred_element_type=jnp.float32) + b12_ref[...]
        usm[0] = jnp.sum(jnp.maximum(qw_ref[...], 0.0)) + qb_ref[0, 0]
        s_sc[...] = jnp.zeros((B, 1), jnp.float32)

    x = x_ref[...]
    seg_row = seg_ref[0]
    iota = lax.broadcasted_iota(jnp.int32, (B, BLK), 0)
    ohT = (seg_row == iota).astype(jnp.float32)

    z = jnp.dot(x, W2_ref[...], preferred_element_type=jnp.float32)
    z = z + lax.dot_general(ohT, u_sc[...], (((0,), (0,)), ((), ())),
                            preferred_element_type=jnp.float32)
    h = 0.5 * jnp.tanh(0.5 * z) + 0.5
    lgr = lax.dot_general(qw_ref[...], h, (((0,), (1,)), ((), ())),
                          preferred_element_type=jnp.float32) + qb_ref[...]

    ones_row = jnp.ones((1, 1024), jnp.float32)
    hist_ref[...] = jnp.concatenate(
        [lax.dot_general(ones_row, ohT[:, c * 1024:(c + 1) * 1024],
                         (((1,), (1,)), ((), ())),
                         preferred_element_type=jnp.float32)[None]
         for c in range(NCH)], axis=0)

    ex = jnp.exp(lgr - usm[0])
    lg_ref[...] = ex[None]
    s_sc[...] = s_sc[...] + jnp.sum(ohT * ex, axis=1, keepdims=True)

    @pl.when(i == NBLK - 1)
    def _fin():
        s_ref[...] = s_sc[...]



def _sc_reduce_body(x_hbm, lg_hbm, seg_hbm, d_hbm, hist_hbm, out_hbm,
                    xb, lv, segv, dv, histv, accv, idxv, shacc,
                    sem0, sem1, semh):
    cid = lax.axis_index("c")
    sid = lax.axis_index("s")
    wid = sid * NCORES + cid
    base = wid * TOK
    sems = [sem0, sem1]

    cps = [None] * NSUB
    for c in range(min(2, NSUB)):
        cps[c] = pltpu.async_copy(x_hbm.at[pl.ds(base + c * SUB, SUB)],
                                  xb.at[c % 2], sems[c % 2])

    hdr = [
        pltpu.async_copy(lg_hbm.at[pl.ds(base, TOK)], lv, semh),
        pltpu.async_copy(seg_hbm.at[pl.ds(base, TOK)], segv, semh),
        pltpu.async_copy(d_hbm, dv, semh),
        pltpu.async_copy(hist_hbm.at[wid], histv, semh),
    ]
    for cp in hdr:
        cp.wait()

    hist_i = histv[...].astype(jnp.int32)
    ends = jnp.cumsum(hist_i)
    starts = ends - hist_i
    lane = lax.iota(jnp.int32, 16)
    s_first = jnp.min(jnp.where(hist_i > 0, lane, B))
    s_last = jnp.max(jnp.where(hist_i > 0, lane, -1))

    zero16 = jnp.zeros((16,), jnp.float32)
    for r in range(B):
        for j in range(NV):
            accv[r, pl.ds(j * 16, 16)] = zero16

    for c in range(NSUB):
        cps[c].wait()

        def sbody(s, _, _c=c):
            lo = jnp.maximum(jnp.max(jnp.where(lane == s, starts, 0)),
                             _c * SUB)
            hi = jnp.minimum(jnp.max(jnp.where(lane == s, ends, 0)),
                             (_c + 1) * SUB)

            @plsc.parallel_loop(lo, hi, unroll=8,
                                carry=tuple(zero16 for _ in range(NV)))
            def res(t, carry):
                wb = plsc.load_gather(lv, [jnp.zeros((16,), jnp.int32) + t])
                tl = t - _c * SUB
                return tuple(
                    carry[j] + wb * xb[_c % 2, tl, pl.ds(j * 16, 16)]
                    for j in range(NV))

            for j in range(NV):
                accv[s, pl.ds(j * 16, 16)] += res[j]
            return 0

        lax.fori_loop(s_first, s_last + 1, sbody, 0)
        if c + 2 < NSUB:
            cps[c + 2] = pltpu.async_copy(
                x_hbm.at[pl.ds(base + (c + 2) * SUB, SUB)],
                xb.at[c % 2], sems[c % 2])

    def dbody(s, _):
        db = plsc.load_gather(dv, [jnp.zeros((16,), jnp.int32) + s])
        for j in range(NV):
            accv[s, pl.ds(j * 16, 16)] /= db + 1e-16
        return 0

    lax.fori_loop(s_first, s_last + 1, dbody, 0)

    idxv[...] = lane

    @pl.when(sid == 0)
    def _seed():
        pltpu.sync_copy(accv, shacc)

    plsc.subcore_barrier()

    @pl.when(sid != 0)
    def _add():
        pltpu.sync_copy(accv, shacc.at[idxv], add=True)

    plsc.subcore_barrier()

    @pl.when(sid == 0)
    def _out():
        pltpu.sync_copy(shacc, out_hbm.at[cid])


_sc_reduce = pl.kernel(
    _sc_reduce_body,
    out_type=jax.ShapeDtypeStruct((NCORES, B, H), jnp.float32),
    mesh=plsc.VectorSubcoreMesh(core_axis_name="c", subcore_axis_name="s"),
    scratch_types=[
        pltpu.VMEM((2, SUB, H), jnp.float32),
        pltpu.VMEM((TOK,), jnp.float32),
        pltpu.VMEM((TOK,), jnp.int32),
        pltpu.VMEM((B,), jnp.float32),
        pltpu.VMEM((B,), jnp.float32),
        pltpu.VMEM((B, H), jnp.float32),
        pltpu.VMEM((B,), jnp.int32),
        pltpu.VMEM_SHARED((B, H), jnp.float32),
        pltpu.SemaphoreType.DMA,
        pltpu.SemaphoreType.DMA,
        pltpu.SemaphoreType.DMA,
    ],
    compiler_params=pltpu.CompilerParams(needs_layout_passes=False),
)


@jax.jit
def kernel(x, batch, last_ixs, W1, b1, W2, b2, qw, qb):
    segi = batch.astype(jnp.int32)
    seg3 = segi.reshape(NBLK, 1, BLK)
    b12 = (b1 + b2).reshape(1, H)
    qb2 = qb.reshape(1, 1)

    exw, s, hist = pl.pallas_call(
        _tc_body,
        grid=(NBLK,),
        in_specs=[
            pl.BlockSpec(memory_space=pltpu.SMEM),
            pl.BlockSpec(memory_space=pltpu.MemorySpace.HBM),
            pl.BlockSpec((BLK, H), lambda i: (i, 0)),
            pl.BlockSpec((1, 1, BLK), lambda i: (i, 0, 0)),
            pl.BlockSpec((H, H), lambda i: (0, 0)),
            pl.BlockSpec((1, H), lambda i: (0, 0)),
            pl.BlockSpec((H, H), lambda i: (0, 0)),
            pl.BlockSpec((H, 1), lambda i: (0, 0)),
            pl.BlockSpec((1, 1), lambda i: (0, 0)),
        ],
        out_specs=[
            pl.BlockSpec((1, 1, BLK), lambda i: (i, 0, 0)),
            pl.BlockSpec((B, 1), lambda i: (0, 0)),
            pl.BlockSpec((NCH, 1, B), lambda i: (i, 0, 0)),
        ],
        out_shape=[
            jax.ShapeDtypeStruct((NBLK, 1, BLK), jnp.float32),
            jax.ShapeDtypeStruct((B, 1), jnp.float32),
            jax.ShapeDtypeStruct((NTILES, 1, B), jnp.float32),
        ],
        scratch_shapes=[
            pltpu.VMEM((B, H), jnp.float32),
            pltpu.VMEM((B, 1), jnp.float32),
            pltpu.VMEM((B, H), jnp.float32),
            pltpu.SMEM((1,), jnp.float32),
            pltpu.SemaphoreType.DMA,
        ],
        compiler_params=pltpu.CompilerParams(
            dimension_semantics=("arbitrary",),
            fuse_transposed_lhs_in_matmul=True,
        ),
    )(last_ixs.astype(jnp.int32), x, x, seg3, W1, b12, W2, qw, qb2)

    partials = _sc_reduce(x, exw.reshape(N), segi, s.reshape(B),
                          hist.reshape(NTILES, B))
    return partials[0] + partials[1]

# --- scband reference (transcript-rebuilt; emitter-appended) ---
"""Pipeline reference for scband-recent-attention-62294205661438 (READ-ONLY COPY).

The authoritative reference and input builder live on the scoring server;
editing this copy changes nothing except your own understanding.
"""

import jax, jax.numpy as jnp
import numpy as np

B = 16
N = 32768
H = 128


def setup_inputs(seed: int = 0) -> dict:
    key = jax.random.key(seed)
    ks = jax.random.split(key, 8)
    x = jax.random.normal(ks[0], (N, H), dtype=jnp.float32)
    batch = jnp.sort(jax.random.randint(ks[1], (N,), 0, B, dtype=jnp.int64))
    last_ixs = jax.random.randint(ks[2], (B,), 0, N, dtype=jnp.int64)
    s = 1.0 / np.sqrt(H)
    W1 = jax.random.normal(ks[3], (H, H), dtype=jnp.float32) * s
    b1 = jnp.zeros((H,), dtype=jnp.float32)
    W2 = jax.random.normal(ks[4], (H, H), dtype=jnp.float32) * s
    b2 = jnp.zeros((H,), dtype=jnp.float32)
    qw = jax.random.normal(ks[5], (H, 1), dtype=jnp.float32) * s
    qb = jnp.zeros((1,), dtype=jnp.float32)
    return {"x": x, "batch": batch, "last_ixs": last_ixs, "W1": W1, "b1": b1, "W2": W2, "b2": b2, "qw": qw, "qb": qb}


def reference(x, batch, last_ixs, W1, b1, W2, b2, qw, qb):
    # sections = torch.bincount(batch)
    sections = jnp.bincount(batch, length=B)
    # v_i = index_select(x, 0, last_ixs)
    v_i = jnp.take(x, last_ixs, axis=0)
    # v_n_repeat = repeat_interleave(v_i, sections, dim=0)
    v_n_repeat = jnp.repeat(v_i, sections, axis=0, total_repeat_length=N)
    # alpha = softmax(q(sigmoid(W1(v_n_repeat) + W2(x))), batch)  -- segment softmax
    h = jax.nn.sigmoid(v_n_repeat @ W1 + b1 + x @ W2 + b2)
    logits = h @ qw + qb  # [N, 1]
    seg_max = jax.lax.stop_gradient(jax.ops.segment_max(logits, batch, num_segments=B))
    ex = jnp.exp(logits - seg_max[batch])
    denom = jax.ops.segment_sum(ex, batch, num_segments=B)
    alpha = ex / (denom[batch] + 1e-16)
    # s_g = scatter_add(alpha * x, batch, dim=0)
    s_g_whole = alpha * x
    s_g = jax.ops.segment_sum(s_g_whole, batch, num_segments=B)
    return s_g

if __name__ == "__main__":
    import jax
    _d = setup_inputs()
    print(jax.jit(kernel)(*tuple(_d.values())))

</pallas_src>

<mosaic_0001>
#map = affine_map<(d0, d1) -> (0, 0)>
#map1 = affine_map<(d0, d1) -> (0)>
#map2 = affine_map<(d0, d1) -> (0, 0, 0)>
module attributes {stable_mosaic.version = 14 : i64} {
  func.func @_sc_reduce_body(%arg0: i32, %arg1: i32, %arg2: memref<32768x128xf32, #tpu.memory_space<hbm>>, %arg3: memref<32768xf32, #tpu.memory_space<hbm>>, %arg4: memref<32768xi32, #tpu.memory_space<hbm>>, %arg5: memref<16xf32, #tpu.memory_space<hbm>>, %arg6: memref<32x16xf32, #tpu.memory_space<hbm>>, %arg7: memref<2x16x128xf32, #tpu.memory_space<hbm>>, %arg8: memref<2x256x128xf32, #tpu.memory_space<vmem>>, %arg9: memref<1024xf32, #tpu.memory_space<vmem>>, %arg10: memref<1024xi32, #tpu.memory_space<vmem>>, %arg11: memref<16xf32, #tpu.memory_space<vmem>>, %arg12: memref<16xf32, #tpu.memory_space<vmem>>, %arg13: memref<16x128xf32, #tpu.memory_space<vmem>>, %arg14: memref<16xi32, #tpu.memory_space<vmem>>, %arg15: memref<16x128xf32, #tpu.memory_space<vmem_shared>>, %arg16: memref<!tpu.dma_semaphore, #tpu.memory_space<semaphore_mem>>, %arg17: memref<!tpu.dma_semaphore, #tpu.memory_space<semaphore_mem>>, %arg18: memref<!tpu.dma_semaphore, #tpu.memory_space<semaphore_mem>>) attributes {dimension_semantics = [#tpu.dimension_semantics<core_parallel>, #tpu.dimension_semantics<subcore_parallel>], iteration_bounds = array<i64: 2, 16>, scalar_prefetch = 0 : i64, scratch_operands = 11 : i64, tpu.core_type = #tpu.core_type<sc_vector_subcore>, window_params = [{transform_indices = #map}, {transform_indices = #map1}, {transform_indices = #map1}, {transform_indices = #map1}, {transform_indices = #map}, {transform_indices = #map2}]} {
    %mul3A = arith.constant 2 : i32
    %mul3A_0 = arith.muli %arg1, %mul3A : i32
    %add3A = arith.addi %mul3A_0, %arg0 : i32
    %mul3A_1 = arith.constant 1024 : i32
    %mul3A_2 = arith.muli %add3A, %mul3A_1 : i32
    %add3A_3 = arith.constant 0 : i32
    %add3A_4 = arith.addi %mul3A_2, %add3A_3 : i32
    %dma_start3A = arith.constant 0 : i32
    %dma_start3A_5 = arith.constant 0 : i32
    %dma_start3A_6 = arith.constant 0 : i32
    %dma_start3A_7 = tpu.memref_slice %arg8[%dma_start3A, %dma_start3A_5, %dma_start3A_6] : memref<2x256x128xf32, #tpu.memory_space<vmem>> -> memref<1x256x128xf32, #tpu.memory_space<vmem>>
    %dma_start3A_8 = tpu.memref_squeeze %dma_start3A_7 : memref<1x256x128xf32, #tpu.memory_space<vmem>> -> memref<256x128xf32, #tpu.memory_space<vmem>>
    %dma_start3A_9 = arith.constant 0 : i32
    %dma_start3A_10 = tpu.memref_slice %arg2[%add3A_4, %dma_start3A_9] : memref<32768x128xf32, #tpu.memory_space<hbm>> -> memref<256x128xf32, #tpu.memory_space<hbm>>
    %dma_start3A_11 = arith.constant 0 : i32
    %dma_start3A_12 = arith.constant 0 : i32
    %dma_start3A_13 = tpu.memref_slice %arg8[%dma_start3A, %dma_start3A_11, %dma_start3A_12] : memref<2x256x128xf32, #tpu.memory_space<vmem>> -> memref<1x256x128xf32, #tpu.memory_space<vmem>>
    %dma_start3A_14 = tpu.memref_squeeze %dma_start3A_13 : memref<1x256x128xf32, #tpu.memory_space<vmem>> -> memref<256x128xf32, #tpu.memory_space<vmem>>
    %dma_start3A_15 = arith.constant 0 : i32
    %dma_start3A_16 = tpu.memref_slice %arg2[%add3A_4, %dma_start3A_15] : memref<32768x128xf32, #tpu.memory_space<hbm>> -> memref<256x128xf32, #tpu.memory_space<hbm>>
    tpu.enqueue_dma source(%dma_start3A_16 : memref<256x128xf32, #tpu.memory_space<hbm>>) target(%dma_start3A_14 : memref<256x128xf32, #tpu.memory_space<vmem>>) target_semaphore(%arg16 : memref<!tpu.dma_semaphore, #tpu.memory_space<semaphore_mem>>)
    %add3A_17 = arith.constant 256 : i32
    %add3A_18 = arith.addi %mul3A_2, %add3A_17 : i32
    %dma_start3A_19 = arith.constant 1 : i32
    %dma_start3A_20 = arith.constant 0 : i32
    %dma_start3A_21 = arith.constant 0 : i32
    %dma_start3A_22 = tpu.memref_slice %arg8[%dma_start3A_19, %dma_start3A_20, %dma_start3A_21] : memref<2x256x128xf32, #tpu.memory_space<vmem>> -> memref<1x256x128xf32, #tpu.memory_space<vmem>>
    %dma_start3A_23 = tpu.memref_squeeze %dma_start3A_22 : memref<1x256x128xf32, #tpu.memory_space<vmem>> -> memref<256x128xf32, #tpu.memory_space<vmem>>
    %dma_start3A_24 = arith.constant 0 : i32
    %dma_start3A_25 = tpu.memref_slice %arg2[%add3A_18, %dma_start3A_24] : memref<32768x128xf32, #tpu.memory_space<hbm>> -> memref<256x128xf32, #tpu.memory_space<hbm>>
    %dma_start3A_26 = arith.constant 0 : i32
    %dma_start3A_27 = arith.constant 0 : i32
    %dma_start3A_28 = tpu.memref_slice %arg8[%dma_start3A_19, %dma_start3A_26, %dma_start3A_27] : memref<2x256x128xf32, #tpu.memory_space<vmem>> -> memref<1x256x128xf32, #tpu.memory_space<vmem>>
    %dma_start3A_29 = tpu.memref_squeeze %dma_start3A_28 : memref<1x256x128xf32, #tpu.memory_space<vmem>> -> memref<256x128xf32, #tpu.memory_space<vmem>>
    %dma_start3A_30 = arith.constant 0 : i32
    %dma_start3A_31 = tpu.memref_slice %arg2[%add3A_18, %dma_start3A_30] : memref<32768x128xf32, #tpu.memory_space<hbm>> -> memref<256x128xf32, #tpu.memory_space<hbm>>
    tpu.enqueue_dma source(%dma_start3A_31 : memref<256x128xf32, #tpu.memory_space<hbm>>) target(%dma_start3A_29 : memref<256x128xf32, #tpu.memory_space<vmem>>) target_semaphore(%arg17 : memref<!tpu.dma_semaphore, #tpu.memory_space<semaphore_mem>>)
    %dma_start3A_32 = tpu.memref_slice %arg3[%mul3A_2] : memref<32768xf32, #tpu.memory_space<hbm>> -> memref<1024xf32, #tpu.memory_space<hbm>>
    %dma_start3A_33 = tpu.memref_slice %arg3[%mul3A_2] : memref<32768xf32, #tpu.memory_space<hbm>> -> memref<1024xf32, #tpu.memory_space<hbm>>
    tpu.enqueue_dma source(%dma_start3A_33 : memref<1024xf32, #tpu.memory_space<hbm>>) target(%arg9 : memref<1024xf32, #tpu.memory_space<vmem>>) target_semaphore(%arg18 : memref<!tpu.dma_semaphore, #tpu.memory_space<semaphore_mem>>)
    %dma_start3A_34 = tpu.memref_slice %arg4[%mul3A_2] : memref<32768xi32, #tpu.memory_space<hbm>> -> memref<1024xi32, #tpu.memory_space<hbm>>
    %dma_start3A_35 = tpu.memref_slice %arg4[%mul3A_2] : memref<32768xi32, #tpu.memory_space<hbm>> -> memref<1024xi32, #tpu.memory_space<hbm>>
    tpu.enqueue_dma source(%dma_start3A_35 : memref<1024xi32, #tpu.memory_space<hbm>>) target(%arg10 : memref<1024xi32, #tpu.memory_space<vmem>>) target_semaphore(%arg18 : memref<!tpu.dma_semaphore, #tpu.memory_space<semaphore_mem>>)
    tpu.enqueue_dma source(%arg5 : memref<16xf32, #tpu.memory_space<hbm>>) target(%arg11 : memref<16xf32, #tpu.memory_space<vmem>>) target_semaphore(%arg18 : memref<!tpu.dma_semaphore, #tpu.memory_space<semaphore_mem>>)
    %dma_start3A_36 = arith.constant 0 : i32
    %dma_start3A_37 = tpu.memref_slice %arg6[%add3A, %dma_start3A_36] : memref<32x16xf32, #tpu.memory_space<hbm>> -> memref<1x16xf32, #tpu.memory_space<hbm>>
    %dma_start3A_38 = tpu.memref_squeeze %dma_start3A_37 : memref<1x16xf32, #tpu.memory_space<hbm>> -> memref<16xf32, #tpu.memory_space<hbm>>
    %dma_start3A_39 = arith.constant 0 : i32
    %dma_start3A_40 = tpu.memref_slice %arg6[%add3A, %dma_start3A_39] : memref<32x16xf32, #tpu.memory_space<hbm>> -> memref<1x16xf32, #tpu.memory_space<hbm>>
    %dma_start3A_41 = tpu.memref_squeeze %dma_start3A_40 : memref<1x16xf32, #tpu.memory_space<hbm>> -> memref<16xf32, #tpu.memory_space<hbm>>
    tpu.enqueue_dma source(%dma_start3A_41 : memref<16xf32, #tpu.memory_space<hbm>>) target(%arg12 : memref<16xf32, #tpu.memory_space<vmem>>) target_semaphore(%arg18 : memref<!tpu.dma_semaphore, #tpu.memory_space<semaphore_mem>>)
    %dma_wait3A = tpu.memref_slice %arg3[%mul3A_2] : memref<32768xf32, #tpu.memory_space<hbm>> -> memref<1024xf32, #tpu.memory_space<hbm>>
    %dma_wait3A_42 = tpu.memref_slice %arg3[%mul3A_2] : memref<32768xf32, #tpu.memory_space<hbm>> -> memref<1024xf32, #tpu.memory_space<hbm>>
    tpu.wait_dma2 semaphore(%arg18 : memref<!tpu.dma_semaphore, #tpu.memory_space<semaphore_mem>>) src(%dma_wait3A_42 : memref<1024xf32, #tpu.memory_space<hbm>>) dst(%arg9 : memref<1024xf32, #tpu.memory_space<vmem>>)
    %dma_wait3A_43 = tpu.memref_slice %arg4[%mul3A_2] : memref<32768xi32, #tpu.memory_space<hbm>> -> memref<1024xi32, #tpu.memory_space<hbm>>
    %dma_wait3A_44 = tpu.memref_slice %arg4[%mul3A_2] : memref<32768xi32, #tpu.memory_space<hbm>> -> memref<1024xi32, #tpu.memory_space<hbm>>
    tpu.wait_dma2 semaphore(%arg18 : memref<!tpu.dma_semaphore, #tpu.memory_space<semaphore_mem>>) src(%dma_wait3A_44 : memref<1024xi32, #tpu.memory_space<hbm>>) dst(%arg10 : memref<1024xi32, #tpu.memory_space<vmem>>)
    tpu.wait_dma2 semaphore(%arg18 : memref<!tpu.dma_semaphore, #tpu.memory_space<semaphore_mem>>) src(%arg5 : memref<16xf32, #tpu.memory_space<hbm>>) dst(%arg11 : memref<16xf32, #tpu.memory_space<vmem>>)
    %dma_wait3A_45 = arith.constant 0 : i32
    %dma_wait3A_46 = tpu.memref_slice %arg6[%add3A, %dma_wait3A_45] : memref<32x16xf32, #tpu.memory_space<hbm>> -> memref<1x16xf32, #tpu.memory_space<hbm>>
    %dma_wait3A_47 = tpu.memref_squeeze %dma_wait3A_46 : memref<1x16xf32, #tpu.memory_space<hbm>> -> memref<16xf32, #tpu.memory_space<hbm>>
    %dma_wait3A_48 = arith.constant 0 : i32
    %dma_wait3A_49 = tpu.memref_slice %arg6[%add3A, %dma_wait3A_48] : memref<32x16xf32, #tpu.memory_space<hbm>> -> memref<1x16xf32, #tpu.memory_space<hbm>>
    %dma_wait3A_50 = tpu.memref_squeeze %dma_wait3A_49 : memref<1x16xf32, #tpu.memory_space<hbm>> -> memref<16xf32, #tpu.memory_space<hbm>>
    tpu.wait_dma2 semaphore(%arg18 : memref<!tpu.dma_semaphore, #tpu.memory_space<semaphore_mem>>) src(%dma_wait3A_50 : memref<16xf32, #tpu.memory_space<hbm>>) dst(%arg12 : memref<16xf32, #tpu.memory_space<vmem>>)
    %get3A = arith.constant 0 : index
    %get3A_51 = tpu.vector_load %arg12[%get3A] {strides = array<i32>} : memref<16xf32, #tpu.memory_space<vmem>>, vector<16xf32>,
    %convert_element_type3A = arith.fptosi %get3A_51 : vector<16xf32> to vector<16xi32>
    %cumsum3A = arith.constant true
    %cumsum3A_52 = vector.broadcast %cumsum3A : i1 to vector<16xi1>
    %cumsum3A_53 = tpu.scan <sum>, %convert_element_type3A masked %cumsum3A_52 : vector<16xi32>, vector<16xi1> -> vector<16xi32>
    %sub3A = arith.subi %cumsum3A_53, %convert_element_type3A : vector<16xi32>
    %iota3A = tpu.iota {dimensions = array<i32: 0>} : vector<16xi32>
    %gt3A = arith.constant 0 : i32
    %gt3A_54 = vector.broadcast %gt3A : i32 to vector<16xi32>
    %gt3A_55 = arith.cmpi sgt, %convert_element_type3A, %gt3A_54 : vector<16xi32>
    %jit3A = arith.constant 16 : i32
    %broadcast_in_dim3A = vector.broadcast %jit3A : i32 to vector<16xi32>
    %select_n3A = arith.select %gt3A_55, %iota3A, %broadcast_in_dim3A : vector<16xi1>, vector<16xi32>
    %reduce_min3A = arith.constant true
    %reduce_min3A_56 = vector.broadcast %reduce_min3A : i1 to vector<16xi1>
    %reduce_min3A_57 = arith.constant -2147483648 : i32
    %reduce_min3A_58 = vector.broadcast %reduce_min3A_57 : i32 to vector<16xi32>
    %reduce_min3A_59 = arith.xori %select_n3A, %reduce_min3A_58 : vector<16xi32>
    %reduce_min3A_60 = tpu.scan <min>, %reduce_min3A_59 masked %reduce_min3A_56 : vector<16xi32>, vector<16xi1> -> vector<16xi32>
    %reduce_min3A_61 = arith.xori %reduce_min3A_60, %reduce_min3A_58 : vector<16xi32>
    %reduce_min3A_62 = vector.extract %reduce_min3A_61[15] : i32 from vector<16xi32>
    %gt3A_63 = arith.constant 0 : i32
    %gt3A_64 = vector.broadcast %gt3A_63 : i32 to vector<16xi32>
    %gt3A_65 = arith.cmpi sgt, %convert_element_type3A, %gt3A_64 : vector<16xi32>
    %jit3A_66 = arith.constant -1 : i32
    %broadcast_in_dim3A_67 = vector.broadcast %jit3A_66 : i32 to vector<16xi32>
    %select_n3A_68 = arith.select %gt3A_65, %iota3A, %broadcast_in_dim3A_67 : vector<16xi1>, vector<16xi32>
    %reduce_max3A = arith.constant true
    %reduce_max3A_69 = vector.broadcast %reduce_max3A : i1 to vector<16xi1>
    %reduce_max3A_70 = arith.constant -2147483648 : i32
    %reduce_max3A_71 = vector.broadcast %reduce_max3A_70 : i32 to vector<16xi32>
    %reduce_max3A_72 = arith.xori %select_n3A_68, %reduce_max3A_71 : vector<16xi32>
    %reduce_max3A_73 = tpu.scan <max>, %reduce_max3A_72 masked %reduce_max3A_69 : vector<16xi32>, vector<16xi1> -> vector<16xi32>
    %reduce_max3A_74 = arith.xori %reduce_max3A_73, %reduce_max3A_71 : vector<16xi32>
    %reduce_max3A_75 = vector.extract %reduce_max3A_74[15] : i32 from vector<16xi32>
    %broadcast_in_dim3A_76 = arith.constant 0.000000e+00 : f32
    %broadcast_in_dim3A_77 = vector.broadcast %broadcast_in_dim3A_76 : f32 to vector<16xf32>
    %swap3A = arith.constant 0 : i32
    %swap3A_78 = arith.index_cast %swap3A : i32 to index
    %swap3A_79 = arith.constant 0 : index
    %swap3A_80 = tpu.vector_load %arg13[%swap3A_78, %swap3A_79] {strides = array<i32>} : memref<16x128xf32, #tpu.memory_space<vmem>>, vector<16xf32>,
    tpu.vector_store %arg13[%swap3A_78, %swap3A_79], %broadcast_in_dim3A_77 {strides = array<i32>} : memref<16x128xf32, #tpu.memory_space<vmem>>, vector<16xf32>,
    %swap3A_81 = arith.constant 0 : i32
    %swap3A_82 = arith.index_cast %swap3A_81 : i32 to index
    %swap3A_83 = arith.constant 16 : index
    %swap3A_84 = tpu.vector_load %arg13[%swap3A_82, %swap3A_83] {strides = array<i32>} : memref<16x128xf32, #tpu.memory_space<vmem>>, vector<16xf32>,
    tpu.vector_store %arg13[%swap3A_82, %swap3A_83], %broadcast_in_dim3A_77 {strides = array<i32>} : memref<16x128xf32, #tpu.memory_space<vmem>>, vector<16xf32>,
    %swap3A_85 = arith.constant 0 : i32
    %swap3A_86 = arith.index_cast %swap3A_85 : i32 to index
    %swap3A_87 = arith.constant 32 : index
    %swap3A_88 = tpu.vector_load %arg13[%swap3A_86, %swap3A_87] {strides = array<i32>} : memref<16x128xf32, #tpu.memory_space<vmem>>, vector<16xf32>,
    tpu.vector_store %arg13[%swap3A_86, %swap3A_87], %broadcast_in_dim3A_77 {strides = array<i32>} : memref<16x128xf32, #tpu.memory_space<vmem>>, vector<16xf32>,
    %swap3A_89 = arith.constant 0 : i32
    %swap3A_90 = arith.index_cast %swap3A_89 : i32 to index
    %swap3A_91 = arith.constant 48 : index
    %swap3A_92 = tpu.vector_load %arg13[%swap3A_90, %swap3A_91] {strides = array<i32>} : memref<16x128xf32, #tpu.memory_space<vmem>>, vector<16xf32>,
    tpu.vector_store %arg13[%swap3A_90, %swap3A_91], %broadcast_in_dim3A_77 {strides = array<i32>} : memref<16x128xf32, #tpu.memory_space<vmem>>, vector<16xf32>,
    %swap3A_93 = arith.constant 0 : i32
    %swap3A_94 = arith.index_cast %swap3A_93 : i32 to index
    %swap3A_95 = arith.constant 64 : index
    %swap3A_96 = tpu.vector_load %arg13[%swap3A_94, %swap3A_95] {strides = array<i32>} : memref<16x128xf32, #tpu.memory_space<vmem>>, vector<16xf32>,
    tpu.vector_store %arg13[%swap3A_94, %swap3A_95], %broadcast_in_dim3A_77 {strides = array<i32>} : memref<16x128xf32, #tpu.memory_space<vmem>>, vector<16xf32>,
    %swap3A_97 = arith.constant 0 : i32
    %swap3A_98 = arith.index_cast %swap3A_97 : i32 to index
    %swap3A_99 = arith.constant 80 : index
    %swap3A_100 = tpu.vector_load %arg13[%swap3A_98, %swap3A_99] {strides = array<i32>} : memref<16x128xf32, #tpu.memory_space<vmem>>, vector<16xf32>,
    tpu.vector_store %arg13[%swap3A_98, %swap3A_99], %broadcast_in_dim3A_77 {strides = array<i32>} : memref<16x128xf32, #tpu.memory_space<vmem>>, vector<16xf32>,
    %swap3A_101 = arith.constant 0 : i32
    %swap3A_102 = arith.index_cast %swap3A_101 : i32 to index
    %swap3A_103 = arith.constant 96 : index
    %swap3A_104 = tpu.vector_load %arg13[%swap3A_102, %swap3A_103] {strides = array<i32>} : memref<16x128xf32, #tpu.memory_space<vmem>>, vector<16xf32>,
    tpu.vector_store %arg13[%swap3A_102, %swap3A_103], %broadcast_in_dim3A_77 {strides = array<i32>} : memref<16x128xf32, #tpu.memory_space<vmem>>, vector<16xf32>,
    %swap3A_105 = arith.constant 0 : i32
    %swap3A_106 = arith.index_cast %swap3A_105 : i32 to index
    %swap3A_107 = arith.constant 112 : index
    %swap3A_108 = tpu.vector_load %arg13[%swap3A_106, %swap3A_107] {strides = array<i32>} : memref<16x128xf32, #tpu.memory_space<vmem>>, vector<16xf32>,
    tpu.vector_store %arg13[%swap3A_106, %swap3A_107], %broadcast_in_dim3A_77 {strides = array<i32>} : memref<16x128xf32, #tpu.memory_space<vmem>>, vector<16xf32>,
    %swap3A_109 = arith.constant 1 : i32
    %swap3A_110 = arith.index_cast %swap3A_109 : i32 to index
    %swap3A_111 = arith.constant 0 : index
    %swap3A_112 = tpu.vector_load %arg13[%swap3A_110, %swap3A_111] {strides = array<i32>} : memref<16x128xf32, #tpu.memory_space<vmem>>, vector<16xf32>,
    tpu.vector_store %arg13[%swap3A_110, %swap3A_111], %broadcast_in_dim3A_77 {strides = array<i32>} : memref<16x128xf32, #tpu.memory_space<vmem>>, vector<16xf32>,
    %swap3A_113 = arith.constant 1 : i32
    %swap3A_114 = arith.index_cast %swap3A_113 : i32 to index
    %swap3A_115 = arith.constant 16 : index
    %swap3A_116 = tpu.vector_load %arg13[%swap3A_114, %swap3A_115] {strides = array<i32>} : memref<16x128xf32, #tpu.memory_space<vmem>>, vector<16xf32>,
    tpu.vector_store %arg13[%swap3A_114, %swap3A_115], %broadcast_in_dim3A_77 {strides = array<i32>} : memref<16x128xf32, #tpu.memory_space<vmem>>, vector<16xf32>,
    %swap3A_117 = arith.constant 1 : i32
    %swap3A_118 = arith.index_cast %swap3A_117 : i32 to index
    %swap3A_119 = arith.constant 32 : index
    %swap3A_120 = tpu.vector_load %arg13[%swap3A_118, %swap3A_119] {strides = array<i32>} : memref<16x128xf32, #tpu.memory_space<vmem>>, vector<16xf32>,
    tpu.vector_store %arg13[%swap3A_118, %swap3A_119], %broadcast_in_dim3A_77 {strides = array<i32>} : memref<16x128xf32, #tpu.memory_space<vmem>>, vector<16xf32>,
    %swap3A_121 = arith.constant 1 : i32
    %swap3A_122 = arith.index_cast %swap3A_121 : i32 to index
    %swap3A_123 = arith.constant 48 : index
    %swap3A_124 = tpu.vector_load %arg13[%swap3A_122, %swap3A_123] {strides = array<i32>} : memref<16x128xf32, #tpu.memory_space<vmem>>, vector<16xf32>,
    tpu.vector_store %arg13[%swap3A_122, %swap3A_123], %broadcast_in_dim3A_77 {strides = array<i32>} : memref<16x128xf32, #tpu.memory_space<vmem>>, vector<16xf32>,
    %swap3A_125 = arith.constant 1 : i32
    %swap3A_126 = arith.index_cast %swap3A_125 : i32 to index
    %swap3A_127 = arith.constant 64 : index
    %swap3A_128 = tpu.vector_load %arg13[%swap3A_126, %swap3A_127] {strides = array<i32>} : memref<16x128xf32, #tpu.memory_space<vmem>>, vector<16xf32>,
    tpu.vector_store %arg13[%swap3A_126, %swap3A_127], %broadcast_in_dim3A_77 {strides = array<i32>} : memref<16x128xf32, #tpu.memory_space<vmem>>, vector<16xf32>,
    %swap3A_129 = arith.constant 1 : i32
    %swap3A_130 = arith.index_cast %swap3A_129 : i32 to index
    %swap3A_131 = arith.constant 80 : index
    %swap3A_132 = tpu.vector_load %arg13[%swap3A_130, %swap3A_131] {strides = array<i32>} : memref<16x128xf32, #tpu.memory_space<vmem>>, vector<16xf32>,
    tpu.vector_store %arg13[%swap3A_130, %swap3A_131], %broadcast_in_dim3A_77 {strides = array<i32>} : memref<16x128xf32, #tpu.memory_space<vmem>>, vector<16xf32>,
    %swap3A_133 = arith.constant 1 : i32
    %swap3A_134 = arith.index_cast %swap3A_133 : i32 to index
    %swap3A_135 = arith.constant 96 : index
    %swap3A_136 = tpu.vector_load %arg13[%swap3A_134, %swap3A_135] {strides = array<i32>} : memref<16x128xf32, #tpu.memory_space<vmem>>, vector<16xf32>,
    tpu.vector_store %arg13[%swap3A_134, %swap3A_135], %broadcast_in_dim3A_77 {strides = array<i32>} : memref<16x128xf32, #tpu.memory_space<vmem>>, vector<16xf32>,
    %swap3A_137 = arith.constant 1 : i32
    %swap3A_138 = arith.index_cast %swap3A_137 : i32 to index
    %swap3A_139 = arith.constant 112 : index
    %swap3A_140 = tpu.vector_load %arg13[%swap3A_138, %swap3A_139] {strides = array<i32>} : memref<16x128xf32, #tpu.memory_space<vmem>>, vector<16xf32>,
    tpu.vector_store %arg13[%swap3A_138, %swap3A_139], %broadcast_in_dim3A_77 {strides = array<i32>} : memref<16x128xf32, #tpu.memory_space<vmem>>, vector<16xf32>,
    %swap3A_141 = arith.constant 2 : i32
    %swap3A_142 = arith.index_cast %swap3A_141 : i32 to index
    %swap3A_143 = arith.constant 0 : index
    %swap3A_144 = tpu.vector_load %arg13[%swap3A_142, %swap3A_143] {strides = array<i32>} : memref<16x128xf32, #tpu.memory_space<vmem>>, vector<16xf32>,
    tpu.vector_store %arg13[%swap3A_142, %swap3A_143], %broadcast_in_dim3A_77 {strides = array<i32>} : memref<16x128xf32, #tpu.memory_space<vmem>>, vector<16xf32>,
    %swap3A_145 = arith.constant 2 : i32
    %swap3A_146 = arith.index_cast %swap3A_145 : i32 to index
    %swap3A_147 = arith.constant 16 : index
    %swap3A_148 = tpu.vector_load %arg13[%swap3A_146, %swap3A_147] {strides = array<i32>} : memref<16x128xf32, #tpu.memory_space<vmem>>, vector<16xf32>,
    tpu.vector_store %arg13[%swap3A_146, %swap3A_147], %broadcast_in_dim3A_77 {strides = array<i32>} : memref<16x128xf32, #tpu.memory_space<vmem>>, vector<16xf32>,
    %swap3A_149 = arith.constant 2 : i32
    %swap3A_150 = arith.index_cast %swap3A_149 : i32 to index
    %swap3A_151 = arith.constant 32 : index
    %swap3A_152 = tpu.vector_load %arg13[%swap3A_150, %swap3A_151] {strides = array<i32>} : memref<16x128xf32, #tpu.memory_space<vmem>>, vector<16xf32>,
    tpu.vector_store %arg13[%swap3A_150, %swap3A_151], %broadcast_in_dim3A_77 {strides = array<i32>} : memref<16x128xf32, #tpu.memory_space<vmem>>, vector<16xf32>,
    %swap3A_153 = arith.constant 2 : i32
    %swap3A_154 = arith.index_cast %swap3A_153 : i32 to index
    %swap3A_155 = arith.constant 48 : index
    %swap3A_156 = tpu.vector_load %arg13[%swap3A_154, %swap3A_155] {strides = array<i32>} : memref<16x128xf32, #tpu.memory_space<vmem>>, vector<16xf32>,
    tpu.vector_store %arg13[%swap3A_154, %swap3A_155], %broadcast_in_dim3A_77 {strides = array<i32>} : memref<16x128xf32, #tpu.memory_space<vmem>>, vector<16xf32>,
    %swap3A_157 = arith.constant 2 : i32
    %swap3A_158 = arith.index_cast %swap3A_157 : i32 to index
    %swap3A_159 = arith.constant 64 : index
    %swap3A_160 = tpu.vector_load %arg13[%swap3A_158, %swap3A_159] {strides = array<i32>} : memref<16x128xf32, #tpu.memory_space<vmem>>, vector<16xf32>,
    tpu.vector_store %arg13[%swap3A_158, %swap3A_159], %broadcast_in_dim3A_77 {strides = array<i32>} : memref<16x128xf32, #tpu.memory_space<vmem>>, vector<16xf32>,
    %swap3A_161 = arith.constant 2 : i32
    %swap3A_162 = arith.index_cast %swap3A_161 : i32 to index
    %swap3A_163 = arith.constant 80 : index
    %swap3A_164 = tpu.vector_load %arg13[%swap3A_162, %swap3A_163] {strides = array<i32>} : memref<16x128xf32, #tpu.memory_space<vmem>>, vector<16xf32>,
    tpu.vector_store %arg13[%swap3A_162, %swap3A_163], %broadcast_in_dim3A_77 {strides = array<i32>} : memref<16x128xf32, #tpu.memory_space<vmem>>, vector<16xf32>,
    %swap3A_165 = arith.constant 2 : i32
    %swap3A_166 = arith.index_cast %swap3A_165 : i32 to index
    %swap3A_167 = arith.constant 96 : index
    %swap3A_168 = tpu.vector_load %arg13[%swap3A_166, %swap3A_167] {strides = array<i32>} : memref<16x128xf32, #tpu.memory_space<vmem>>, vector<16xf32>,
    tpu.vector_store %arg13[%swap3A_166, %swap3A_167], %broadcast_in_dim3A_77 {strides = array<i32>} : memref<16x128xf32, #tpu.memory_space<vmem>>, vector<16xf32>,
    %swap3A_169 = arith.constant 2 : i32
    %swap3A_170 = arith.index_cast %swap3A_169 : i32 to index
    %swap3A_171 = arith.constant 112 : index
    %swap3A_172 = tpu.vector_load %arg13[%swap3A_170, %swap3A_171] {strides = array<i32>} : memref<16x128xf32, #tpu.memory_space<vmem>>, vector<16xf32>,
    tpu.vector_store %arg13[%swap3A_170, %swap3A_171], %broadcast_in_dim3A_77 {strides = array<i32>} : memref<16x128xf32, #tpu.memory_space<vmem>>, vector<16xf32>,
    %swap3A_173 = arith.constant 3 : i32
    %swap3A_174 = arith.index_cast %swap3A_173 : i32 to index
    %swap3A_175 = arith.constant 0 : index
    %swap3A_176 = tpu.vector_load %arg13[%swap3A_174, %swap3A_175] {strides = array<i32>} : memref<16x128xf32, #tpu.memory_space<vmem>>, vector<16xf32>,
    tpu.vector_store %arg13[%swap3A_174, %swap3A_175], %broadcast_in_dim3A_77 {strides = array<i32>} : memref<16x128xf32, #tpu.memory_space<vmem>>, vector<16xf32>,
    %swap3A_177 = arith.constant 3 : i32
    %swap3A_178 = arith.index_cast %swap3A_177 : i32 to index
    %swap3A_179 = arith.constant 16 : index
    %swap3A_180 = tpu.vector_load %arg13[%swap3A_178, %swap3A_179] {strides = array<i32>} : memref<16x128xf32, #tpu.memory_space<vmem>>, vector<16xf32>,
    tpu.vector_store %arg13[%swap3A_178, %swap3A_179], %broadcast_in_dim3A_77 {strides = array<i32>} : memref<16x128xf32, #tpu.memory_space<vmem>>, vector<16xf32>,
    %swap3A_181 = arith.constant 3 : i32
    %swap3A_182 = arith.index_cast %swap3A_181 : i32 to index
    %swap3A_183 = arith.constant 32 : index
    %swap3A_184 = tpu.vector_load %arg13[%swap3A_182, %swap3A_183] {strides = array<i32>} : memref<16x128xf32, #tpu.memory_space<vmem>>, vector<16xf32>,
    tpu.vector_store %arg13[%swap3A_182, %swap3A_183], %broadcast_in_dim3A_77 {strides = array<i32>} : memref<16x128xf32, #tpu.memory_space<vmem>>, vector<16xf32>,
    %swap3A_185 = arith.constant 3 : i32
    %swap3A_186 = arith.index_cast %swap3A_185 : i32 to index
    %swap3A_187 = arith.constant 48 : index
    %swap3A_188 = tpu.vector_load %arg13[%swap3A_186, %swap3A_187] {strides = array<i32>} : memref<16x128xf32, #tpu.memory_space<vmem>>, vector<16xf32>,
    tpu.vector_store %arg13[%swap3A_186, %swap3A_187], %broadcast_in_dim3A_77 {strides = array<i32>} : memref<16x128xf32, #tpu.memory_space<vmem>>, vector<16xf32>,
    %swap3A_189 = arith.constant 3 : i32
    %swap3A_190 = arith.index_cast %swap3A_189 : i32 to index
    %swap3A_191 = arith.constant 64 : index
    %swap3A_192 = tpu.vector_load %arg13[%swap3A_190, %swap3A_191] {strides = array<i32>} : memref<16x128xf32, #tpu.memory_space<vmem>>, vector<16xf32>,
    tpu.vector_store %arg13[%swap3A_190, %swap3A_191], %broadcast_in_dim3A_77 {strides = array<i32>} : memref<16x128xf32, #tpu.memory_space<vmem>>, vector<16xf32>,
    %swap3A_193 = arith.constant 3 : i32
    %swap3A_194 = arith.index_cast %swap3A_193 : i32 to index
    %swap3A_195 = arith.constant 80 : index
    %swap3A_196 = tpu.vector_load %arg13[%swap3A_194, %swap3A_195] {strides = array<i32>} : memref<16x128xf32, #tpu.memory_space<vmem>>, vector<16xf32>,
    tpu.vector_store %arg13[%swap3A_194, %swap3A_195], %broadcast_in_dim3A_77 {strides = array<i32>} : memref<16x128xf32, #tpu.memory_space<vmem>>, vector<16xf32>,
    %swap3A_197 = arith.constant 3 : i32
    %swap3A_198 = arith.index_cast %swap3A_197 : i32 to index
    %swap3A_199 = arith.constant 96 : index
    %swap3A_200 = tpu.vector_load %arg13[%swap3A_198, %swap3A_199] {strides = array<i32>} : memref<16x128xf32, #tpu.memory_space<vmem>>, vector<16xf32>,
    tpu.vector_store %arg13[%swap3A_198, %swap3A_199], %broadcast_in_dim3A_77 {strides = array<i32>} : memref<16x128xf32, #tpu.memory_space<vmem>>, vector<16xf32>,
    %swap3A_201 = arith.constant 3 : i32
    %swap3A_202 = arith.index_cast %swap3A_201 : i32 to index
    %swap3A_203 = arith.constant 112 : index
    %swap3A_204 = tpu.vector_load %arg13[%swap3A_202, %swap3A_203] {strides = array<i32>} : memref<16x128xf32, #tpu.memory_space<vmem>>, vector<16xf32>,
    tpu.vector_store %arg13[%swap3A_202, %swap3A_203], %broadcast_in_dim3A_77 {strides = array<i32>} : memref<16x128xf32, #tpu.memory_space<vmem>>, vector<16xf32>,
    %swap3A_205 = arith.constant 4 : i32
    %swap3A_206 = arith.index_cast %swap3A_205 : i32 to index
    %swap3A_207 = arith.constant 0 : index
    %swap3A_208 = tpu.vector_load %arg13[%swap3A_206, %swap3A_207] {strides = array<i32>} : memref<16x128xf32, #tpu.memory_space<vmem>>, vector<16xf32>,
    tpu.vector_store %arg13[%swap3A_206, %swap3A_207], %broadcast_in_dim3A_77 {strides = array<i32>} : memref<16x128xf32, #tpu.memory_space<vmem>>, vector<16xf32>,
    %swap3A_209 = arith.constant 4 : i32
    %swap3A_210 = arith.index_cast %swap3A_209 : i32 to index
    %swap3A_211 = arith.constant 16 : index
    %swap3A_212 = tpu.vector_load %arg13[%swap3A_210, %swap3A_211] {strides = array<i32>} : memref<16x128xf32, #tpu.memory_space<vmem>>, vector<16xf32>,
    tpu.vector_store %arg13[%swap3A_210, %swap3A_211], %broadcast_in_dim3A_77 {strides = array<i32>} : memref<16x128xf32, #tpu.memory_space<vmem>>, vector<16xf32>,
    %swap3A_213 = arith.constant 4 : i32
    %swap3A_214 = arith.index_cast %swap3A_213 : i32 to index
    %swap3A_215 = arith.constant 32 : index
    %swap3A_216 = tpu.vector_load %arg13[%swap3A_214, %swap3A_215] {strides = array<i32>} : memref<16x128xf32, #tpu.memory_space<vmem>>, vector<16xf32>,
    tpu.vector_store %arg13[%swap3A_214, %swap3A_215], %broadcast_in_dim3A_77 {strides = array<i32>} : memref<16x128xf32, #tpu.memory_space<vmem>>, vector<16xf32>,
    %swap3A_217 = arith.constant 4 : i32
    %swap3A_218 = arith.index_cast %swap3A_217 : i32 to index
    %swap3A_219 = arith.constant 48 : index
    %swap3A_220 = tpu.vector_load %arg13[%swap3A_218, %swap3A_219] {strides = array<i32>} : memref<16x128xf32, #tpu.memory_space<vmem>>, vector<16xf32>,
    tpu.vector_store %arg13[%swap3A_218, %swap3A_219], %broadcast_in_dim3A_77 {strides = array<i32>} : memref<16x128xf32, #tpu.memory_space<vmem>>, vector<16xf32>,
    %swap3A_221 = arith.constant 4 : i32
    %swap3A_222 = arith.index_cast %swap3A_221 : i32 to index
    %swap3A_223 = arith.constant 64 : index
    %swap3A_224 = tpu.vector_load %arg13[%swap3A_222, %swap3A_223] {strides = array<i32>} : memref<16x128xf32, #tpu.memory_space<vmem>>, vector<16xf32>,
    tpu.vector_store %arg13[%swap3A_222, %swap3A_223], %broadcast_in_dim3A_77 {strides = array<i32>} : memref<16x128xf32, #tpu.memory_space<vmem>>, vector<16xf32>,
    %swap3A_225 = arith.constant 4 : i32
    %swap3A_226 = arith.index_cast %swap3A_225 : i32 to index
    %swap3A_227 = arith.constant 80 : index
    %swap3A_228 = tpu.vector_load %arg13[%swap3A_226, %swap3A_227] {strides = array<i32>} : memref<16x128xf32, #tpu.memory_space<vmem>>, vector<16xf32>,
    tpu.vector_store %arg13[%swap3A_226, %swap3A_227], %broadcast_in_dim3A_77 {strides = array<i32>} : memref<16x128xf32, #tpu.memory_space<vmem>>, vector<16xf32>,
    %swap3A_229 = arith.constant 4 : i32
    %swap3A_230 = arith.index_cast %swap3A_229 : i32 to index
    %swap3A_231 = arith.constant 96 : index
    %swap3A_232 = tpu.vector_load %arg13[%swap3A_230, %swap3A_231] {strides = array<i32>} : memref<16x128xf32, #tpu.memory_space<vmem>>, vector<16xf32>,
    tpu.vector_store %arg13[%swap3A_230, %swap3A_231], %broadcast_in_dim3A_77 {strides = array<i32>} : memref<16x128xf32, #tpu.memory_space<vmem>>, vector<16xf32>,
    %swap3A_233 = arith.constant 4 : i32
    %swap3A_234 = arith.index_cast %swap3A_233 : i32 to index
    %swap3A_235 = arith.constant 112 : index
    %swap3A_236 = tpu.vector_load %arg13[%swap3A_234, %swap3A_235] {strides = array<i32>} : memref<16x128xf32, #tpu.memory_space<vmem>>, vector<16xf32>,
    tpu.vector_store %arg13[%swap3A_234, %swap3A_235], %broadcast_in_dim3A_77 {strides = array<i32>} : memref<16x128xf32, #tpu.memory_space<vmem>>, vector<16xf32>,
    %swap3A_237 = arith.constant 5 : i32
    %swap3A_238 = arith.index_cast %swap3A_237 : i32 to index
    %swap3A_239 = arith.constant 0 : index
    %swap3A_240 = tpu.vector_load %arg13[%swap3A_238, %swap3A_239] {strides = array<i32>} : memref<16x128xf32, #tpu.memory_space<vmem>>, vector<16xf32>,
    tpu.vector_store %arg13[%swap3A_238, %swap3A_239], %broadcast_in_dim3A_77 {strides = array<i32>} : memref<16x128xf32, #tpu.memory_space<vmem>>, vector<16xf32>,
    %swap3A_241 = arith.constant 5 : i32
    %swap3A_242 = arith.index_cast %swap3A_241 : i32 to index
    %swap3A_243 = arith.constant 16 : index
    %swap3A_244 = tpu.vector_load %arg13[%swap3A_242, %swap3A_243] {strides = array<i32>} : memref<16x128xf32, #tpu.memory_space<vmem>>, vector<16xf32>,
    tpu.vector_store %arg13[%swap3A_242, %swap3A_243], %broadcast_in_dim3A_77 {strides = array<i32>} : memref<16x128xf32, #tpu.memory_space<vmem>>, vector<16xf32>,
    %swap3A_245 = arith.constant 5 : i32
    %swap3A_246 = arith.index_cast %swap3A_245 : i32 to index
    %swap3A_247 = arith.constant 32 : index
    %swap3A_248 = tpu.vector_load %arg13[%swap3A_246, %swap3A_247] {strides = array<i32>} : memref<16x128xf32, #tpu.memory_space<vmem>>, vector<16xf32>,
    tpu.vector_store %arg13[%swap3A_246, %swap3A_247], %broadcast_in_dim3A_77 {strides = array<i32>} : memref<16x128xf32, #tpu.memory_space<vmem>>, vector<16xf32>,
    %swap3A_249 = arith.constant 5 : i32
    %swap3A_250 = arith.index_cast %swap3A_249 : i32 to index
    %swap3A_251 = arith.constant 48 : index
    %swap3A_252 = tpu.vector_load %arg13[%swap3A_250, %swap3A_251] {strides = array<i32>} : memref<16x128xf32, #tpu.memory_space<vmem>>, vector<16xf32>,
    tpu.vector_store %arg13[%swap3A_250, %swap3A_251], %broadcast_in_dim3A_77 {strides = array<i32>} : memref<16x128xf32, #tpu.memory_space<vmem>>, vector<16xf32>,
    %swap3A_253 = arith.constant 5 : i32
    %swap3A_254 = arith.index_cast %swap3A_253 : i32 to index
    %swap3A_255 = arith.constant 64 : index
    %swap3A_256 = tpu.vector_load %arg13[%swap3A_254, %swap3A_255] {strides = array<i32>} : memref<16x128xf32, #tpu.memory_space<vmem>>, vector<16xf32>,
    tpu.vector_store %arg13[%swap3A_254, %swap3A_255], %broadcast_in_dim3A_77 {strides = array<i32>} : memref<16x128xf32, #tpu.memory_space<vmem>>, vector<16xf32>,
    %swap3A_257 = arith.constant 5 : i32
    %swap3A_258 = arith.index_cast %swap3A_257 : i32 to index
    %swap3A_259 = arith.constant 80 : index
    %swap3A_260 = tpu.vector_load %arg13[%swap3A_258, %swap3A_259] {strides = array<i32>} : memref<16x128xf32, #tpu.memory_space<vmem>>, vector<16xf32>,
    tpu.vector_store %arg13[%swap3A_258, %swap3A_259], %broadcast_in_dim3A_77 {strides = array<i32>} : memref<16x128xf32, #tpu.memory_space<vmem>>, vector<16xf32>,
    %swap3A_261 = arith.constant 5 : i32
    %swap3A_262 = arith.index_cast %swap3A_261 : i32 to index
    %swap3A_263 = arith.constant 96 : index
    %swap3A_264 = tpu.vector_load %arg13[%swap3A_262, %swap3A_263] {strides = array<i32>} : memref<16x128xf32, #tpu.memory_space<vmem>>, vector<16xf32>,
    tpu.vector_store %arg13[%swap3A_262, %swap3A_263], %broadcast_in_dim3A_77 {strides = array<i32>} : memref<16x128xf32, #tpu.memory_space<vmem>>, vector<16xf32>,
    %swap3A_265 = arith.constant 5 : i32
    %swap3A_266 = arith.index_cast %swap3A_265 : i32 to index
    %swap3A_267 = arith.constant 112 : index
    %swap3A_268 = tpu.vector_load %arg13[%swap3A_266, %swap3A_267] {strides = array<i32>} : memref<16x128xf32, #tpu.memory_space<vmem>>, vector<16xf32>,
    tpu.vector_store %arg13[%swap3A_266, %swap3A_267], %broadcast_in_dim3A_77 {strides = array<i32>} : memref<16x128xf32, #tpu.memory_space<vmem>>, vector<16xf32>,
    %swap3A_269 = arith.constant 6 : i32
    %swap3A_270 = arith.index_cast %swap3A_269 : i32 to index
    %swap3A_271 = arith.constant 0 : index
    %swap3A_272 = tpu.vector_load %arg13[%swap3A_270, %swap3A_271] {strides = array<i32>} : memref<16x128xf32, #tpu.memory_space<vmem>>, vector<16xf32>,
    tpu.vector_store %arg13[%swap3A_270, %swap3A_271], %broadcast_in_dim3A_77 {strides = array<i32>} : memref<16x128xf32, #tpu.memory_space<vmem>>, vector<16xf32>,
    %swap3A_273 = arith.constant 6 : i32
    %swap3A_274 = arith.index_cast %swap3A_273 : i32 to index
    %swap3A_275 = arith.constant 16 : index
    %swap3A_276 = tpu.vector_load %arg13[%swap3A_274, %swap3A_275] {strides = array<i32>} : memref<16x128xf32, #tpu.memory_space<vmem>>, vector<16xf32>,
    tpu.vector_store %arg13[%swap3A_274, %swap3A_275], %broadcast_in_dim3A_77 {strides = array<i32>} : memref<16x128xf32, #tpu.memory_space<vmem>>, vector<16xf32>,
    %swap3A_277 = arith.constant 6 : i32
    %swap3A_278 = arith.index_cast %swap3A_277 : i32 to index
    %swap3A_279 = arith.constant 32 : index
    %swap3A_280 = tpu.vector_load %arg13[%swap3A_278, %swap3A_279] {strides = array<i32>} : memref<16x128xf32, #tpu.memory_space<vmem>>, vector<16xf32>,
    tpu.vector_store %arg13[%swap3A_278, %swap3A_279], %broadcast_in_dim3A_77 {strides = array<i32>} : memref<16x128xf32, #tpu.memory_space<vmem>>, vector<16xf32>,
    %swap3A_281 = arith.constant 6 : i32
    %swap3A_282 = arith.index_cast %swap3A_281 : i32 to index
    %swap3A_283 = arith.constant 48 : index
    %swap3A_284 = tpu.vector_load %arg13[%swap3A_282, %swap3A_283] {strides = array<i32>} : memref<16x128xf32, #tpu.memory_space<vmem>>, vector<16xf32>,
    tpu.vector_store %arg13[%swap3A_282, %swap3A_283], %broadcast_in_dim3A_77 {strides = array<i32>} : memref<16x128xf32, #tpu.memory_space<vmem>>, vector<16xf32>,
    %swap3A_285 = arith.constant 6 : i32
    %swap3A_286 = arith.index_cast %swap3A_285 : i32 to index
    %swap3A_287 = arith.constant 64 : index
    %swap3A_288 = tpu.vector_load %arg13[%swap3A_286, %swap3A_287] {strides = array<i32>} : memref<16x128xf32, #tpu.memory_space<vmem>>, vector<16xf32>,
    tpu.vector_store %arg13[%swap3A_286, %swap3A_287], %broadcast_in_dim3A_77 {strides = array<i32>} : memref<16x128xf32, #tpu.memory_space<vmem>>, vector<16xf32>,
    %swap3A_289 = arith.constant 6 : i32
    %swap3A_290 = arith.index_cast %swap3A_289 : i32 to index
    %swap3A_291 = arith.constant 80 : index
    %swap3A_292 = tpu.vector_load %arg13[%swap3A_290, %swap3A_291] {strides = array<i32>} : memref<16x128xf32, #tpu.memory_space<vmem>>, vector<16xf32>,
    tpu.vector_store %arg13[%swap3A_290, %swap3A_291], %broadcast_in_dim3A_77 {strides = array<i32>} : memref<16x128xf32, #tpu.memory_space<vmem>>, vector<16xf32>,
    %swap3A_293 = arith.constant 6 : i32
    %swap3A_294 = arith.index_cast %swap3A_293 : i32 to index
    %swap3A_295 = arith.constant 96 : index
    %swap3A_296 = tpu.vector_load %arg13[%swap3A_294, %swap3A_295] {strides = array<i32>} : memref<16x128xf32, #tpu.memory_space<vmem>>, vector<16xf32>,
    tpu.vector_store %arg13[%swap3A_294, %swap3A_295], %broadcast_in_dim3A_77 {strides = array<i32>} : memref<16x128xf32, #tpu.memory_space<vmem>>, vector<16xf32>,
    %swap3A_297 = arith.constant 6 : i32
    %swap3A_298 = arith.index_cast %swap3A_297 : i32 to index
    %swap3A_299 = arith.constant 112 : index
    %swap3A_300 = tpu.vector_load %arg13[%swap3A_298, %swap3A_299] {strides = array<i32>} : memref<16x128xf32, #tpu.memory_space<vmem>>, vector<16xf32>,
    tpu.vector_store %arg13[%swap3A_298, %swap3A_299], %broadcast_in_dim3A_77 {strides = array<i32>} : memref<16x128xf32, #tpu.memory_space<vmem>>, vector<16xf32>,
    %swap3A_301 = arith.constant 7 : i32
    %swap3A_302 = arith.index_cast %swap3A_301 : i32 to index
    %swap3A_303 = arith.constant 0 : index
    %swap3A_304 = tpu.vector_load %arg13[%swap3A_302, %swap3A_303] {strides = array<i32>} : memref<16x128xf32, #tpu.memory_space<vmem>>, vector<16xf32>,
    tpu.vector_store %arg13[%swap3A_302, %swap3A_303], %broadcast_in_dim3A_77 {strides = array<i32>} : memref<16x128xf32, #tpu.memory_space<vmem>>, vector<16xf32>,
    %swap3A_305 = arith.constant 7 : i32
    %swap3A_306 = arith.index_cast %swap3A_305 : i32 to index
    %swap3A_307 = arith.constant 16 : index
    %swap3A_308 = tpu.vector_load %arg13[%swap3A_306, %swap3A_307] {strides = array<i32>} : memref<16x128xf32, #tpu.memory_space<vmem>>, vector<16xf32>,
    tpu.vector_store %arg13[%swap3A_306, %swap3A_307], %broadcast_in_dim3A_77 {strides = array<i32>} : memref<16x128xf32, #tpu.memory_space<vmem>>, vector<16xf32>,
    %swap3A_309 = arith.constant 7 : i32
    %swap3A_310 = arith.index_cast %swap3A_309 : i32 to index
    %swap3A_311 = arith.constant 32 : index
    %swap3A_312 = tpu.vector_load %arg13[%swap3A_310, %swap3A_311] {strides = array<i32>} : memref<16x128xf32, #tpu.memory_space<vmem>>, vector<16xf32>,
    tpu.vector_store %arg13[%swap3A_310, %swap3A_311], %broadcast_in_dim3A_77 {strides = array<i32>} : memref<16x128xf32, #tpu.memory_space<vmem>>, vector<16xf32>,
    %swap3A_313 = arith.constant 7 : i32
    %swap3A_314 = arith.index_cast %swap3A_313 : i32 to index
    %swap3A_315 = arith.constant 48 : index
    %swap3A_316 = tpu.vector_load %arg13[%swap3A_314, %swap3A_315] {strides = array<i32>} : memref<16x128xf32, #tpu.memory_space<vmem>>, vector<16xf32>,
    tpu.vector_store %arg13[%swap3A_314, %swap3A_315], %broadcast_in_dim3A_77 {strides = array<i32>} : memref<16x128xf32, #tpu.memory_space<vmem>>, vector<16xf32>,
    %swap3A_317 = arith.constant 7 : i32
    %swap3A_318 = arith.index_cast %swap3A_317 : i32 to index
    %swap3A_319 = arith.constant 64 : index
    %swap3A_320 = tpu.vector_load %arg13[%swap3A_318, %swap3A_319] {strides = array<i32>} : memref<16x128xf32, #tpu.memory_space<vmem>>, vector<16xf32>,
    tpu.vector_store %arg13[%swap3A_318, %swap3A_319], %broadcast_in_dim3A_77 {strides = array<i32>} : memref<16x128xf32, #tpu.memory_space<vmem>>, vector<16xf32>,
    %swap3A_321 = arith.constant 7 : i32
    %swap3A_322 = arith.index_cast %swap3A_321 : i32 to index
    %swap3A_323 = arith.constant 80 : index
    %swap3A_324 = tpu.vector_load %arg13[%swap3A_322, %swap3A_323] {strides = array<i32>} : memref<16x128xf32, #tpu.memory_space<vmem>>, vector<16xf32>,
    tpu.vector_store %arg13[%swap3A_322, %swap3A_323], %broadcast_in_dim3A_77 {strides = array<i32>} : memref<16x128xf32, #tpu.memory_space<vmem>>, vector<16xf32>,
    %swap3A_325 = arith.constant 7 : i32
    %swap3A_326 = arith.index_cast %swap3A_325 : i32 to index
    %swap3A_327 = arith.constant 96 : index
    %swap3A_328 = tpu.vector_load %arg13[%swap3A_326, %swap3A_327] {strides = array<i32>} : memref<16x128xf32, #tpu.memory_space<vmem>>, vector<16xf32>,
    tpu.vector_store %arg13[%swap3A_326, %swap3A_327], %broadcast_in_dim3A_77 {strides = array<i32>} : memref<16x128xf32, #tpu.memory_space<vmem>>, vector<16xf32>,
    %swap3A_329 = arith.constant 7 : i32
    %swap3A_330 = arith.index_cast %swap3A_329 : i32 to index
    %swap3A_331 = arith.constant 112 : index
    %swap3A_332 = tpu.vector_load %arg13[%swap3A_330, %swap3A_331] {strides = array<i32>} : memref<16x128xf32, #tpu.memory_space<vmem>>, vector<16xf32>,
    tpu.vector_store %arg13[%swap3A_330, %swap3A_331], %broadcast_in_dim3A_77 {strides = array<i32>} : memref<16x128xf32, #tpu.memory_space<vmem>>, vector<16xf32>,
    %swap3A_333 = arith.constant 8 : i32
    %swap3A_334 = arith.index_cast %swap3A_333 : i32 to index
    %swap3A_335 = arith.constant 0 : index
    %swap3A_336 = tpu.vector_load %arg13[%swap3A_334, %swap3A_335] {strides = array<i32>} : memref<16x128xf32, #tpu.memory_space<vmem>>, vector<16xf32>,
    tpu.vector_store %arg13[%swap3A_334, %swap3A_335], %broadcast_in_dim3A_77 {strides = array<i32>} : memref<16x128xf32, #tpu.memory_space<vmem>>, vector<16xf32>,
    %swap3A_337 = arith.constant 8 : i32
    %swap3A_338 = arith.index_cast %swap3A_337 : i32 to index
    %swap3A_339 = arith.constant 16 : index
    %swap3A_340 = tpu.vector_load %arg13[%swap3A_338, %swap3A_339] {strides = array<i32>} : memref<16x128xf32, #tpu.memory_space<vmem>>, vector<16xf32>,
    tpu.vector_store %arg13[%swap3A_338, %swap3A_339], %broadcast_in_dim3A_77 {strides = array<i32>} : memref<16x128xf32, #tpu.memory_space<vmem>>, vector<16xf32>,
    %swap3A_341 = arith.constant 8 : i32
    %swap3A_342 = arith.index_cast %swap3A_341 : i32 to index
    %swap3A_343 = arith.constant 32 : index
    %swap3A_344 = tpu.vector_load %arg13[%swap3A_342, %swap3A_343] {strides = array<i32>} : memref<16x128xf32, #tpu.memory_space<vmem>>, vector<16xf32>,
    tpu.vector_store %arg13[%swap3A_342, %swap3A_343], %broadcast_in_dim3A_77 {strides = array<i32>} : memref<16x128xf32, #tpu.memory_space<vmem>>, vector<16xf32>,
    %swap3A_345 = arith.constant 8 : i32
    %swap3A_346 = arith.index_cast %swap3A_345 : i32 to index
    %swap3A_347 = arith.constant 48 : index
    %swap3A_348 = tpu.vector_load %arg13[%swap3A_346, %swap3A_347] {strides = array<i32>} : memref<16x128xf32, #tpu.memory_space<vmem>>, vector<16xf32>,
    tpu.vector_store %arg13[%swap3A_346, %swap3A_347], %broadcast_in_dim3A_77 {strides = array<i32>} : memref<16x128xf32, #tpu.memory_space<vmem>>, vector<16xf32>,
    %swap3A_349 = arith.constant 8 : i32
    %swap3A_350 = arith.index_cast %swap3A_349 : i32 to index
    %swap3A_351 = arith.constant 64 : index
    %swap3A_352 = tpu.vector_load %arg13[%swap3A_350, %swap3A_351] {strides = array<i32>} : memref<16x128xf32, #tpu.memory_space<vmem>>, vector<16xf32>,
    tpu.vector_store %arg13[%swap3A_350, %swap3A_351], %broadcast_in_dim3A_77 {strides = array<i32>} : memref<16x128xf32, #tpu.memory_space<vmem>>, vector<16xf32>,
    %swap3A_353 = arith.constant 8 : i32
    %swap3A_354 = arith.index_cast %swap3A_353 : i32 to index
    %swap3A_355 = arith.constant 80 : index
    %swap3A_356 = tpu.vector_load %arg13[%swap3A_354, %swap3A_355] {strides = array<i32>} : memref<16x128xf32, #tpu.memory_space<vmem>>, vector<16xf32>,
    tpu.vector_store %arg13[%swap3A_354, %swap3A_355], %broadcast_in_dim3A_77 {strides = array<i32>} : memref<16x128xf32, #tpu.memory_space<vmem>>, vector<16xf32>,
    %swap3A_357 = arith.constant 8 : i32
    %swap3A_358 = arith.index_cast %swap3A_357 : i32 to index
    %swap3A_359 = arith.constant 96 : index
    %swap3A_360 = tpu.vector_load %arg13[%swap3A_358, %swap3A_359] {strides = array<i32>} : memref<16x128xf32, #tpu.memory_space<vmem>>, vector<16xf32>,
    tpu.vector_store %arg13[%swap3A_358, %swap3A_359], %broadcast_in_dim3A_77 {strides = array<i32>} : memref<16x128xf32, #tpu.memory_space<vmem>>, vector<16xf32>,
    %swap3A_361 = arith.constant 8 : i32
    %swap3A_362 = arith.index_cast %swap3A_361 : i32 to index
    %swap3A_363 = arith.constant 112 : index
    %swap3A_364 = tpu.vector_load %arg13[%swap3A_362, %swap3A_363] {strides = array<i32>} : memref<16x128xf32, #tpu.memory_space<vmem>>, vector<16xf32>,
    tpu.vector_store %arg13[%swap3A_362, %swap3A_363], %broadcast_in_dim3A_77 {strides = array<i32>} : memref<16x128xf32, #tpu.memory_space<vmem>>, vector<16xf32>,
    %swap3A_365 = arith.constant 9 : i32
    %swap3A_366 = arith.index_cast %swap3A_365 : i32 to index
    %swap3A_367 = arith.constant 0 : index
    %swap3A_368 = tpu.vector_load %arg13[%swap3A_366, %swap3A_367] {strides = array<i32>} : memref<16x128xf32, #tpu.memory_space<vmem>>, vector<16xf32>,
    tpu.vector_store %arg13[%swap3A_366, %swap3A_367], %broadcast_in_dim3A_77 {strides = array<i32>} : memref<16x128xf32, #tpu.memory_space<vmem>>, vector<16xf32>,
    %swap3A_369 = arith.constant 9 : i32
    %swap3A_370 = arith.index_cast %swap3A_369 : i32 to index
    %swap3A_371 = arith.constant 16 : index
    %swap3A_372 = tpu.vector_load %arg13[%swap3A_370, %swap3A_371] {strides = array<i32>} : memref<16x128xf32, #tpu.memory_space<vmem>>, vector<16xf32>,
    tpu.vector_store %arg13[%swap3A_370, %swap3A_371], %broadcast_in_dim3A_77 {strides = array<i32>} : memref<16x128xf32, #tpu.memory_space<vmem>>, vector<16xf32>,
    %swap3A_373 = arith.constant 9 : i32
    %swap3A_374 = arith.index_cast %swap3A_373 : i32 to index
    %swap3A_375 = arith.constant 32 : index
    %swap3A_376 = tpu.vector_load %arg13[%swap3A_374, %swap3A_375] {strides = array<i32>} : memref<16x128xf32, #tpu.memory_space<vmem>>, vector<16xf32>,
    tpu.vector_store %arg13[%swap3A_374, %swap3A_375], %broadcast_in_dim3A_77 {strides = array<i32>} : memref<16x128xf32, #tpu.memory_space<vmem>>, vector<16xf32>,
    %swap3A_377 = arith.constant 9 : i32
    %swap3A_378 = arith.index_cast %swap3A_377 : i32 to index
    %swap3A_379 = arith.constant 48 : index
    %swap3A_380 = tpu.vector_load %arg13[%swap3A_378, %swap3A_379] {strides = array<i32>} : memref<16x128xf32, #tpu.memory_space<vmem>>, vector<16xf32>,
    tpu.vector_store %arg13[%swap3A_378, %swap3A_379], %broadcast_in_dim3A_77 {strides = array<i32>} : memref<16x128xf32, #tpu.memory_space<vmem>>, vector<16xf32>,
    %swap3A_381 = arith.constant 9 : i32
    %swap3A_382 = arith.index_cast %swap3A_381 : i32 to index
    %swap3A_383 = arith.constant 64 : index
    %swap3A_384 = tpu.vector_load %arg13[%swap3A_382, %swap3A_383] {strides = array<i32>} : memref<16x128xf32, #tpu.memory_space<vmem>>, vector<16xf32>,
    tpu.vector_store %arg13[%swap3A_382, %swap3A_383], %broadcast_in_dim3A_77 {strides = array<i32>} : memref<16x128xf32, #tpu.memory_space<vmem>>, vector<16xf32>,
    %swap3A_385 = arith.constant 9 : i32
    %swap3A_386 = arith.index_cast %swap3A_385 : i32 to index
    %swap3A_387 = arith.constant 80 : index
    %swap3A_388 = tpu.vector_load %arg13[%swap3A_386, %swap3A_387] {strides = array<i32>} : memref<16x128xf32, #tpu.memory_space<vmem>>, vector<16xf32>,
    tpu.vector_store %arg13[%swap3A_386, %swap3A_387], %broadcast_in_dim3A_77 {strides = array<i32>} : memref<16x128xf32, #tpu.memory_space<vmem>>, vector<16xf32>,
    %swap3A_389 = arith.constant 9 : i32
    %swap3A_390 = arith.index_cast %swap3A_389 : i32 to index
    %swap3A_391 = arith.constant 96 : index
    %swap3A_392 = tpu.vector_load %arg13[%swap3A_390, %swap3A_391] {strides = array<i32>} : memref<16x128xf32, #tpu.memory_space<vmem>>, vector<16xf32>,
    tpu.vector_store %arg13[%swap3A_390, %swap3A_391], %broadcast_in_dim3A_77 {strides = array<i32>} : memref<16x128xf32, #tpu.memory_space<vmem>>, vector<16xf32>,
    %swap3A_393 = arith.constant 9 : i32
    %swap3A_394 = arith.index_cast %swap3A_393 : i32 to index
    %swap3A_395 = arith.constant 112 : index
    %swap3A_396 = tpu.vector_load %arg13[%swap3A_394, %swap3A_395] {strides = array<i32>} : memref<16x128xf32, #tpu.memory_space<vmem>>, vector<16xf32>,
    tpu.vector_store %arg13[%swap3A_394, %swap3A_395], %broadcast_in_dim3A_77 {strides = array<i32>} : memref<16x128xf32, #tpu.memory_space<vmem>>, vector<16xf32>,
    %swap3A_397 = arith.constant 10 : i32
    %swap3A_398 = arith.index_cast %swap3A_397 : i32 to index
    %swap3A_399 = arith.constant 0 : index
    %swap3A_400 = tpu.vector_load %arg13[%swap3A_398, %swap3A_399] {strides = array<i32>} : memref<16x128xf32, #tpu.memory_space<vmem>>, vector<16xf32>,
    tpu.vector_store %arg13[%swap3A_398, %swap3A_399], %broadcast_in_dim3A_77 {strides = array<i32>} : memref<16x128xf32, #tpu.memory_space<vmem>>, vector<16xf32>,
    %swap3A_401 = arith.constant 10 : i32
    %swap3A_402 = arith.index_cast %swap3A_401 : i32 to index
    %swap3A_403 = arith.constant 16 : index
    %swap3A_404 = tpu.vector_load %arg13[%swap3A_402, %swap3A_403] {strides = array<i32>} : memref<16x128xf32, #tpu.memory_space<vmem>>, vector<16xf32>,
    tpu.vector_store %arg13[%swap3A_402, %swap3A_403], %broadcast_in_dim3A_77 {strides = array<i32>} : memref<16x128xf32, #tpu.memory_space<vmem>>, vector<16xf32>,
    %swap3A_405 = arith.constant 10 : i32
    %swap3A_406 = arith.index_cast %swap3A_405 : i32 to index
    %swap3A_407 = arith.constant 32 : index
    %swap3A_408 = tpu.vector_load %arg13[%swap3A_406, %swap3A_407] {strides = array<i32>} : memref<16x128xf32, #tpu.memory_space<vmem>>, vector<16xf32>,
    tpu.vector_store %arg13[%swap3A_406, %swap3A_407], %broadcast_in_dim3A_77 {strides = array<i32>} : memref<16x128xf32, #tpu.memory_space<vmem>>, vector<16xf32>,
    %swap3A_409 = arith.constant 10 : i32
    %swap3A_410 = arith.index_cast %swap3A_409 : i32 to index
    %swap3A_411 = arith.constant 48 : index
    %swap3A_412 = tpu.vector_load %arg13[%swap3A_410, %swap3A_411] {strides = array<i32>} : memref<16x128xf32, #tpu.memory_space<vmem>>, vector<16xf32>,
    tpu.vector_store %arg13[%swap3A_410, %swap3A_411], %broadcast_in_dim3A_77 {strides = array<i32>} : memref<16x128xf32, #tpu.memory_space<vmem>>, vector<16xf32>,
    %swap3A_413 = arith.constant 10 : i32
    %swap3A_414 = arith.index_cast %swap3A_413 : i32 to index
    %swap3A_415 = arith.constant 64 : index
    %swap3A_416 = tpu.vector_load %arg13[%swap3A_414, %swap3A_415] {strides = array<i32>} : memref<16x128xf32, #tpu.memory_space<vmem>>, vector<16xf32>,
    tpu.vector_store %arg13[%swap3A_414, %swap3A_415], %broadcast_in_dim3A_77 {strides = array<i32>} : memref<16x128xf32, #tpu.memory_space<vmem>>, vector<16xf32>,
    %swap3A_417 = arith.constant 10 : i32
    %swap3A_418 = arith.index_cast %swap3A_417 : i32 to index
    %swap3A_419 = arith.constant 80 : index
    %swap3A_420 = tpu.vector_load %arg13[%swap3A_418, %swap3A_419] {strides = array<i32>} : memref<16x128xf32, #tpu.memory_space<vmem>>, vector<16xf32>,
    tpu.vector_store %arg13[%swap3A_418, %swap3A_419], %broadcast_in_dim3A_77 {strides = array<i32>} : memref<16x128xf32, #tpu.memory_space<vmem>>, vector<16xf32>,
    %swap3A_421 = arith.constant 10 : i32
    %swap3A_422 = arith.index_cast %swap3A_421 : i32 to index
    %swap3A_423 = arith.constant 96 : index
    %swap3A_424 = tpu.vector_load %arg13[%swap3A_422, %swap3A_423] {strides = array<i32>} : memref<16x128xf32, #tpu.memory_space<vmem>>, vector<16xf32>,
    tpu.vector_store %arg13[%swap3A_422, %swap3A_423], %broadcast_in_dim3A_77 {strides = array<i32>} : memref<16x128xf32, #tpu.memory_space<vmem>>, vector<16xf32>,
    %swap3A_425 = arith.constant 10 : i32
    %swap3A_426 = arith.index_cast %swap3A_425 : i32 to index
    %swap3A_427 = arith.constant 112 : index
    %swap3A_428 = tpu.vector_load %arg13[%swap3A_426, %swap3A_427] {strides = array<i32>} : memref<16x128xf32, #tpu.memory_space<vmem>>, vector<16xf32>,
    tpu.vector_store %arg13[%swap3A_426, %swap3A_427], %broadcast_in_dim3A_77 {strides = array<i32>} : memref<16x128xf32, #tpu.memory_space<vmem>>, vector<16xf32>,
    %swap3A_429 = arith.constant 11 : i32
    %swap3A_430 = arith.index_cast %swap3A_429 : i32 to index
    %swap3A_431 = arith.constant 0 : index
    %swap3A_432 = tpu.vector_load %arg13[%swap3A_430, %swap3A_431] {strides = array<i32>} : memref<16x128xf32, #tpu.memory_space<vmem>>, vector<16xf32>,
    tpu.vector_store %arg13[%swap3A_430, %swap3A_431], %broadcast_in_dim3A_77 {strides = array<i32>} : memref<16x128xf32, #tpu.memory_space<vmem>>, vector<16xf32>,
    %swap3A_433 = arith.constant 11 : i32
    %swap3A_434 = arith.index_cast %swap3A_433 : i32 to index
    %swap3A_435 = arith.constant 16 : index
    %swap3A_436 = tpu.vector_load %arg13[%swap3A_434, %swap3A_435] {strides = array<i32>} : memref<16x128xf32, #tpu.memory_space<vmem>>, vector<16xf32>,
    tpu.vector_store %arg13[%swap3A_434, %swap3A_435], %broadcast_in_dim3A_77 {strides = array<i32>} : memref<16x128xf32, #tpu.memory_space<vmem>>, vector<16xf32>,
    %swap3A_437 = arith.constant 11 : i32
    %swap3A_438 = arith.index_cast %swap3A_437 : i32 to index
    %swap3A_439 = arith.constant 32 : index
    %swap3A_440 = tpu.vector_load %arg13[%swap3A_438, %swap3A_439] {strides = array<i32>} : memref<16x128xf32, #tpu.memory_space<vmem>>, vector<16xf32>,
    tpu.vector_store %arg13[%swap3A_438, %swap3A_439], %broadcast_in_dim3A_77 {strides = array<i32>} : memref<16x128xf32, #tpu.memory_space<vmem>>, vector<16xf32>,
    %swap3A_441 = arith.constant 11 : i32
    %swap3A_442 = arith.index_cast %swap3A_441 : i32 to index
    %swap3A_443 = arith.constant 48 : index
    %swap3A_444 = tpu.vector_load %arg13[%swap3A_442, %swap3A_443] {strides = array<i32>} : memref<16x128xf32, #tpu.memory_space<vmem>>, vector<16xf32>,
    tpu.vector_store %arg13[%swap3A_442, %swap3A_443], %broadcast_in_dim3A_77 {strides = array<i32>} : memref<16x128xf32, #tpu.memory_space<vmem>>, vector<16xf32>,
    %swap3A_445 = arith.constant 11 : i32
    %swap3A_446 = arith.index_cast %swap3A_445 : i32 to index
    %swap3A_447 = arith.constant 64 : index
    %swap3A_448 = tpu.vector_load %arg13[%swap3A_446, %swap3A_447] {strides = array<i32>} : memref<16x128xf32, #tpu.memory_space<vmem>>, vector<16xf32>,
    tpu.vector_store %arg13[%swap3A_446, %swap3A_447], %broadcast_in_dim3A_77 {strides = array<i32>} : memref<16x128xf32, #tpu.memory_space<vmem>>, vector<16xf32>,
    %swap3A_449 = arith.constant 11 : i32
    %swap3A_450 = arith.index_cast %swap3A_449 : i32 to index
    %swap3A_451 = arith.constant 80 : index
    %swap3A_452 = tpu.vector_load %arg13[%swap3A_450, %swap3A_451] {strides = array<i32>} : memref<16x128xf32, #tpu.memory_space<vmem>>, vector<16xf32>,
    tpu.vector_store %arg13[%swap3A_450, %swap3A_451], %broadcast_in_dim3A_77 {strides = array<i32>} : memref<16x128xf32, #tpu.memory_space<vmem>>, vector<16xf32>,
    %swap3A_453 = arith.constant 11 : i32
    %swap3A_454 = arith.index_cast %swap3A_453 : i32 to index
    %swap3A_455 = arith.constant 96 : index
    %swap3A_456 = tpu.vector_load %arg13[%swap3A_454, %swap3A_455] {strides = array<i32>} : memref<16x128xf32, #tpu.memory_space<vmem>>, vector<16xf32>,
    tpu.vector_store %arg13[%swap3A_454, %swap3A_455], %broadcast_in_dim3A_77 {strides = array<i32>} : memref<16x128xf32, #tpu.memory_space<vmem>>, vector<16xf32>,
    %swap3A_457 = arith.constant 11 : i32
    %swap3A_458 = arith.index_cast %swap3A_457 : i32 to index
    %swap3A_459 = arith.constant 112 : index
    %swap3A_460 = tpu.vector_load %arg13[%swap3A_458, %swap3A_459] {strides = array<i32>} : memref<16x128xf32, #tpu.memory_space<vmem>>, vector<16xf32>,
    tpu.vector_store %arg13[%swap3A_458, %swap3A_459], %broadcast_in_dim3A_77 {strides = array<i32>} : memref<16x128xf32, #tpu.memory_space<vmem>>, vector<16xf32>,
    %swap3A_461 = arith.constant 12 : i32
    %swap3A_462 = arith.index_cast %swap3A_461 : i32 to index
    %swap3A_463 = arith.constant 0 : index
    %swap3A_464 = tpu.vector_load %arg13[%swap3A_462, %swap3A_463] {strides = array<i32>} : memref<16x128xf32, #tpu.memory_space<vmem>>, vector<16xf32>,
    tpu.vector_store %arg13[%swap3A_462, %swap3A_463], %broadcast_in_dim3A_77 {strides = array<i32>} : memref<16x128xf32, #tpu.memory_space<vmem>>, vector<16xf32>,
    %swap3A_465 = arith.constant 12 : i32
    %swap3A_466 = arith.index_cast %swap3A_465 : i32 to index
    %swap3A_467 = arith.constant 16 : index
    %swap3A_468 = tpu.vector_load %arg13[%swap3A_466, %swap3A_467] {strides = array<i32>} : memref<16x128xf32, #tpu.memory_space<vmem>>, vector<16xf32>,
    tpu.vector_store %arg13[%swap3A_466, %swap3A_467], %broadcast_in_dim3A_77 {strides = array<i32>} : memref<16x128xf32, #tpu.memory_space<vmem>>, vector<16xf32>,
    %swap3A_469 = arith.constant 12 : i32
    %swap3A_470 = arith.index_cast %swap3A_469 : i32 to index
    %swap3A_471 = arith.constant 32 : index
    %swap3A_472 = tpu.vector_load %arg13[%swap3A_470, %swap3A_471] {strides = array<i32>} : memref<16x128xf32, #tpu.memory_space<vmem>>, vector<16xf32>,
    tpu.vector_store %arg13[%swap3A_470, %swap3A_471], %broadcast_in_dim3A_77 {strides = array<i32>} : memref<16x128xf32, #tpu.memory_space<vmem>>, vector<16xf32>,
    %swap3A_473 = arith.constant 12 : i32
    %swap3A_474 = arith.index_cast %swap3A_473 : i32 to index
    %swap3A_475 = arith.constant 48 : index
    %swap3A_476 = tpu.vector_load %arg13[%swap3A_474, %swap3A_475] {strides = array<i32>} : memref<16x128xf32, #tpu.memory_space<vmem>>, vector<16xf32>,
    tpu.vector_store %arg13[%swap3A_474, %swap3A_475], %broadcast_in_dim3A_77 {strides = array<i32>} : memref<16x128xf32, #tpu.memory_space<vmem>>, vector<16xf32>,
    %swap3A_477 = arith.constant 12 : i32
    %swap3A_478 = arith.index_cast %swap3A_477 : i32 to index
    %swap3A_479 = arith.constant 64 : index
    %swap3A_480 = tpu.vector_load %arg13[%swap3A_478, %swap3A_479] {strides = array<i32>} : memref<16x128xf32, #tpu.memory_space<vmem>>, vector<16xf32>,
    tpu.vector_store %arg13[%swap3A_478, %swap3A_479], %broadcast_in_dim3A_77 {strides = array<i32>} : memref<16x128xf32, #tpu.memory_space<vmem>>, vector<16xf32>,
    %swap3A_481 = arith.constant 12 : i32
    %swap3A_482 = arith.index_cast %swap3A_481 : i32 to index
    %swap3A_483 = arith.constant 80 : index
    %swap3A_484 = tpu.vector_load %arg13[%swap3A_482, %swap3A_483] {strides = array<i32>} : memref<16x128xf32, #tpu.memory_space<vmem>>, vector<16xf32>,
    tpu.vector_store %arg13[%swap3A_482, %swap3A_483], %broadcast_in_dim3A_77 {strides = array<i32>} : memref<16x128xf32, #tpu.memory_space<vmem>>, vector<16xf32>,
    %swap3A_485 = arith.constant 12 : i32
    %swap3A_486 = arith.index_cast %swap3A_485 : i32 to index
    %swap3A_487 = arith.constant 96 : index
    %swap3A_488 = tpu.vector_load %arg13[%swap3A_486, %swap3A_487] {strides = array<i32>} : memref<16x128xf32, #tpu.memory_space<vmem>>, vector<16xf32>,
    tpu.vector_store %arg13[%swap3A_486, %swap3A_487], %broadcast_in_dim3A_77 {strides = array<i32>} : memref<16x128xf32, #tpu.memory_space<vmem>>, vector<16xf32>,
    %swap3A_489 = arith.constant 12 : i32
    %swap3A_490 = arith.index_cast %swap3A_489 : i32 to index
    %swap3A_491 = arith.constant 112 : index
    %swap3A_492 = tpu.vector_load %arg13[%swap3A_490, %swap3A_491] {strides = array<i32>} : memref<16x128xf32, #tpu.memory_space<vmem>>, vector<16xf32>,
    tpu.vector_store %arg13[%swap3A_490, %swap3A_491], %broadcast_in_dim3A_77 {strides = array<i32>} : memref<16x128xf32, #tpu.memory_space<vmem>>, vector<16xf32>,
    %swap3A_493 = arith.constant 13 : i32
    %swap3A_494 = arith.index_cast %swap3A_493 : i32 to index
    %swap3A_495 = arith.constant 0 : index
    %swap3A_496 = tpu.vector_load %arg13[%swap3A_494, %swap3A_495] {strides = array<i32>} : memref<16x128xf32, #tpu.memory_space<vmem>>, vector<16xf32>,
    tpu.vector_store %arg13[%swap3A_494, %swap3A_495], %broadcast_in_dim3A_77 {strides = array<i32>} : memref<16x128xf32, #tpu.memory_space<vmem>>, vector<16xf32>,
    %swap3A_497 = arith.constant 13 : i32
    %swap3A_498 = arith.index_cast %swap3A_497 : i32 to index
    %swap3A_499 = arith.constant 16 : index
    %swap3A_500 = tpu.vector_load %arg13[%swap3A_498, %swap3A_499] {strides = array<i32>} : memref<16x128xf32, #tpu.memory_space<vmem>>, vector<16xf32>,
    tpu.vector_store %arg13[%swap3A_498, %swap3A_499], %broadcast_in_dim3A_77 {strides = array<i32>} : memref<16x128xf32, #tpu.memory_space<vmem>>, vector<16xf32>,
    %swap3A_501 = arith.constant 13 : i32
    %swap3A_502 = arith.index_cast %swap3A_501 : i32 to index
    %swap3A_503 = arith.constant 32 : index
    %swap3A_504 = tpu.vector_load %arg13[%swap3A_502, %swap3A_503] {strides = array<i32>} : memref<16x128xf32, #tpu.memory_space<vmem>>, vector<16xf32>,
    tpu.vector_store %arg13[%swap3A_502, %swap3A_503], %broadcast_in_dim3A_77 {strides = array<i32>} : memref<16x128xf32, #tpu.memory_space<vmem>>, vector<16xf32>,
    %swap3A_505 = arith.constant 13 : i32
    %swap3A_506 = arith.index_cast %swap3A_505 : i32 to index
    %swap3A_507 = arith.constant 48 : index
    %swap3A_508 = tpu.vector_load %arg13[%swap3A_506, %swap3A_507] {strides = array<i32>} : memref<16x128xf32, #tpu.memory_space<vmem>>, vector<16xf32>,
    tpu.vector_store %arg13[%swap3A_506, %swap3A_507], %broadcast_in_dim3A_77 {strides = array<i32>} : memref<16x128xf32, #tpu.memory_space<vmem>>, vector<16xf32>,
    %swap3A_509 = arith.constant 13 : i32
    %swap3A_510 = arith.index_cast %swap3A_509 : i32 to index
    %swap3A_511 = arith.constant 64 : index
    %swap3A_512 = tpu.vector_load %arg13[%swap3A_510, %swap3A_511] {strides = array<i32>} : memref<16x128xf32, #tpu.memory_space<vmem>>, vector<16xf32>,
    tpu.vector_store %arg13[%swap3A_510, %swap3A_511], %broadcast_in_dim3A_77 {strides = array<i32>} : memref<16x128xf32, #tpu.memory_space<vmem>>, vector<16xf32>,
    %swap3A_513 = arith.constant 13 : i32
    %swap3A_514 = arith.index_cast %swap3A_513 : i32 to index
    %swap3A_515 = arith.constant 80 : index
    %swap3A_516 = tpu.vector_load %arg13[%swap3A_514, %swap3A_515] {strides = array<i32>} : memref<16x128xf32, #tpu.memory_space<vmem>>, vector<16xf32>,
    tpu.vector_store %arg13[%swap3A_514, %swap3A_515], %broadcast_in_dim3A_77 {strides = array<i32>} : memref<16x128xf32, #tpu.memory_space<vmem>>, vector<16xf32>,
    %swap3A_517 = arith.constant 13 : i32
    %swap3A_518 = arith.index_cast %swap3A_517 : i32 to index
    %swap3A_519 = arith.constant 96 : index
    %swap3A_520 = tpu.vector_load %arg13[%swap3A_518, %swap3A_519] {strides = array<i32>} : memref<16x128xf32, #tpu.memory_space<vmem>>, vector<16xf32>,
    tpu.vector_store %arg13[%swap3A_518, %swap3A_519], %broadcast_in_dim3A_77 {strides = array<i32>} : memref<16x128xf32, #tpu.memory_space<vmem>>, vector<16xf32>,
    %swap3A_521 = arith.constant 13 : i32
    %swap3A_522 = arith.index_cast %swap3A_521 : i32 to index
    %swap3A_523 = arith.constant 112 : index
    %swap3A_524 = tpu.vector_load %arg13[%swap3A_522, %swap3A_523] {strides = array<i32>} : memref<16x128xf32, #tpu.memory_space<vmem>>, vector<16xf32>,
    tpu.vector_store %arg13[%swap3A_522, %swap3A_523], %broadcast_in_dim3A_77 {strides = array<i32>} : memref<16x128xf32, #tpu.memory_space<vmem>>, vector<16xf32>,
    %swap3A_525 = arith.constant 14 : i32
    %swap3A_526 = arith.index_cast %swap3A_525 : i32 to index
    %swap3A_527 = arith.constant 0 : index
    %swap3A_528 = tpu.vector_load %arg13[%swap3A_526, %swap3A_527] {strides = array<i32>} : memref<16x128xf32, #tpu.memory_space<vmem>>, vector<16xf32>,
    tpu.vector_store %arg13[%swap3A_526, %swap3A_527], %broadcast_in_dim3A_77 {strides = array<i32>} : memref<16x128xf32, #tpu.memory_space<vmem>>, vector<16xf32>,
    %swap3A_529 = arith.constant 14 : i32
    %swap3A_530 = arith.index_cast %swap3A_529 : i32 to index
    %swap3A_531 = arith.constant 16 : index
    %swap3A_532 = tpu.vector_load %arg13[%swap3A_530, %swap3A_531] {strides = array<i32>} : memref<16x128xf32, #tpu.memory_space<vmem>>, vector<16xf32>,
    tpu.vector_store %arg13[%swap3A_530, %swap3A_531], %broadcast_in_dim3A_77 {strides = array<i32>} : memref<16x128xf32, #tpu.memory_space<vmem>>, vector<16xf32>,
    %swap3A_533 = arith.constant 14 : i32
    %swap3A_534 = arith.index_cast %swap3A_533 : i32 to index
    %swap3A_535 = arith.constant 32 : index
    %swap3A_536 = tpu.vector_load %arg13[%swap3A_534, %swap3A_535] {strides = array<i32>} : memref<16x128xf32, #tpu.memory_space<vmem>>, vector<16xf32>,
    tpu.vector_store %arg13[%swap3A_534, %swap3A_535], %broadcast_in_dim3A_77 {strides = array<i32>} : memref<16x128xf32, #tpu.memory_space<vmem>>, vector<16xf32>,
    %swap3A_537 = arith.constant 14 : i32
    %swap3A_538 = arith.index_cast %swap3A_537 : i32 to index
    %swap3A_539 = arith.constant 48 : index
    %swap3A_540 = tpu.vector_load %arg13[%swap3A_538, %swap3A_539] {strides = array<i32>} : memref<16x128xf32, #tpu.memory_space<vmem>>, vector<16xf32>,
    tpu.vector_store %arg13[%swap3A_538, %swap3A_539], %broadcast_in_dim3A_77 {strides = array<i32>} : memref<16x128xf32, #tpu.memory_space<vmem>>, vector<16xf32>,
    %swap3A_541 = arith.constant 14 : i32
    %swap3A_542 = arith.index_cast %swap3A_541 : i32 to index
    %swap3A_543 = arith.constant 64 : index
    %swap3A_544 = tpu.vector_load %arg13[%swap3A_542, %swap3A_543] {strides = array<i32>} : memref<16x128xf32, #tpu.memory_space<vmem>>, vector<16xf32>,
    tpu.vector_store %arg13[%swap3A_542, %swap3A_543], %broadcast_in_dim3A_77 {strides = array<i32>} : memref<16x128xf32, #tpu.memory_space<vmem>>, vector<16xf32>,
    %swap3A_545 = arith.constant 14 : i32
    %swap3A_546 = arith.index_cast %swap3A_545 : i32 to index
    %swap3A_547 = arith.constant 80 : index
    %swap3A_548 = tpu.vector_load %arg13[%swap3A_546, %swap3A_547] {strides = array<i32>} : memref<16x128xf32, #tpu.memory_space<vmem>>, vector<16xf32>,
    tpu.vector_store %arg13[%swap3A_546, %swap3A_547], %broadcast_in_dim3A_77 {strides = array<i32>} : memref<16x128xf32, #tpu.memory_space<vmem>>, vector<16xf32>,
    %swap3A_549 = arith.constant 14 : i32
    %swap3A_550 = arith.index_cast %swap3A_549 : i32 to index
    %swap3A_551 = arith.constant 96 : index
    %swap3A_552 = tpu.vector_load %arg13[%swap3A_550, %swap3A_551] {strides = array<i32>} : memref<16x128xf32, #tpu.memory_space<vmem>>, vector<16xf32>,
    tpu.vector_store %arg13[%swap3A_550, %swap3A_551], %broadcast_in_dim3A_77 {strides = array<i32>} : memref<16x128xf32, #tpu.memory_space<vmem>>, vector<16xf32>,
    %swap3A_553 = arith.constant 14 : i32
    %swap3A_554 = arith.index_cast %swap3A_553 : i32 to index
    %swap3A_555 = arith.constant 112 : index
    %swap3A_556 = tpu.vector_load %arg13[%swap3A_554, %swap3A_555] {strides = array<i32>} : memref<16x128xf32, #tpu.memory_space<vmem>>, vector<16xf32>,
    tpu.vector_store %arg13[%swap3A_554, %swap3A_555], %broadcast_in_dim3A_77 {strides = array<i32>} : memref<16x128xf32, #tpu.memory_space<vmem>>, vector<16xf32>,
    %swap3A_557 = arith.constant 15 : i32
    %swap3A_558 = arith.index_cast %swap3A_557 : i32 to index
    %swap3A_559 = arith.constant 0 : index
    %swap3A_560 = tpu.vector_load %arg13[%swap3A_558, %swap3A_559] {strides = array<i32>} : memref<16x128xf32, #tpu.memory_space<vmem>>, vector<16xf32>,
    tpu.vector_store %arg13[%swap3A_558, %swap3A_559], %broadcast_in_dim3A_77 {strides = array<i32>} : memref<16x128xf32, #tpu.memory_space<vmem>>, vector<16xf32>,
    %swap3A_561 = arith.constant 15 : i32
    %swap3A_562 = arith.index_cast %swap3A_561 : i32 to index
    %swap3A_563 = arith.constant 16 : index
    %swap3A_564 = tpu.vector_load %arg13[%swap3A_562, %swap3A_563] {strides = array<i32>} : memref<16x128xf32, #tpu.memory_space<vmem>>, vector<16xf32>,
    tpu.vector_store %arg13[%swap3A_562, %swap3A_563], %broadcast_in_dim3A_77 {strides = array<i32>} : memref<16x128xf32, #tpu.memory_space<vmem>>, vector<16xf32>,
    %swap3A_565 = arith.constant 15 : i32
    %swap3A_566 = arith.index_cast %swap3A_565 : i32 to index
    %swap3A_567 = arith.constant 32 : index
    %swap3A_568 = tpu.vector_load %arg13[%swap3A_566, %swap3A_567] {strides = array<i32>} : memref<16x128xf32, #tpu.memory_space<vmem>>, vector<16xf32>,
    tpu.vector_store %arg13[%swap3A_566, %swap3A_567], %broadcast_in_dim3A_77 {strides = array<i32>} : memref<16x128xf32, #tpu.memory_space<vmem>>, vector<16xf32>,
    %swap3A_569 = arith.constant 15 : i32
    %swap3A_570 = arith.index_cast %swap3A_569 : i32 to index
    %swap3A_571 = arith.constant 48 : index
    %swap3A_572 = tpu.vector_load %arg13[%swap3A_570, %swap3A_571] {strides = array<i32>} : memref<16x128xf32, #tpu.memory_space<vmem>>, vector<16xf32>,
    tpu.vector_store %arg13[%swap3A_570, %swap3A_571], %broadcast_in_dim3A_77 {strides = array<i32>} : memref<16x128xf32, #tpu.memory_space<vmem>>, vector<16xf32>,
    %swap3A_573 = arith.constant 15 : i32
    %swap3A_574 = arith.index_cast %swap3A_573 : i32 to index
    %swap3A_575 = arith.constant 64 : index
    %swap3A_576 = tpu.vector_load %arg13[%swap3A_574, %swap3A_575] {strides = array<i32>} : memref<16x128xf32, #tpu.memory_space<vmem>>, vector<16xf32>,
    tpu.vector_store %arg13[%swap3A_574, %swap3A_575], %broadcast_in_dim3A_77 {strides = array<i32>} : memref<16x128xf32, #tpu.memory_space<vmem>>, vector<16xf32>,
    %swap3A_577 = arith.constant 15 : i32
    %swap3A_578 = arith.index_cast %swap3A_577 : i32 to index
    %swap3A_579 = arith.constant 80 : index
    %swap3A_580 = tpu.vector_load %arg13[%swap3A_578, %swap3A_579] {strides = array<i32>} : memref<16x128xf32, #tpu.memory_space<vmem>>, vector<16xf32>,
    tpu.vector_store %arg13[%swap3A_578, %swap3A_579], %broadcast_in_dim3A_77 {strides = array<i32>} : memref<16x128xf32, #tpu.memory_space<vmem>>, vector<16xf32>,
    %swap3A_581 = arith.constant 15 : i32
    %swap3A_582 = arith.index_cast %swap3A_581 : i32 to index
    %swap3A_583 = arith.constant 96 : index
    %swap3A_584 = tpu.vector_load %arg13[%swap3A_582, %swap3A_583] {strides = array<i32>} : memref<16x128xf32, #tpu.memory_space<vmem>>, vector<16xf32>,
    tpu.vector_store %arg13[%swap3A_582, %swap3A_583], %broadcast_in_dim3A_77 {strides = array<i32>} : memref<16x128xf32, #tpu.memory_space<vmem>>, vector<16xf32>,
    %swap3A_585 = arith.constant 15 : i32
    %swap3A_586 = arith.index_cast %swap3A_585 : i32 to index
    %swap3A_587 = arith.constant 112 : index
    %swap3A_588 = tpu.vector_load %arg13[%swap3A_586, %swap3A_587] {strides = array<i32>} : memref<16x128xf32, #tpu.memory_space<vmem>>, vector<16xf32>,
    tpu.vector_store %arg13[%swap3A_586, %swap3A_587], %broadcast_in_dim3A_77 {strides = array<i32>} : memref<16x128xf32, #tpu.memory_space<vmem>>, vector<16xf32>,
    %dma_wait3A_589 = arith.constant 0 : i32
    %dma_wait3A_590 = arith.constant 0 : i32
    %dma_wait3A_591 = arith.constant 0 : i32
    %dma_wait3A_592 = tpu.memref_slice %arg8[%dma_wait3A_589, %dma_wait3A_590, %dma_wait3A_591] : memref<2x256x128xf32, #tpu.memory_space<vmem>> -> memref<1x256x128xf32, #tpu.memory_space<vmem>>
    %dma_wait3A_593 = tpu.memref_squeeze %dma_wait3A_592 : memref<1x256x128xf32, #tpu.memory_space<vmem>> -> memref<256x128xf32, #tpu.memory_space<vmem>>
    %dma_wait3A_594 = arith.constant 0 : i32
    %dma_wait3A_595 = tpu.memref_slice %arg2[%add3A_4, %dma_wait3A_594] : memref<32768x128xf32, #tpu.memory_space<hbm>> -> memref<256x128xf32, #tpu.memory_space<hbm>>
    %dma_wait3A_596 = arith.constant 0 : i32
    %dma_wait3A_597 = arith.constant 0 : i32
    %dma_wait3A_598 = tpu.memref_slice %arg8[%dma_wait3A_589, %dma_wait3A_596, %dma_wait3A_597] : memref<2x256x128xf32, #tpu.memory_space<vmem>> -> memref<1x256x128xf32, #tpu.memory_space<vmem>>
    %dma_wait3A_599 = tpu.memref_squeeze %dma_wait3A_598 : memref<1x256x128xf32, #tpu.memory_space<vmem>> -> memref<256x128xf32, #tpu.memory_space<vmem>>
    %dma_wait3A_600 = arith.constant 0 : i32
    %dma_wait3A_601 = tpu.memref_slice %arg2[%add3A_4, %dma_wait3A_600] : memref<32768x128xf32, #tpu.memory_space<hbm>> -> memref<256x128xf32, #tpu.memory_space<hbm>>
    tpu.wait_dma2 semaphore(%arg16 : memref<!tpu.dma_semaphore, #tpu.memory_space<semaphore_mem>>) src(%dma_wait3A_601 : memref<256x128xf32, #tpu.memory_space<hbm>>) dst(%dma_wait3A_599 : memref<256x128xf32, #tpu.memory_space<vmem>>)
    %add3A_602 = arith.constant 1 : i32
    %add3A_603 = arith.addi %reduce_max3A_75, %add3A_602 : i32
    %while3A = arith.constant 0 : i32
    %while3A_604 = arith.subi %add3A_603, %reduce_min3A_62 : i32
    %while3A_605 = arith.addi %reduce_min3A_62, %while3A_604 : i32
    %while3A_606 = arith.constant 1 : i32
    %while3A_607 = arith.divsi %while3A_604, %while3A_606 : i32
    %while3A_608 = arith.muli %while3A_607, %while3A_606 : i32
    %while3A_609 = arith.addi %reduce_min3A_62, %while3A_608 : i32
    %while3A_610 = arith.constant 1 : i32
    %while3A_611 = scf.for %while3A_750 = %reduce_min3A_62 to %while3A_609 step %while3A_610 iter_args(%while3A_751 = %while3A) -> (i32)  : i32 {
      %eq3A_752 = vector.broadcast %while3A_750 : i32 to vector<16xi32>
      %eq3A_753 = arith.cmpi eq, %iota3A, %eq3A_752 : vector<16xi32>
      %jit3A_754 = arith.constant 0 : i32
      %broadcast_in_dim3A_755 = vector.broadcast %jit3A_754 : i32 to vector<16xi32>
      %select_n3A_756 = arith.select %eq3A_753, %sub3A, %broadcast_in_dim3A_755 : vector<16xi1>, vector<16xi32>
      %reduce_max3A_757 = arith.constant true
      %reduce_max3A_758 = vector.broadcast %reduce_max3A_757 : i1 to vector<16xi1>
      %reduce_max3A_759 = arith.constant -2147483648 : i32
      %reduce_max3A_760 = vector.broadcast %reduce_max3A_759 : i32 to vector<16xi32>
      %reduce_max3A_761 = arith.xori %select_n3A_756, %reduce_max3A_760 : vector<16xi32>
      %reduce_max3A_762 = tpu.scan <max>, %reduce_max3A_761 masked %reduce_max3A_758 : vector<16xi32>, vector<16xi1> -> vector<16xi32>
      %reduce_max3A_763 = arith.xori %reduce_max3A_762, %reduce_max3A_760 : vector<16xi32>
      %reduce_max3A_764 = vector.extract %reduce_max3A_763[15] : i32 from vector<16xi32>
      %max3A = arith.constant 0 : i32
      %max3A_765 = arith.maxsi %reduce_max3A_764, %max3A : i32
      %eq3A_766 = vector.broadcast %while3A_750 : i32 to vector<16xi32>
      %eq3A_767 = arith.cmpi eq, %iota3A, %eq3A_766 : vector<16xi32>
      %jit3A_768 = arith.constant 0 : i32
      %broadcast_in_dim3A_769 = vector.broadcast %jit3A_768 : i32 to vector<16xi32>
      %select_n3A_770 = arith.select %eq3A_767, %cumsum3A_53, %broadcast_in_dim3A_769 : vector<16xi1>, vector<16xi32>
      %reduce_max3A_771 = arith.constant true
      %reduce_max3A_772 = vector.broadcast %reduce_max3A_771 : i1 to vector<16xi1>
      %reduce_max3A_773 = arith.constant -2147483648 : i32
      %reduce_max3A_774 = vector.broadcast %reduce_max3A_773 : i32 to vector<16xi32>
      %reduce_max3A_775 = arith.xori %select_n3A_770, %reduce_max3A_774 : vector<16xi32>
      %reduce_max3A_776 = tpu.scan <max>, %reduce_max3A_775 masked %reduce_max3A_772 : vector<16xi32>, vector<16xi1> -> vector<16xi32>
      %reduce_max3A_777 = arith.xori %reduce_max3A_776, %reduce_max3A_774 : vector<16xi32>
      %reduce_max3A_778 = vector.extract %reduce_max3A_777[15] : i32 from vector<16xi32>
      %min3A = arith.constant 256 : i32
      %min3A_779 = arith.minsi %reduce_max3A_778, %min3A : i32
      %parallel_loop3A = arith.constant 1 : i32
      %parallel_loop3A_780:8 = scf.for %parallel_loop3A_838 = %max3A_765 to %min3A_779 step %parallel_loop3A iter_args(%parallel_loop3A_839 = %broadcast_in_dim3A_77, %parallel_loop3A_840 = %broadcast_in_dim3A_77, %parallel_loop3A_841 = %broadcast_in_dim3A_77, %parallel_loop3A_842 = %broadcast_in_dim3A_77, %parallel_loop3A_843 = %broadcast_in_dim3A_77, %parallel_loop3A_844 = %broadcast_in_dim3A_77, %parallel_loop3A_845 = %broadcast_in_dim3A_77, %parallel_loop3A_846 = %broadcast_in_dim3A_77) -> (vector<16xf32>, vector<16xf32>, vector<16xf32>, vector<16xf32>, vector<16xf32>, vector<16xf32>, vector<16xf32>, vector<16xf32>)  : i32 {
        %parallel_loop3A_847 = arith.constant 0 : i32
        %parallel_loop3A_848 = vector.broadcast %parallel_loop3A_847 : i32 to vector<16xi32>
        %parallel_loop3A_849 = vector.broadcast %parallel_loop3A_838 : i32 to vector<16xi32>
        %parallel_loop3A_850 = arith.addi %parallel_loop3A_848, %parallel_loop3A_849 : vector<16xi32>
        %parallel_loop3A_851 = tpu.vector_load_idx %arg9[%parallel_loop3A_850] : memref<1024xf32, #tpu.memory_space<vmem>>[vector<16xi32>], vector<16xf32>,
        %parallel_loop3A_852 = arith.constant 0 : i32
        %parallel_loop3A_853 = arith.subi %parallel_loop3A_838, %parallel_loop3A_852 : i32
        %parallel_loop3A_854 = arith.constant 0 : i32
        %parallel_loop3A_855 = arith.index_cast %parallel_loop3A_854 : i32 to index
        %parallel_loop3A_856 = arith.index_cast %parallel_loop3A_853 : i32 to index
        %parallel_loop3A_857 = arith.constant 0 : index
        %parallel_loop3A_858 = tpu.vector_load %arg8[%parallel_loop3A_855, %parallel_loop3A_856, %parallel_loop3A_857] {strides = array<i32>} : memref<2x256x128xf32, #tpu.memory_space<vmem>>, vector<16xf32>,
        %parallel_loop3A_859 = arith.mulf %parallel_loop3A_851, %parallel_loop3A_858 : vector<16xf32>
        %parallel_loop3A_860 = arith.addf %parallel_loop3A_839, %parallel_loop3A_859 : vector<16xf32>
        %parallel_loop3A_861 = arith.constant 0 : i32
        %parallel_loop3A_862 = arith.index_cast %parallel_loop3A_861 : i32 to index
        %parallel_loop3A_863 = arith.index_cast %parallel_loop3A_853 : i32 to index
        %parallel_loop3A_864 = arith.constant 16 : index
        %parallel_loop3A_865 = tpu.vector_load %arg8[%parallel_loop3A_862, %parallel_loop3A_863, %parallel_loop3A_864] {strides = array<i32>} : memref<2x256x128xf32, #tpu.memory_space<vmem>>, vector<16xf32>,
        %parallel_loop3A_866 = arith.mulf %parallel_loop3A_851, %parallel_loop3A_865 : vector<16xf32>
        %parallel_loop3A_867 = arith.addf %parallel_loop3A_840, %parallel_loop3A_866 : vector<16xf32>
        %parallel_loop3A_868 = arith.constant 0 : i32
        %parallel_loop3A_869 = arith.index_cast %parallel_loop3A_868 : i32 to index
        %parallel_loop3A_870 = arith.index_cast %parallel_loop3A_853 : i32 to index
        %parallel_loop3A_871 = arith.constant 32 : index
        %parallel_loop3A_872 = tpu.vector_load %arg8[%parallel_loop3A_869, %parallel_loop3A_870, %parallel_loop3A_871] {strides = array<i32>} : memref<2x256x128xf32, #tpu.memory_space<vmem>>, vector<16xf32>,
        %parallel_loop3A_873 = arith.mulf %parallel_loop3A_851, %parallel_loop3A_872 : vector<16xf32>
        %parallel_loop3A_874 = arith.addf %parallel_loop3A_841, %parallel_loop3A_873 : vector<16xf32>
        %parallel_loop3A_875 = arith.constant 0 : i32
        %parallel_loop3A_876 = arith.index_cast %parallel_loop3A_875 : i32 to index
        %parallel_loop3A_877 = arith.index_cast %parallel_loop3A_853 : i32 to index
        %parallel_loop3A_878 = arith.constant 48 : index
        %parallel_loop3A_879 = tpu.vector_load %arg8[%parallel_loop3A_876, %parallel_loop3A_877, %parallel_loop3A_878] {strides = array<i32>} : memref<2x256x128xf32, #tpu.memory_space<vmem>>, vector<16xf32>,
        %parallel_loop3A_880 = arith.mulf %parallel_loop3A_851, %parallel_loop3A_879 : vector<16xf32>
        %parallel_loop3A_881 = arith.addf %parallel_loop3A_842, %parallel_loop3A_880 : vector<16xf32>
        %parallel_loop3A_882 = arith.constant 0 : i32
        %parallel_loop3A_883 = arith.index_cast %parallel_loop3A_882 : i32 to index
        %parallel_loop3A_884 = arith.index_cast %parallel_loop3A_853 : i32 to index
        %parallel_loop3A_885 = arith.constant 64 : index
        %parallel_loop3A_886 = tpu.vector_load %arg8[%parallel_loop3A_883, %parallel_loop3A_884, %parallel_loop3A_885] {strides = array<i32>} : memref<2x256x128xf32, #tpu.memory_space<vmem>>, vector<16xf32>,
        %parallel_loop3A_887 = arith.mulf %parallel_loop3A_851, %parallel_loop3A_886 : vector<16xf32>
        %parallel_loop3A_888 = arith.addf %parallel_loop3A_843, %parallel_loop3A_887 : vector<16xf32>
        %parallel_loop3A_889 = arith.constant 0 : i32
        %parallel_loop3A_890 = arith.index_cast %parallel_loop3A_889 : i32 to index
        %parallel_loop3A_891 = arith.index_cast %parallel_loop3A_853 : i32 to index
        %parallel_loop3A_892 = arith.constant 80 : index
        %parallel_loop3A_893 = tpu.vector_load %arg8[%parallel_loop3A_890, %parallel_loop3A_891, %parallel_loop3A_892] {strides = array<i32>} : memref<2x256x128xf32, #tpu.memory_space<vmem>>, vector<16xf32>,
        %parallel_loop3A_894 = arith.mulf %parallel_loop3A_851, %parallel_loop3A_893 : vector<16xf32>
        %parallel_loop3A_895 = arith.addf %parallel_loop3A_844, %parallel_loop3A_894 : vector<16xf32>
        %parallel_loop3A_896 = arith.constant 0 : i32
        %parallel_loop3A_897 = arith.index_cast %parallel_loop3A_896 : i32 to index
        %parallel_loop3A_898 = arith.index_cast %parallel_loop3A_853 : i32 to index
        %parallel_loop3A_899 = arith.constant 96 : index
        %parallel_loop3A_900 = tpu.vector_load %arg8[%parallel_loop3A_897, %parallel_loop3A_898, %parallel_loop3A_899] {strides = array<i32>} : memref<2x256x128xf32, #tpu.memory_space<vmem>>, vector<16xf32>,
        %parallel_loop3A_901 = arith.mulf %parallel_loop3A_851, %parallel_loop3A_900 : vector<16xf32>
        %parallel_loop3A_902 = arith.addf %parallel_loop3A_845, %parallel_loop3A_901 : vector<16xf32>
        %parallel_loop3A_903 = arith.constant 0 : i32
        %parallel_loop3A_904 = arith.index_cast %parallel_loop3A_903 : i32 to index
        %parallel_loop3A_905 = arith.index_cast %parallel_loop3A_853 : i32 to index
        %parallel_loop3A_906 = arith.constant 112 : index
        %parallel_loop3A_907 = tpu.vector_load %arg8[%parallel_loop3A_904, %parallel_loop3A_905, %parallel_loop3A_906] {strides = array<i32>} : memref<2x256x128xf32, #tpu.memory_space<vmem>>, vector<16xf32>,
        %parallel_loop3A_908 = arith.mulf %parallel_loop3A_851, %parallel_loop3A_907 : vector<16xf32>
        %parallel_loop3A_909 = arith.addf %parallel_loop3A_846, %parallel_loop3A_908 : vector<16xf32>
        scf.yield %parallel_loop3A_860, %parallel_loop3A_867, %parallel_loop3A_874, %parallel_loop3A_881, %parallel_loop3A_888, %parallel_loop3A_895, %parallel_loop3A_902, %parallel_loop3A_909 : vector<16xf32>, vector<16xf32>, vector<16xf32>, vector<16xf32>, vector<16xf32>, vector<16xf32>, vector<16xf32>, vector<16xf32>
      } {sc.loop_unroll_factor = 8 : i64, sc.parallel_access}
      %get3A_781 = arith.index_cast %while3A_750 : i32 to index
      %get3A_782 = arith.constant 0 : index
      %get3A_783 = tpu.vector_load %arg13[%get3A_781, %get3A_782] {strides = array<i32>} : memref<16x128xf32, #tpu.memory_space<vmem>>, vector<16xf32>,
      %add3A_784 = arith.addf %get3A_783, %parallel_loop3A_780#0 : vector<16xf32>
      %swap3A_785 = arith.index_cast %while3A_750 : i32 to index
      %swap3A_786 = arith.constant 0 : index
      %swap3A_787 = tpu.vector_load %arg13[%swap3A_785, %swap3A_786] {strides = array<i32>} : memref<16x128xf32, #tpu.memory_space<vmem>>, vector<16xf32>,
      tpu.vector_store %arg13[%swap3A_785, %swap3A_786], %add3A_784 {strides = array<i32>} : memref<16x128xf32, #tpu.memory_space<vmem>>, vector<16xf32>,
      %get3A_788 = arith.index_cast %while3A_750 : i32 to index
      %get3A_789 = arith.constant 16 : index
      %get3A_790 = tpu.vector_load %arg13[%get3A_788, %get3A_789] {strides = array<i32>} : memref<16x128xf32, #tpu.memory_space<vmem>>, vector<16xf32>,
      %add3A_791 = arith.addf %get3A_790, %parallel_loop3A_780#1 : vector<16xf32>
      %swap3A_792 = arith.index_cast %while3A_750 : i32 to index
      %swap3A_793 = arith.constant 16 : index
      %swap3A_794 = tpu.vector_load %arg13[%swap3A_792, %swap3A_793] {strides = array<i32>} : memref<16x128xf32, #tpu.memory_space<vmem>>, vector<16xf32>,
      tpu.vector_store %arg13[%swap3A_792, %swap3A_793], %add3A_791 {strides = array<i32>} : memref<16x128xf32, #tpu.memory_space<vmem>>, vector<16xf32>,
      %get3A_795 = arith.index_cast %while3A_750 : i32 to index
      %get3A_796 = arith.constant 32 : index
      %get3A_797 = tpu.vector_load %arg13[%get3A_795, %get3A_796] {strides = array<i32>} : memref<16x128xf32, #tpu.memory_space<vmem>>, vector<16xf32>,
      %add3A_798 = arith.addf %get3A_797, %parallel_loop3A_780#2 : vector<16xf32>
      %swap3A_799 = arith.index_cast %while3A_750 : i32 to index
      %swap3A_800 = arith.constant 32 : index
      %swap3A_801 = tpu.vector_load %arg13[%swap3A_799, %swap3A_800] {strides = array<i32>} : memref<16x128xf32, #tpu.memory_space<vmem>>, vector<16xf32>,
      tpu.vector_store %arg13[%swap3A_799, %swap3A_800], %add3A_798 {strides = array<i32>} : memref<16x128xf32, #tpu.memory_space<vmem>>, vector<16xf32>,
      %get3A_802 = arith.index_cast %while3A_750 : i32 to index
      %get3A_803 = arith.constant 48 : index
      %get3A_804 = tpu.vector_load %arg13[%get3A_802, %get3A_803] {strides = array<i32>} : memref<16x128xf32, #tpu.memory_space<vmem>>, vector<16xf32>,
      %add3A_805 = arith.addf %get3A_804, %parallel_loop3A_780#3 : vector<16xf32>
      %swap3A_806 = arith.index_cast %while3A_750 : i32 to index
      %swap3A_807 = arith.constant 48 : index
      %swap3A_808 = tpu.vector_load %arg13[%swap3A_806, %swap3A_807] {strides = array<i32>} : memref<16x128xf32, #tpu.memory_space<vmem>>, vector<16xf32>,
      tpu.vector_store %arg13[%swap3A_806, %swap3A_807], %add3A_805 {strides = array<i32>} : memref<16x128xf32, #tpu.memory_space<vmem>>, vector<16xf32>,
      %get3A_809 = arith.index_cast %while3A_750 : i32 to index
      %get3A_810 = arith.constant 64 : index
      %get3A_811 = tpu.vector_load %arg13[%get3A_809, %get3A_810] {strides = array<i32>} : memref<16x128xf32, #tpu.memory_space<vmem>>, vector<16xf32>,
      %add3A_812 = arith.addf %get3A_811, %parallel_loop3A_780#4 : vector<16xf32>
      %swap3A_813 = arith.index_cast %while3A_750 : i32 to index
      %swap3A_814 = arith.constant 64 : index
      %swap3A_815 = tpu.vector_load %arg13[%swap3A_813, %swap3A_814] {strides = array<i32>} : memref<16x128xf32, #tpu.memory_space<vmem>>, vector<16xf32>,
      tpu.vector_store %arg13[%swap3A_813, %swap3A_814], %add3A_812 {strides = array<i32>} : memref<16x128xf32, #tpu.memory_space<vmem>>, vector<16xf32>,
      %get3A_816 = arith.index_cast %while3A_750 : i32 to index
      %get3A_817 = arith.constant 80 : index
      %get3A_818 = tpu.vector_load %arg13[%get3A_816, %get3A_817] {strides = array<i32>} : memref<16x128xf32, #tpu.memory_space<vmem>>, vector<16xf32>,
      %add3A_819 = arith.addf %get3A_818, %parallel_loop3A_780#5 : vector<16xf32>
      %swap3A_820 = arith.index_cast %while3A_750 : i32 to index
      %swap3A_821 = arith.constant 80 : index
      %swap3A_822 = tpu.vector_load %arg13[%swap3A_820, %swap3A_821] {strides = array<i32>} : memref<16x128xf32, #tpu.memory_space<vmem>>, vector<16xf32>,
      tpu.vector_store %arg13[%swap3A_820, %swap3A_821], %add3A_819 {strides = array<i32>} : memref<16x128xf32, #tpu.memory_space<vmem>>, vector<16xf32>,
      %get3A_823 = arith.index_cast %while3A_750 : i32 to index
      %get3A_824 = arith.constant 96 : index
      %get3A_825 = tpu.vector_load %arg13[%get3A_823, %get3A_824] {strides = array<i32>} : memref<16x128xf32, #tpu.memory_space<vmem>>, vector<16xf32>,
      %add3A_826 = arith.addf %get3A_825, %parallel_loop3A_780#6 : vector<16xf32>
      %swap3A_827 = arith.index_cast %while3A_750 : i32 to index
      %swap3A_828 = arith.constant 96 : index
      %swap3A_829 = tpu.vector_load %arg13[%swap3A_827, %swap3A_828] {strides = array<i32>} : memref<16x128xf32, #tpu.memory_space<vmem>>, vector<16xf32>,
      tpu.vector_store %arg13[%swap3A_827, %swap3A_828], %add3A_826 {strides = array<i32>} : memref<16x128xf32, #tpu.memory_space<vmem>>, vector<16xf32>,
      %get3A_830 = arith.index_cast %while3A_750 : i32 to index
      %get3A_831 = arith.constant 112 : index
      %get3A_832 = tpu.vector_load %arg13[%get3A_830, %get3A_831] {strides = array<i32>} : memref<16x128xf32, #tpu.memory_space<vmem>>, vector<16xf32>,
      %add3A_833 = arith.addf %get3A_832, %parallel_loop3A_780#7 : vector<16xf32>
      %swap3A_834 = arith.index_cast %while3A_750 : i32 to index
      %swap3A_835 = arith.constant 112 : index
      %swap3A_836 = tpu.vector_load %arg13[%swap3A_834, %swap3A_835] {strides = array<i32>} : memref<16x128xf32, #tpu.memory_space<vmem>>, vector<16xf32>,
      tpu.vector_store %arg13[%swap3A_834, %swap3A_835], %add3A_833 {strides = array<i32>} : memref<16x128xf32, #tpu.memory_space<vmem>>, vector<16xf32>,
      %while3A_837 = arith.constant 0 : i32
      scf.yield %while3A_837 : i32
    }
    %while3A_612 = arith.constant 1 : i32
    %while3A_613 = scf.for %while3A_750 = %while3A_609 to %while3A_605 step %while3A_612 iter_args(%while3A_751 = %while3A_611) -> (i32)  : i32 {
      %eq3A_752 = vector.broadcast %while3A_750 : i32 to vector<16xi32>
      %eq3A_753 = arith.cmpi eq, %iota3A, %eq3A_752 : vector<16xi32>
      %jit3A_754 = arith.constant 0 : i32
      %broadcast_in_dim3A_755 = vector.broadcast %jit3A_754 : i32 to vector<16xi32>
      %select_n3A_756 = arith.select %eq3A_753, %sub3A, %broadcast_in_dim3A_755 : vector<16xi1>, vector<16xi32>
      %reduce_max3A_757 = arith.constant true
      %reduce_max3A_758 = vector.broadcast %reduce_max3A_757 : i1 to vector<16xi1>
      %reduce_max3A_759 = arith.constant -2147483648 : i32
      %reduce_max3A_760 = vector.broadcast %reduce_max3A_759 : i32 to vector<16xi32>
      %reduce_max3A_761 = arith.xori %select_n3A_756, %reduce_max3A_760 : vector<16xi32>
      %reduce_max3A_762 = tpu.scan <max>, %reduce_max3A_761 masked %reduce_max3A_758 : vector<16xi32>, vector<16xi1> -> vector<16xi32>
      %reduce_max3A_763 = arith.xori %reduce_max3A_762, %reduce_max3A_760 : vector<16xi32>
      %reduce_max3A_764 = vector.extract %reduce_max3A_763[15] : i32 from vector<16xi32>
      %max3A = arith.constant 0 : i32
      %max3A_765 = arith.maxsi %reduce_max3A_764, %max3A : i32
      %eq3A_766 = vector.broadcast %while3A_750 : i32 to vector<16xi32>
      %eq3A_767 = arith.cmpi eq, %iota3A, %eq3A_766 : vector<16xi32>
      %jit3A_768 = arith.constant 0 : i32
      %broadcast_in_dim3A_769 = vector.broadcast %jit3A_768 : i32 to vector<16xi32>
      %select_n3A_770 = arith.select %eq3A_767, %cumsum3A_53, %broadcast_in_dim3A_769 : vector<16xi1>, vector<16xi32>
      %reduce_max3A_771 = arith.constant true
      %reduce_max3A_772 = vector.broadcast %reduce_max3A_771 : i1 to vector<16xi1>
      %reduce_max3A_773 = arith.constant -2147483648 : i32
      %reduce_max3A_774 = vector.broadcast %reduce_max3A_773 : i32 to vector<16xi32>
      %reduce_max3A_775 = arith.xori %select_n3A_770, %reduce_max3A_774 : vector<16xi32>
      %reduce_max3A_776 = tpu.scan <max>, %reduce_max3A_775 masked %reduce_max3A_772 : vector<16xi32>, vector<16xi1> -> vector<16xi32>
      %reduce_max3A_777 = arith.xori %reduce_max3A_776, %reduce_max3A_774 : vector<16xi32>
      %reduce_max3A_778 = vector.extract %reduce_max3A_777[15] : i32 from vector<16xi32>
      %min3A = arith.constant 256 : i32
      %min3A_779 = arith.minsi %reduce_max3A_778, %min3A : i32
      %parallel_loop3A = arith.constant 1 : i32
      %parallel_loop3A_780:8 = scf.for %parallel_loop3A_838 = %max3A_765 to %min3A_779 step %parallel_loop3A iter_args(%parallel_loop3A_839 = %broadcast_in_dim3A_77, %parallel_loop3A_840 = %broadcast_in_dim3A_77, %parallel_loop3A_841 = %broadcast_in_dim3A_77, %parallel_loop3A_842 = %broadcast_in_dim3A_77, %parallel_loop3A_843 = %broadcast_in_dim3A_77, %parallel_loop3A_844 = %broadcast_in_dim3A_77, %parallel_loop3A_845 = %broadcast_in_dim3A_77, %parallel_loop3A_846 = %broadcast_in_dim3A_77) -> (vector<16xf32>, vector<16xf32>, vector<16xf32>, vector<16xf32>, vector<16xf32>, vector<16xf32>, vector<16xf32>, vector<16xf32>)  : i32 {
        %parallel_loop3A_847 = arith.constant 0 : i32
        %parallel_loop3A_848 = vector.broadcast %parallel_loop3A_847 : i32 to vector<16xi32>
        %parallel_loop3A_849 = vector.broadcast %parallel_loop3A_838 : i32 to vector<16xi32>
        %parallel_loop3A_850 = arith.addi %parallel_loop3A_848, %parallel_loop3A_849 : vector<16xi32>
        %parallel_loop3A_851 = tpu.vector_load_idx %arg9[%parallel_loop3A_850] : memref<1024xf32, #tpu.memory_space<vmem>>[vector<16xi32>], vector<16xf32>,
        %parallel_loop3A_852 = arith.constant 0 : i32
        %parallel_loop3A_853 = arith.subi %parallel_loop3A_838, %parallel_loop3A_852 : i32
        %parallel_loop3A_854 = arith.constant 0 : i32
        %parallel_loop3A_855 = arith.index_cast %parallel_loop3A_854 : i32 to index
        %parallel_loop3A_856 = arith.index_cast %parallel_loop3A_853 : i32 to index
        %parallel_loop3A_857 = arith.constant 0 : index
        %parallel_loop3A_858 = tpu.vector_load %arg8[%parallel_loop3A_855, %parallel_loop3A_856, %parallel_loop3A_857] {strides = array<i32>} : memref<2x256x128xf32, #tpu.memory_space<vmem>>, vector<16xf32>,
        %parallel_loop3A_859 = arith.mulf %parallel_loop3A_851, %parallel_loop3A_858 : vector<16xf32>
        %parallel_loop3A_860 = arith.addf %parallel_loop3A_839, %parallel_loop3A_859 : vector<16xf32>
        %parallel_loop3A_861 = arith.constant 0 : i32
        %parallel_loop3A_862 = arith.index_cast %parallel_loop3A_861 : i32 to index
        %parallel_loop3A_863 = arith.index_cast %parallel_loop3A_853 : i32 to index
        %parallel_loop3A_864 = arith.constant 16 : index
        %parallel_loop3A_865 = tpu.vector_load %arg8[%parallel_loop3A_862, %parallel_loop3A_863, %parallel_loop3A_864] {strides = array<i32>} : memref<2x256x128xf32, #tpu.memory_space<vmem>>, vector<16xf32>,
        %parallel_loop3A_866 = arith.mulf %parallel_loop3A_851, %parallel_loop3A_865 : vector<16xf32>
        %parallel_loop3A_867 = arith.addf %parallel_loop3A_840, %parallel_loop3A_866 : vector<16xf32>
        %parallel_loop3A_868 = arith.constant 0 : i32
        %parallel_loop3A_869 = arith.index_cast %parallel_loop3A_868 : i32 to index
        %parallel_loop3A_870 = arith.index_cast %parallel_loop3A_853 : i32 to index
        %parallel_loop3A_871 = arith.constant 32 : index
        %parallel_loop3A_872 = tpu.vector_load %arg8[%parallel_loop3A_869, %parallel_loop3A_870, %parallel_loop3A_871] {strides = array<i32>} : memref<2x256x128xf32, #tpu.memory_space<vmem>>, vector<16xf32>,
        %parallel_loop3A_873 = arith.mulf %parallel_loop3A_851, %parallel_loop3A_872 : vector<16xf32>
        %parallel_loop3A_874 = arith.addf %parallel_loop3A_841, %parallel_loop3A_873 : vector<16xf32>
        %parallel_loop3A_875 = arith.constant 0 : i32
        %parallel_loop3A_876 = arith.index_cast %parallel_loop3A_875 : i32 to index
        %parallel_loop3A_877 = arith.index_cast %parallel_loop3A_853 : i32 to index
        %parallel_loop3A_878 = arith.constant 48 : index
        %parallel_loop3A_879 = tpu.vector_load %arg8[%parallel_loop3A_876, %parallel_loop3A_877, %parallel_loop3A_878] {strides = array<i32>} : memref<2x256x128xf32, #tpu.memory_space<vmem>>, vector<16xf32>,
        %parallel_loop3A_880 = arith.mulf %parallel_loop3A_851, %parallel_loop3A_879 : vector<16xf32>
        %parallel_loop3A_881 = arith.addf %parallel_loop3A_842, %parallel_loop3A_880 : vector<16xf32>
        %parallel_loop3A_882 = arith.constant 0 : i32
        %parallel_loop3A_883 = arith.index_cast %parallel_loop3A_882 : i32 to index
        %parallel_loop3A_884 = arith.index_cast %parallel_loop3A_853 : i32 to index
        %parallel_loop3A_885 = arith.constant 64 : index
        %parallel_loop3A_886 = tpu.vector_load %arg8[%parallel_loop3A_883, %parallel_loop3A_884, %parallel_loop3A_885] {strides = array<i32>} : memref<2x256x128xf32, #tpu.memory_space<vmem>>, vector<16xf32>,
        %parallel_loop3A_887 = arith.mulf %parallel_loop3A_851, %parallel_loop3A_886 : vector<16xf32>
        %parallel_loop3A_888 = arith.addf %parallel_loop3A_843, %parallel_loop3A_887 : vector<16xf32>
        %parallel_loop3A_889 = arith.constant 0 : i32
        %parallel_loop3A_890 = arith.index_cast %parallel_loop3A_889 : i32 to index
        %parallel_loop3A_891 = arith.index_cast %parallel_loop3A_853 : i32 to index
        %parallel_loop3A_892 = arith.constant 80 : index
        %parallel_loop3A_893 = tpu.vector_load %arg8[%parallel_loop3A_890, %parallel_loop3A_891, %parallel_loop3A_892] {strides = array<i32>} : memref<2x256x128xf32, #tpu.memory_space<vmem>>, vector<16xf32>,
        %parallel_loop3A_894 = arith.mulf %parallel_loop3A_851, %parallel_loop3A_893 : vector<16xf32>
        %parallel_loop3A_895 = arith.addf %parallel_loop3A_844, %parallel_loop3A_894 : vector<16xf32>
        %parallel_loop3A_896 = arith.constant 0 : i32
        %parallel_loop3A_897 = arith.index_cast %parallel_loop3A_896 : i32 to index
        %parallel_loop3A_898 = arith.index_cast %parallel_loop3A_853 : i32 to index
        %parallel_loop3A_899 = arith.constant 96 : index
        %parallel_loop3A_900 = tpu.vector_load %arg8[%parallel_loop3A_897, %parallel_loop3A_898, %parallel_loop3A_899] {strides = array<i32>} : memref<2x256x128xf32, #tpu.memory_space<vmem>>, vector<16xf32>,
        %parallel_loop3A_901 = arith.mulf %parallel_loop3A_851, %parallel_loop3A_900 : vector<16xf32>
        %parallel_loop3A_902 = arith.addf %parallel_loop3A_845, %parallel_loop3A_901 : vector<16xf32>
        %parallel_loop3A_903 = arith.constant 0 : i32
        %parallel_loop3A_904 = arith.index_cast %parallel_loop3A_903 : i32 to index
        %parallel_loop3A_905 = arith.index_cast %parallel_loop3A_853 : i32 to index
        %parallel_loop3A_906 = arith.constant 112 : index
        %parallel_loop3A_907 = tpu.vector_load %arg8[%parallel_loop3A_904, %parallel_loop3A_905, %parallel_loop3A_906] {strides = array<i32>} : memref<2x256x128xf32, #tpu.memory_space<vmem>>, vector<16xf32>,
        %parallel_loop3A_908 = arith.mulf %parallel_loop3A_851, %parallel_loop3A_907 : vector<16xf32>
        %parallel_loop3A_909 = arith.addf %parallel_loop3A_846, %parallel_loop3A_908 : vector<16xf32>
        scf.yield %parallel_loop3A_860, %parallel_loop3A_867, %parallel_loop3A_874, %parallel_loop3A_881, %parallel_loop3A_888, %parallel_loop3A_895, %parallel_loop3A_902, %parallel_loop3A_909 : vector<16xf32>, vector<16xf32>, vector<16xf32>, vector<16xf32>, vector<16xf32>, vector<16xf32>, vector<16xf32>, vector<16xf32>
      } {sc.loop_unroll_factor = 8 : i64, sc.parallel_access}
      %get3A_781 = arith.index_cast %while3A_750 : i32 to index
      %get3A_782 = arith.constant 0 : index
      %get3A_783 = tpu.vector_load %arg13[%get3A_781, %get3A_782] {strides = array<i32>} : memref<16x128xf32, #tpu.memory_space<vmem>>, vector<16xf32>,
      %add3A_784 = arith.addf %get3A_783, %parallel_loop3A_780#0 : vector<16xf32>
      %swap3A_785 = arith.index_cast %while3A_750 : i32 to index
      %swap3A_786 = arith.constant 0 : index
      %swap3A_787 = tpu.vector_load %arg13[%swap3A_785, %swap3A_786] {strides = array<i32>} : memref<16x128xf32, #tpu.memory_space<vmem>>, vector<16xf32>,
      tpu.vector_store %arg13[%swap3A_785, %swap3A_786], %add3A_784 {strides = array<i32>} : memref<16x128xf32, #tpu.memory_space<vmem>>, vector<16xf32>,
      %get3A_788 = arith.index_cast %while3A_750 : i32 to index
      %get3A_789 = arith.constant 16 : index
      %get3A_790 = tpu.vector_load %arg13[%get3A_788, %get3A_789] {strides = array<i32>} : memref<16x128xf32, #tpu.memory_space<vmem>>, vector<16xf32>,
      %add3A_791 = arith.addf %get3A_790, %parallel_loop3A_780#1 : vector<16xf32>
      %swap3A_792 = arith.index_cast %while3A_750 : i32 to index
      %swap3A_793 = arith.constant 16 : index
      %swap3A_794 = tpu.vector_load %arg13[%swap3A_792, %swap3A_793] {strides = array<i32>} : memref<16x128xf32, #tpu.memory_space<vmem>>, vector<16xf32>,
      tpu.vector_store %arg13[%swap3A_792, %swap3A_793], %add3A_791 {strides = array<i32>} : memref<16x128xf32, #tpu.memory_space<vmem>>, vector<16xf32>,
      %get3A_795 = arith.index_cast %while3A_750 : i32 to index
      %get3A_796 = arith.constant 32 : index
      %get3A_797 = tpu.vector_load %arg13[%get3A_795, %get3A_796] {strides = array<i32>} : memref<16x128xf32, #tpu.memory_space<vmem>>, vector<16xf32>,
      %add3A_798 = arith.addf %get3A_797, %parallel_loop3A_780#2 : vector<16xf32>
      %swap3A_799 = arith.index_cast %while3A_750 : i32 to index
      %swap3A_800 = arith.constant 32 : index
      %swap3A_801 = tpu.vector_load %arg13[%swap3A_799, %swap3A_800] {strides = array<i32>} : memref<16x128xf32, #tpu.memory_space<vmem>>, vector<16xf32>,
      tpu.vector_store %arg13[%swap3A_799, %swap3A_800], %add3A_798 {strides = array<i32>} : memref<16x128xf32, #tpu.memory_space<vmem>>, vector<16xf32>,
      %get3A_802 = arith.index_cast %while3A_750 : i32 to index
      %get3A_803 = arith.constant 48 : index
      %get3A_804 = tpu.vector_load %arg13[%get3A_802, %get3A_803] {strides = array<i32>} : memref<16x128xf32, #tpu.memory_space<vmem>>, vector<16xf32>,
      %add3A_805 = arith.addf %get3A_804, %parallel_loop3A_780#3 : vector<16xf32>
      %swap3A_806 = arith.index_cast %while3A_750 : i32 to index
      %swap3A_807 = arith.constant 48 : index
      %swap3A_808 = tpu.vector_load %arg13[%swap3A_806, %swap3A_807] {strides = array<i32>} : memref<16x128xf32, #tpu.memory_space<vmem>>, vector<16xf32>,
      tpu.vector_store %arg13[%swap3A_806, %swap3A_807], %add3A_805 {strides = array<i32>} : memref<16x128xf32, #tpu.memory_space<vmem>>, vector<16xf32>,
      %get3A_809 = arith.index_cast %while3A_750 : i32 to index
      %get3A_810 = arith.constant 64 : index
      %get3A_811 = tpu.vector_load %arg13[%get3A_809, %get3A_810] {strides = array<i32>} : memref<16x128xf32, #tpu.memory_space<vmem>>, vector<16xf32>,
      %add3A_812 = arith.addf %get3A_811, %parallel_loop3A_780#4 : vector<16xf32>
      %swap3A_813 = arith.index_cast %while3A_750 : i32 to index
      %swap3A_814 = arith.constant 64 : index
      %swap3A_815 = tpu.vector_load %arg13[%swap3A_813, %swap3A_814] {strides = array<i32>} : memref<16x128xf32, #tpu.memory_space<vmem>>, vector<16xf32>,
      tpu.vector_store %arg13[%swap3A_813, %swap3A_814], %add3A_812 {strides = array<i32>} : memref<16x128xf32, #tpu.memory_space<vmem>>, vector<16xf32>,
      %get3A_816 = arith.index_cast %while3A_750 : i32 to index
      %get3A_817 = arith.constant 80 : index
      %get3A_818 = tpu.vector_load %arg13[%get3A_816, %get3A_817] {strides = array<i32>} : memref<16x128xf32, #tpu.memory_space<vmem>>, vector<16xf32>,
      %add3A_819 = arith.addf %get3A_818, %parallel_loop3A_780#5 : vector<16xf32>
      %swap3A_820 = arith.index_cast %while3A_750 : i32 to index
      %swap3A_821 = arith.constant 80 : index
      %swap3A_822 = tpu.vector_load %arg13[%swap3A_820, %swap3A_821] {strides = array<i32>} : memref<16x128xf32, #tpu.memory_space<vmem>>, vector<16xf32>,
      tpu.vector_store %arg13[%swap3A_820, %swap3A_821], %add3A_819 {strides = array<i32>} : memref<16x128xf32, #tpu.memory_space<vmem>>, vector<16xf32>,
      %get3A_823 = arith.index_cast %while3A_750 : i32 to index
      %get3A_824 = arith.constant 96 : index
      %get3A_825 = tpu.vector_load %arg13[%get3A_823, %get3A_824] {strides = array<i32>} : memref<16x128xf32, #tpu.memory_space<vmem>>, vector<16xf32>,
      %add3A_826 = arith.addf %get3A_825, %parallel_loop3A_780#6 : vector<16xf32>
      %swap3A_827 = arith.index_cast %while3A_750 : i32 to index
      %swap3A_828 = arith.constant 96 : index
      %swap3A_829 = tpu.vector_load %arg13[%swap3A_827, %swap3A_828] {strides = array<i32>} : memref<16x128xf32, #tpu.memory_space<vmem>>, vector<16xf32>,
      tpu.vector_store %arg13[%swap3A_827, %swap3A_828], %add3A_826 {strides = array<i32>} : memref<16x128xf32, #tpu.memory_space<vmem>>, vector<16xf32>,
      %get3A_830 = arith.index_cast %while3A_750 : i32 to index
      %get3A_831 = arith.constant 112 : index
      %get3A_832 = tpu.vector_load %arg13[%get3A_830, %get3A_831] {strides = array<i32>} : memref<16x128xf32, #tpu.memory_space<vmem>>, vector<16xf32>,
      %add3A_833 = arith.addf %get3A_832, %parallel_loop3A_780#7 : vector<16xf32>
      %swap3A_834 = arith.index_cast %while3A_750 : i32 to index
      %swap3A_835 = arith.constant 112 : index
      %swap3A_836 = tpu.vector_load %arg13[%swap3A_834, %swap3A_835] {strides = array<i32>} : memref<16x128xf32, #tpu.memory_space<vmem>>, vector<16xf32>,
      tpu.vector_store %arg13[%swap3A_834, %swap3A_835], %add3A_833 {strides = array<i32>} : memref<16x128xf32, #tpu.memory_space<vmem>>, vector<16xf32>,
      %while3A_837 = arith.constant 0 : i32
      scf.yield %while3A_837 : i32
    }
    %add3A_614 = arith.constant 512 : i32
    %add3A_615 = arith.addi %mul3A_2, %add3A_614 : i32
    %dma_start3A_616 = arith.constant 0 : i32
    %dma_start3A_617 = arith.constant 0 : i32
    %dma_start3A_618 = arith.constant 0 : i32
    %dma_start3A_619 = tpu.memref_slice %arg8[%dma_start3A_616, %dma_start3A_617, %dma_start3A_618] : memref<2x256x128xf32, #tpu.memory_space<vmem>> -> memref<1x256x128xf32, #tpu.memory_space<vmem>>
    %dma_start3A_620 = tpu.memref_squeeze %dma_start3A_619 : memref<1x256x128xf32, #tpu.memory_space<vmem>> -> memref<256x128xf32, #tpu.memory_space<vmem>>
    %dma_start3A_621 = arith.constant 0 : i32
    %dma_start3A_622 = tpu.memref_slice %arg2[%add3A_615, %dma_start3A_621] : memref<32768x128xf32, #tpu.memory_space<hbm>> -> memref<256x128xf32, #tpu.memory_space<hbm>>
    %dma_start3A_623 = arith.constant 0 : i32
    %dma_start3A_624 = arith.constant 0 : i32
    %dma_start3A_625 = tpu.memref_slice %arg8[%dma_start3A_616, %dma_start3A_623, %dma_start3A_624] : memref<2x256x128xf32, #tpu.memory_space<vmem>> -> memref<1x256x128xf32, #tpu.memory_space<vmem>>
    %dma_start3A_626 = tpu.memref_squeeze %dma_start3A_625 : memref<1x256x128xf32, #tpu.memory_space<vmem>> -> memref<256x128xf32, #tpu.memory_space<vmem>>
    %dma_start3A_627 = arith.constant 0 : i32
    %dma_start3A_628 = tpu.memref_slice %arg2[%add3A_615, %dma_start3A_627] : memref<32768x128xf32, #tpu.memory_space<hbm>> -> memref<256x128xf32, #tpu.memory_space<hbm>>
    tpu.enqueue_dma source(%dma_start3A_628 : memref<256x128xf32, #tpu.memory_space<hbm>>) target(%dma_start3A_626 : memref<256x128xf32, #tpu.memory_space<vmem>>) target_semaphore(%arg16 : memref<!tpu.dma_semaphore, #tpu.memory_space<semaphore_mem>>)
    %dma_wait3A_629 = arith.constant 1 : i32
    %dma_wait3A_630 = arith.constant 0 : i32
    %dma_wait3A_631 = arith.constant 0 : i32
    %dma_wait3A_632 = tpu.memref_slice %arg8[%dma_wait3A_629, %dma_wait3A_630, %dma_wait3A_631] : memref<2x256x128xf32, #tpu.memory_space<vmem>> -> memref<1x256x128xf32, #tpu.memory_space<vmem>>
    %dma_wait3A_633 = tpu.memref_squeeze %dma_wait3A_632 : memref<1x256x128xf32, #tpu.memory_space<vmem>> -> memref<256x128xf32, #tpu.memory_space<vmem>>
    %dma_wait3A_634 = arith.constant 0 : i32
    %dma_wait3A_635 = tpu.memref_slice %arg2[%add3A_18, %dma_wait3A_634] : memref<32768x128xf32, #tpu.memory_space<hbm>> -> memref<256x128xf32, #tpu.memory_space<hbm>>
    %dma_wait3A_636 = arith.constant 0 : i32
    %dma_wait3A_637 = arith.constant 0 : i32
    %dma_wait3A_638 = tpu.memref_slice %arg8[%dma_wait3A_629, %dma_wait3A_636, %dma_wait3A_637] : memref<2x256x128xf32, #tpu.memory_space<vmem>> -> memref<1x256x128xf32, #tpu.memory_space<vmem>>
    %dma_wait3A_639 = tpu.memref_squeeze %dma_wait3A_638 : memref<1x256x128xf32, #tpu.memory_space<vmem>> -> memref<256x128xf32, #tpu.memory_space<vmem>>
    %dma_wait3A_640 = arith.constant 0 : i32
    %dma_wait3A_641 = tpu.memref_slice %arg2[%add3A_18, %dma_wait3A_640] : memref<32768x128xf32, #tpu.memory_space<hbm>> -> memref<256x128xf32, #tpu.memory_space<hbm>>
    tpu.wait_dma2 semaphore(%arg17 : memref<!tpu.dma_semaphore, #tpu.memory_space<semaphore_mem>>) src(%dma_wait3A_641 : memref<256x128xf32, #tpu.memory_space<hbm>>) dst(%dma_wait3A_639 : memref<256x128xf32, #tpu.memory_space<vmem>>)
    %add3A_642 = arith.constant 1 : i32
    %add3A_643 = arith.addi %reduce_max3A_75, %add3A_642 : i32
    %while3A_644 = arith.constant 0 : i32
    %while3A_645 = arith.subi %add3A_643, %reduce_min3A_62 : i32
    %while3A_646 = arith.addi %reduce_min3A_62, %while3A_645 : i32
    %while3A_647 = arith.constant 1 : i32
    %while3A_648 = arith.divsi %while3A_645, %while3A_647 : i32
    %while3A_649 = arith.muli %while3A_648, %while3A_647 : i32
    %while3A_650 = arith.addi %reduce_min3A_62, %while3A_649 : i32
    %while3A_651 = arith.constant 1 : i32
    %while3A_652 = scf.for %while3A_750 = %reduce_min3A_62 to %while3A_650 step %while3A_651 iter_args(%while3A_751 = %while3A_644) -> (i32)  : i32 {
      %eq3A_752 = vector.broadcast %while3A_750 : i32 to vector<16xi32>
      %eq3A_753 = arith.cmpi eq, %iota3A, %eq3A_752 : vector<16xi32>
      %jit3A_754 = arith.constant 0 : i32
      %broadcast_in_dim3A_755 = vector.broadcast %jit3A_754 : i32 to vector<16xi32>
      %select_n3A_756 = arith.select %eq3A_753, %sub3A, %broadcast_in_dim3A_755 : vector<16xi1>, vector<16xi32>
      %reduce_max3A_757 = arith.constant true
      %reduce_max3A_758 = vector.broadcast %reduce_max3A_757 : i1 to vector<16xi1>
      %reduce_max3A_759 = arith.constant -2147483648 : i32
      %reduce_max3A_760 = vector.broadcast %reduce_max3A_759 : i32 to vector<16xi32>
      %reduce_max3A_761 = arith.xori %select_n3A_756, %reduce_max3A_760 : vector<16xi32>
      %reduce_max3A_762 = tpu.scan <max>, %reduce_max3A_761 masked %reduce_max3A_758 : vector<16xi32>, vector<16xi1> -> vector<16xi32>
      %reduce_max3A_763 = arith.xori %reduce_max3A_762, %reduce_max3A_760 : vector<16xi32>
      %reduce_max3A_764 = vector.extract %reduce_max3A_763[15] : i32 from vector<16xi32>
      %max3A = arith.constant 256 : i32
      %max3A_765 = arith.maxsi %reduce_max3A_764, %max3A : i32
      %eq3A_766 = vector.broadcast %while3A_750 : i32 to vector<16xi32>
      %eq3A_767 = arith.cmpi eq, %iota3A, %eq3A_766 : vector<16xi32>
      %jit3A_768 = arith.constant 0 : i32
      %broadcast_in_dim3A_769 = vector.broadcast %jit3A_768 : i32 to vector<16xi32>
      %select_n3A_770 = arith.select %eq3A_767, %cumsum3A_53, %broadcast_in_dim3A_769 : vector<16xi1>, vector<16xi32>
      %reduce_max3A_771 = arith.constant true
      %reduce_max3A_772 = vector.broadcast %reduce_max3A_771 : i1 to vector<16xi1>
      %reduce_max3A_773 = arith.constant -2147483648 : i32
      %reduce_max3A_774 = vector.broadcast %reduce_max3A_773 : i32 to vector<16xi32>
      %reduce_max3A_775 = arith.xori %select_n3A_770, %reduce_max3A_774 : vector<16xi32>
      %reduce_max3A_776 = tpu.scan <max>, %reduce_max3A_775 masked %reduce_max3A_772 : vector<16xi32>, vector<16xi1> -> vector<16xi32>
      %reduce_max3A_777 = arith.xori %reduce_max3A_776, %reduce_max3A_774 : vector<16xi32>
      %reduce_max3A_778 = vector.extract %reduce_max3A_777[15] : i32 from vector<16xi32>
      %min3A = arith.constant 512 : i32
      %min3A_779 = arith.minsi %reduce_max3A_778, %min3A : i32
      %parallel_loop3A = arith.constant 1 : i32
      %parallel_loop3A_780:8 = scf.for %parallel_loop3A_838 = %max3A_765 to %min3A_779 step %parallel_loop3A iter_args(%parallel_loop3A_839 = %broadcast_in_dim3A_77, %parallel_loop3A_840 = %broadcast_in_dim3A_77, %parallel_loop3A_841 = %broadcast_in_dim3A_77, %parallel_loop3A_842 = %broadcast_in_dim3A_77, %parallel_loop3A_843 = %broadcast_in_dim3A_77, %parallel_loop3A_844 = %broadcast_in_dim3A_77, %parallel_loop3A_845 = %broadcast_in_dim3A_77, %parallel_loop3A_846 = %broadcast_in_dim3A_77) -> (vector<16xf32>, vector<16xf32>, vector<16xf32>, vector<16xf32>, vector<16xf32>, vector<16xf32>, vector<16xf32>, vector<16xf32>)  : i32 {
        %parallel_loop3A_847 = arith.constant 0 : i32
        %parallel_loop3A_848 = vector.broadcast %parallel_loop3A_847 : i32 to vector<16xi32>
        %parallel_loop3A_849 = vector.broadcast %parallel_loop3A_838 : i32 to vector<16xi32>
        %parallel_loop3A_850 = arith.addi %parallel_loop3A_848, %parallel_loop3A_849 : vector<16xi32>
        %parallel_loop3A_851 = tpu.vector_load_idx %arg9[%parallel_loop3A_850] : memref<1024xf32, #tpu.memory_space<vmem>>[vector<16xi32>], vector<16xf32>,
        %parallel_loop3A_852 = arith.constant 256 : i32
        %parallel_loop3A_853 = arith.subi %parallel_loop3A_838, %parallel_loop3A_852 : i32
        %parallel_loop3A_854 = arith.constant 1 : i32
        %parallel_loop3A_855 = arith.index_cast %parallel_loop3A_854 : i32 to index
        %parallel_loop3A_856 = arith.index_cast %parallel_loop3A_853 : i32 to index
        %parallel_loop3A_857 = arith.constant 0 : index
        %parallel_loop3A_858 = tpu.vector_load %arg8[%parallel_loop3A_855, %parallel_loop3A_856, %parallel_loop3A_857] {strides = array<i32>} : memref<2x256x128xf32, #tpu.memory_space<vmem>>, vector<16xf32>,
        %parallel_loop3A_859 = arith.mulf %parallel_loop3A_851, %parallel_loop3A_858 : vector<16xf32>
        %parallel_loop3A_860 = arith.addf %parallel_loop3A_839, %parallel_loop3A_859 : vector<16xf32>
        %parallel_loop3A_861 = arith.constant 1 : i32
        %parallel_loop3A_862 = arith.index_cast %parallel_loop3A_861 : i32 to index
        %parallel_loop3A_863 = arith.index_cast %parallel_loop3A_853 : i32 to index
        %parallel_loop3A_864 = arith.constant 16 : index
        %parallel_loop3A_865 = tpu.vector_load %arg8[%parallel_loop3A_862, %parallel_loop3A_863, %parallel_loop3A_864] {strides = array<i32>} : memref<2x256x128xf32, #tpu.memory_space<vmem>>, vector<16xf32>,
        %parallel_loop3A_866 = arith.mulf %parallel_loop3A_851, %parallel_loop3A_865 : vector<16xf32>
        %parallel_loop3A_867 = arith.addf %parallel_loop3A_840, %parallel_loop3A_866 : vector<16xf32>
        %parallel_loop3A_868 = arith.constant 1 : i32
        %parallel_loop3A_869 = arith.index_cast %parallel_loop3A_868 : i32 to index
        %parallel_loop3A_870 = arith.index_cast %parallel_loop3A_853 : i32 to index
        %parallel_loop3A_871 = arith.constant 32 : index
        %parallel_loop3A_872 = tpu.vector_load %arg8[%parallel_loop3A_869, %parallel_loop3A_870, %parallel_loop3A_871] {strides = array<i32>} : memref<2x256x128xf32, #tpu.memory_space<vmem>>, vector<16xf32>,
        %parallel_loop3A_873 = arith.mulf %parallel_loop3A_851, %parallel_loop3A_872 : vector<16xf32>
        %parallel_loop3A_874 = arith.addf %parallel_loop3A_841, %parallel_loop3A_873 : vector<16xf32>
        %parallel_loop3A_875 = arith.constant 1 : i32
        %parallel_loop3A_876 = arith.index_cast %parallel_loop3A_875 : i32 to index
        %parallel_loop3A_877 = arith.index_cast %parallel_loop3A_853 : i32 to index
        %parallel_loop3A_878 = arith.constant 48 : index
        %parallel_loop3A_879 = tpu.vector_load %arg8[%parallel_loop3A_876, %parallel_loop3A_877, %parallel_loop3A_878] {strides = array<i32>} : memref<2x256x128xf32, #tpu.memory_space<vmem>>, vector<16xf32>,
        %parallel_loop3A_880 = arith.mulf %parallel_loop3A_851, %parallel_loop3A_879 : vector<16xf32>
        %parallel_loop3A_881 = arith.addf %parallel_loop3A_842, %parallel_loop3A_880 : vector<16xf32>
        %parallel_loop3A_882 = arith.constant 1 : i32
        %parallel_loop3A_883 = arith.index_cast %parallel_loop3A_882 : i32 to index
        %parallel_loop3A_884 = arith.index_cast %parallel_loop3A_853 : i32 to index
        %parallel_loop3A_885 = arith.constant 64 : index
        %parallel_loop3A_886 = tpu.vector_load %arg8[%parallel_loop3A_883, %parallel_loop3A_884, %parallel_loop3A_885] {strides = array<i32>} : memref<2x256x128xf32, #tpu.memory_space<vmem>>, vector<16xf32>,
        %parallel_loop3A_887 = arith.mulf %parallel_loop3A_851, %parallel_loop3A_886 : vector<16xf32>
        %parallel_loop3A_888 = arith.addf %parallel_loop3A_843, %parallel_loop3A_887 : vector<16xf32>
        %parallel_loop3A_889 = arith.constant 1 : i32
        %parallel_loop3A_890 = arith.index_cast %parallel_loop3A_889 : i32 to index
        %parallel_loop3A_891 = arith.index_cast %parallel_loop3A_853 : i32 to index
        %parallel_loop3A_892 = arith.constant 80 : index
        %parallel_loop3A_893 = tpu.vector_load %arg8[%parallel_loop3A_890, %parallel_loop3A_891, %parallel_loop3A_892] {strides = array<i32>} : memref<2x256x128xf32, #tpu.memory_space<vmem>>, vector<16xf32>,
        %parallel_loop3A_894 = arith.mulf %parallel_loop3A_851, %parallel_loop3A_893 : vector<16xf32>
        %parallel_loop3A_895 = arith.addf %parallel_loop3A_844, %parallel_loop3A_894 : vector<16xf32>
        %parallel_loop3A_896 = arith.constant 1 : i32
        %parallel_loop3A_897 = arith.index_cast %parallel_loop3A_896 : i32 to index
        %parallel_loop3A_898 = arith.index_cast %parallel_loop3A_853 : i32 to index
        %parallel_loop3A_899 = arith.constant 96 : index
        %parallel_loop3A_900 = tpu.vector_load %arg8[%parallel_loop3A_897, %parallel_loop3A_898, %parallel_loop3A_899] {strides = array<i32>} : memref<2x256x128xf32, #tpu.memory_space<vmem>>, vector<16xf32>,
        %parallel_loop3A_901 = arith.mulf %parallel_loop3A_851, %parallel_loop3A_900 : vector<16xf32>
        %parallel_loop3A_902 = arith.addf %parallel_loop3A_845, %parallel_loop3A_901 : vector<16xf32>
        %parallel_loop3A_903 = arith.constant 1 : i32
        %parallel_loop3A_904 = arith.index_cast %parallel_loop3A_903 : i32 to index
        %parallel_loop3A_905 = arith.index_cast %parallel_loop3A_853 : i32 to index
        %parallel_loop3A_906 = arith.constant 112 : index
        %parallel_loop3A_907 = tpu.vector_load %arg8[%parallel_loop3A_904, %parallel_loop3A_905, %parallel_loop3A_906] {strides = array<i32>} : memref<2x256x128xf32, #tpu.memory_space<vmem>>, vector<16xf32>,
        %parallel_loop3A_908 = arith.mulf %parallel_loop3A_851, %parallel_loop3A_907 : vector<16xf32>
        %parallel_loop3A_909 = arith.addf %parallel_loop3A_846, %parallel_loop3A_908 : vector<16xf32>
        scf.yield %parallel_loop3A_860, %parallel_loop3A_867, %parallel_loop3A_874, %parallel_loop3A_881, %parallel_loop3A_888, %parallel_loop3A_895, %parallel_loop3A_902, %parallel_loop3A_909 : vector<16xf32>, vector<16xf32>, vector<16xf32>, vector<16xf32>, vector<16xf32>, vector<16xf32>, vector<16xf32>, vector<16xf32>
      } {sc.loop_unroll_factor = 8 : i64, sc.parallel_access}
      %get3A_781 = arith.index_cast %while3A_750 : i32 to index
      %get3A_782 = arith.constant 0 : index
      %get3A_783 = tpu.vector_load %arg13[%get3A_781, %get3A_782] {strides = array<i32>} : memref<16x128xf32, #tpu.memory_space<vmem>>, vector<16xf32>,
      %add3A_784 = arith.addf %get3A_783, %parallel_loop3A_780#0 : vector<16xf32>
      %swap3A_785 = arith.index_cast %while3A_750 : i32 to index
      %swap3A_786 = arith.constant 0 : index
      %swap3A_787 = tpu.vector_load %arg13[%swap3A_785, %swap3A_786] {strides = array<i32>} : memref<16x128xf32, #tpu.memory_space<vmem>>, vector<16xf32>,
      tpu.vector_store %arg13[%swap3A_785, %swap3A_786], %add3A_784 {strides = array<i32>} : memref<16x128xf32, #tpu.memory_space<vmem>>, vector<16xf32>,
      %get3A_788 = arith.index_cast %while3A_750 : i32 to index
      %get3A_789 = arith.constant 16 : index
      %get3A_790 = tpu.vector_load %arg13[%get3A_788, %get3A_789] {strides = array<i32>} : memref<16x128xf32, #tpu.memory_space<vmem>>, vector<16xf32>,
      %add3A_791 = arith.addf %get3A_790, %parallel_loop3A_780#1 : vector<16xf32>
      %swap3A_792 = arith.index_cast %while3A_750 : i32 to index
      %swap3A_793 = arith.constant 16 : index
      %swap3A_794 = tpu.vector_load %arg13[%swap3A_792, %swap3A_793] {strides = array<i32>} : memref<16x128xf32, #tpu.memory_space<vmem>>, vector<16xf32>,
      tpu.vector_store %arg13[%swap3A_792, %swap3A_793], %add3A_791 {strides = array<i32>} : memref<16x128xf32, #tpu.memory_space<vmem>>, vector<16xf32>,
      %get3A_795 = arith.index_cast %while3A_750 : i32 to index
      %get3A_796 = arith.constant 32 : index
      %get3A_797 = tpu.vector_load %arg13[%get3A_795, %get3A_796] {strides = array<i32>} : memref<16x128xf32, #tpu.memory_space<vmem>>, vector<16xf32>,
      %add3A_798 = arith.addf %get3A_797, %parallel_loop3A_780#2 : vector<16xf32>
      %swap3A_799 = arith.index_cast %while3A_750 : i32 to index
      %swap3A_800 = arith.constant 32 : index
      %swap3A_801 = tpu.vector_load %arg13[%swap3A_799, %swap3A_800] {strides = array<i32>} : memref<16x128xf32, #tpu.memory_space<vmem>>, vector<16xf32>,
      tpu.vector_store %arg13[%swap3A_799, %swap3A_800], %add3A_798 {strides = array<i32>} : memref<16x128xf32, #tpu.memory_space<vmem>>, vector<16xf32>,
      %get3A_802 = arith.index_cast %while3A_750 : i32 to index
      %get3A_803 = arith.constant 48 : index
      %get3A_804 = tpu.vector_load %arg13[%get3A_802, %get3A_803] {strides = array<i32>} : memref<16x128xf32, #tpu.memory_space<vmem>>, vector<16xf32>,
      %add3A_805 = arith.addf %get3A_804, %parallel_loop3A_780#3 : vector<16xf32>
      %swap3A_806 = arith.index_cast %while3A_750 : i32 to index
      %swap3A_807 = arith.constant 48 : index
      %swap3A_808 = tpu.vector_load %arg13[%swap3A_806, %swap3A_807] {strides = array<i32>} : memref<16x128xf32, #tpu.memory_space<vmem>>, vector<16xf32>,
      tpu.vector_store %arg13[%swap3A_806, %swap3A_807], %add3A_805 {strides = array<i32>} : memref<16x128xf32, #tpu.memory_space<vmem>>, vector<16xf32>,
      %get3A_809 = arith.index_cast %while3A_750 : i32 to index
      %get3A_810 = arith.constant 64 : index
      %get3A_811 = tpu.vector_load %arg13[%get3A_809, %get3A_810] {strides = array<i32>} : memref<16x128xf32, #tpu.memory_space<vmem>>, vector<16xf32>,
      %add3A_812 = arith.addf %get3A_811, %parallel_loop3A_780#4 : vector<16xf32>
      %swap3A_813 = arith.index_cast %while3A_750 : i32 to index
      %swap3A_814 = arith.constant 64 : index
      %swap3A_815 = tpu.vector_load %arg13[%swap3A_813, %swap3A_814] {strides = array<i32>} : memref<16x128xf32, #tpu.memory_space<vmem>>, vector<16xf32>,
      tpu.vector_store %arg13[%swap3A_813, %swap3A_814], %add3A_812 {strides = array<i32>} : memref<16x128xf32, #tpu.memory_space<vmem>>, vector<16xf32>,
      %get3A_816 = arith.index_cast %while3A_750 : i32 to index
      %get3A_817 = arith.constant 80 : index
      %get3A_818 = tpu.vector_load %arg13[%get3A_816, %get3A_817] {strides = array<i32>} : memref<16x128xf32, #tpu.memory_space<vmem>>, vector<16xf32>,
      %add3A_819 = arith.addf %get3A_818, %parallel_loop3A_780#5 : vector<16xf32>
      %swap3A_820 = arith.index_cast %while3A_750 : i32 to index
      %swap3A_821 = arith.constant 80 : index
      %swap3A_822 = tpu.vector_load %arg13[%swap3A_820, %swap3A_821] {strides = array<i32>} : memref<16x128xf32, #tpu.memory_space<vmem>>, vector<16xf32>,
      tpu.vector_store %arg13[%swap3A_820, %swap3A_821], %add3A_819 {strides = array<i32>} : memref<16x128xf32, #tpu.memory_space<vmem>>, vector<16xf32>,
      %get3A_823 = arith.index_cast %while3A_750 : i32 to index
      %get3A_824 = arith.constant 96 : index
      %get3A_825 = tpu.vector_load %arg13[%get3A_823, %get3A_824] {strides = array<i32>} : memref<16x128xf32, #tpu.memory_space<vmem>>, vector<16xf32>,
      %add3A_826 = arith.addf %get3A_825, %parallel_loop3A_780#6 : vector<16xf32>
      %swap3A_827 = arith.index_cast %while3A_750 : i32 to index
      %swap3A_828 = arith.constant 96 : index
      %swap3A_829 = tpu.vector_load %arg13[%swap3A_827, %swap3A_828] {strides = array<i32>} : memref<16x128xf32, #tpu.memory_space<vmem>>, vector<16xf32>,
      tpu.vector_store %arg13[%swap3A_827, %swap3A_828], %add3A_826 {strides = array<i32>} : memref<16x128xf32, #tpu.memory_space<vmem>>, vector<16xf32>,
      %get3A_830 = arith.index_cast %while3A_750 : i32 to index
      %get3A_831 = arith.constant 112 : index
      %get3A_832 = tpu.vector_load %arg13[%get3A_830, %get3A_831] {strides = array<i32>} : memref<16x128xf32, #tpu.memory_space<vmem>>, vector<16xf32>,
      %add3A_833 = arith.addf %get3A_832, %parallel_loop3A_780#7 : vector<16xf32>
      %swap3A_834 = arith.index_cast %while3A_750 : i32 to index
      %swap3A_835 = arith.constant 112 : index
      %swap3A_836 = tpu.vector_load %arg13[%swap3A_834, %swap3A_835] {strides = array<i32>} : memref<16x128xf32, #tpu.memory_space<vmem>>, vector<16xf32>,
      tpu.vector_store %arg13[%swap3A_834, %swap3A_835], %add3A_833 {strides = array<i32>} : memref<16x128xf32, #tpu.memory_space<vmem>>, vector<16xf32>,
      %while3A_837 = arith.constant 0 : i32
      scf.yield %while3A_837 : i32
    }
    %while3A_653 = arith.constant 1 : i32
    %while3A_654 = scf.for %while3A_750 = %while3A_650 to %while3A_646 step %while3A_653 iter_args(%while3A_751 = %while3A_652) -> (i32)  : i32 {
      %eq3A_752 = vector.broadcast %while3A_750 : i32 to vector<16xi32>
      %eq3A_753 = arith.cmpi eq, %iota3A, %eq3A_752 : vector<16xi32>
      %jit3A_754 = arith.constant 0 : i32
      %broadcast_in_dim3A_755 = vector.broadcast %jit3A_754 : i32 to vector<16xi32>
      %select_n3A_756 = arith.select %eq3A_753, %sub3A, %broadcast_in_dim3A_755 : vector<16xi1>, vector<16xi32>
      %reduce_max3A_757 = arith.constant true
      %reduce_max3A_758 = vector.broadcast %reduce_max3A_757 : i1 to vector<16xi1>
      %reduce_max3A_759 = arith.constant -2147483648 : i32
      %reduce_max3A_760 = vector.broadcast %reduce_max3A_759 : i32 to vector<16xi32>
      %reduce_max3A_761 = arith.xori %select_n3A_756, %reduce_max3A_760 : vector<16xi32>
      %reduce_max3A_762 = tpu.scan <max>, %reduce_max3A_761 masked %reduce_max3A_758 : vector<16xi32>, vector<16xi1> -> vector<16xi32>
      %reduce_max3A_763 = arith.xori %reduce_max3A_762, %reduce_max3A_760 : vector<16xi32>
      %reduce_max3A_764 = vector.extract %reduce_max3A_763[15] : i32 from vector<16xi32>
      %max3A = arith.constant 256 : i32
      %max3A_765 = arith.maxsi %reduce_max3A_764, %max3A : i32
      %eq3A_766 = vector.broadcast %while3A_750 : i32 to vector<16xi32>
      %eq3A_767 = arith.cmpi eq, %iota3A, %eq3A_766 : vector<16xi32>
      %jit3A_768 = arith.constant 0 : i32
      %broadcast_in_dim3A_769 = vector.broadcast %jit3A_768 : i32 to vector<16xi32>
      %select_n3A_770 = arith.select %eq3A_767, %cumsum3A_53, %broadcast_in_dim3A_769 : vector<16xi1>, vector<16xi32>
      %reduce_max3A_771 = arith.constant true
      %reduce_max3A_772 = vector.broadcast %reduce_max3A_771 : i1 to vector<16xi1>
      %reduce_max3A_773 = arith.constant -2147483648 : i32
      %reduce_max3A_774 = vector.broadcast %reduce_max3A_773 : i32 to vector<16xi32>
      %reduce_max3A_775 = arith.xori %select_n3A_770, %reduce_max3A_774 : vector<16xi32>
      %reduce_max3A_776 = tpu.scan <max>, %reduce_max3A_775 masked %reduce_max3A_772 : vector<16xi32>, vector<16xi1> -> vector<16xi32>
      %reduce_max3A_777 = arith.xori %reduce_max3A_776, %reduce_max3A_774 : vector<16xi32>
      %reduce_max3A_778 = vector.extract %reduce_max3A_777[15] : i32 from vector<16xi32>
      %min3A = arith.constant 512 : i32
      %min3A_779 = arith.minsi %reduce_max3A_778, %min3A : i32
      %parallel_loop3A = arith.constant 1 : i32
      %parallel_loop3A_780:8 = scf.for %parallel_loop3A_838 = %max3A_765 to %min3A_779 step %parallel_loop3A iter_args(%parallel_loop3A_839 = %broadcast_in_dim3A_77, %parallel_loop3A_840 = %broadcast_in_dim3A_77, %parallel_loop3A_841 = %broadcast_in_dim3A_77, %parallel_loop3A_842 = %broadcast_in_dim3A_77, %parallel_loop3A_843 = %broadcast_in_dim3A_77, %parallel_loop3A_844 = %broadcast_in_dim3A_77, %parallel_loop3A_845 = %broadcast_in_dim3A_77, %parallel_loop3A_846 = %broadcast_in_dim3A_77) -> (vector<16xf32>, vector<16xf32>, vector<16xf32>, vector<16xf32>, vector<16xf32>, vector<16xf32>, vector<16xf32>, vector<16xf32>)  : i32 {
        %parallel_loop3A_847 = arith.constant 0 : i32
        %parallel_loop3A_848 = vector.broadcast %parallel_loop3A_847 : i32 to vector<16xi32>
        %parallel_loop3A_849 = vector.broadcast %parallel_loop3A_838 : i32 to vector<16xi32>
        %parallel_loop3A_850 = arith.addi %parallel_loop3A_848, %parallel_loop3A_849 : vector<16xi32>
        %parallel_loop3A_851 = tpu.vector_load_idx %arg9[%parallel_loop3A_850] : memref<1024xf32, #tpu.memory_space<vmem>>[vector<16xi32>], vector<16xf32>,
        %parallel_loop3A_852 = arith.constant 256 : i32
        %parallel_loop3A_853 = arith.subi %parallel_loop3A_838, %parallel_loop3A_852 : i32
        %parallel_loop3A_854 = arith.constant 1 : i32
        %parallel_loop3A_855 = arith.index_cast %parallel_loop3A_854 : i32 to index
        %parallel_loop3A_856 = arith.index_cast %parallel_loop3A_853 : i32 to index
        %parallel_loop3A_857 = arith.constant 0 : index
        %parallel_loop3A_858 = tpu.vector_load %arg8[%parallel_loop3A_855, %parallel_loop3A_856, %parallel_loop3A_857] {strides = array<i32>} : memref<2x256x128xf32, #tpu.memory_space<vmem>>, vector<16xf32>,
        %parallel_loop3A_859 = arith.mulf %parallel_loop3A_851, %parallel_loop3A_858 : vector<16xf32>
        %parallel_loop3A_860 = arith.addf %parallel_loop3A_839, %parallel_loop3A_859 : vector<16xf32>
        %parallel_loop3A_861 = arith.constant 1 : i32
        %parallel_loop3A_862 = arith.index_cast %parallel_loop3A_861 : i32 to index
        %parallel_loop3A_863 = arith.index_cast %parallel_loop3A_853 : i32 to index
        %parallel_loop3A_864 = arith.constant 16 : index
        %parallel_loop3A_865 = tpu.vector_load %arg8[%parallel_loop3A_862, %parallel_loop3A_863, %parallel_loop3A_864] {strides = array<i32>} : memref<2x256x128xf32, #tpu.memory_space<vmem>>, vector<16xf32>,
        %parallel_loop3A_866 = arith.mulf %parallel_loop3A_851, %parallel_loop3A_865 : vector<16xf32>
        %parallel_loop3A_867 = arith.addf %parallel_loop3A_840, %parallel_loop3A_866 : vector<16xf32>
        %parallel_loop3A_868 = arith.constant 1 : i32
        %parallel_loop3A_869 = arith.index_cast %parallel_loop3A_868 : i32 to index
        %parallel_loop3A_870 = arith.index_cast %parallel_loop3A_853 : i32 to index
        %parallel_loop3A_871 = arith.constant 32 : index
        %parallel_loop3A_872 = tpu.vector_load %arg8[%parallel_loop3A_869, %parallel_loop3A_870, %parallel_loop3A_871] {strides = array<i32>} : memref<2x256x128xf32, #tpu.memory_space<vmem>>, vector<16xf32>,
        %parallel_loop3A_873 = arith.mulf %parallel_loop3A_851, %parallel_loop3A_872 : vector<16xf32>
        %parallel_loop3A_874 = arith.addf %parallel_loop3A_841, %parallel_loop3A_873 : vector<16xf32>
        %parallel_loop3A_875 = arith.constant 1 : i32
        %parallel_loop3A_876 = arith.index_cast %parallel_loop3A_875 : i32 to index
        %parallel_loop3A_877 = arith.index_cast %parallel_loop3A_853 : i32 to index
        %parallel_loop3A_878 = arith.constant 48 : index
        %parallel_loop3A_879 = tpu.vector_load %arg8[%parallel_loop3A_876, %parallel_loop3A_877, %parallel_loop3A_878] {strides = array<i32>} : memref<2x256x128xf32, #tpu.memory_space<vmem>>, vector<16xf32>,
        %parallel_loop3A_880 = arith.mulf %parallel_loop3A_851, %parallel_loop3A_879 : vector<16xf32>
        %parallel_loop3A_881 = arith.addf %parallel_loop3A_842, %parallel_loop3A_880 : vector<16xf32>
        %parallel_loop3A_882 = arith.constant 1 : i32
        %parallel_loop3A_883 = arith.index_cast %parallel_loop3A_882 : i32 to index
        %parallel_loop3A_884 = arith.index_cast %parallel_loop3A_853 : i32 to index
        %parallel_loop3A_885 = arith.constant 64 : index
        %parallel_loop3A_886 = tpu.vector_load %arg8[%parallel_loop3A_883, %parallel_loop3A_884, %parallel_loop3A_885] {strides = array<i32>} : memref<2x256x128xf32, #tpu.memory_space<vmem>>, vector<16xf32>,
        %parallel_loop3A_887 = arith.mulf %parallel_loop3A_851, %parallel_loop3A_886 : vector<16xf32>
        %parallel_loop3A_888 = arith.addf %parallel_loop3A_843, %parallel_loop3A_887 : vector<16xf32>
        %parallel_loop3A_889 = arith.constant 1 : i32
        %parallel_loop3A_890 = arith.index_cast %parallel_loop3A_889 : i32 to index
        %parallel_loop3A_891 = arith.index_cast %parallel_loop3A_853 : i32 to index
        %parallel_loop3A_892 = arith.constant 80 : index
        %parallel_loop3A_893 = tpu.vector_load %arg8[%parallel_loop3A_890, %parallel_loop3A_891, %parallel_loop3A_892] {strides = array<i32>} : memref<2x256x128xf32, #tpu.memory_space<vmem>>, vector<16xf32>,
        %parallel_loop3A_894 = arith.mulf %parallel_loop3A_851, %parallel_loop3A_893 : vector<16xf32>
        %parallel_loop3A_895 = arith.addf %parallel_loop3A_844, %parallel_loop3A_894 : vector<16xf32>
        %parallel_loop3A_896 = arith.constant 1 : i32
        %parallel_loop3A_897 = arith.index_cast %parallel_loop3A_896 : i32 to index
        %parallel_loop3A_898 = arith.index_cast %parallel_loop3A_853 : i32 to index
        %parallel_loop3A_899 = arith.constant 96 : index
        %parallel_loop3A_900 = tpu.vector_load %arg8[%parallel_loop3A_897, %parallel_loop3A_898, %parallel_loop3A_899] {strides = array<i32>} : memref<2x256x128xf32, #tpu.memory_space<vmem>>, vector<16xf32>,
        %parallel_loop3A_901 = arith.mulf %parallel_loop3A_851, %parallel_loop3A_900 : vector<16xf32>
        %parallel_loop3A_902 = arith.addf %parallel_loop3A_845, %parallel_loop3A_901 : vector<16xf32>
        %parallel_loop3A_903 = arith.constant 1 : i32
        %parallel_loop3A_904 = arith.index_cast %parallel_loop3A_903 : i32 to index
        %parallel_loop3A_905 = arith.index_cast %parallel_loop3A_853 : i32 to index
        %parallel_loop3A_906 = arith.constant 112 : index
        %parallel_loop3A_907 = tpu.vector_load %arg8[%parallel_loop3A_904, %parallel_loop3A_905, %parallel_loop3A_906] {strides = array<i32>} : memref<2x256x128xf32, #tpu.memory_space<vmem>>, vector<16xf32>,
        %parallel_loop3A_908 = arith.mulf %parallel_loop3A_851, %parallel_loop3A_907 : vector<16xf32>
        %parallel_loop3A_909 = arith.addf %parallel_loop3A_846, %parallel_loop3A_908 : vector<16xf32>
        scf.yield %parallel_loop3A_860, %parallel_loop3A_867, %parallel_loop3A_874, %parallel_loop3A_881, %parallel_loop3A_888, %parallel_loop3A_895, %parallel_loop3A_902, %parallel_loop3A_909 : vector<16xf32>, vector<16xf32>, vector<16xf32>, vector<16xf32>, vector<16xf32>, vector<16xf32>, vector<16xf32>, vector<16xf32>
      } {sc.loop_unroll_factor = 8 : i64, sc.parallel_access}
      %get3A_781 = arith.index_cast %while3A_750 : i32 to index
      %get3A_782 = arith.constant 0 : index
      %get3A_783 = tpu.vector_load %arg13[%get3A_781, %get3A_782] {strides = array<i32>} : memref<16x128xf32, #tpu.memory_space<vmem>>, vector<16xf32>,
      %add3A_784 = arith.addf %get3A_783, %parallel_loop3A_780#0 : vector<16xf32>
      %swap3A_785 = arith.index_cast %while3A_750 : i32 to index
      %swap3A_786 = arith.constant 0 : index
      %swap3A_787 = tpu.vector_load %arg13[%swap3A_785, %swap3A_786] {strides = array<i32>} : memref<16x128xf32, #tpu.memory_space<vmem>>, vector<16xf32>,
      tpu.vector_store %arg13[%swap3A_785, %swap3A_786], %add3A_784 {strides = array<i32>} : memref<16x128xf32, #tpu.memory_space<vmem>>, vector<16xf32>,
      %get3A_788 = arith.index_cast %while3A_750 : i32 to index
      %get3A_789 = arith.constant 16 : index
      %get3A_790 = tpu.vector_load %arg13[%get3A_788, %get3A_789] {strides = array<i32>} : memref<16x128xf32, #tpu.memory_space<vmem>>, vector<16xf32>,
      %add3A_791 = arith.addf %get3A_790, %parallel_loop3A_780#1 : vector<16xf32>
      %swap3A_792 = arith.index_cast %while3A_750 : i32 to index
      %swap3A_793 = arith.constant 16 : index
      %swap3A_794 = tpu.vector_load %arg13[%swap3A_792, %swap3A_793] {strides = array<i32>} : memref<16x128xf32, #tpu.memory_space<vmem>>, vector<16xf32>,
      tpu.vector_store %arg13[%swap3A_792, %swap3A_793], %add3A_791 {strides = array<i32>} : memref<16x128xf32, #tpu.memory_space<vmem>>, vector<16xf32>,
      %get3A_795 = arith.index_cast %while3A_750 : i32 to index
      %get3A_796 = arith.constant 32 : index
      %get3A_797 = tpu.vector_load %arg13[%get3A_795, %get3A_796] {strides = array<i32>} : memref<16x128xf32, #tpu.memory_space<vmem>>, vector<16xf32>,
      %add3A_798 = arith.addf %get3A_797, %parallel_loop3A_780#2 : vector<16xf32>
      %swap3A_799 = arith.index_cast %while3A_750 : i32 to index
      %swap3A_800 = arith.constant 32 : index
      %swap3A_801 = tpu.vector_load %arg13[%swap3A_799, %swap3A_800] {strides = array<i32>} : memref<16x128xf32, #tpu.memory_space<vmem>>, vector<16xf32>,
      tpu.vector_store %arg13[%swap3A_799, %swap3A_800], %add3A_798 {strides = array<i32>} : memref<16x128xf32, #tpu.memory_space<vmem>>, vector<16xf32>,
      %get3A_802 = arith.index_cast %while3A_750 : i32 to index
      %get3A_803 = arith.constant 48 : index
      %get3A_804 = tpu.vector_load %arg13[%get3A_802, %get3A_803] {strides = array<i32>} : memref<16x128xf32, #tpu.memory_space<vmem>>, vector<16xf32>,
      %add3A_805 = arith.addf %get3A_804, %parallel_loop3A_780#3 : vector<16xf32>
      %swap3A_806 = arith.index_cast %while3A_750 : i32 to index
      %swap3A_807 = arith.constant 48 : index
      %swap3A_808 = tpu.vector_load %arg13[%swap3A_806, %swap3A_807] {strides = array<i32>} : memref<16x128xf32, #tpu.memory_space<vmem>>, vector<16xf32>,
      tpu.vector_store %arg13[%swap3A_806, %swap3A_807], %add3A_805 {strides = array<i32>} : memref<16x128xf32, #tpu.memory_space<vmem>>, vector<16xf32>,
      %get3A_809 = arith.index_cast %while3A_750 : i32 to index
      %get3A_810 = arith.constant 64 : index
      %get3A_811 = tpu.vector_load %arg13[%get3A_809, %get3A_810] {strides = array<i32>} : memref<16x128xf32, #tpu.memory_space<vmem>>, vector<16xf32>,
      %add3A_812 = arith.addf %get3A_811, %parallel_loop3A_780#4 : vector<16xf32>
      %swap3A_813 = arith.index_cast %while3A_750 : i32 to index
      %swap3A_814 = arith.constant 64 : index
      %swap3A_815 = tpu.vector_load %arg13[%swap3A_813, %swap3A_814] {strides = array<i32>} : memref<16x128xf32, #tpu.memory_space<vmem>>, vector<16xf32>,
      tpu.vector_store %arg13[%swap3A_813, %swap3A_814], %add3A_812 {strides = array<i32>} : memref<16x128xf32, #tpu.memory_space<vmem>>, vector<16xf32>,
      %get3A_816 = arith.index_cast %while3A_750 : i32 to index
      %get3A_817 = arith.constant 80 : index
      %get3A_818 = tpu.vector_load %arg13[%get3A_816, %get3A_817] {strides = array<i32>} : memref<16x128xf32, #tpu.memory_space<vmem>>, vector<16xf32>,
      %add3A_819 = arith.addf %get3A_818, %parallel_loop3A_780#5 : vector<16xf32>
      %swap3A_820 = arith.index_cast %while3A_750 : i32 to index
      %swap3A_821 = arith.constant 80 : index
      %swap3A_822 = tpu.vector_load %arg13[%swap3A_820, %swap3A_821] {strides = array<i32>} : memref<16x128xf32, #tpu.memory_space<vmem>>, vector<16xf32>,
      tpu.vector_store %arg13[%swap3A_820, %swap3A_821], %add3A_819 {strides = array<i32>} : memref<16x128xf32, #tpu.memory_space<vmem>>, vector<16xf32>,
      %get3A_823 = arith.index_cast %while3A_750 : i32 to index
      %get3A_824 = arith.constant 96 : index
      %get3A_825 = tpu.vector_load %arg13[%get3A_823, %get3A_824] {strides = array<i32>} : memref<16x128xf32, #tpu.memory_space<vmem>>, vector<16xf32>,
      %add3A_826 = arith.addf %get3A_825, %parallel_loop3A_780#6 : vector<16xf32>
      %swap3A_827 = arith.index_cast %while3A_750 : i32 to index
      %swap3A_828 = arith.constant 96 : index
      %swap3A_829 = tpu.vector_load %arg13[%swap3A_827, %swap3A_828] {strides = array<i32>} : memref<16x128xf32, #tpu.memory_space<vmem>>, vector<16xf32>,
      tpu.vector_store %arg13[%swap3A_827, %swap3A_828], %add3A_826 {strides = array<i32>} : memref<16x128xf32, #tpu.memory_space<vmem>>, vector<16xf32>,
      %get3A_830 = arith.index_cast %while3A_750 : i32 to index
      %get3A_831 = arith.constant 112 : index
      %get3A_832 = tpu.vector_load %arg13[%get3A_830, %get3A_831] {strides = array<i32>} : memref<16x128xf32, #tpu.memory_space<vmem>>, vector<16xf32>,
      %add3A_833 = arith.addf %get3A_832, %parallel_loop3A_780#7 : vector<16xf32>
      %swap3A_834 = arith.index_cast %while3A_750 : i32 to index
      %swap3A_835 = arith.constant 112 : index
      %swap3A_836 = tpu.vector_load %arg13[%swap3A_834, %swap3A_835] {strides = array<i32>} : memref<16x128xf32, #tpu.memory_space<vmem>>, vector<16xf32>,
      tpu.vector_store %arg13[%swap3A_834, %swap3A_835], %add3A_833 {strides = array<i32>} : memref<16x128xf32, #tpu.memory_space<vmem>>, vector<16xf32>,
      %while3A_837 = arith.constant 0 : i32
      scf.yield %while3A_837 : i32
    }
    %add3A_655 = arith.constant 768 : i32
    %add3A_656 = arith.addi %mul3A_2, %add3A_655 : i32
    %dma_start3A_657 = arith.constant 1 : i32
    %dma_start3A_658 = arith.constant 0 : i32
    %dma_start3A_659 = arith.constant 0 : i32
    %dma_start3A_660 = tpu.memref_slice %arg8[%dma_start3A_657, %dma_start3A_658, %dma_start3A_659] : memref<2x256x128xf32, #tpu.memory_space<vmem>> -> memref<1x256x128xf32, #tpu.memory_space<vmem>>
    %dma_start3A_661 = tpu.memref_squeeze %dma_start3A_660 : memref<1x256x128xf32, #tpu.memory_space<vmem>> -> memref<256x128xf32, #tpu.memory_space<vmem>>
    %dma_start3A_662 = arith.constant 0 : i32
    %dma_start3A_663 = tpu.memref_slice %arg2[%add3A_656, %dma_start3A_662] : memref<32768x128xf32, #tpu.memory_space<hbm>> -> memref<256x128xf32, #tpu.memory_space<hbm>>
    %dma_start3A_664 = arith.constant 0 : i32
    %dma_start3A_665 = arith.constant 0 : i32
    %dma_start3A_666 = tpu.memref_slice %arg8[%dma_start3A_657, %dma_start3A_664, %dma_start3A_665] : memref<2x256x128xf32, #tpu.memory_space<vmem>> -> memref<1x256x128xf32, #tpu.memory_space<vmem>>
    %dma_start3A_667 = tpu.memref_squeeze %dma_start3A_666 : memref<1x256x128xf32, #tpu.memory_space<vmem>> -> memref<256x128xf32, #tpu.memory_space<vmem>>
    %dma_start3A_668 = arith.constant 0 : i32
    %dma_start3A_669 = tpu.memref_slice %arg2[%add3A_656, %dma_start3A_668] : memref<32768x128xf32, #tpu.memory_space<hbm>> -> memref<256x128xf32, #tpu.memory_space<hbm>>
    tpu.enqueue_dma source(%dma_start3A_669 : memref<256x128xf32, #tpu.memory_space<hbm>>) target(%dma_start3A_667 : memref<256x128xf32, #tpu.memory_space<vmem>>) target_semaphore(%arg17 : memref<!tpu.dma_semaphore, #tpu.memory_space<semaphore_mem>>)
    %dma_wait3A_670 = arith.constant 0 : i32
    %dma_wait3A_671 = arith.constant 0 : i32
    %dma_wait3A_672 = arith.constant 0 : i32
    %dma_wait3A_673 = tpu.memref_slice %arg8[%dma_wait3A_670, %dma_wait3A_671, %dma_wait3A_672] : memref<2x256x128xf32, #tpu.memory_space<vmem>> -> memref<1x256x128xf32, #tpu.memory_space<vmem>>
    %dma_wait3A_674 = tpu.memref_squeeze %dma_wait3A_673 : memref<1x256x128xf32, #tpu.memory_space<vmem>> -> memref<256x128xf32, #tpu.memory_space<vmem>>
    %dma_wait3A_675 = arith.constant 0 : i32
    %dma_wait3A_676 = tpu.memref_slice %arg2[%add3A_615, %dma_wait3A_675] : memref<32768x128xf32, #tpu.memory_space<hbm>> -> memref<256x128xf32, #tpu.memory_space<hbm>>
    %dma_wait3A_677 = arith.constant 0 : i32
    %dma_wait3A_678 = arith.constant 0 : i32
    %dma_wait3A_679 = tpu.memref_slice %arg8[%dma_wait3A_670, %dma_wait3A_677, %dma_wait3A_678] : memref<2x256x128xf32, #tpu.memory_space<vmem>> -> memref<1x256x128xf32, #tpu.memory_space<vmem>>
    %dma_wait3A_680 = tpu.memref_squeeze %dma_wait3A_679 : memref<1x256x128xf32, #tpu.memory_space<vmem>> -> memref<256x128xf32, #tpu.memory_space<vmem>>
    %dma_wait3A_681 = arith.constant 0 : i32
    %dma_wait3A_682 = tpu.memref_slice %arg2[%add3A_615, %dma_wait3A_681] : memref<32768x128xf32, #tpu.memory_space<hbm>> -> memref<256x128xf32, #tpu.memory_space<hbm>>
    tpu.wait_dma2 semaphore(%arg16 : memref<!tpu.dma_semaphore, #tpu.memory_space<semaphore_mem>>) src(%dma_wait3A_682 : memref<256x128xf32, #tpu.memory_space<hbm>>) dst(%dma_wait3A_680 : memref<256x128xf32, #tpu.memory_space<vmem>>)
    %add3A_683 = arith.constant 1 : i32
    %add3A_684 = arith.addi %reduce_max3A_75, %add3A_683 : i32
    %while3A_685 = arith.constant 0 : i32
    %while3A_686 = arith.subi %add3A_684, %reduce_min3A_62 : i32
    %while3A_687 = arith.addi %reduce_min3A_62, %while3A_686 : i32
    %while3A_688 = arith.constant 1 : i32
    %while3A_689 = arith.divsi %while3A_686, %while3A_688 : i32
    %while3A_690 = arith.muli %while3A_689, %while3A_688 : i32
    %while3A_691 = arith.addi %reduce_min3A_62, %while3A_690 : i32
    %while3A_692 = arith.constant 1 : i32
    %while3A_693 = scf.for %while3A_750 = %reduce_min3A_62 to %while3A_691 step %while3A_692 iter_args(%while3A_751 = %while3A_685) -> (i32)  : i32 {
      %eq3A_752 = vector.broadcast %while3A_750 : i32 to vector<16xi32>
      %eq3A_753 = arith.cmpi eq, %iota3A, %eq3A_752 : vector<16xi32>
      %jit3A_754 = arith.constant 0 : i32
      %broadcast_in_dim3A_755 = vector.broadcast %jit3A_754 : i32 to vector<16xi32>
      %select_n3A_756 = arith.select %eq3A_753, %sub3A, %broadcast_in_dim3A_755 : vector<16xi1>, vector<16xi32>
      %reduce_max3A_757 = arith.constant true
      %reduce_max3A_758 = vector.broadcast %reduce_max3A_757 : i1 to vector<16xi1>
      %reduce_max3A_759 = arith.constant -2147483648 : i32
      %reduce_max3A_760 = vector.broadcast %reduce_max3A_759 : i32 to vector<16xi32>
      %reduce_max3A_761 = arith.xori %select_n3A_756, %reduce_max3A_760 : vector<16xi32>
      %reduce_max3A_762 = tpu.scan <max>, %reduce_max3A_761 masked %reduce_max3A_758 : vector<16xi32>, vector<16xi1> -> vector<16xi32>
      %reduce_max3A_763 = arith.xori %reduce_max3A_762, %reduce_max3A_760 : vector<16xi32>
      %reduce_max3A_764 = vector.extract %reduce_max3A_763[15] : i32 from vector<16xi32>
      %max3A = arith.constant 512 : i32
      %max3A_765 = arith.maxsi %reduce_max3A_764, %max3A : i32
      %eq3A_766 = vector.broadcast %while3A_750 : i32 to vector<16xi32>
      %eq3A_767 = arith.cmpi eq, %iota3A, %eq3A_766 : vector<16xi32>
      %jit3A_768 = arith.constant 0 : i32
      %broadcast_in_dim3A_769 = vector.broadcast %jit3A_768 : i32 to vector<16xi32>
      %select_n3A_770 = arith.select %eq3A_767, %cumsum3A_53, %broadcast_in_dim3A_769 : vector<16xi1>, vector<16xi32>
      %reduce_max3A_771 = arith.constant true
      %reduce_max3A_772 = vector.broadcast %reduce_max3A_771 : i1 to vector<16xi1>
      %reduce_max3A_773 = arith.constant -2147483648 : i32
      %reduce_max3A_774 = vector.broadcast %reduce_max3A_773 : i32 to vector<16xi32>
      %reduce_max3A_775 = arith.xori %select_n3A_770, %reduce_max3A_774 : vector<16xi32>
      %reduce_max3A_776 = tpu.scan <max>, %reduce_max3A_775 masked %reduce_max3A_772 : vector<16xi32>, vector<16xi1> -> vector<16xi32>
      %reduce_max3A_777 = arith.xori %reduce_max3A_776, %reduce_max3A_774 : vector<16xi32>
      %reduce_max3A_778 = vector.extract %reduce_max3A_777[15] : i32 from vector<16xi32>
      %min3A = arith.constant 768 : i32
      %min3A_779 = arith.minsi %reduce_max3A_778, %min3A : i32
      %parallel_loop3A = arith.constant 1 : i32
      %parallel_loop3A_780:8 = scf.for %parallel_loop3A_838 = %max3A_765 to %min3A_779 step %parallel_loop3A iter_args(%parallel_loop3A_839 = %broadcast_in_dim3A_77, %parallel_loop3A_840 = %broadcast_in_dim3A_77, %parallel_loop3A_841 = %broadcast_in_dim3A_77, %parallel_loop3A_842 = %broadcast_in_dim3A_77, %parallel_loop3A_843 = %broadcast_in_dim3A_77, %parallel_loop3A_844 = %broadcast_in_dim3A_77, %parallel_loop3A_845 = %broadcast_in_dim3A_77, %parallel_loop3A_846 = %broadcast_in_dim3A_77) -> (vector<16xf32>, vector<16xf32>, vector<16xf32>, vector<16xf32>, vector<16xf32>, vector<16xf32>, vector<16xf32>, vector<16xf32>)  : i32 {
        %parallel_loop3A_847 = arith.constant 0 : i32
        %parallel_loop3A_848 = vector.broadcast %parallel_loop3A_847 : i32 to vector<16xi32>
        %parallel_loop3A_849 = vector.broadcast %parallel_loop3A_838 : i32 to vector<16xi32>
        %parallel_loop3A_850 = arith.addi %parallel_loop3A_848, %parallel_loop3A_849 : vector<16xi32>
        %parallel_loop3A_851 = tpu.vector_load_idx %arg9[%parallel_loop3A_850] : memref<1024xf32, #tpu.memory_space<vmem>>[vector<16xi32>], vector<16xf32>,
        %parallel_loop3A_852 = arith.constant 512 : i32
        %parallel_loop3A_853 = arith.subi %parallel_loop3A_838, %parallel_loop3A_852 : i32
        %parallel_loop3A_854 = arith.constant 0 : i32
        %parallel_loop3A_855 = arith.index_cast %parallel_loop3A_854 : i32 to index
        %parallel_loop3A_856 = arith.index_cast %parallel_loop3A_853 : i32 to index
        %parallel_loop3A_857 = arith.constant 0 : index
        %parallel_loop3A_858 = tpu.vector_load %arg8[%parallel_loop3A_855, %parallel_loop3A_856, %parallel_loop3A_857] {strides = array<i32>} : memref<2x256x128xf32, #tpu.memory_space<vmem>>, vector<16xf32>,
        %parallel_loop3A_859 = arith.mulf %parallel_loop3A_851, %parallel_loop3A_858 : vector<16xf32>
        %parallel_loop3A_860 = arith.addf %parallel_loop3A_839, %parallel_loop3A_859 : vector<16xf32>
        %parallel_loop3A_861 = arith.constant 0 : i32
        %parallel_loop3A_862 = arith.index_cast %parallel_loop3A_861 : i32 to index
        %parallel_loop3A_863 = arith.index_cast %parallel_loop3A_853 : i32 to index
        %parallel_loop3A_864 = arith.constant 16 : index
        %parallel_loop3A_865 = tpu.vector_load %arg8[%parallel_loop3A_862, %parallel_loop3A_863, %parallel_loop3A_864] {strides = array<i32>} : memref<2x256x128xf32, #tpu.memory_space<vmem>>, vector<16xf32>,
        %parallel_loop3A_866 = arith.mulf %parallel_loop3A_851, %parallel_loop3A_865 : vector<16xf32>
        %parallel_loop3A_867 = arith.addf %parallel_loop3A_840, %parallel_loop3A_866 : vector<16xf32>
        %parallel_loop3A_868 = arith.constant 0 : i32
        %parallel_loop3A_869 = arith.index_cast %parallel_loop3A_868 : i32 to index
        %parallel_loop3A_870 = arith.index_cast %parallel_loop3A_853 : i32 to index
        %parallel_loop3A_871 = arith.constant 32 : index
        %parallel_loop3A_872 = tpu.vector_load %arg8[%parallel_loop3A_869, %parallel_loop3A_870, %parallel_loop3A_871] {strides = array<i32>} : memref<2x256x128xf32, #tpu.memory_space<vmem>>, vector<16xf32>,
        %parallel_loop3A_873 = arith.mulf %parallel_loop3A_851, %parallel_loop3A_872 : vector<16xf32>
        %parallel_loop3A_874 = arith.addf %parallel_loop3A_841, %parallel_loop3A_873 : vector<16xf32>
        %parallel_loop3A_875 = arith.constant 0 : i32
        %parallel_loop3A_876 = arith.index_cast %parallel_loop3A_875 : i32 to index
        %parallel_loop3A_877 = arith.index_cast %parallel_loop3A_853 : i32 to index
        %parallel_loop3A_878 = arith.constant 48 : index
        %parallel_loop3A_879 = tpu.vector_load %arg8[%parallel_loop3A_876, %parallel_loop3A_877, %parallel_loop3A_878] {strides = array<i32>} : memref<2x256x128xf32, #tpu.memory_space<vmem>>, vector<16xf32>,
        %parallel_loop3A_880 = arith.mulf %parallel_loop3A_851, %parallel_loop3A_879 : vector<16xf32>
        %parallel_loop3A_881 = arith.addf %parallel_loop3A_842, %parallel_loop3A_880 : vector<16xf32>
        %parallel_loop3A_882 = arith.constant 0 : i32
        %parallel_loop3A_883 = arith.index_cast %parallel_loop3A_882 : i32 to index
        %parallel_loop3A_884 = arith.index_cast %parallel_loop3A_853 : i32 to index
        %parallel_loop3A_885 = arith.constant 64 : index
        %parallel_loop3A_886 = tpu.vector_load %arg8[%parallel_loop3A_883, %parallel_loop3A_884, %parallel_loop3A_885] {strides = array<i32>} : memref<2x256x128xf32, #tpu.memory_space<vmem>>, vector<16xf32>,
        %parallel_loop3A_887 = arith.mulf %parallel_loop3A_851, %parallel_loop3A_886 : vector<16xf32>
        %parallel_loop3A_888 = arith.addf %parallel_loop3A_843, %parallel_loop3A_887 : vector<16xf32>
        %parallel_loop3A_889 = arith.constant 0 : i32
        %parallel_loop3A_890 = arith.index_cast %parallel_loop3A_889 : i32 to index
        %parallel_loop3A_891 = arith.index_cast %parallel_loop3A_853 : i32 to index
        %parallel_loop3A_892 = arith.constant 80 : index
        %parallel_loop3A_893 = tpu.vector_load %arg8[%parallel_loop3A_890, %parallel_loop3A_891, %parallel_loop3A_892] {strides = array<i32>} : memref<2x256x128xf32, #tpu.memory_space<vmem>>, vector<16xf32>,
        %parallel_loop3A_894 = arith.mulf %parallel_loop3A_851, %parallel_loop3A_893 : vector<16xf32>
        %parallel_loop3A_895 = arith.addf %parallel_loop3A_844, %parallel_loop3A_894 : vector<16xf32>
        %parallel_loop3A_896 = arith.constant 0 : i32
        %parallel_loop3A_897 = arith.index_cast %parallel_loop3A_896 : i32 to index
        %parallel_loop3A_898 = arith.index_cast %parallel_loop3A_853 : i32 to index
        %parallel_loop3A_899 = arith.constant 96 : index
        %parallel_loop3A_900 = tpu.vector_load %arg8[%parallel_loop3A_897, %parallel_loop3A_898, %parallel_loop3A_899] {strides = array<i32>} : memref<2x256x128xf32, #tpu.memory_space<vmem>>, vector<16xf32>,
        %parallel_loop3A_901 = arith.mulf %parallel_loop3A_851, %parallel_loop3A_900 : vector<16xf32>
        %parallel_loop3A_902 = arith.addf %parallel_loop3A_845, %parallel_loop3A_901 : vector<16xf32>
        %parallel_loop3A_903 = arith.constant 0 : i32
        %parallel_loop3A_904 = arith.index_cast %parallel_loop3A_903 : i32 to index
        %parallel_loop3A_905 = arith.index_cast %parallel_loop3A_853 : i32 to index
        %parallel_loop3A_906 = arith.constant 112 : index
        %parallel_loop3A_907 = tpu.vector_load %arg8[%parallel_loop3A_904, %parallel_loop3A_905, %parallel_loop3A_906] {strides = array<i32>} : memref<2x256x128xf32, #tpu.memory_space<vmem>>, vector<16xf32>,
        %parallel_loop3A_908 = arith.mulf %parallel_loop3A_851, %parallel_loop3A_907 : vector<16xf32>
        %parallel_loop3A_909 = arith.addf %parallel_loop3A_846, %parallel_loop3A_908 : vector<16xf32>
        scf.yield %parallel_loop3A_860, %parallel_loop3A_867, %parallel_loop3A_874, %parallel_loop3A_881, %parallel_loop3A_888, %parallel_loop3A_895, %parallel_loop3A_902, %parallel_loop3A_909 : vector<16xf32>, vector<16xf32>, vector<16xf32>, vector<16xf32>, vector<16xf32>, vector<16xf32>, vector<16xf32>, vector<16xf32>
      } {sc.loop_unroll_factor = 8 : i64, sc.parallel_access}
      %get3A_781 = arith.index_cast %while3A_750 : i32 to index
      %get3A_782 = arith.constant 0 : index
      %get3A_783 = tpu.vector_load %arg13[%get3A_781, %get3A_782] {strides = array<i32>} : memref<16x128xf32, #tpu.memory_space<vmem>>, vector<16xf32>,
      %add3A_784 = arith.addf %get3A_783, %parallel_loop3A_780#0 : vector<16xf32>
      %swap3A_785 = arith.index_cast %while3A_750 : i32 to index
      %swap3A_786 = arith.constant 0 : index
      %swap3A_787 = tpu.vector_load %arg13[%swap3A_785, %swap3A_786] {strides = array<i32>} : memref<16x128xf32, #tpu.memory_space<vmem>>, vector<16xf32>,
      tpu.vector_store %arg13[%swap3A_785, %swap3A_786], %add3A_784 {strides = array<i32>} : memref<16x128xf32, #tpu.memory_space<vmem>>, vector<16xf32>,
      %get3A_788 = arith.index_cast %while3A_750 : i32 to index
      %get3A_789 = arith.constant 16 : index
      %get3A_790 = tpu.vector_load %arg13[%get3A_788, %get3A_789] {strides = array<i32>} : memref<16x128xf32, #tpu.memory_space<vmem>>, vector<16xf32>,
      %add3A_791 = arith.addf %get3A_790, %parallel_loop3A_780#1 : vector<16xf32>
      %swap3A_792 = arith.index_cast %while3A_750 : i32 to index
      %swap3A_793 = arith.constant 16 : index
      %swap3A_794 = tpu.vector_load %arg13[%swap3A_792, %swap3A_793] {strides = array<i32>} : memref<16x128xf32, #tpu.memory_space<vmem>>, vector<16xf32>,
      tpu.vector_store %arg13[%swap3A_792, %swap3A_793], %add3A_791 {strides = array<i32>} : memref<16x128xf32, #tpu.memory_space<vmem>>, vector<16xf32>,
      %get3A_795 = arith.index_cast %while3A_750 : i32 to index
      %get3A_796 = arith.constant 32 : index
      %get3A_797 = tpu.vector_load %arg13[%get3A_795, %get3A_796] {strides = array<i32>} : memref<16x128xf32, #tpu.memory_space<vmem>>, vector<16xf32>,
      %add3A_798 = arith.addf %get3A_797, %parallel_loop3A_780#2 : vector<16xf32>
      %swap3A_799 = arith.index_cast %while3A_750 : i32 to index
      %swap3A_800 = arith.constant 32 : index
      %swap3A_801 = tpu.vector_load %arg13[%swap3A_799, %swap3A_800] {strides = array<i32>} : memref<16x128xf32, #tpu.memory_space<vmem>>, vector<16xf32>,
      tpu.vector_store %arg13[%swap3A_799, %swap3A_800], %add3A_798 {strides = array<i32>} : memref<16x128xf32, #tpu.memory_space<vmem>>, vector<16xf32>,
      %get3A_802 = arith.index_cast %while3A_750 : i32 to index
      %get3A_803 = arith.constant 48 : index
      %get3A_804 = tpu.vector_load %arg13[%get3A_802, %get3A_803] {strides = array<i32>} : memref<16x128xf32, #tpu.memory_space<vmem>>, vector<16xf32>,
      %add3A_805 = arith.addf %get3A_804, %parallel_loop3A_780#3 : vector<16xf32>
      %swap3A_806 = arith.index_cast %while3A_750 : i32 to index
      %swap3A_807 = arith.constant 48 : index
      %swap3A_808 = tpu.vector_load %arg13[%swap3A_806, %swap3A_807] {strides = array<i32>} : memref<16x128xf32, #tpu.memory_space<vmem>>, vector<16xf32>,
      tpu.vector_store %arg13[%swap3A_806, %swap3A_807], %add3A_805 {strides = array<i32>} : memref<16x128xf32, #tpu.memory_space<vmem>>, vector<16xf32>,
      %get3A_809 = arith.index_cast %while3A_750 : i32 to index
      %get3A_810 = arith.constant 64 : index
      %get3A_811 = tpu.vector_load %arg13[%get3A_809, %get3A_810] {strides = array<i32>} : memref<16x128xf32, #tpu.memory_space<vmem>>, vector<16xf32>,
      %add3A_812 = arith.addf %get3A_811, %parallel_loop3A_780#4 : vector<16xf32>
      %swap3A_813 = arith.index_cast %while3A_750 : i32 to index
      %swap3A_814 = arith.constant 64 : index
      %swap3A_815 = tpu.vector_load %arg13[%swap3A_813, %swap3A_814] {strides = array<i32>} : memref<16x128xf32, #tpu.memory_space<vmem>>, vector<16xf32>,
      tpu.vector_store %arg13[%swap3A_813, %swap3A_814], %add3A_812 {strides = array<i32>} : memref<16x128xf32, #tpu.memory_space<vmem>>, vector<16xf32>,
      %get3A_816 = arith.index_cast %while3A_750 : i32 to index
      %get3A_817 = arith.constant 80 : index
      %get3A_818 = tpu.vector_load %arg13[%get3A_816, %get3A_817] {strides = array<i32>} : memref<16x128xf32, #tpu.memory_space<vmem>>, vector<16xf32>,
      %add3A_819 = arith.addf %get3A_818, %parallel_loop3A_780#5 : vector<16xf32>
      %swap3A_820 = arith.index_cast %while3A_750 : i32 to index
      %swap3A_821 = arith.constant 80 : index
      %swap3A_822 = tpu.vector_load %arg13[%swap3A_820, %swap3A_821] {strides = array<i32>} : memref<16x128xf32, #tpu.memory_space<vmem>>, vector<16xf32>,
      tpu.vector_store %arg13[%swap3A_820, %swap3A_821], %add3A_819 {strides = array<i32>} : memref<16x128xf32, #tpu.memory_space<vmem>>, vector<16xf32>,
      %get3A_823 = arith.index_cast %while3A_750 : i32 to index
      %get3A_824 = arith.constant 96 : index
      %get3A_825 = tpu.vector_load %arg13[%get3A_823, %get3A_824] {strides = array<i32>} : memref<16x128xf32, #tpu.memory_space<vmem>>, vector<16xf32>,
      %add3A_826 = arith.addf %get3A_825, %parallel_loop3A_780#6 : vector<16xf32>
      %swap3A_827 = arith.index_cast %while3A_750 : i32 to index
      %swap3A_828 = arith.constant 96 : index
      %swap3A_829 = tpu.vector_load %arg13[%swap3A_827, %swap3A_828] {strides = array<i32>} : memref<16x128xf32, #tpu.memory_space<vmem>>, vector<16xf32>,
      tpu.vector_store %arg13[%swap3A_827, %swap3A_828], %add3A_826 {strides = array<i32>} : memref<16x128xf32, #tpu.memory_space<vmem>>, vector<16xf32>,
      %get3A_830 = arith.index_cast %while3A_750 : i32 to index
      %get3A_831 = arith.constant 112 : index
      %get3A_832 = tpu.vector_load %arg13[%get3A_830, %get3A_831] {strides = array<i32>} : memref<16x128xf32, #tpu.memory_space<vmem>>, vector<16xf32>,
      %add3A_833 = arith.addf %get3A_832, %parallel_loop3A_780#7 : vector<16xf32>
      %swap3A_834 = arith.index_cast %while3A_750 : i32 to index
      %swap3A_835 = arith.constant 112 : index
      %swap3A_836 = tpu.vector_load %arg13[%swap3A_834, %swap3A_835] {strides = array<i32>} : memref<16x128xf32, #tpu.memory_space<vmem>>, vector<16xf32>,
      tpu.vector_store %arg13[%swap3A_834, %swap3A_835], %add3A_833 {strides = array<i32>} : memref<16x128xf32, #tpu.memory_space<vmem>>, vector<16xf32>,
      %while3A_837 = arith.constant 0 : i32
      scf.yield %while3A_837 : i32
    }
    %while3A_694 = arith.constant 1 : i32
    %while3A_695 = scf.for %while3A_750 = %while3A_691 to %while3A_687 step %while3A_694 iter_args(%while3A_751 = %while3A_693) -> (i32)  : i32 {
      %eq3A_752 = vector.broadcast %while3A_750 : i32 to vector<16xi32>
      %eq3A_753 = arith.cmpi eq, %iota3A, %eq3A_752 : vector<16xi32>
      %jit3A_754 = arith.constant 0 : i32
      %broadcast_in_dim3A_755 = vector.broadcast %jit3A_754 : i32 to vector<16xi32>
      %select_n3A_756 = arith.select %eq3A_753, %sub3A, %broadcast_in_dim3A_755 : vector<16xi1>, vector<16xi32>
      %reduce_max3A_757 = arith.constant true
      %reduce_max3A_758 = vector.broadcast %reduce_max3A_757 : i1 to vector<16xi1>
      %reduce_max3A_759 = arith.constant -2147483648 : i32
      %reduce_max3A_760 = vector.broadcast %reduce_max3A_759 : i32 to vector<16xi32>
      %reduce_max3A_761 = arith.xori %select_n3A_756, %reduce_max3A_760 : vector<16xi32>
      %reduce_max3A_762 = tpu.scan <max>, %reduce_max3A_761 masked %reduce_max3A_758 : vector<16xi32>, vector<16xi1> -> vector<16xi32>
      %reduce_max3A_763 = arith.xori %reduce_max3A_762, %reduce_max3A_760 : vector<16xi32>
      %reduce_max3A_764 = vector.extract %reduce_max3A_763[15] : i32 from vector<16xi32>
      %max3A = arith.constant 512 : i32
      %max3A_765 = arith.maxsi %reduce_max3A_764, %max3A : i32
      %eq3A_766 = vector.broadcast %while3A_750 : i32 to vector<16xi32>
      %eq3A_767 = arith.cmpi eq, %iota3A, %eq3A_766 : vector<16xi32>
      %jit3A_768 = arith.constant 0 : i32
      %broadcast_in_dim3A_769 = vector.broadcast %jit3A_768 : i32 to vector<16xi32>
      %select_n3A_770 = arith.select %eq3A_767, %cumsum3A_53, %broadcast_in_dim3A_769 : vector<16xi1>, vector<16xi32>
      %reduce_max3A_771 = arith.constant true
      %reduce_max3A_772 = vector.broadcast %reduce_max3A_771 : i1 to vector<16xi1>
      %reduce_max3A_773 = arith.constant -2147483648 : i32
      %reduce_max3A_774 = vector.broadcast %reduce_max3A_773 : i32 to vector<16xi32>
      %reduce_max3A_775 = arith.xori %select_n3A_770, %reduce_max3A_774 : vector<16xi32>
      %reduce_max3A_776 = tpu.scan <max>, %reduce_max3A_775 masked %reduce_max3A_772 : vector<16xi32>, vector<16xi1> -> vector<16xi32>
      %reduce_max3A_777 = arith.xori %reduce_max3A_776, %reduce_max3A_774 : vector<16xi32>
      %reduce_max3A_778 = vector.extract %reduce_max3A_777[15] : i32 from vector<16xi32>
      %min3A = arith.constant 768 : i32
      %min3A_779 = arith.minsi %reduce_max3A_778, %min3A : i32
      %parallel_loop3A = arith.constant 1 : i32
      %parallel_loop3A_780:8 = scf.for %parallel_loop3A_838 = %max3A_765 to %min3A_779 step %parallel_loop3A iter_args(%parallel_loop3A_839 = %broadcast_in_dim3A_77, %parallel_loop3A_840 = %broadcast_in_dim3A_77, %parallel_loop3A_841 = %broadcast_in_dim3A_77, %parallel_loop3A_842 = %broadcast_in_dim3A_77, %parallel_loop3A_843 = %broadcast_in_dim3A_77, %parallel_loop3A_844 = %broadcast_in_dim3A_77, %parallel_loop3A_845 = %broadcast_in_dim3A_77, %parallel_loop3A_846 = %broadcast_in_dim3A_77) -> (vector<16xf32>, vector<16xf32>, vector<16xf32>, vector<16xf32>, vector<16xf32>, vector<16xf32>, vector<16xf32>, vector<16xf32>)  : i32 {
        %parallel_loop3A_847 = arith.constant 0 : i32
        %parallel_loop3A_848 = vector.broadcast %parallel_loop3A_847 : i32 to vector<16xi32>
        %parallel_loop3A_849 = vector.broadcast %parallel_loop3A_838 : i32 to vector<16xi32>
        %parallel_loop3A_850 = arith.addi %parallel_loop3A_848, %parallel_loop3A_849 : vector<16xi32>
        %parallel_loop3A_851 = tpu.vector_load_idx %arg9[%parallel_loop3A_850] : memref<1024xf32, #tpu.memory_space<vmem>>[vector<16xi32>], vector<16xf32>,
        %parallel_loop3A_852 = arith.constant 512 : i32
        %parallel_loop3A_853 = arith.subi %parallel_loop3A_838, %parallel_loop3A_852 : i32
        %parallel_loop3A_854 = arith.constant 0 : i32
        %parallel_loop3A_855 = arith.index_cast %parallel_loop3A_854 : i32 to index
        %parallel_loop3A_856 = arith.index_cast %parallel_loop3A_853 : i32 to index
        %parallel_loop3A_857 = arith.constant 0 : index
        %parallel_loop3A_858 = tpu.vector_load %arg8[%parallel_loop3A_855, %parallel_loop3A_856, %parallel_loop3A_857] {strides = array<i32>} : memref<2x256x128xf32, #tpu.memory_space<vmem>>, vector<16xf32>,
        %parallel_loop3A_859 = arith.mulf %parallel_loop3A_851, %parallel_loop3A_858 : vector<16xf32>
        %parallel_loop3A_860 = arith.addf %parallel_loop3A_839, %parallel_loop3A_859 : vector<16xf32>
        %parallel_loop3A_861 = arith.constant 0 : i32
        %parallel_loop3A_862 = arith.index_cast %parallel_loop3A_861 : i32 to index
        %parallel_loop3A_863 = arith.index_cast %parallel_loop3A_853 : i32 to index
        %parallel_loop3A_864 = arith.constant 16 : index
        %parallel_loop3A_865 = tpu.vector_load %arg8[%parallel_loop3A_862, %parallel_loop3A_863, %parallel_loop3A_864] {strides = array<i32>} : memref<2x256x128xf32, #tpu.memory_space<vmem>>, vector<16xf32>,
        %parallel_loop3A_866 = arith.mulf %parallel_loop3A_851, %parallel_loop3A_865 : vector<16xf32>
        %parallel_loop3A_867 = arith.addf %parallel_loop3A_840, %parallel_loop3A_866 : vector<16xf32>
        %parallel_loop3A_868 = arith.constant 0 : i32
        %parallel_loop3A_869 = arith.index_cast %parallel_loop3A_868 : i32 to index
        %parallel_loop3A_870 = arith.index_cast %parallel_loop3A_853 : i32 to index
        %parallel_loop3A_871 = arith.constant 32 : index
        %parallel_loop3A_872 = tpu.vector_load %arg8[%parallel_loop3A_869, %parallel_loop3A_870, %parallel_loop3A_871] {strides = array<i32>} : memref<2x256x128xf32, #tpu.memory_space<vmem>>, vector<16xf32>,
        %parallel_loop3A_873 = arith.mulf %parallel_loop3A_851, %parallel_loop3A_872 : vector<16xf32>
        %parallel_loop3A_874 = arith.addf %parallel_loop3A_841, %parallel_loop3A_873 : vector<16xf32>
        %parallel_loop3A_875 = arith.constant 0 : i32
        %parallel_loop3A_876 = arith.index_cast %parallel_loop3A_875 : i32 to index
        %parallel_loop3A_877 = arith.index_cast %parallel_loop3A_853 : i32 to index
        %parallel_loop3A_878 = arith.constant 48 : index
        %parallel_loop3A_879 = tpu.vector_load %arg8[%parallel_loop3A_876, %parallel_loop3A_877, %parallel_loop3A_878] {strides = array<i32>} : memref<2x256x128xf32, #tpu.memory_space<vmem>>, vector<16xf32>,
        %parallel_loop3A_880 = arith.mulf %parallel_loop3A_851, %parallel_loop3A_879 : vector<16xf32>
        %parallel_loop3A_881 = arith.addf %parallel_loop3A_842, %parallel_loop3A_880 : vector<16xf32>
        %parallel_loop3A_882 = arith.constant 0 : i32
        %parallel_loop3A_883 = arith.index_cast %parallel_loop3A_882 : i32 to index
        %parallel_loop3A_884 = arith.index_cast %parallel_loop3A_853 : i32 to index
        %parallel_loop3A_885 = arith.constant 64 : index
        %parallel_loop3A_886 = tpu.vector_load %arg8[%parallel_loop3A_883, %parallel_loop3A_884, %parallel_loop3A_885] {strides = array<i32>} : memref<2x256x128xf32, #tpu.memory_space<vmem>>, vector<16xf32>,
        %parallel_loop3A_887 = arith.mulf %parallel_loop3A_851, %parallel_loop3A_886 : vector<16xf32>
        %parallel_loop3A_888 = arith.addf %parallel_loop3A_843, %parallel_loop3A_887 : vector<16xf32>
        %parallel_loop3A_889 = arith.constant 0 : i32
        %parallel_loop3A_890 = arith.index_cast %parallel_loop3A_889 : i32 to index
        %parallel_loop3A_891 = arith.index_cast %parallel_loop3A_853 : i32 to index
        %parallel_loop3A_892 = arith.constant 80 : index
        %parallel_loop3A_893 = tpu.vector_load %arg8[%parallel_loop3A_890, %parallel_loop3A_891, %parallel_loop3A_892] {strides = array<i32>} : memref<2x256x128xf32, #tpu.memory_space<vmem>>, vector<16xf32>,
        %parallel_loop3A_894 = arith.mulf %parallel_loop3A_851, %parallel_loop3A_893 : vector<16xf32>
        %parallel_loop3A_895 = arith.addf %parallel_loop3A_844, %parallel_loop3A_894 : vector<16xf32>
        %parallel_loop3A_896 = arith.constant 0 : i32
        %parallel_loop3A_897 = arith.index_cast %parallel_loop3A_896 : i32 to index
        %parallel_loop3A_898 = arith.index_cast %parallel_loop3A_853 : i32 to index
        %parallel_loop3A_899 = arith.constant 96 : index
        %parallel_loop3A_900 = tpu.vector_load %arg8[%parallel_loop3A_897, %parallel_loop3A_898, %parallel_loop3A_899] {strides = array<i32>} : memref<2x256x128xf32, #tpu.memory_space<vmem>>, vector<16xf32>,
        %parallel_loop3A_901 = arith.mulf %parallel_loop3A_851, %parallel_loop3A_900 : vector<16xf32>
        %parallel_loop3A_902 = arith.addf %parallel_loop3A_845, %parallel_loop3A_901 : vector<16xf32>
        %parallel_loop3A_903 = arith.constant 0 : i32
        %parallel_loop3A_904 = arith.index_cast %parallel_loop3A_903 : i32 to index
        %parallel_loop3A_905 = arith.index_cast %parallel_loop3A_853 : i32 to index
        %parallel_loop3A_906 = arith.constant 112 : index
        %parallel_loop3A_907 = tpu.vector_load %arg8[%parallel_loop3A_904, %parallel_loop3A_905, %parallel_loop3A_906] {strides = array<i32>} : memref<2x256x128xf32, #tpu.memory_space<vmem>>, vector<16xf32>,
        %parallel_loop3A_908 = arith.mulf %parallel_loop3A_851, %parallel_loop3A_907 : vector<16xf32>
        %parallel_loop3A_909 = arith.addf %parallel_loop3A_846, %parallel_loop3A_908 : vector<16xf32>
        scf.yield %parallel_loop3A_860, %parallel_loop3A_867, %parallel_loop3A_874, %parallel_loop3A_881, %parallel_loop3A_888, %parallel_loop3A_895, %parallel_loop3A_902, %parallel_loop3A_909 : vector<16xf32>, vector<16xf32>, vector<16xf32>, vector<16xf32>, vector<16xf32>, vector<16xf32>, vector<16xf32>, vector<16xf32>
      } {sc.loop_unroll_factor = 8 : i64, sc.parallel_access}
      %get3A_781 = arith.index_cast %while3A_750 : i32 to index
      %get3A_782 = arith.constant 0 : index
      %get3A_783 = tpu.vector_load %arg13[%get3A_781, %get3A_782] {strides = array<i32>} : memref<16x128xf32, #tpu.memory_space<vmem>>, vector<16xf32>,
      %add3A_784 = arith.addf %get3A_783, %parallel_loop3A_780#0 : vector<16xf32>
      %swap3A_785 = arith.index_cast %while3A_750 : i32 to index
      %swap3A_786 = arith.constant 0 : index
      %swap3A_787 = tpu.vector_load %arg13[%swap3A_785, %swap3A_786] {strides = array<i32>} : memref<16x128xf32, #tpu.memory_space<vmem>>, vector<16xf32>,
      tpu.vector_store %arg13[%swap3A_785, %swap3A_786], %add3A_784 {strides = array<i32>} : memref<16x128xf32, #tpu.memory_space<vmem>>, vector<16xf32>,
      %get3A_788 = arith.index_cast %while3A_750 : i32 to index
      %get3A_789 = arith.constant 16 : index
      %get3A_790 = tpu.vector_load %arg13[%get3A_788, %get3A_789] {strides = array<i32>} : memref<16x128xf32, #tpu.memory_space<vmem>>, vector<16xf32>,
      %add3A_791 = arith.addf %get3A_790, %parallel_loop3A_780#1 : vector<16xf32>
      %swap3A_792 = arith.index_cast %while3A_750 : i32 to index
      %swap3A_793 = arith.constant 16 : index
      %swap3A_794 = tpu.vector_load %arg13[%swap3A_792, %swap3A_793] {strides = array<i32>} : memref<16x128xf32, #tpu.memory_space<vmem>>, vector<16xf32>,
      tpu.vector_store %arg13[%swap3A_792, %swap3A_793], %add3A_791 {strides = array<i32>} : memref<16x128xf32, #tpu.memory_space<vmem>>, vector<16xf32>,
      %get3A_795 = arith.index_cast %while3A_750 : i32 to index
      %get3A_796 = arith.constant 32 : index
      %get3A_797 = tpu.vector_load %arg13[%get3A_795, %get3A_796] {strides = array<i32>} : memref<16x128xf32, #tpu.memory_space<vmem>>, vector<16xf32>,
      %add3A_798 = arith.addf %get3A_797, %parallel_loop3A_780#2 : vector<16xf32>
      %swap3A_799 = arith.index_cast %while3A_750 : i32 to index
      %swap3A_800 = arith.constant 32 : index
      %swap3A_801 = tpu.vector_load %arg13[%swap3A_799, %swap3A_800] {strides = array<i32>} : memref<16x128xf32, #tpu.memory_space<vmem>>, vector<16xf32>,
      tpu.vector_store %arg13[%swap3A_799, %swap3A_800], %add3A_798 {strides = array<i32>} : memref<16x128xf32, #tpu.memory_space<vmem>>, vector<16xf32>,
      %get3A_802 = arith.index_cast %while3A_750 : i32 to index
      %get3A_803 = arith.constant 48 : index
      %get3A_804 = tpu.vector_load %arg13[%get3A_802, %get3A_803] {strides = array<i32>} : memref<16x128xf32, #tpu.memory_space<vmem>>, vector<16xf32>,
      %add3A_805 = arith.addf %get3A_804, %parallel_loop3A_780#3 : vector<16xf32>
      %swap3A_806 = arith.index_cast %while3A_750 : i32 to index
      %swap3A_807 = arith.constant 48 : index
      %swap3A_808 = tpu.vector_load %arg13[%swap3A_806, %swap3A_807] {strides = array<i32>} : memref<16x128xf32, #tpu.memory_space<vmem>>, vector<16xf32>,
      tpu.vector_store %arg13[%swap3A_806, %swap3A_807], %add3A_805 {strides = array<i32>} : memref<16x128xf32, #tpu.memory_space<vmem>>, vector<16xf32>,
      %get3A_809 = arith.index_cast %while3A_750 : i32 to index
      %get3A_810 = arith.constant 64 : index
      %get3A_811 = tpu.vector_load %arg13[%get3A_809, %get3A_810] {strides = array<i32>} : memref<16x128xf32, #tpu.memory_space<vmem>>, vector<16xf32>,
      %add3A_812 = arith.addf %get3A_811, %parallel_loop3A_780#4 : vector<16xf32>
      %swap3A_813 = arith.index_cast %while3A_750 : i32 to index
      %swap3A_814 = arith.constant 64 : index
      %swap3A_815 = tpu.vector_load %arg13[%swap3A_813, %swap3A_814] {strides = array<i32>} : memref<16x128xf32, #tpu.memory_space<vmem>>, vector<16xf32>,
      tpu.vector_store %arg13[%swap3A_813, %swap3A_814], %add3A_812 {strides = array<i32>} : memref<16x128xf32, #tpu.memory_space<vmem>>, vector<16xf32>,
      %get3A_816 = arith.index_cast %while3A_750 : i32 to index
      %get3A_817 = arith.constant 80 : index
      %get3A_818 = tpu.vector_load %arg13[%get3A_816, %get3A_817] {strides = array<i32>} : memref<16x128xf32, #tpu.memory_space<vmem>>, vector<16xf32>,
      %add3A_819 = arith.addf %get3A_818, %parallel_loop3A_780#5 : vector<16xf32>
      %swap3A_820 = arith.index_cast %while3A_750 : i32 to index
      %swap3A_821 = arith.constant 80 : index
      %swap3A_822 = tpu.vector_load %arg13[%swap3A_820, %swap3A_821] {strides = array<i32>} : memref<16x128xf32, #tpu.memory_space<vmem>>, vector<16xf32>,
      tpu.vector_store %arg13[%swap3A_820, %swap3A_821], %add3A_819 {strides = array<i32>} : memref<16x128xf32, #tpu.memory_space<vmem>>, vector<16xf32>,
      %get3A_823 = arith.index_cast %while3A_750 : i32 to index
      %get3A_824 = arith.constant 96 : index
      %get3A_825 = tpu.vector_load %arg13[%get3A_823, %get3A_824] {strides = array<i32>} : memref<16x128xf32, #tpu.memory_space<vmem>>, vector<16xf32>,
      %add3A_826 = arith.addf %get3A_825, %parallel_loop3A_780#6 : vector<16xf32>
      %swap3A_827 = arith.index_cast %while3A_750 : i32 to index
      %swap3A_828 = arith.constant 96 : index
      %swap3A_829 = tpu.vector_load %arg13[%swap3A_827, %swap3A_828] {strides = array<i32>} : memref<16x128xf32, #tpu.memory_space<vmem>>, vector<16xf32>,
      tpu.vector_store %arg13[%swap3A_827, %swap3A_828], %add3A_826 {strides = array<i32>} : memref<16x128xf32, #tpu.memory_space<vmem>>, vector<16xf32>,
      %get3A_830 = arith.index_cast %while3A_750 : i32 to index
      %get3A_831 = arith.constant 112 : index
      %get3A_832 = tpu.vector_load %arg13[%get3A_830, %get3A_831] {strides = array<i32>} : memref<16x128xf32, #tpu.memory_space<vmem>>, vector<16xf32>,
      %add3A_833 = arith.addf %get3A_832, %parallel_loop3A_780#7 : vector<16xf32>
      %swap3A_834 = arith.index_cast %while3A_750 : i32 to index
      %swap3A_835 = arith.constant 112 : index
      %swap3A_836 = tpu.vector_load %arg13[%swap3A_834, %swap3A_835] {strides = array<i32>} : memref<16x128xf32, #tpu.memory_space<vmem>>, vector<16xf32>,
      tpu.vector_store %arg13[%swap3A_834, %swap3A_835], %add3A_833 {strides = array<i32>} : memref<16x128xf32, #tpu.memory_space<vmem>>, vector<16xf32>,
      %while3A_837 = arith.constant 0 : i32
      scf.yield %while3A_837 : i32
    }
    %dma_wait3A_696 = arith.constant 1 : i32
    %dma_wait3A_697 = arith.constant 0 : i32
    %dma_wait3A_698 = arith.constant 0 : i32
    %dma_wait3A_699 = tpu.memref_slice %arg8[%dma_wait3A_696, %dma_wait3A_697, %dma_wait3A_698] : memref<2x256x128xf32, #tpu.memory_space<vmem>> -> memref<1x256x128xf32, #tpu.memory_space<vmem>>
    %dma_wait3A_700 = tpu.memref_squeeze %dma_wait3A_699 : memref<1x256x128xf32, #tpu.memory_space<vmem>> -> memref<256x128xf32, #tpu.memory_space<vmem>>
    %dma_wait3A_701 = arith.constant 0 : i32
    %dma_wait3A_702 = tpu.memref_slice %arg2[%add3A_656, %dma_wait3A_701] : memref<32768x128xf32, #tpu.memory_space<hbm>> -> memref<256x128xf32, #tpu.memory_space<hbm>>
    %dma_wait3A_703 = arith.constant 0 : i32
    %dma_wait3A_704 = arith.constant 0 : i32
    %dma_wait3A_705 = tpu.memref_slice %arg8[%dma_wait3A_696, %dma_wait3A_703, %dma_wait3A_704] : memref<2x256x128xf32, #tpu.memory_space<vmem>> -> memref<1x256x128xf32, #tpu.memory_space<vmem>>
    %dma_wait3A_706 = tpu.memref_squeeze %dma_wait3A_705 : memref<1x256x128xf32, #tpu.memory_space<vmem>> -> memref<256x128xf32, #tpu.memory_space<vmem>>
    %dma_wait3A_707 = arith.constant 0 : i32
    %dma_wait3A_708 = tpu.memref_slice %arg2[%add3A_656, %dma_wait3A_707] : memref<32768x128xf32, #tpu.memory_space<hbm>> -> memref<256x128xf32, #tpu.memory_space<hbm>>
    tpu.wait_dma2 semaphore(%arg17 : memref<!tpu.dma_semaphore, #tpu.memory_space<semaphore_mem>>) src(%dma_wait3A_708 : memref<256x128xf32, #tpu.memory_space<hbm>>) dst(%dma_wait3A_706 : memref<256x128xf32, #tpu.memory_space<vmem>>)
    %add3A_709 = arith.constant 1 : i32
    %add3A_710 = arith.addi %reduce_max3A_75, %add3A_709 : i32
    %while3A_711 = arith.constant 0 : i32
    %while3A_712 = arith.subi %add3A_710, %reduce_min3A_62 : i32
    %while3A_713 = arith.addi %reduce_min3A_62, %while3A_712 : i32
    %while3A_714 = arith.constant 1 : i32
    %while3A_715 = arith.divsi %while3A_712, %while3A_714 : i32
    %while3A_716 = arith.muli %while3A_715, %while3A_714 : i32
    %while3A_717 = arith.addi %reduce_min3A_62, %while3A_716 : i32
    %while3A_718 = arith.constant 1 : i32
    %while3A_719 = scf.for %while3A_750 = %reduce_min3A_62 to %while3A_717 step %while3A_718 iter_args(%while3A_751 = %while3A_711) -> (i32)  : i32 {
      %eq3A_752 = vector.broadcast %while3A_750 : i32 to vector<16xi32>
      %eq3A_753 = arith.cmpi eq, %iota3A, %eq3A_752 : vector<16xi32>
      %jit3A_754 = arith.constant 0 : i32
      %broadcast_in_dim3A_755 = vector.broadcast %jit3A_754 : i32 to vector<16xi32>
      %select_n3A_756 = arith.select %eq3A_753, %sub3A, %broadcast_in_dim3A_755 : vector<16xi1>, vector<16xi32>
      %reduce_max3A_757 = arith.constant true
      %reduce_max3A_758 = vector.broadcast %reduce_max3A_757 : i1 to vector<16xi1>
      %reduce_max3A_759 = arith.constant -2147483648 : i32
      %reduce_max3A_760 = vector.broadcast %reduce_max3A_759 : i32 to vector<16xi32>
      %reduce_max3A_761 = arith.xori %select_n3A_756, %reduce_max3A_760 : vector<16xi32>
      %reduce_max3A_762 = tpu.scan <max>, %reduce_max3A_761 masked %reduce_max3A_758 : vector<16xi32>, vector<16xi1> -> vector<16xi32>
      %reduce_max3A_763 = arith.xori %reduce_max3A_762, %reduce_max3A_760 : vector<16xi32>
      %reduce_max3A_764 = vector.extract %reduce_max3A_763[15] : i32 from vector<16xi32>
      %max3A = arith.constant 768 : i32
      %max3A_765 = arith.maxsi %reduce_max3A_764, %max3A : i32
      %eq3A_766 = vector.broadcast %while3A_750 : i32 to vector<16xi32>
      %eq3A_767 = arith.cmpi eq, %iota3A, %eq3A_766 : vector<16xi32>
      %jit3A_768 = arith.constant 0 : i32
      %broadcast_in_dim3A_769 = vector.broadcast %jit3A_768 : i32 to vector<16xi32>
      %select_n3A_770 = arith.select %eq3A_767, %cumsum3A_53, %broadcast_in_dim3A_769 : vector<16xi1>, vector<16xi32>
      %reduce_max3A_771 = arith.constant true
      %reduce_max3A_772 = vector.broadcast %reduce_max3A_771 : i1 to vector<16xi1>
      %reduce_max3A_773 = arith.constant -2147483648 : i32
      %reduce_max3A_774 = vector.broadcast %reduce_max3A_773 : i32 to vector<16xi32>
      %reduce_max3A_775 = arith.xori %select_n3A_770, %reduce_max3A_774 : vector<16xi32>
      %reduce_max3A_776 = tpu.scan <max>, %reduce_max3A_775 masked %reduce_max3A_772 : vector<16xi32>, vector<16xi1> -> vector<16xi32>
      %reduce_max3A_777 = arith.xori %reduce_max3A_776, %reduce_max3A_774 : vector<16xi32>
      %reduce_max3A_778 = vector.extract %reduce_max3A_777[15] : i32 from vector<16xi32>
      %min3A = arith.constant 1024 : i32
      %min3A_779 = arith.minsi %reduce_max3A_778, %min3A : i32
      %parallel_loop3A = arith.constant 1 : i32
      %parallel_loop3A_780:8 = scf.for %parallel_loop3A_838 = %max3A_765 to %min3A_779 step %parallel_loop3A iter_args(%parallel_loop3A_839 = %broadcast_in_dim3A_77, %parallel_loop3A_840 = %broadcast_in_dim3A_77, %parallel_loop3A_841 = %broadcast_in_dim3A_77, %parallel_loop3A_842 = %broadcast_in_dim3A_77, %parallel_loop3A_843 = %broadcast_in_dim3A_77, %parallel_loop3A_844 = %broadcast_in_dim3A_77, %parallel_loop3A_845 = %broadcast_in_dim3A_77, %parallel_loop3A_846 = %broadcast_in_dim3A_77) -> (vector<16xf32>, vector<16xf32>, vector<16xf32>, vector<16xf32>, vector<16xf32>, vector<16xf32>, vector<16xf32>, vector<16xf32>)  : i32 {
        %parallel_loop3A_847 = arith.constant 0 : i32
        %parallel_loop3A_848 = vector.broadcast %parallel_loop3A_847 : i32 to vector<16xi32>
        %parallel_loop3A_849 = vector.broadcast %parallel_loop3A_838 : i32 to vector<16xi32>
        %parallel_loop3A_850 = arith.addi %parallel_loop3A_848, %parallel_loop3A_849 : vector<16xi32>
        %parallel_loop3A_851 = tpu.vector_load_idx %arg9[%parallel_loop3A_850] : memref<1024xf32, #tpu.memory_space<vmem>>[vector<16xi32>], vector<16xf32>,
        %parallel_loop3A_852 = arith.constant 768 : i32
        %parallel_loop3A_853 = arith.subi %parallel_loop3A_838, %parallel_loop3A_852 : i32
        %parallel_loop3A_854 = arith.constant 1 : i32
        %parallel_loop3A_855 = arith.index_cast %parallel_loop3A_854 : i32 to index
        %parallel_loop3A_856 = arith.index_cast %parallel_loop3A_853 : i32 to index
        %parallel_loop3A_857 = arith.constant 0 : index
        %parallel_loop3A_858 = tpu.vector_load %arg8[%parallel_loop3A_855, %parallel_loop3A_856, %parallel_loop3A_857] {strides = array<i32>} : memref<2x256x128xf32, #tpu.memory_space<vmem>>, vector<16xf32>,
        %parallel_loop3A_859 = arith.mulf %parallel_loop3A_851, %parallel_loop3A_858 : vector<16xf32>
        %parallel_loop3A_860 = arith.addf %parallel_loop3A_839, %parallel_loop3A_859 : vector<16xf32>
        %parallel_loop3A_861 = arith.constant 1 : i32
        %parallel_loop3A_862 = arith.index_cast %parallel_loop3A_861 : i32 to index
        %parallel_loop3A_863 = arith.index_cast %parallel_loop3A_853 : i32 to index
        %parallel_loop3A_864 = arith.constant 16 : index
        %parallel_loop3A_865 = tpu.vector_load %arg8[%parallel_loop3A_862, %parallel_loop3A_863, %parallel_loop3A_864] {strides = array<i32>} : memref<2x256x128xf32, #tpu.memory_space<vmem>>, vector<16xf32>,
        %parallel_loop3A_866 = arith.mulf %parallel_loop3A_851, %parallel_loop3A_865 : vector<16xf32>
        %parallel_loop3A_867 = arith.addf %parallel_loop3A_840, %parallel_loop3A_866 : vector<16xf32>
        %parallel_loop3A_868 = arith.constant 1 : i32
        %parallel_loop3A_869 = arith.index_cast %parallel_loop3A_868 : i32 to index
        %parallel_loop3A_870 = arith.index_cast %parallel_loop3A_853 : i32 to index
        %parallel_loop3A_871 = arith.constant 32 : index
        %parallel_loop3A_872 = tpu.vector_load %arg8[%parallel_loop3A_869, %parallel_loop3A_870, %parallel_loop3A_871] {strides = array<i32>} : memref<2x256x128xf32, #tpu.memory_space<vmem>>, vector<16xf32>,
        %parallel_loop3A_873 = arith.mulf %parallel_loop3A_851, %parallel_loop3A_872 : vector<16xf32>
        %parallel_loop3A_874 = arith.addf %parallel_loop3A_841, %parallel_loop3A_873 : vector<16xf32>
        %parallel_loop3A_875 = arith.constant 1 : i32
        %parallel_loop3A_876 = arith.index_cast %parallel_loop3A_875 : i32 to index
        %parallel_loop3A_877 = arith.index_cast %parallel_loop3A_853 : i32 to index
        %parallel_loop3A_878 = arith.constant 48 : index
        %parallel_loop3A_879 = tpu.vector_load %arg8[%parallel_loop3A_876, %parallel_loop3A_877, %parallel_loop3A_878] {strides = array<i32>} : memref<2x256x128xf32, #tpu.memory_space<vmem>>, vector<16xf32>,
        %parallel_loop3A_880 = arith.mulf %parallel_loop3A_851, %parallel_loop3A_879 : vector<16xf32>
        %parallel_loop3A_881 = arith.addf %parallel_loop3A_842, %parallel_loop3A_880 : vector<16xf32>
        %parallel_loop3A_882 = arith.constant 1 : i32
        %parallel_loop3A_883 = arith.index_cast %parallel_loop3A_882 : i32 to index
        %parallel_loop3A_884 = arith.index_cast %parallel_loop3A_853 : i32 to index
        %parallel_loop3A_885 = arith.constant 64 : index
        %parallel_loop3A_886 = tpu.vector_load %arg8[%parallel_loop3A_883, %parallel_loop3A_884, %parallel_loop3A_885] {strides = array<i32>} : memref<2x256x128xf32, #tpu.memory_space<vmem>>, vector<16xf32>,
        %parallel_loop3A_887 = arith.mulf %parallel_loop3A_851, %parallel_loop3A_886 : vector<16xf32>
        %parallel_loop3A_888 = arith.addf %parallel_loop3A_843, %parallel_loop3A_887 : vector<16xf32>
        %parallel_loop3A_889 = arith.constant 1 : i32
        %parallel_loop3A_890 = arith.index_cast %parallel_loop3A_889 : i32 to index
        %parallel_loop3A_891 = arith.index_cast %parallel_loop3A_853 : i32 to index
        %parallel_loop3A_892 = arith.constant 80 : index
        %parallel_loop3A_893 = tpu.vector_load %arg8[%parallel_loop3A_890, %parallel_loop3A_891, %parallel_loop3A_892] {strides = array<i32>} : memref<2x256x128xf32, #tpu.memory_space<vmem>>, vector<16xf32>,
        %parallel_loop3A_894 = arith.mulf %parallel_loop3A_851, %parallel_loop3A_893 : vector<16xf32>
        %parallel_loop3A_895 = arith.addf %parallel_loop3A_844, %parallel_loop3A_894 : vector<16xf32>
        %parallel_loop3A_896 = arith.constant 1 : i32
        %parallel_loop3A_897 = arith.index_cast %parallel_loop3A_896 : i32 to index
        %parallel_loop3A_898 = arith.index_cast %parallel_loop3A_853 : i32 to index
        %parallel_loop3A_899 = arith.constant 96 : index
        %parallel_loop3A_900 = tpu.vector_load %arg8[%parallel_loop3A_897, %parallel_loop3A_898, %parallel_loop3A_899] {strides = array<i32>} : memref<2x256x128xf32, #tpu.memory_space<vmem>>, vector<16xf32>,
        %parallel_loop3A_901 = arith.mulf %parallel_loop3A_851, %parallel_loop3A_900 : vector<16xf32>
        %parallel_loop3A_902 = arith.addf %parallel_loop3A_845, %parallel_loop3A_901 : vector<16xf32>
        %parallel_loop3A_903 = arith.constant 1 : i32
        %parallel_loop3A_904 = arith.index_cast %parallel_loop3A_903 : i32 to index
        %parallel_loop3A_905 = arith.index_cast %parallel_loop3A_853 : i32 to index
        %parallel_loop3A_906 = arith.constant 112 : index
        %parallel_loop3A_907 = tpu.vector_load %arg8[%parallel_loop3A_904, %parallel_loop3A_905, %parallel_loop3A_906] {strides = array<i32>} : memref<2x256x128xf32, #tpu.memory_space<vmem>>, vector<16xf32>,
        %parallel_loop3A_908 = arith.mulf %parallel_loop3A_851, %parallel_loop3A_907 : vector<16xf32>
        %parallel_loop3A_909 = arith.addf %parallel_loop3A_846, %parallel_loop3A_908 : vector<16xf32>
        scf.yield %parallel_loop3A_860, %parallel_loop3A_867, %parallel_loop3A_874, %parallel_loop3A_881, %parallel_loop3A_888, %parallel_loop3A_895, %parallel_loop3A_902, %parallel_loop3A_909 : vector<16xf32>, vector<16xf32>, vector<16xf32>, vector<16xf32>, vector<16xf32>, vector<16xf32>, vector<16xf32>, vector<16xf32>
      } {sc.loop_unroll_factor = 8 : i64, sc.parallel_access}
      %get3A_781 = arith.index_cast %while3A_750 : i32 to index
      %get3A_782 = arith.constant 0 : index
      %get3A_783 = tpu.vector_load %arg13[%get3A_781, %get3A_782] {strides = array<i32>} : memref<16x128xf32, #tpu.memory_space<vmem>>, vector<16xf32>,
      %add3A_784 = arith.addf %get3A_783, %parallel_loop3A_780#0 : vector<16xf32>
      %swap3A_785 = arith.index_cast %while3A_750 : i32 to index
      %swap3A_786 = arith.constant 0 : index
      %swap3A_787 = tpu.vector_load %arg13[%swap3A_785, %swap3A_786] {strides = array<i32>} : memref<16x128xf32, #tpu.memory_space<vmem>>, vector<16xf32>,
      tpu.vector_store %arg13[%swap3A_785, %swap3A_786], %add3A_784 {strides = array<i32>} : memref<16x128xf32, #tpu.memory_space<vmem>>, vector<16xf32>,
      %get3A_788 = arith.index_cast %while3A_750 : i32 to index
      %get3A_789 = arith.constant 16 : index
      %get3A_790 = tpu.vector_load %arg13[%get3A_788, %get3A_789] {strides = array<i32>} : memref<16x128xf32, #tpu.memory_space<vmem>>, vector<16xf32>,
      %add3A_791 = arith.addf %get3A_790, %parallel_loop3A_780#1 : vector<16xf32>
      %swap3A_792 = arith.index_cast %while3A_750 : i32 to index
      %swap3A_793 = arith.constant 16 : index
      %swap3A_794 = tpu.vector_load %arg13[%swap3A_792, %swap3A_793] {strides = array<i32>} : memref<16x128xf32, #tpu.memory_space<vmem>>, vector<16xf32>,
      tpu.vector_store %arg13[%swap3A_792, %swap3A_793], %add3A_791 {strides = array<i32>} : memref<16x128xf32, #tpu.memory_space<vmem>>, vector<16xf32>,
      %get3A_795 = arith.index_cast %while3A_750 : i32 to index
      %get3A_796 = arith.constant 32 : index
      %get3A_797 = tpu.vector_load %arg13[%get3A_795, %get3A_796] {strides = array<i32>} : memref<16x128xf32, #tpu.memory_space<vmem>>, vector<16xf32>,
      %add3A_798 = arith.addf %get3A_797, %parallel_loop3A_780#2 : vector<16xf32>
      %swap3A_799 = arith.index_cast %while3A_750 : i32 to index
      %swap3A_800 = arith.constant 32 : index
      %swap3A_801 = tpu.vector_load %arg13[%swap3A_799, %swap3A_800] {strides = array<i32>} : memref<16x128xf32, #tpu.memory_space<vmem>>, vector<16xf32>,
      tpu.vector_store %arg13[%swap3A_799, %swap3A_800], %add3A_798 {strides = array<i32>} : memref<16x128xf32, #tpu.memory_space<vmem>>, vector<16xf32>,
      %get3A_802 = arith.index_cast %while3A_750 : i32 to index
      %get3A_803 = arith.constant 48 : index
      %get3A_804 = tpu.vector_load %arg13[%get3A_802, %get3A_803] {strides = array<i32>} : memref<16x128xf32, #tpu.memory_space<vmem>>, vector<16xf32>,
      %add3A_805 = arith.addf %get3A_804, %parallel_loop3A_780#3 : vector<16xf32>
      %swap3A_806 = arith.index_cast %while3A_750 : i32 to index
      %swap3A_807 = arith.constant 48 : index
      %swap3A_808 = tpu.vector_load %arg13[%swap3A_806, %swap3A_807] {strides = array<i32>} : memref<16x128xf32, #tpu.memory_space<vmem>>, vector<16xf32>,
      tpu.vector_store %arg13[%swap3A_806, %swap3A_807], %add3A_805 {strides = array<i32>} : memref<16x128xf32, #tpu.memory_space<vmem>>, vector<16xf32>,
      %get3A_809 = arith.index_cast %while3A_750 : i32 to index
      %get3A_810 = arith.constant 64 : index
      %get3A_811 = tpu.vector_load %arg13[%get3A_809, %get3A_810] {strides = array<i32>} : memref<16x128xf32, #tpu.memory_space<vmem>>, vector<16xf32>,
      %add3A_812 = arith.addf %get3A_811, %parallel_loop3A_780#4 : vector<16xf32>
      %swap3A_813 = arith.index_cast %while3A_750 : i32 to index
      %swap3A_814 = arith.constant 64 : index
      %swap3A_815 = tpu.vector_load %arg13[%swap3A_813, %swap3A_814] {strides = array<i32>} : memref<16x128xf32, #tpu.memory_space<vmem>>, vector<16xf32>,
      tpu.vector_store %arg13[%swap3A_813, %swap3A_814], %add3A_812 {strides = array<i32>} : memref<16x128xf32, #tpu.memory_space<vmem>>, vector<16xf32>,
      %get3A_816 = arith.index_cast %while3A_750 : i32 to index
      %get3A_817 = arith.constant 80 : index
      %get3A_818 = tpu.vector_load %arg13[%get3A_816, %get3A_817] {strides = array<i32>} : memref<16x128xf32, #tpu.memory_space<vmem>>, vector<16xf32>,
      %add3A_819 = arith.addf %get3A_818, %parallel_loop3A_780#5 : vector<16xf32>
      %swap3A_820 = arith.index_cast %while3A_750 : i32 to index
      %swap3A_821 = arith.constant 80 : index
      %swap3A_822 = tpu.vector_load %arg13[%swap3A_820, %swap3A_821] {strides = array<i32>} : memref<16x128xf32, #tpu.memory_space<vmem>>, vector<16xf32>,
      tpu.vector_store %arg13[%swap3A_820, %swap3A_821], %add3A_819 {strides = array<i32>} : memref<16x128xf32, #tpu.memory_space<vmem>>, vector<16xf32>,
      %get3A_823 = arith.index_cast %while3A_750 : i32 to index
      %get3A_824 = arith.constant 96 : index
      %get3A_825 = tpu.vector_load %arg13[%get3A_823, %get3A_824] {strides = array<i32>} : memref<16x128xf32, #tpu.memory_space<vmem>>, vector<16xf32>,
      %add3A_826 = arith.addf %get3A_825, %parallel_loop3A_780#6 : vector<16xf32>
      %swap3A_827 = arith.index_cast %while3A_750 : i32 to index
      %swap3A_828 = arith.constant 96 : index
      %swap3A_829 = tpu.vector_load %arg13[%swap3A_827, %swap3A_828] {strides = array<i32>} : memref<16x128xf32, #tpu.memory_space<vmem>>, vector<16xf32>,
      tpu.vector_store %arg13[%swap3A_827, %swap3A_828], %add3A_826 {strides = array<i32>} : memref<16x128xf32, #tpu.memory_space<vmem>>, vector<16xf32>,
      %get3A_830 = arith.index_cast %while3A_750 : i32 to index
      %get3A_831 = arith.constant 112 : index
      %get3A_832 = tpu.vector_load %arg13[%get3A_830, %get3A_831] {strides = array<i32>} : memref<16x128xf32, #tpu.memory_space<vmem>>, vector<16xf32>,
      %add3A_833 = arith.addf %get3A_832, %parallel_loop3A_780#7 : vector<16xf32>
      %swap3A_834 = arith.index_cast %while3A_750 : i32 to index
      %swap3A_835 = arith.constant 112 : index
      %swap3A_836 = tpu.vector_load %arg13[%swap3A_834, %swap3A_835] {strides = array<i32>} : memref<16x128xf32, #tpu.memory_space<vmem>>, vector<16xf32>,
      tpu.vector_store %arg13[%swap3A_834, %swap3A_835], %add3A_833 {strides = array<i32>} : memref<16x128xf32, #tpu.memory_space<vmem>>, vector<16xf32>,
      %while3A_837 = arith.constant 0 : i32
      scf.yield %while3A_837 : i32
    }
    %while3A_720 = arith.constant 1 : i32
    %while3A_721 = scf.for %while3A_750 = %while3A_717 to %while3A_713 step %while3A_720 iter_args(%while3A_751 = %while3A_719) -> (i32)  : i32 {
      %eq3A_752 = vector.broadcast %while3A_750 : i32 to vector<16xi32>
      %eq3A_753 = arith.cmpi eq, %iota3A, %eq3A_752 : vector<16xi32>
      %jit3A_754 = arith.constant 0 : i32
      %broadcast_in_dim3A_755 = vector.broadcast %jit3A_754 : i32 to vector<16xi32>
      %select_n3A_756 = arith.select %eq3A_753, %sub3A, %broadcast_in_dim3A_755 : vector<16xi1>, vector<16xi32>
      %reduce_max3A_757 = arith.constant true
      %reduce_max3A_758 = vector.broadcast %reduce_max3A_757 : i1 to vector<16xi1>
      %reduce_max3A_759 = arith.constant -2147483648 : i32
      %reduce_max3A_760 = vector.broadcast %reduce_max3A_759 : i32 to vector<16xi32>
      %reduce_max3A_761 = arith.xori %select_n3A_756, %reduce_max3A_760 : vector<16xi32>
      %reduce_max3A_762 = tpu.scan <max>, %reduce_max3A_761 masked %reduce_max3A_758 : vector<16xi32>, vector<16xi1> -> vector<16xi32>
      %reduce_max3A_763 = arith.xori %reduce_max3A_762, %reduce_max3A_760 : vector<16xi32>
      %reduce_max3A_764 = vector.extract %reduce_max3A_763[15] : i32 from vector<16xi32>
      %max3A = arith.constant 768 : i32
      %max3A_765 = arith.maxsi %reduce_max3A_764, %max3A : i32
      %eq3A_766 = vector.broadcast %while3A_750 : i32 to vector<16xi32>
      %eq3A_767 = arith.cmpi eq, %iota3A, %eq3A_766 : vector<16xi32>
      %jit3A_768 = arith.constant 0 : i32
      %broadcast_in_dim3A_769 = vector.broadcast %jit3A_768 : i32 to vector<16xi32>
      %select_n3A_770 = arith.select %eq3A_767, %cumsum3A_53, %broadcast_in_dim3A_769 : vector<16xi1>, vector<16xi32>
      %reduce_max3A_771 = arith.constant true
      %reduce_max3A_772 = vector.broadcast %reduce_max3A_771 : i1 to vector<16xi1>
      %reduce_max3A_773 = arith.constant -2147483648 : i32
      %reduce_max3A_774 = vector.broadcast %reduce_max3A_773 : i32 to vector<16xi32>
      %reduce_max3A_775 = arith.xori %select_n3A_770, %reduce_max3A_774 : vector<16xi32>
      %reduce_max3A_776 = tpu.scan <max>, %reduce_max3A_775 masked %reduce_max3A_772 : vector<16xi32>, vector<16xi1> -> vector<16xi32>
      %reduce_max3A_777 = arith.xori %reduce_max3A_776, %reduce_max3A_774 : vector<16xi32>
      %reduce_max3A_778 = vector.extract %reduce_max3A_777[15] : i32 from vector<16xi32>
      %min3A = arith.constant 1024 : i32
      %min3A_779 = arith.minsi %reduce_max3A_778, %min3A : i32
      %parallel_loop3A = arith.constant 1 : i32
      %parallel_loop3A_780:8 = scf.for %parallel_loop3A_838 = %max3A_765 to %min3A_779 step %parallel_loop3A iter_args(%parallel_loop3A_839 = %broadcast_in_dim3A_77, %parallel_loop3A_840 = %broadcast_in_dim3A_77, %parallel_loop3A_841 = %broadcast_in_dim3A_77, %parallel_loop3A_842 = %broadcast_in_dim3A_77, %parallel_loop3A_843 = %broadcast_in_dim3A_77, %parallel_loop3A_844 = %broadcast_in_dim3A_77, %parallel_loop3A_845 = %broadcast_in_dim3A_77, %parallel_loop3A_846 = %broadcast_in_dim3A_77) -> (vector<16xf32>, vector<16xf32>, vector<16xf32>, vector<16xf32>, vector<16xf32>, vector<16xf32>, vector<16xf32>, vector<16xf32>)  : i32 {
        %parallel_loop3A_847 = arith.constant 0 : i32
        %parallel_loop3A_848 = vector.broadcast %parallel_loop3A_847 : i32 to vector<16xi32>
        %parallel_loop3A_849 = vector.broadcast %parallel_loop3A_838 : i32 to vector<16xi32>
        %parallel_loop3A_850 = arith.addi %parallel_loop3A_848, %parallel_loop3A_849 : vector<16xi32>
        %parallel_loop3A_851 = tpu.vector_load_idx %arg9[%parallel_loop3A_850] : memref<1024xf32, #tpu.memory_space<vmem>>[vector<16xi32>], vector<16xf32>,
        %parallel_loop3A_852 = arith.constant 768 : i32
        %parallel_loop3A_853 = arith.subi %parallel_loop3A_838, %parallel_loop3A_852 : i32
        %parallel_loop3A_854 = arith.constant 1 : i32
        %parallel_loop3A_855 = arith.index_cast %parallel_loop3A_854 : i32 to index
        %parallel_loop3A_856 = arith.index_cast %parallel_loop3A_853 : i32 to index
        %parallel_loop3A_857 = arith.constant 0 : index
        %parallel_loop3A_858 = tpu.vector_load %arg8[%parallel_loop3A_855, %parallel_loop3A_856, %parallel_loop3A_857] {strides = array<i32>} : memref<2x256x128xf32, #tpu.memory_space<vmem>>, vector<16xf32>,
        %parallel_loop3A_859 = arith.mulf %parallel_loop3A_851, %parallel_loop3A_858 : vector<16xf32>
        %parallel_loop3A_860 = arith.addf %parallel_loop3A_839, %parallel_loop3A_859 : vector<16xf32>
        %parallel_loop3A_861 = arith.constant 1 : i32
        %parallel_loop3A_862 = arith.index_cast %parallel_loop3A_861 : i32 to index
        %parallel_loop3A_863 = arith.index_cast %parallel_loop3A_853 : i32 to index
        %parallel_loop3A_864 = arith.constant 16 : index
        %parallel_loop3A_865 = tpu.vector_load %arg8[%parallel_loop3A_862, %parallel_loop3A_863, %parallel_loop3A_864] {strides = array<i32>} : memref<2x256x128xf32, #tpu.memory_space<vmem>>, vector<16xf32>,
        %parallel_loop3A_866 = arith.mulf %parallel_loop3A_851, %parallel_loop3A_865 : vector<16xf32>
        %parallel_loop3A_867 = arith.addf %parallel_loop3A_840, %parallel_loop3A_866 : vector<16xf32>
        %parallel_loop3A_868 = arith.constant 1 : i32
        %parallel_loop3A_869 = arith.index_cast %parallel_loop3A_868 : i32 to index
        %parallel_loop3A_870 = arith.index_cast %parallel_loop3A_853 : i32 to index
        %parallel_loop3A_871 = arith.constant 32 : index
        %parallel_loop3A_872 = tpu.vector_load %arg8[%parallel_loop3A_869, %parallel_loop3A_870, %parallel_loop3A_871] {strides = array<i32>} : memref<2x256x128xf32, #tpu.memory_space<vmem>>, vector<16xf32>,
        %parallel_loop3A_873 = arith.mulf %parallel_loop3A_851, %parallel_loop3A_872 : vector<16xf32>
        %parallel_loop3A_874 = arith.addf %parallel_loop3A_841, %parallel_loop3A_873 : vector<16xf32>
        %parallel_loop3A_875 = arith.constant 1 : i32
        %parallel_loop3A_876 = arith.index_cast %parallel_loop3A_875 : i32 to index
        %parallel_loop3A_877 = arith.index_cast %parallel_loop3A_853 : i32 to index
        %parallel_loop3A_878 = arith.constant 48 : index
        %parallel_loop3A_879 = tpu.vector_load %arg8[%parallel_loop3A_876, %parallel_loop3A_877, %parallel_loop3A_878] {strides = array<i32>} : memref<2x256x128xf32, #tpu.memory_space<vmem>>, vector<16xf32>,
        %parallel_loop3A_880 = arith.mulf %parallel_loop3A_851, %parallel_loop3A_879 : vector<16xf32>
        %parallel_loop3A_881 = arith.addf %parallel_loop3A_842, %parallel_loop3A_880 : vector<16xf32>
        %parallel_loop3A_882 = arith.constant 1 : i32
        %parallel_loop3A_883 = arith.index_cast %parallel_loop3A_882 : i32 to index
        %parallel_loop3A_884 = arith.index_cast %parallel_loop3A_853 : i32 to index
        %parallel_loop3A_885 = arith.constant 64 : index
        %parallel_loop3A_886 = tpu.vector_load %arg8[%parallel_loop3A_883, %parallel_loop3A_884, %parallel_loop3A_885] {strides = array<i32>} : memref<2x256x128xf32, #tpu.memory_space<vmem>>, vector<16xf32>,
        %parallel_loop3A_887 = arith.mulf %parallel_loop3A_851, %parallel_loop3A_886 : vector<16xf32>
        %parallel_loop3A_888 = arith.addf %parallel_loop3A_843, %parallel_loop3A_887 : vector<16xf32>
        %parallel_loop3A_889 = arith.constant 1 : i32
        %parallel_loop3A_890 = arith.index_cast %parallel_loop3A_889 : i32 to index
        %parallel_loop3A_891 = arith.index_cast %parallel_loop3A_853 : i32 to index
        %parallel_loop3A_892 = arith.constant 80 : index
        %parallel_loop3A_893 = tpu.vector_load %arg8[%parallel_loop3A_890, %parallel_loop3A_891, %parallel_loop3A_892] {strides = array<i32>} : memref<2x256x128xf32, #tpu.memory_space<vmem>>, vector<16xf32>,
        %parallel_loop3A_894 = arith.mulf %parallel_loop3A_851, %parallel_loop3A_893 : vector<16xf32>
        %parallel_loop3A_895 = arith.addf %parallel_loop3A_844, %parallel_loop3A_894 : vector<16xf32>
        %parallel_loop3A_896 = arith.constant 1 : i32
        %parallel_loop3A_897 = arith.index_cast %parallel_loop3A_896 : i32 to index
        %parallel_loop3A_898 = arith.index_cast %parallel_loop3A_853 : i32 to index
        %parallel_loop3A_899 = arith.constant 96 : index
        %parallel_loop3A_900 = tpu.vector_load %arg8[%parallel_loop3A_897, %parallel_loop3A_898, %parallel_loop3A_899] {strides = array<i32>} : memref<2x256x128xf32, #tpu.memory_space<vmem>>, vector<16xf32>,
        %parallel_loop3A_901 = arith.mulf %parallel_loop3A_851, %parallel_loop3A_900 : vector<16xf32>
        %parallel_loop3A_902 = arith.addf %parallel_loop3A_845, %parallel_loop3A_901 : vector<16xf32>
        %parallel_loop3A_903 = arith.constant 1 : i32
        %parallel_loop3A_904 = arith.index_cast %parallel_loop3A_903 : i32 to index
        %parallel_loop3A_905 = arith.index_cast %parallel_loop3A_853 : i32 to index
        %parallel_loop3A_906 = arith.constant 112 : index
        %parallel_loop3A_907 = tpu.vector_load %arg8[%parallel_loop3A_904, %parallel_loop3A_905, %parallel_loop3A_906] {strides = array<i32>} : memref<2x256x128xf32, #tpu.memory_space<vmem>>, vector<16xf32>,
        %parallel_loop3A_908 = arith.mulf %parallel_loop3A_851, %parallel_loop3A_907 : vector<16xf32>
        %parallel_loop3A_909 = arith.addf %parallel_loop3A_846, %parallel_loop3A_908 : vector<16xf32>
        scf.yield %parallel_loop3A_860, %parallel_loop3A_867, %parallel_loop3A_874, %parallel_loop3A_881, %parallel_loop3A_888, %parallel_loop3A_895, %parallel_loop3A_902, %parallel_loop3A_909 : vector<16xf32>, vector<16xf32>, vector<16xf32>, vector<16xf32>, vector<16xf32>, vector<16xf32>, vector<16xf32>, vector<16xf32>
      } {sc.loop_unroll_factor = 8 : i64, sc.parallel_access}
      %get3A_781 = arith.index_cast %while3A_750 : i32 to index
      %get3A_782 = arith.constant 0 : index
      %get3A_783 = tpu.vector_load %arg13[%get3A_781, %get3A_782] {strides = array<i32>} : memref<16x128xf32, #tpu.memory_space<vmem>>, vector<16xf32>,
      %add3A_784 = arith.addf %get3A_783, %parallel_loop3A_780#0 : vector<16xf32>
      %swap3A_785 = arith.index_cast %while3A_750 : i32 to index
      %swap3A_786 = arith.constant 0 : index
      %swap3A_787 = tpu.vector_load %arg13[%swap3A_785, %swap3A_786] {strides = array<i32>} : memref<16x128xf32, #tpu.memory_space<vmem>>, vector<16xf32>,
      tpu.vector_store %arg13[%swap3A_785, %swap3A_786], %add3A_784 {strides = array<i32>} : memref<16x128xf32, #tpu.memory_space<vmem>>, vector<16xf32>,
      %get3A_788 = arith.index_cast %while3A_750 : i32 to index
      %get3A_789 = arith.constant 16 : index
      %get3A_790 = tpu.vector_load %arg13[%get3A_788, %get3A_789] {strides = array<i32>} : memref<16x128xf32, #tpu.memory_space<vmem>>, vector<16xf32>,
      %add3A_791 = arith.addf %get3A_790, %parallel_loop3A_780#1 : vector<16xf32>
      %swap3A_792 = arith.index_cast %while3A_750 : i32 to index
      %swap3A_793 = arith.constant 16 : index
      %swap3A_794 = tpu.vector_load %arg13[%swap3A_792, %swap3A_793] {strides = array<i32>} : memref<16x128xf32, #tpu.memory_space<vmem>>, vector<16xf32>,
      tpu.vector_store %arg13[%swap3A_792, %swap3A_793], %add3A_791 {strides = array<i32>} : memref<16x128xf32, #tpu.memory_space<vmem>>, vector<16xf32>,
      %get3A_795 = arith.index_cast %while3A_750 : i32 to index
      %get3A_796 = arith.constant 32 : index
      %get3A_797 = tpu.vector_load %arg13[%get3A_795, %get3A_796] {strides = array<i32>} : memref<16x128xf32, #tpu.memory_space<vmem>>, vector<16xf32>,
      %add3A_798 = arith.addf %get3A_797, %parallel_loop3A_780#2 : vector<16xf32>
      %swap3A_799 = arith.index_cast %while3A_750 : i32 to index
      %swap3A_800 = arith.constant 32 : index
      %swap3A_801 = tpu.vector_load %arg13[%swap3A_799, %swap3A_800] {strides = array<i32>} : memref<16x128xf32, #tpu.memory_space<vmem>>, vector<16xf32>,
      tpu.vector_store %arg13[%swap3A_799, %swap3A_800], %add3A_798 {strides = array<i32>} : memref<16x128xf32, #tpu.memory_space<vmem>>, vector<16xf32>,
      %get3A_802 = arith.index_cast %while3A_750 : i32 to index
      %get3A_803 = arith.constant 48 : index
      %get3A_804 = tpu.vector_load %arg13[%get3A_802, %get3A_803] {strides = array<i32>} : memref<16x128xf32, #tpu.memory_space<vmem>>, vector<16xf32>,
      %add3A_805 = arith.addf %get3A_804, %parallel_loop3A_780#3 : vector<16xf32>
      %swap3A_806 = arith.index_cast %while3A_750 : i32 to index
      %swap3A_807 = arith.constant 48 : index
      %swap3A_808 = tpu.vector_load %arg13[%swap3A_806, %swap3A_807] {strides = array<i32>} : memref<16x128xf32, #tpu.memory_space<vmem>>, vector<16xf32>,
      tpu.vector_store %arg13[%swap3A_806, %swap3A_807], %add3A_805 {strides = array<i32>} : memref<16x128xf32, #tpu.memory_space<vmem>>, vector<16xf32>,
      %get3A_809 = arith.index_cast %while3A_750 : i32 to index
      %get3A_810 = arith.constant 64 : index
      %get3A_811 = tpu.vector_load %arg13[%get3A_809, %get3A_810] {strides = array<i32>} : memref<16x128xf32, #tpu.memory_space<vmem>>, vector<16xf32>,
      %add3A_812 = arith.addf %get3A_811, %parallel_loop3A_780#4 : vector<16xf32>
      %swap3A_813 = arith.index_cast %while3A_750 : i32 to index
      %swap3A_814 = arith.constant 64 : index
      %swap3A_815 = tpu.vector_load %arg13[%swap3A_813, %swap3A_814] {strides = array<i32>} : memref<16x128xf32, #tpu.memory_space<vmem>>, vector<16xf32>,
      tpu.vector_store %arg13[%swap3A_813, %swap3A_814], %add3A_812 {strides = array<i32>} : memref<16x128xf32, #tpu.memory_space<vmem>>, vector<16xf32>,
      %get3A_816 = arith.index_cast %while3A_750 : i32 to index
      %get3A_817 = arith.constant 80 : index
      %get3A_818 = tpu.vector_load %arg13[%get3A_816, %get3A_817] {strides = array<i32>} : memref<16x128xf32, #tpu.memory_space<vmem>>, vector<16xf32>,
      %add3A_819 = arith.addf %get3A_818, %parallel_loop3A_780#5 : vector<16xf32>
      %swap3A_820 = arith.index_cast %while3A_750 : i32 to index
      %swap3A_821 = arith.constant 80 : index
      %swap3A_822 = tpu.vector_load %arg13[%swap3A_820, %swap3A_821] {strides = array<i32>} : memref<16x128xf32, #tpu.memory_space<vmem>>, vector<16xf32>,
      tpu.vector_store %arg13[%swap3A_820, %swap3A_821], %add3A_819 {strides = array<i32>} : memref<16x128xf32, #tpu.memory_space<vmem>>, vector<16xf32>,
      %get3A_823 = arith.index_cast %while3A_750 : i32 to index
      %get3A_824 = arith.constant 96 : index
      %get3A_825 = tpu.vector_load %arg13[%get3A_823, %get3A_824] {strides = array<i32>} : memref<16x128xf32, #tpu.memory_space<vmem>>, vector<16xf32>,
      %add3A_826 = arith.addf %get3A_825, %parallel_loop3A_780#6 : vector<16xf32>
      %swap3A_827 = arith.index_cast %while3A_750 : i32 to index
      %swap3A_828 = arith.constant 96 : index
      %swap3A_829 = tpu.vector_load %arg13[%swap3A_827, %swap3A_828] {strides = array<i32>} : memref<16x128xf32, #tpu.memory_space<vmem>>, vector<16xf32>,
      tpu.vector_store %arg13[%swap3A_827, %swap3A_828], %add3A_826 {strides = array<i32>} : memref<16x128xf32, #tpu.memory_space<vmem>>, vector<16xf32>,
      %get3A_830 = arith.index_cast %while3A_750 : i32 to index
      %get3A_831 = arith.constant 112 : index
      %get3A_832 = tpu.vector_load %arg13[%get3A_830, %get3A_831] {strides = array<i32>} : memref<16x128xf32, #tpu.memory_space<vmem>>, vector<16xf32>,
      %add3A_833 = arith.addf %get3A_832, %parallel_loop3A_780#7 : vector<16xf32>
      %swap3A_834 = arith.index_cast %while3A_750 : i32 to index
      %swap3A_835 = arith.constant 112 : index
      %swap3A_836 = tpu.vector_load %arg13[%swap3A_834, %swap3A_835] {strides = array<i32>} : memref<16x128xf32, #tpu.memory_space<vmem>>, vector<16xf32>,
      tpu.vector_store %arg13[%swap3A_834, %swap3A_835], %add3A_833 {strides = array<i32>} : memref<16x128xf32, #tpu.memory_space<vmem>>, vector<16xf32>,
      %while3A_837 = arith.constant 0 : i32
      scf.yield %while3A_837 : i32
    }
    %add3A_722 = arith.constant 1 : i32
    %add3A_723 = arith.addi %reduce_max3A_75, %add3A_722 : i32
    %while3A_724 = arith.constant 0 : i32
    %while3A_725 = arith.subi %add3A_723, %reduce_min3A_62 : i32
    %while3A_726 = arith.addi %reduce_min3A_62, %while3A_725 : i32
    %while3A_727 = arith.constant 1 : i32
    %while3A_728 = arith.divsi %while3A_725, %while3A_727 : i32
    %while3A_729 = arith.muli %while3A_728, %while3A_727 : i32
    %while3A_730 = arith.addi %reduce_min3A_62, %while3A_729 : i32
    %while3A_731 = arith.constant 1 : i32
    %while3A_732 = scf.for %while3A_750 = %reduce_min3A_62 to %while3A_730 step %while3A_731 iter_args(%while3A_751 = %while3A_724) -> (i32)  : i32 {
      %broadcast_in_dim3A_752 = arith.constant 0 : i32
      %broadcast_in_dim3A_753 = vector.broadcast %broadcast_in_dim3A_752 : i32 to vector<16xi32>
      %add3A_754 = vector.broadcast %while3A_750 : i32 to vector<16xi32>
      %add3A_755 = arith.addi %broadcast_in_dim3A_753, %add3A_754 : vector<16xi32>
      %gather3A = tpu.vector_load_idx %arg11[%add3A_755] : memref<16xf32, #tpu.memory_space<vmem>>[vector<16xi32>], vector<16xf32>,
      %get3A_756 = arith.index_cast %while3A_750 : i32 to index
      %get3A_757 = arith.constant 0 : index
      %get3A_758 = tpu.vector_load %arg13[%get3A_756, %get3A_757] {strides = array<i32>} : memref<16x128xf32, #tpu.memory_space<vmem>>, vector<16xf32>,
      %add3A_759 = arith.constant 1.000000e-16 : f32
      %add3A_760 = vector.broadcast %add3A_759 : f32 to vector<16xf32>
      %add3A_761 = arith.addf %gather3A, %add3A_760 : vector<16xf32>
      %div3A = arith.divf %get3A_758, %add3A_761 : vector<16xf32>
      %swap3A_762 = arith.index_cast %while3A_750 : i32 to index
      %swap3A_763 = arith.constant 0 : index
      %swap3A_764 = tpu.vector_load %arg13[%swap3A_762, %swap3A_763] {strides = array<i32>} : memref<16x128xf32, #tpu.memory_space<vmem>>, vector<16xf32>,
      tpu.vector_store %arg13[%swap3A_762, %swap3A_763], %div3A {strides = array<i32>} : memref<16x128xf32, #tpu.memory_space<vmem>>, vector<16xf32>,
      %get3A_765 = arith.index_cast %while3A_750 : i32 to index
      %get3A_766 = arith.constant 16 : index
      %get3A_767 = tpu.vector_load %arg13[%get3A_765, %get3A_766] {strides = array<i32>} : memref<16x128xf32, #tpu.memory_space<vmem>>, vector<16xf32>,
      %add3A_768 = arith.constant 1.000000e-16 : f32
      %add3A_769 = vector.broadcast %add3A_768 : f32 to vector<16xf32>
      %add3A_770 = arith.addf %gather3A, %add3A_769 : vector<16xf32>
      %div3A_771 = arith.divf %get3A_767, %add3A_770 : vector<16xf32>
      %swap3A_772 = arith.index_cast %while3A_750 : i32 to index
      %swap3A_773 = arith.constant 16 : index
      %swap3A_774 = tpu.vector_load %arg13[%swap3A_772, %swap3A_773] {strides = array<i32>} : memref<16x128xf32, #tpu.memory_space<vmem>>, vector<16xf32>,
      tpu.vector_store %arg13[%swap3A_772, %swap3A_773], %div3A_771 {strides = array<i32>} : memref<16x128xf32, #tpu.memory_space<vmem>>, vector<16xf32>,
      %get3A_775 = arith.index_cast %while3A_750 : i32 to index
      %get3A_776 = arith.constant 32 : index
      %get3A_777 = tpu.vector_load %arg13[%get3A_775, %get3A_776] {strides = array<i32>} : memref<16x128xf32, #tpu.memory_space<vmem>>, vector<16xf32>,
      %add3A_778 = arith.constant 1.000000e-16 : f32
      %add3A_779 = vector.broadcast %add3A_778 : f32 to vector<16xf32>
      %add3A_780 = arith.addf %gather3A, %add3A_779 : vector<16xf32>
      %div3A_781 = arith.divf %get3A_777, %add3A_780 : vector<16xf32>
      %swap3A_782 = arith.index_cast %while3A_750 : i32 to index
      %swap3A_783 = arith.constant 32 : index
      %swap3A_784 = tpu.vector_load %arg13[%swap3A_782, %swap3A_783] {strides = array<i32>} : memref<16x128xf32, #tpu.memory_space<vmem>>, vector<16xf32>,
      tpu.vector_store %arg13[%swap3A_782, %swap3A_783], %div3A_781 {strides = array<i32>} : memref<16x128xf32, #tpu.memory_space<vmem>>, vector<16xf32>,
      %get3A_785 = arith.index_cast %while3A_750 : i32 to index
      %get3A_786 = arith.constant 48 : index
      %get3A_787 = tpu.vector_load %arg13[%get3A_785, %get3A_786] {strides = array<i32>} : memref<16x128xf32, #tpu.memory_space<vmem>>, vector<16xf32>,
      %add3A_788 = arith.constant 1.000000e-16 : f32
      %add3A_789 = vector.broadcast %add3A_788 : f32 to vector<16xf32>
      %add3A_790 = arith.addf %gather3A, %add3A_789 : vector<16xf32>
      %div3A_791 = arith.divf %get3A_787, %add3A_790 : vector<16xf32>
      %swap3A_792 = arith.index_cast %while3A_750 : i32 to index
      %swap3A_793 = arith.constant 48 : index
      %swap3A_794 = tpu.vector_load %arg13[%swap3A_792, %swap3A_793] {strides = array<i32>} : memref<16x128xf32, #tpu.memory_space<vmem>>, vector<16xf32>,
      tpu.vector_store %arg13[%swap3A_792, %swap3A_793], %div3A_791 {strides = array<i32>} : memref<16x128xf32, #tpu.memory_space<vmem>>, vector<16xf32>,
      %get3A_795 = arith.index_cast %while3A_750 : i32 to index
      %get3A_796 = arith.constant 64 : index
      %get3A_797 = tpu.vector_load %arg13[%get3A_795, %get3A_796] {strides = array<i32>} : memref<16x128xf32, #tpu.memory_space<vmem>>, vector<16xf32>,
      %add3A_798 = arith.constant 1.000000e-16 : f32
      %add3A_799 = vector.broadcast %add3A_798 : f32 to vector<16xf32>
      %add3A_800 = arith.addf %gather3A, %add3A_799 : vector<16xf32>
      %div3A_801 = arith.divf %get3A_797, %add3A_800 : vector<16xf32>
      %swap3A_802 = arith.index_cast %while3A_750 : i32 to index
      %swap3A_803 = arith.constant 64 : index
      %swap3A_804 = tpu.vector_load %arg13[%swap3A_802, %swap3A_803] {strides = array<i32>} : memref<16x128xf32, #tpu.memory_space<vmem>>, vector<16xf32>,
      tpu.vector_store %arg13[%swap3A_802, %swap3A_803], %div3A_801 {strides = array<i32>} : memref<16x128xf32, #tpu.memory_space<vmem>>, vector<16xf32>,
      %get3A_805 = arith.index_cast %while3A_750 : i32 to index
      %get3A_806 = arith.constant 80 : index
      %get3A_807 = tpu.vector_load %arg13[%get3A_805, %get3A_806] {strides = array<i32>} : memref<16x128xf32, #tpu.memory_space<vmem>>, vector<16xf32>,
      %add3A_808 = arith.constant 1.000000e-16 : f32
      %add3A_809 = vector.broadcast %add3A_808 : f32 to vector<16xf32>
      %add3A_810 = arith.addf %gather3A, %add3A_809 : vector<16xf32>
      %div3A_811 = arith.divf %get3A_807, %add3A_810 : vector<16xf32>
      %swap3A_812 = arith.index_cast %while3A_750 : i32 to index
      %swap3A_813 = arith.constant 80 : index
      %swap3A_814 = tpu.vector_load %arg13[%swap3A_812, %swap3A_813] {strides = array<i32>} : memref<16x128xf32, #tpu.memory_space<vmem>>, vector<16xf32>,
      tpu.vector_store %arg13[%swap3A_812, %swap3A_813], %div3A_811 {strides = array<i32>} : memref<16x128xf32, #tpu.memory_space<vmem>>, vector<16xf32>,
      %get3A_815 = arith.index_cast %while3A_750 : i32 to index
      %get3A_816 = arith.constant 96 : index
      %get3A_817 = tpu.vector_load %arg13[%get3A_815, %get3A_816] {strides = array<i32>} : memref<16x128xf32, #tpu.memory_space<vmem>>, vector<16xf32>,
      %add3A_818 = arith.constant 1.000000e-16 : f32
      %add3A_819 = vector.broadcast %add3A_818 : f32 to vector<16xf32>
      %add3A_820 = arith.addf %gather3A, %add3A_819 : vector<16xf32>
      %div3A_821 = arith.divf %get3A_817, %add3A_820 : vector<16xf32>
      %swap3A_822 = arith.index_cast %while3A_750 : i32 to index
      %swap3A_823 = arith.constant 96 : index
      %swap3A_824 = tpu.vector_load %arg13[%swap3A_822, %swap3A_823] {strides = array<i32>} : memref<16x128xf32, #tpu.memory_space<vmem>>, vector<16xf32>,
      tpu.vector_store %arg13[%swap3A_822, %swap3A_823], %div3A_821 {strides = array<i32>} : memref<16x128xf32, #tpu.memory_space<vmem>>, vector<16xf32>,
      %get3A_825 = arith.index_cast %while3A_750 : i32 to index
      %get3A_826 = arith.constant 112 : index
      %get3A_827 = tpu.vector_load %arg13[%get3A_825, %get3A_826] {strides = array<i32>} : memref<16x128xf32, #tpu.memory_space<vmem>>, vector<16xf32>,
      %add3A_828 = arith.constant 1.000000e-16 : f32
      %add3A_829 = vector.broadcast %add3A_828 : f32 to vector<16xf32>
      %add3A_830 = arith.addf %gather3A, %add3A_829 : vector<16xf32>
      %div3A_831 = arith.divf %get3A_827, %add3A_830 : vector<16xf32>
      %swap3A_832 = arith.index_cast %while3A_750 : i32 to index
      %swap3A_833 = arith.constant 112 : index
      %swap3A_834 = tpu.vector_load %arg13[%swap3A_832, %swap3A_833] {strides = array<i32>} : memref<16x128xf32, #tpu.memory_space<vmem>>, vector<16xf32>,
      tpu.vector_store %arg13[%swap3A_832, %swap3A_833], %div3A_831 {strides = array<i32>} : memref<16x128xf32, #tpu.memory_space<vmem>>, vector<16xf32>,
      %while3A_835 = arith.constant 0 : i32
      scf.yield %while3A_835 : i32
    }
    %while3A_733 = arith.constant 1 : i32
    %while3A_734 = scf.for %while3A_750 = %while3A_730 to %while3A_726 step %while3A_733 iter_args(%while3A_751 = %while3A_732) -> (i32)  : i32 {
      %broadcast_in_dim3A_752 = arith.constant 0 : i32
      %broadcast_in_dim3A_753 = vector.broadcast %broadcast_in_dim3A_752 : i32 to vector<16xi32>
      %add3A_754 = vector.broadcast %while3A_750 : i32 to vector<16xi32>
      %add3A_755 = arith.addi %broadcast_in_dim3A_753, %add3A_754 : vector<16xi32>
      %gather3A = tpu.vector_load_idx %arg11[%add3A_755] : memref<16xf32, #tpu.memory_space<vmem>>[vector<16xi32>], vector<16xf32>,
      %get3A_756 = arith.index_cast %while3A_750 : i32 to index
      %get3A_757 = arith.constant 0 : index
      %get3A_758 = tpu.vector_load %arg13[%get3A_756, %get3A_757] {strides = array<i32>} : memref<16x128xf32, #tpu.memory_space<vmem>>, vector<16xf32>,
      %add3A_759 = arith.constant 1.000000e-16 : f32
      %add3A_760 = vector.broadcast %add3A_759 : f32 to vector<16xf32>
      %add3A_761 = arith.addf %gather3A, %add3A_760 : vector<16xf32>
      %div3A = arith.divf %get3A_758, %add3A_761 : vector<16xf32>
      %swap3A_762 = arith.index_cast %while3A_750 : i32 to index
      %swap3A_763 = arith.constant 0 : index
      %swap3A_764 = tpu.vector_load %arg13[%swap3A_762, %swap3A_763] {strides = array<i32>} : memref<16x128xf32, #tpu.memory_space<vmem>>, vector<16xf32>,
      tpu.vector_store %arg13[%swap3A_762, %swap3A_763], %div3A {strides = array<i32>} : memref<16x128xf32, #tpu.memory_space<vmem>>, vector<16xf32>,
      %get3A_765 = arith.index_cast %while3A_750 : i32 to index
      %get3A_766 = arith.constant 16 : index
      %get3A_767 = tpu.vector_load %arg13[%get3A_765, %get3A_766] {strides = array<i32>} : memref<16x128xf32, #tpu.memory_space<vmem>>, vector<16xf32>,
      %add3A_768 = arith.constant 1.000000e-16 : f32
      %add3A_769 = vector.broadcast %add3A_768 : f32 to vector<16xf32>
      %add3A_770 = arith.addf %gather3A, %add3A_769 : vector<16xf32>
      %div3A_771 = arith.divf %get3A_767, %add3A_770 : vector<16xf32>
      %swap3A_772 = arith.index_cast %while3A_750 : i32 to index
      %swap3A_773 = arith.constant 16 : index
      %swap3A_774 = tpu.vector_load %arg13[%swap3A_772, %swap3A_773] {strides = array<i32>} : memref<16x128xf32, #tpu.memory_space<vmem>>, vector<16xf32>,
      tpu.vector_store %arg13[%swap3A_772, %swap3A_773], %div3A_771 {strides = array<i32>} : memref<16x128xf32, #tpu.memory_space<vmem>>, vector<16xf32>,
      %get3A_775 = arith.index_cast %while3A_750 : i32 to index
      %get3A_776 = arith.constant 32 : index
      %get3A_777 = tpu.vector_load %arg13[%get3A_775, %get3A_776] {strides = array<i32>} : memref<16x128xf32, #tpu.memory_space<vmem>>, vector<16xf32>,
      %add3A_778 = arith.constant 1.000000e-16 : f32
      %add3A_779 = vector.broadcast %add3A_778 : f32 to vector<16xf32>
      %add3A_780 = arith.addf %gather3A, %add3A_779 : vector<16xf32>
      %div3A_781 = arith.divf %get3A_777, %add3A_780 : vector<16xf32>
      %swap3A_782 = arith.index_cast %while3A_750 : i32 to index
      %swap3A_783 = arith.constant 32 : index
      %swap3A_784 = tpu.vector_load %arg13[%swap3A_782, %swap3A_783] {strides = array<i32>} : memref<16x128xf32, #tpu.memory_space<vmem>>, vector<16xf32>,
      tpu.vector_store %arg13[%swap3A_782, %swap3A_783], %div3A_781 {strides = array<i32>} : memref<16x128xf32, #tpu.memory_space<vmem>>, vector<16xf32>,
      %get3A_785 = arith.index_cast %while3A_750 : i32 to index
      %get3A_786 = arith.constant 48 : index
      %get3A_787 = tpu.vector_load %arg13[%get3A_785, %get3A_786] {strides = array<i32>} : memref<16x128xf32, #tpu.memory_space<vmem>>, vector<16xf32>,
      %add3A_788 = arith.constant 1.000000e-16 : f32
      %add3A_789 = vector.broadcast %add3A_788 : f32 to vector<16xf32>
      %add3A_790 = arith.addf %gather3A, %add3A_789 : vector<16xf32>
      %div3A_791 = arith.divf %get3A_787, %add3A_790 : vector<16xf32>
      %swap3A_792 = arith.index_cast %while3A_750 : i32 to index
      %swap3A_793 = arith.constant 48 : index
      %swap3A_794 = tpu.vector_load %arg13[%swap3A_792, %swap3A_793] {strides = array<i32>} : memref<16x128xf32, #tpu.memory_space<vmem>>, vector<16xf32>,
      tpu.vector_store %arg13[%swap3A_792, %swap3A_793], %div3A_791 {strides = array<i32>} : memref<16x128xf32, #tpu.memory_space<vmem>>, vector<16xf32>,
      %get3A_795 = arith.index_cast %while3A_750 : i32 to index
      %get3A_796 = arith.constant 64 : index
      %get3A_797 = tpu.vector_load %arg13[%get3A_795, %get3A_796] {strides = array<i32>} : memref<16x128xf32, #tpu.memory_space<vmem>>, vector<16xf32>,
      %add3A_798 = arith.constant 1.000000e-16 : f32
      %add3A_799 = vector.broadcast %add3A_798 : f32 to vector<16xf32>
      %add3A_800 = arith.addf %gather3A, %add3A_799 : vector<16xf32>
      %div3A_801 = arith.divf %get3A_797, %add3A_800 : vector<16xf32>
      %swap3A_802 = arith.index_cast %while3A_750 : i32 to index
      %swap3A_803 = arith.constant 64 : index
      %swap3A_804 = tpu.vector_load %arg13[%swap3A_802, %swap3A_803] {strides = array<i32>} : memref<16x128xf32, #tpu.memory_space<vmem>>, vector<16xf32>,
      tpu.vector_store %arg13[%swap3A_802, %swap3A_803], %div3A_801 {strides = array<i32>} : memref<16x128xf32, #tpu.memory_space<vmem>>, vector<16xf32>,
      %get3A_805 = arith.index_cast %while3A_750 : i32 to index
      %get3A_806 = arith.constant 80 : index
      %get3A_807 = tpu.vector_load %arg13[%get3A_805, %get3A_806] {strides = array<i32>} : memref<16x128xf32, #tpu.memory_space<vmem>>, vector<16xf32>,
      %add3A_808 = arith.constant 1.000000e-16 : f32
      %add3A_809 = vector.broadcast %add3A_808 : f32 to vector<16xf32>
      %add3A_810 = arith.addf %gather3A, %add3A_809 : vector<16xf32>
      %div3A_811 = arith.divf %get3A_807, %add3A_810 : vector<16xf32>
      %swap3A_812 = arith.index_cast %while3A_750 : i32 to index
      %swap3A_813 = arith.constant 80 : index
      %swap3A_814 = tpu.vector_load %arg13[%swap3A_812, %swap3A_813] {strides = array<i32>} : memref<16x128xf32, #tpu.memory_space<vmem>>, vector<16xf32>,
      tpu.vector_store %arg13[%swap3A_812, %swap3A_813], %div3A_811 {strides = array<i32>} : memref<16x128xf32, #tpu.memory_space<vmem>>, vector<16xf32>,
      %get3A_815 = arith.index_cast %while3A_750 : i32 to index
      %get3A_816 = arith.constant 96 : index
      %get3A_817 = tpu.vector_load %arg13[%get3A_815, %get3A_816] {strides = array<i32>} : memref<16x128xf32, #tpu.memory_space<vmem>>, vector<16xf32>,
      %add3A_818 = arith.constant 1.000000e-16 : f32
      %add3A_819 = vector.broadcast %add3A_818 : f32 to vector<16xf32>
      %add3A_820 = arith.addf %gather3A, %add3A_819 : vector<16xf32>
      %div3A_821 = arith.divf %get3A_817, %add3A_820 : vector<16xf32>
      %swap3A_822 = arith.index_cast %while3A_750 : i32 to index
      %swap3A_823 = arith.constant 96 : index
      %swap3A_824 = tpu.vector_load %arg13[%swap3A_822, %swap3A_823] {strides = array<i32>} : memref<16x128xf32, #tpu.memory_space<vmem>>, vector<16xf32>,
      tpu.vector_store %arg13[%swap3A_822, %swap3A_823], %div3A_821 {strides = array<i32>} : memref<16x128xf32, #tpu.memory_space<vmem>>, vector<16xf32>,
      %get3A_825 = arith.index_cast %while3A_750 : i32 to index
      %get3A_826 = arith.constant 112 : index
      %get3A_827 = tpu.vector_load %arg13[%get3A_825, %get3A_826] {strides = array<i32>} : memref<16x128xf32, #tpu.memory_space<vmem>>, vector<16xf32>,
      %add3A_828 = arith.constant 1.000000e-16 : f32
      %add3A_829 = vector.broadcast %add3A_828 : f32 to vector<16xf32>
      %add3A_830 = arith.addf %gather3A, %add3A_829 : vector<16xf32>
      %div3A_831 = arith.divf %get3A_827, %add3A_830 : vector<16xf32>
      %swap3A_832 = arith.index_cast %while3A_750 : i32 to index
      %swap3A_833 = arith.constant 112 : index
      %swap3A_834 = tpu.vector_load %arg13[%swap3A_832, %swap3A_833] {strides = array<i32>} : memref<16x128xf32, #tpu.memory_space<vmem>>, vector<16xf32>,
      tpu.vector_store %arg13[%swap3A_832, %swap3A_833], %div3A_831 {strides = array<i32>} : memref<16x128xf32, #tpu.memory_space<vmem>>, vector<16xf32>,
      %while3A_835 = arith.constant 0 : i32
      scf.yield %while3A_835 : i32
    }
    %swap3A_735 = arith.constant 0 : index
    %swap3A_736 = tpu.vector_load %arg14[%swap3A_735] {strides = array<i32>} : memref<16xi32, #tpu.memory_space<vmem>>, vector<16xi32>,
    tpu.vector_store %arg14[%swap3A_735], %iota3A {strides = array<i32>} : memref<16xi32, #tpu.memory_space<vmem>>, vector<16xi32>,
    %eq3A = arith.constant 0 : i32
    %eq3A_737 = arith.cmpi eq, %arg1, %eq3A : i32
    %convert_element_type3A_738 = arith.extui %eq3A_737 : i1 to i32
    %cond3A = arith.constant 0 : i32
    %cond3A_739 = arith.cmpi ne, %convert_element_type3A_738, %cond3A : i32
    scf.if %cond3A_739 {
      "tpu.region"() ({
        %run_scoped3A = tpu.sem_alloc : memref<!tpu.dma_semaphore, #tpu.memory_space<semaphore_mem>>
        tpu.enqueue_dma source(%arg13 : memref<16x128xf32, #tpu.memory_space<vmem>>) target(%arg15 : memref<16x128xf32, #tpu.memory_space<vmem_shared>>) target_semaphore(%run_scoped3A : memref<!tpu.dma_semaphore, #tpu.memory_space<semaphore_mem>>)
        tpu.wait_dma2 semaphore(%run_scoped3A : memref<!tpu.dma_semaphore, #tpu.memory_space<semaphore_mem>>) src(%arg13 : memref<16x128xf32, #tpu.memory_space<vmem>>) dst(%arg15 : memref<16x128xf32, #tpu.memory_space<vmem_shared>>)
        tpu.yield
      }) : () -> ()
    } else {
    }
    %barrier3A = arith.constant 0 : index
    tpu.barrier barrier_id(%barrier3A)
    %ne3A = arith.constant 0 : i32
    %ne3A_740 = arith.cmpi ne, %arg1, %ne3A : i32
    %convert_element_type3A_741 = arith.extui %ne3A_740 : i1 to i32
    %cond3A_742 = arith.constant 0 : i32
    %cond3A_743 = arith.cmpi ne, %convert_element_type3A_741, %cond3A_742 : i32
    scf.if %cond3A_743 {
      "tpu.region"() ({
        %run_scoped3A = tpu.sem_alloc : memref<!tpu.dma_semaphore, #tpu.memory_space<semaphore_mem>>
        %dma_start3A_750 = arith.constant 0 : i32
        %dma_start3A_751 = arith.constant 0 : i32
        %dma_start3A_752 = tpu.memref_slice %arg15[%dma_start3A_750, %dma_start3A_751] : memref<16x128xf32, #tpu.memory_space<vmem_shared>> -> memref<16x128xf32, #tpu.memory_space<vmem_shared>>
        tpu.enqueue_indirect_dma source(%arg13 : memref<16x128xf32, #tpu.memory_space<vmem>>) target(%dma_start3A_752 : memref<16x128xf32, #tpu.memory_space<vmem_shared>>) offsets(%arg14 : memref<16xi32, #tpu.memory_space<vmem>>) semaphore(%run_scoped3A : memref<!tpu.dma_semaphore, #tpu.memory_space<semaphore_mem>>) {add = true}
        %dma_wait3A_753 = arith.constant 0 : i32
        %dma_wait3A_754 = arith.constant 0 : i32
        %dma_wait3A_755 = tpu.memref_slice %arg15[%dma_wait3A_753, %dma_wait3A_754] : memref<16x128xf32, #tpu.memory_space<vmem_shared>> -> memref<16x128xf32, #tpu.memory_space<vmem_shared>>
        tpu.wait_indirect_dma semaphore(%run_scoped3A : memref<!tpu.dma_semaphore, #tpu.memory_space<semaphore_mem>>) src(%arg13 : memref<16x128xf32, #tpu.memory_space<vmem>>) dst(%dma_wait3A_755 : memref<16x128xf32, #tpu.memory_space<vmem_shared>>)
        tpu.yield
      }) : () -> ()
    } else {
    }
    %barrier3A_744 = arith.constant 0 : index
    tpu.barrier barrier_id(%barrier3A_744)
    %eq3A_745 = arith.constant 0 : i32
    %eq3A_746 = arith.cmpi eq, %arg1, %eq3A_745 : i32
    %convert_element_type3A_747 = arith.extui %eq3A_746 : i1 to i32
    %cond3A_748 = arith.constant 0 : i32
    %cond3A_749 = arith.cmpi ne, %convert_element_type3A_747, %cond3A_748 : i32
    scf.if %cond3A_749 {
      "tpu.region"() ({
        %run_scoped3A = tpu.sem_alloc : memref<!tpu.dma_semaphore, #tpu.memory_space<semaphore_mem>>
        %dma_start3A_750 = arith.constant 0 : i32
        %dma_start3A_751 = arith.constant 0 : i32
        %dma_start3A_752 = tpu.memref_slice %arg7[%arg0, %dma_start3A_750, %dma_start3A_751] : memref<2x16x128xf32, #tpu.memory_space<hbm>> -> memref<1x16x128xf32, #tpu.memory_space<hbm>>
        %dma_start3A_753 = tpu.memref_squeeze %dma_start3A_752 : memref<1x16x128xf32, #tpu.memory_space<hbm>> -> memref<16x128xf32, #tpu.memory_space<hbm>>
        tpu.enqueue_dma source(%arg15 : memref<16x128xf32, #tpu.memory_space<vmem_shared>>) target(%dma_start3A_753 : memref<16x128xf32, #tpu.memory_space<hbm>>) target_semaphore(%run_scoped3A : memref<!tpu.dma_semaphore, #tpu.memory_space<semaphore_mem>>)
        %dma_wait3A_754 = arith.constant 0 : i32
        %dma_wait3A_755 = arith.constant 0 : i32
        %dma_wait3A_756 = tpu.memref_slice %arg7[%arg0, %dma_wait3A_754, %dma_wait3A_755] : memref<2x16x128xf32, #tpu.memory_space<hbm>> -> memref<1x16x128xf32, #tpu.memory_space<hbm>>
        %dma_wait3A_757 = tpu.memref_squeeze %dma_wait3A_756 : memref<1x16x128xf32, #tpu.memory_space<hbm>> -> memref<16x128xf32, #tpu.memory_space<hbm>>
        tpu.wait_dma2 semaphore(%run_scoped3A : memref<!tpu.dma_semaphore, #tpu.memory_space<semaphore_mem>>) src(%arg15 : memref<16x128xf32, #tpu.memory_space<vmem_shared>>) dst(%dma_wait3A_757 : memref<16x128xf32, #tpu.memory_space<hbm>>)
        tpu.yield
      }) : () -> ()
    } else {
    }
    return
  }
}

module attributes {stable_mosaic.version = 14 : i64} {
  func.func @_tc_body(%arg0: i32, %arg1: memref<16xi32, #tpu.memory_space<smem>>, %arg2: memref<32768x128xf32, #tpu.memory_space<hbm>>, %arg3: memref<8192x128xf32, #tpu.memory_space<vmem>>, %arg4: memref<1x1x8192xi32, #tpu.memory_space<vmem>>, %arg5: memref<128x128xf32, #tpu.memory_space<vmem>>, %arg6: memref<1x128xf32, #tpu.memory_space<vmem>>, %arg7: memref<128x128xf32, #tpu.memory_space<vmem>>, %arg8: memref<128x1xf32, #tpu.memory_space<vmem>>, %arg9: memref<1x1xf32, #tpu.memory_space<vmem>>, %arg10: memref<1x1x8192xf32, #tpu.memory_space<vmem>>, %arg11: memref<16x1xf32, #tpu.memory_space<vmem>>, %arg12: memref<8x1x16xf32, #tpu.memory_space<vmem>>, %arg13: memref<16x128xf32, #tpu.memory_space<vmem>>, %arg14: memref<16x1xf32, #tpu.memory_space<vmem>>, %arg15: memref<16x128xf32, #tpu.memory_space<vmem>>, %arg16: memref<1xf32, #tpu.memory_space<smem>>, %arg17: memref<!tpu.dma_semaphore, #tpu.memory_space<semaphore_mem>>) attributes {dimension_semantics = [#tpu.dimension_semantics<arbitrary>], iteration_bounds = array<i64: 4>, scalar_prefetch = 0 : i64, scratch_operands = 5 : i64, tpu.core_type = #tpu.core_type<tc>, window_params = [{transform_indices = @transform_0, window_bounds = array<i64: 16>}, {}, {transform_indices = @transform_2, window_bounds = array<i64: 8192, 128>}, {transform_indices = @transform_3, window_bounds = array<i64: 1, 1, 8192>}, {pipeline_mode = #tpu.pipeline_mode<synchronous>, transform_indices = @transform_4, window_bounds = array<i64: 128, 128>}, {pipeline_mode = #tpu.pipeline_mode<synchronous>, transform_indices = @transform_5, window_bounds = array<i64: 1, 128>}, {pipeline_mode = #tpu.pipeline_mode<synchronous>, transform_indices = @transform_6, window_bounds = array<i64: 128, 128>}, {pipeline_mode = #tpu.pipeline_mode<synchronous>, transform_indices = @transform_7, window_bounds = array<i64: 128, 1>}, {pipeline_mode = #tpu.pipeline_mode<synchronous>, transform_indices = @transform_8, window_bounds = array<i64: 1, 1>}, {transform_indices = @transform_9, window_bounds = array<i64: 1, 1, 8192>}, {pipeline_mode = #tpu.pipeline_mode<synchronous>, transform_indices = @transform_10, window_bounds = array<i64: 16, 1>}, {transform_indices = @transform_11, window_bounds = array<i64: 8, 1, 16>}]} {
    %eq3A = arith.constant 0 : i32
    %eq3A_0 = arith.cmpi eq, %arg0, %eq3A : i32
    %convert_element_type3A = arith.extui %eq3A_0 : i1 to i32
    %cond3A = arith.constant 0 : i32
    %cond3A_1 = arith.cmpi ne, %convert_element_type3A, %cond3A : i32
    scf.if %cond3A_1 {
      %get3A_99 = arith.constant 0 : index
      %get3A_100 = memref.load %arg1[%get3A_99] : memref<16xi32, #tpu.memory_space<smem>>
      %get3A_101 = arith.constant 1 : index
      %get3A_102 = memref.load %arg1[%get3A_101] : memref<16xi32, #tpu.memory_space<smem>>
      %get3A_103 = arith.constant 2 : index
      %get3A_104 = memref.load %arg1[%get3A_103] : memref<16xi32, #tpu.memory_space<smem>>
      %get3A_105 = arith.constant 3 : index
      %get3A_106 = memref.load %arg1[%get3A_105] : memref<16xi32, #tpu.memory_space<smem>>
      %get3A_107 = arith.constant 4 : index
      %get3A_108 = memref.load %arg1[%get3A_107] : memref<16xi32, #tpu.memory_space<smem>>
      %get3A_109 = arith.constant 5 : index
      %get3A_110 = memref.load %arg1[%get3A_109] : memref<16xi32, #tpu.memory_space<smem>>
      %get3A_111 = arith.constant 6 : index
      %get3A_112 = memref.load %arg1[%get3A_111] : memref<16xi32, #tpu.memory_space<smem>>
      %get3A_113 = arith.constant 7 : index
      %get3A_114 = memref.load %arg1[%get3A_113] : memref<16xi32, #tpu.memory_space<smem>>
      %get3A_115 = arith.constant 8 : index
      %get3A_116 = memref.load %arg1[%get3A_115] : memref<16xi32, #tpu.memory_space<smem>>
      %get3A_117 = arith.constant 9 : index
      %get3A_118 = memref.load %arg1[%get3A_117] : memref<16xi32, #tpu.memory_space<smem>>
      %get3A_119 = arith.constant 10 : index
      %get3A_120 = memref.load %arg1[%get3A_119] : memref<16xi32, #tpu.memory_space<smem>>
      %get3A_121 = arith.constant 11 : index
      %get3A_122 = memref.load %arg1[%get3A_121] : memref<16xi32, #tpu.memory_space<smem>>
      %get3A_123 = arith.constant 12 : index
      %get3A_124 = memref.load %arg1[%get3A_123] : memref<16xi32, #tpu.memory_space<smem>>
      %get3A_125 = arith.constant 13 : index
      %get3A_126 = memref.load %arg1[%get3A_125] : memref<16xi32, #tpu.memory_space<smem>>
      %get3A_127 = arith.constant 14 : index
      %get3A_128 = memref.load %arg1[%get3A_127] : memref<16xi32, #tpu.memory_space<smem>>
      %get3A_129 = arith.constant 15 : index
      %get3A_130 = memref.load %arg1[%get3A_129] : memref<16xi32, #tpu.memory_space<smem>>
      %dma_start3A = arith.constant 0 : i32
      %dma_start3A_131 = arith.constant 0 : i32
      %dma_start3A_132 = tpu.memref_slice %arg15[%dma_start3A, %dma_start3A_131] : memref<16x128xf32, #tpu.memory_space<vmem>> -> memref<1x128xf32, #tpu.memory_space<vmem>>
      %dma_start3A_133 = arith.constant 0 : i32
      %dma_start3A_134 = tpu.memref_slice %arg2[%get3A_100, %dma_start3A_133] : memref<32768x128xf32, #tpu.memory_space<hbm>> -> memref<1x128xf32, #tpu.memory_space<hbm>>
      tpu.enqueue_dma source(%dma_start3A_134 : memref<1x128xf32, #tpu.memory_space<hbm>>) target(%dma_start3A_132 : memref<1x128xf32, #tpu.memory_space<vmem>>) target_semaphore(%arg17 : memref<!tpu.dma_semaphore, #tpu.memory_space<semaphore_mem>>)
      %dma_start3A_135 = arith.constant 1 : i32
      %dma_start3A_136 = arith.constant 0 : i32
      %dma_start3A_137 = tpu.memref_slice %arg15[%dma_start3A_135, %dma_start3A_136] : memref<16x128xf32, #tpu.memory_space<vmem>> -> memref<1x128xf32, #tpu.memory_space<vmem>>
      %dma_start3A_138 = arith.constant 0 : i32
      %dma_start3A_139 = tpu.memref_slice %arg2[%get3A_102, %dma_start3A_138] : memref<32768x128xf32, #tpu.memory_space<hbm>> -> memref<1x128xf32, #tpu.memory_space<hbm>>
      tpu.enqueue_dma source(%dma_start3A_139 : memref<1x128xf32, #tpu.memory_space<hbm>>) target(%dma_start3A_137 : memref<1x128xf32, #tpu.memory_space<vmem>>) target_semaphore(%arg17 : memref<!tpu.dma_semaphore, #tpu.memory_space<semaphore_mem>>)
      %dma_start3A_140 = arith.constant 2 : i32
      %dma_start3A_141 = arith.constant 0 : i32
      %dma_start3A_142 = tpu.memref_slice %arg15[%dma_start3A_140, %dma_start3A_141] : memref<16x128xf32, #tpu.memory_space<vmem>> -> memref<1x128xf32, #tpu.memory_space<vmem>>
      %dma_start3A_143 = arith.constant 0 : i32
      %dma_start3A_144 = tpu.memref_slice %arg2[%get3A_104, %dma_start3A_143] : memref<32768x128xf32, #tpu.memory_space<hbm>> -> memref<1x128xf32, #tpu.memory_space<hbm>>
      tpu.enqueue_dma source(%dma_start3A_144 : memref<1x128xf32, #tpu.memory_space<hbm>>) target(%dma_start3A_142 : memref<1x128xf32, #tpu.memory_space<vmem>>) target_semaphore(%arg17 : memref<!tpu.dma_semaphore, #tpu.memory_space<semaphore_mem>>)
      %dma_start3A_145 = arith.constant 3 : i32
      %dma_start3A_146 = arith.constant 0 : i32
      %dma_start3A_147 = tpu.memref_slice %arg15[%dma_start3A_145, %dma_start3A_146] : memref<16x128xf32, #tpu.memory_space<vmem>> -> memref<1x128xf32, #tpu.memory_space<vmem>>
      %dma_start3A_148 = arith.constant 0 : i32
      %dma_start3A_149 = tpu.memref_slice %arg2[%get3A_106, %dma_start3A_148] : memref<32768x128xf32, #tpu.memory_space<hbm>> -> memref<1x128xf32, #tpu.memory_space<hbm>>
      tpu.enqueue_dma source(%dma_start3A_149 : memref<1x128xf32, #tpu.memory_space<hbm>>) target(%dma_start3A_147 : memref<1x128xf32, #tpu.memory_space<vmem>>) target_semaphore(%arg17 : memref<!tpu.dma_semaphore, #tpu.memory_space<semaphore_mem>>)
      %dma_start3A_150 = arith.constant 4 : i32
      %dma_start3A_151 = arith.constant 0 : i32
      %dma_start3A_152 = tpu.memref_slice %arg15[%dma_start3A_150, %dma_start3A_151] : memref<16x128xf32, #tpu.memory_space<vmem>> -> memref<1x128xf32, #tpu.memory_space<vmem>>
      %dma_start3A_153 = arith.constant 0 : i32
      %dma_start3A_154 = tpu.memref_slice %arg2[%get3A_108, %dma_start3A_153] : memref<32768x128xf32, #tpu.memory_space<hbm>> -> memref<1x128xf32, #tpu.memory_space<hbm>>
      tpu.enqueue_dma source(%dma_start3A_154 : memref<1x128xf32, #tpu.memory_space<hbm>>) target(%dma_start3A_152 : memref<1x128xf32, #tpu.memory_space<vmem>>) target_semaphore(%arg17 : memref<!tpu.dma_semaphore, #tpu.memory_space<semaphore_mem>>)
      %dma_start3A_155 = arith.constant 5 : i32
      %dma_start3A_156 = arith.constant 0 : i32
      %dma_start3A_157 = tpu.memref_slice %arg15[%dma_start3A_155, %dma_start3A_156] : memref<16x128xf32, #tpu.memory_space<vmem>> -> memref<1x128xf32, #tpu.memory_space<vmem>>
      %dma_start3A_158 = arith.constant 0 : i32
      %dma_start3A_159 = tpu.memref_slice %arg2[%get3A_110, %dma_start3A_158] : memref<32768x128xf32, #tpu.memory_space<hbm>> -> memref<1x128xf32, #tpu.memory_space<hbm>>
      tpu.enqueue_dma source(%dma_start3A_159 : memref<1x128xf32, #tpu.memory_space<hbm>>) target(%dma_start3A_157 : memref<1x128xf32, #tpu.memory_space<vmem>>) target_semaphore(%arg17 : memref<!tpu.dma_semaphore, #tpu.memory_space<semaphore_mem>>)
      %dma_start3A_160 = arith.constant 6 : i32
      %dma_start3A_161 = arith.constant 0 : i32
      %dma_start3A_162 = tpu.memref_slice %arg15[%dma_start3A_160, %dma_start3A_161] : memref<16x128xf32, #tpu.memory_space<vmem>> -> memref<1x128xf32, #tpu.memory_space<vmem>>
      %dma_start3A_163 = arith.constant 0 : i32
      %dma_start3A_164 = tpu.memref_slice %arg2[%get3A_112, %dma_start3A_163] : memref<32768x128xf32, #tpu.memory_space<hbm>> -> memref<1x128xf32, #tpu.memory_space<hbm>>
      tpu.enqueue_dma source(%dma_start3A_164 : memref<1x128xf32, #tpu.memory_space<hbm>>) target(%dma_start3A_162 : memref<1x128xf32, #tpu.memory_space<vmem>>) target_semaphore(%arg17 : memref<!tpu.dma_semaphore, #tpu.memory_space<semaphore_mem>>)
      %dma_start3A_165 = arith.constant 7 : i32
      %dma_start3A_166 = arith.constant 0 : i32
      %dma_start3A_167 = tpu.memref_slice %arg15[%dma_start3A_165, %dma_start3A_166] : memref<16x128xf32, #tpu.memory_space<vmem>> -> memref<1x128xf32, #tpu.memory_space<vmem>>
      %dma_start3A_168 = arith.constant 0 : i32
      %dma_start3A_169 = tpu.memref_slice %arg2[%get3A_114, %dma_start3A_168] : memref<32768x128xf32, #tpu.memory_space<hbm>> -> memref<1x128xf32, #tpu.memory_space<hbm>>
      tpu.enqueue_dma source(%dma_start3A_169 : memref<1x128xf32, #tpu.memory_space<hbm>>) target(%dma_start3A_167 : memref<1x128xf32, #tpu.memory_space<vmem>>) target_semaphore(%arg17 : memref<!tpu.dma_semaphore, #tpu.memory_space<semaphore_mem>>)
      %dma_start3A_170 = arith.constant 8 : i32
      %dma_start3A_171 = arith.constant 0 : i32
      %dma_start3A_172 = tpu.memref_slice %arg15[%dma_start3A_170, %dma_start3A_171] : memref<16x128xf32, #tpu.memory_space<vmem>> -> memref<1x128xf32, #tpu.memory_space<vmem>>
      %dma_start3A_173 = arith.constant 0 : i32
      %dma_start3A_174 = tpu.memref_slice %arg2[%get3A_116, %dma_start3A_173] : memref<32768x128xf32, #tpu.memory_space<hbm>> -> memref<1x128xf32, #tpu.memory_space<hbm>>
      tpu.enqueue_dma source(%dma_start3A_174 : memref<1x128xf32, #tpu.memory_space<hbm>>) target(%dma_start3A_172 : memref<1x128xf32, #tpu.memory_space<vmem>>) target_semaphore(%arg17 : memref<!tpu.dma_semaphore, #tpu.memory_space<semaphore_mem>>)
      %dma_start3A_175 = arith.constant 9 : i32
      %dma_start3A_176 = arith.constant 0 : i32
      %dma_start3A_177 = tpu.memref_slice %arg15[%dma_start3A_175, %dma_start3A_176] : memref<16x128xf32, #tpu.memory_space<vmem>> -> memref<1x128xf32, #tpu.memory_space<vmem>>
      %dma_start3A_178 = arith.constant 0 : i32
      %dma_start3A_179 = tpu.memref_slice %arg2[%get3A_118, %dma_start3A_178] : memref<32768x128xf32, #tpu.memory_space<hbm>> -> memref<1x128xf32, #tpu.memory_space<hbm>>
      tpu.enqueue_dma source(%dma_start3A_179 : memref<1x128xf32, #tpu.memory_space<hbm>>) target(%dma_start3A_177 : memref<1x128xf32, #tpu.memory_space<vmem>>) target_semaphore(%arg17 : memref<!tpu.dma_semaphore, #tpu.memory_space<semaphore_mem>>)
      %dma_start3A_180 = arith.constant 10 : i32
      %dma_start3A_181 = arith.constant 0 : i32
      %dma_start3A_182 = tpu.memref_slice %arg15[%dma_start3A_180, %dma_start3A_181] : memref<16x128xf32, #tpu.memory_space<vmem>> -> memref<1x128xf32, #tpu.memory_space<vmem>>
      %dma_start3A_183 = arith.constant 0 : i32
      %dma_start3A_184 = tpu.memref_slice %arg2[%get3A_120, %dma_start3A_183] : memref<32768x128xf32, #tpu.memory_space<hbm>> -> memref<1x128xf32, #tpu.memory_space<hbm>>
      tpu.enqueue_dma source(%dma_start3A_184 : memref<1x128xf32, #tpu.memory_space<hbm>>) target(%dma_start3A_182 : memref<1x128xf32, #tpu.memory_space<vmem>>) target_semaphore(%arg17 : memref<!tpu.dma_semaphore, #tpu.memory_space<semaphore_mem>>)
      %dma_start3A_185 = arith.constant 11 : i32
      %dma_start3A_186 = arith.constant 0 : i32
      %dma_start3A_187 = tpu.memref_slice %arg15[%dma_start3A_185, %dma_start3A_186] : memref<16x128xf32, #tpu.memory_space<vmem>> -> memref<1x128xf32, #tpu.memory_space<vmem>>
      %dma_start3A_188 = arith.constant 0 : i32
      %dma_start3A_189 = tpu.memref_slice %arg2[%get3A_122, %dma_start3A_188] : memref<32768x128xf32, #tpu.memory_space<hbm>> -> memref<1x128xf32, #tpu.memory_space<hbm>>
      tpu.enqueue_dma source(%dma_start3A_189 : memref<1x128xf32, #tpu.memory_space<hbm>>) target(%dma_start3A_187 : memref<1x128xf32, #tpu.memory_space<vmem>>) target_semaphore(%arg17 : memref<!tpu.dma_semaphore, #tpu.memory_space<semaphore_mem>>)
      %dma_start3A_190 = arith.constant 12 : i32
      %dma_start3A_191 = arith.constant 0 : i32
      %dma_start3A_192 = tpu.memref_slice %arg15[%dma_start3A_190, %dma_start3A_191] : memref<16x128xf32, #tpu.memory_space<vmem>> -> memref<1x128xf32, #tpu.memory_space<vmem>>
      %dma_start3A_193 = arith.constant 0 : i32
      %dma_start3A_194 = tpu.memref_slice %arg2[%get3A_124, %dma_start3A_193] : memref<32768x128xf32, #tpu.memory_space<hbm>> -> memref<1x128xf32, #tpu.memory_space<hbm>>
      tpu.enqueue_dma source(%dma_start3A_194 : memref<1x128xf32, #tpu.memory_space<hbm>>) target(%dma_start3A_192 : memref<1x128xf32, #tpu.memory_space<vmem>>) target_semaphore(%arg17 : memref<!tpu.dma_semaphore, #tpu.memory_space<semaphore_mem>>)
      %dma_start3A_195 = arith.constant 13 : i32
      %dma_start3A_196 = arith.constant 0 : i32
      %dma_start3A_197 = tpu.memref_slice %arg15[%dma_start3A_195, %dma_start3A_196] : memref<16x128xf32, #tpu.memory_space<vmem>> -> memref<1x128xf32, #tpu.memory_space<vmem>>
      %dma_start3A_198 = arith.constant 0 : i32
      %dma_start3A_199 = tpu.memref_slice %arg2[%get3A_126, %dma_start3A_198] : memref<32768x128xf32, #tpu.memory_space<hbm>> -> memref<1x128xf32, #tpu.memory_space<hbm>>
      tpu.enqueue_dma source(%dma_start3A_199 : memref<1x128xf32, #tpu.memory_space<hbm>>) target(%dma_start3A_197 : memref<1x128xf32, #tpu.memory_space<vmem>>) target_semaphore(%arg17 : memref<!tpu.dma_semaphore, #tpu.memory_space<semaphore_mem>>)
      %dma_start3A_200 = arith.constant 14 : i32
      %dma_start3A_201 = arith.constant 0 : i32
      %dma_start3A_202 = tpu.memref_slice %arg15[%dma_start3A_200, %dma_start3A_201] : memref<16x128xf32, #tpu.memory_space<vmem>> -> memref<1x128xf32, #tpu.memory_space<vmem>>
      %dma_start3A_203 = arith.constant 0 : i32
      %dma_start3A_204 = tpu.memref_slice %arg2[%get3A_128, %dma_start3A_203] : memref<32768x128xf32, #tpu.memory_space<hbm>> -> memref<1x128xf32, #tpu.memory_space<hbm>>
      tpu.enqueue_dma source(%dma_start3A_204 : memref<1x128xf32, #tpu.memory_space<hbm>>) target(%dma_start3A_202 : memref<1x128xf32, #tpu.memory_space<vmem>>) target_semaphore(%arg17 : memref<!tpu.dma_semaphore, #tpu.memory_space<semaphore_mem>>)
      %dma_start3A_205 = arith.constant 15 : i32
      %dma_start3A_206 = arith.constant 0 : i32
      %dma_start3A_207 = tpu.memref_slice %arg15[%dma_start3A_205, %dma_start3A_206] : memref<16x128xf32, #tpu.memory_space<vmem>> -> memref<1x128xf32, #tpu.memory_space<vmem>>
      %dma_start3A_208 = arith.constant 0 : i32
      %dma_start3A_209 = tpu.memref_slice %arg2[%get3A_130, %dma_start3A_208] : memref<32768x128xf32, #tpu.memory_space<hbm>> -> memref<1x128xf32, #tpu.memory_space<hbm>>
      tpu.enqueue_dma source(%dma_start3A_209 : memref<1x128xf32, #tpu.memory_space<hbm>>) target(%dma_start3A_207 : memref<1x128xf32, #tpu.memory_space<vmem>>) target_semaphore(%arg17 : memref<!tpu.dma_semaphore, #tpu.memory_space<semaphore_mem>>)
      %dma_wait3A = arith.constant 0 : i32
      %dma_wait3A_210 = arith.constant 0 : i32
      %dma_wait3A_211 = tpu.memref_slice %arg15[%dma_wait3A, %dma_wait3A_210] : memref<16x128xf32, #tpu.memory_space<vmem>> -> memref<1x128xf32, #tpu.memory_space<vmem>>
      %dma_wait3A_212 = arith.constant 0 : i32
      %dma_wait3A_213 = tpu.memref_slice %arg2[%get3A_100, %dma_wait3A_212] : memref<32768x128xf32, #tpu.memory_space<hbm>> -> memref<1x128xf32, #tpu.memory_space<hbm>>
      tpu.wait_dma2 semaphore(%arg17 : memref<!tpu.dma_semaphore, #tpu.memory_space<semaphore_mem>>) src(%dma_wait3A_213 : memref<1x128xf32, #tpu.memory_space<hbm>>) dst(%dma_wait3A_211 : memref<1x128xf32, #tpu.memory_space<vmem>>)
      %dma_wait3A_214 = arith.constant 1 : i32
      %dma_wait3A_215 = arith.constant 0 : i32
      %dma_wait3A_216 = tpu.memref_slice %arg15[%dma_wait3A_214, %dma_wait3A_215] : memref<16x128xf32, #tpu.memory_space<vmem>> -> memref<1x128xf32, #tpu.memory_space<vmem>>
      %dma_wait3A_217 = arith.constant 0 : i32
      %dma_wait3A_218 = tpu.memref_slice %arg2[%get3A_102, %dma_wait3A_217] : memref<32768x128xf32, #tpu.memory_space<hbm>> -> memref<1x128xf32, #tpu.memory_space<hbm>>
      tpu.wait_dma2 semaphore(%arg17 : memref<!tpu.dma_semaphore, #tpu.memory_space<semaphore_mem>>) src(%dma_wait3A_218 : memref<1x128xf32, #tpu.memory_space<hbm>>) dst(%dma_wait3A_216 : memref<1x128xf32, #tpu.memory_space<vmem>>)
      %dma_wait3A_219 = arith.constant 2 : i32
      %dma_wait3A_220 = arith.constant 0 : i32
      %dma_wait3A_221 = tpu.memref_slice %arg15[%dma_wait3A_219, %dma_wait3A_220] : memref<16x128xf32, #tpu.memory_space<vmem>> -> memref<1x128xf32, #tpu.memory_space<vmem>>
      %dma_wait3A_222 = arith.constant 0 : i32
      %dma_wait3A_223 = tpu.memref_slice %arg2[%get3A_104, %dma_wait3A_222] : memref<32768x128xf32, #tpu.memory_space<hbm>> -> memref<1x128xf32, #tpu.memory_space<hbm>>
      tpu.wait_dma2 semaphore(%arg17 : memref<!tpu.dma_semaphore, #tpu.memory_space<semaphore_mem>>) src(%dma_wait3A_223 : memref<1x128xf32, #tpu.memory_space<hbm>>) dst(%dma_wait3A_221 : memref<1x128xf32, #tpu.memory_space<vmem>>)
      %dma_wait3A_224 = arith.constant 3 : i32
      %dma_wait3A_225 = arith.constant 0 : i32
      %dma_wait3A_226 = tpu.memref_slice %arg15[%dma_wait3A_224, %dma_wait3A_225] : memref<16x128xf32, #tpu.memory_space<vmem>> -> memref<1x128xf32, #tpu.memory_space<vmem>>
      %dma_wait3A_227 = arith.constant 0 : i32
      %dma_wait3A_228 = tpu.memref_slice %arg2[%get3A_106, %dma_wait3A_227] : memref<32768x128xf32, #tpu.memory_space<hbm>> -> memref<1x128xf32, #tpu.memory_space<hbm>>
      tpu.wait_dma2 semaphore(%arg17 : memref<!tpu.dma_semaphore, #tpu.memory_space<semaphore_mem>>) src(%dma_wait3A_228 : memref<1x128xf32, #tpu.memory_space<hbm>>) dst(%dma_wait3A_226 : memref<1x128xf32, #tpu.memory_space<vmem>>)
      %dma_wait3A_229 = arith.constant 4 : i32
      %dma_wait3A_230 = arith.constant 0 : i32
      %dma_wait3A_231 = tpu.memref_slice %arg15[%dma_wait3A_229, %dma_wait3A_230] : memref<16x128xf32, #tpu.memory_space<vmem>> -> memref<1x128xf32, #tpu.memory_space<vmem>>
      %dma_wait3A_232 = arith.constant 0 : i32
      %dma_wait3A_233 = tpu.memref_slice %arg2[%get3A_108, %dma_wait3A_232] : memref<32768x128xf32, #tpu.memory_space<hbm>> -> memref<1x128xf32, #tpu.memory_space<hbm>>
      tpu.wait_dma2 semaphore(%arg17 : memref<!tpu.dma_semaphore, #tpu.memory_space<semaphore_mem>>) src(%dma_wait3A_233 : memref<1x128xf32, #tpu.memory_space<hbm>>) dst(%dma_wait3A_231 : memref<1x128xf32, #tpu.memory_space<vmem>>)
      %dma_wait3A_234 = arith.constant 5 : i32
      %dma_wait3A_235 = arith.constant 0 : i32
      %dma_wait3A_236 = tpu.memref_slice %arg15[%dma_wait3A_234, %dma_wait3A_235] : memref<16x128xf32, #tpu.memory_space<vmem>> -> memref<1x128xf32, #tpu.memory_space<vmem>>
      %dma_wait3A_237 = arith.constant 0 : i32
      %dma_wait3A_238 = tpu.memref_slice %arg2[%get3A_110, %dma_wait3A_237] : memref<32768x128xf32, #tpu.memory_space<hbm>> -> memref<1x128xf32, #tpu.memory_space<hbm>>
      tpu.wait_dma2 semaphore(%arg17 : memref<!tpu.dma_semaphore, #tpu.memory_space<semaphore_mem>>) src(%dma_wait3A_238 : memref<1x128xf32, #tpu.memory_space<hbm>>) dst(%dma_wait3A_236 : memref<1x128xf32, #tpu.memory_space<vmem>>)
      %dma_wait3A_239 = arith.constant 6 : i32
      %dma_wait3A_240 = arith.constant 0 : i32
      %dma_wait3A_241 = tpu.memref_slice %arg15[%dma_wait3A_239, %dma_wait3A_240] : memref<16x128xf32, #tpu.memory_space<vmem>> -> memref<1x128xf32, #tpu.memory_space<vmem>>
      %dma_wait3A_242 = arith.constant 0 : i32
      %dma_wait3A_243 = tpu.memref_slice %arg2[%get3A_112, %dma_wait3A_242] : memref<32768x128xf32, #tpu.memory_space<hbm>> -> memref<1x128xf32, #tpu.memory_space<hbm>>
      tpu.wait_dma2 semaphore(%arg17 : memref<!tpu.dma_semaphore, #tpu.memory_space<semaphore_mem>>) src(%dma_wait3A_243 : memref<1x128xf32, #tpu.memory_space<hbm>>) dst(%dma_wait3A_241 : memref<1x128xf32, #tpu.memory_space<vmem>>)
      %dma_wait3A_244 = arith.constant 7 : i32
      %dma_wait3A_245 = arith.constant 0 : i32
      %dma_wait3A_246 = tpu.memref_slice %arg15[%dma_wait3A_244, %dma_wait3A_245] : memref<16x128xf32, #tpu.memory_space<vmem>> -> memref<1x128xf32, #tpu.memory_space<vmem>>
      %dma_wait3A_247 = arith.constant 0 : i32
      %dma_wait3A_248 = tpu.memref_slice %arg2[%get3A_114, %dma_wait3A_247] : memref<32768x128xf32, #tpu.memory_space<hbm>> -> memref<1x128xf32, #tpu.memory_space<hbm>>
      tpu.wait_dma2 semaphore(%arg17 : memref<!tpu.dma_semaphore, #tpu.memory_space<semaphore_mem>>) src(%dma_wait3A_248 : memref<1x128xf32, #tpu.memory_space<hbm>>) dst(%dma_wait3A_246 : memref<1x128xf32, #tpu.memory_space<vmem>>)
      %dma_wait3A_249 = arith.constant 8 : i32
      %dma_wait3A_250 = arith.constant 0 : i32
      %dma_wait3A_251 = tpu.memref_slice %arg15[%dma_wait3A_249, %dma_wait3A_250] : memref<16x128xf32, #tpu.memory_space<vmem>> -> memref<1x128xf32, #tpu.memory_space<vmem>>
      %dma_wait3A_252 = arith.constant 0 : i32
      %dma_wait3A_253 = tpu.memref_slice %arg2[%get3A_116, %dma_wait3A_252] : memref<32768x128xf32, #tpu.memory_space<hbm>> -> memref<1x128xf32, #tpu.memory_space<hbm>>
      tpu.wait_dma2 semaphore(%arg17 : memref<!tpu.dma_semaphore, #tpu.memory_space<semaphore_mem>>) src(%dma_wait3A_253 : memref<1x128xf32, #tpu.memory_space<hbm>>) dst(%dma_wait3A_251 : memref<1x128xf32, #tpu.memory_space<vmem>>)
      %dma_wait3A_254 = arith.constant 9 : i32
      %dma_wait3A_255 = arith.constant 0 : i32
      %dma_wait3A_256 = tpu.memref_slice %arg15[%dma_wait3A_254, %dma_wait3A_255] : memref<16x128xf32, #tpu.memory_space<vmem>> -> memref<1x128xf32, #tpu.memory_space<vmem>>
      %dma_wait3A_257 = arith.constant 0 : i32
      %dma_wait3A_258 = tpu.memref_slice %arg2[%get3A_118, %dma_wait3A_257] : memref<32768x128xf32, #tpu.memory_space<hbm>> -> memref<1x128xf32, #tpu.memory_space<hbm>>
      tpu.wait_dma2 semaphore(%arg17 : memref<!tpu.dma_semaphore, #tpu.memory_space<semaphore_mem>>) src(%dma_wait3A_258 : memref<1x128xf32, #tpu.memory_space<hbm>>) dst(%dma_wait3A_256 : memref<1x128xf32, #tpu.memory_space<vmem>>)
      %dma_wait3A_259 = arith.constant 10 : i32
      %dma_wait3A_260 = arith.constant 0 : i32
      %dma_wait3A_261 = tpu.memref_slice %arg15[%dma_wait3A_259, %dma_wait3A_260] : memref<16x128xf32, #tpu.memory_space<vmem>> -> memref<1x128xf32, #tpu.memory_space<vmem>>
      %dma_wait3A_262 = arith.constant 0 : i32
      %dma_wait3A_263 = tpu.memref_slice %arg2[%get3A_120, %dma_wait3A_262] : memref<32768x128xf32, #tpu.memory_space<hbm>> -> memref<1x128xf32, #tpu.memory_space<hbm>>
      tpu.wait_dma2 semaphore(%arg17 : memref<!tpu.dma_semaphore, #tpu.memory_space<semaphore_mem>>) src(%dma_wait3A_263 : memref<1x128xf32, #tpu.memory_space<hbm>>) dst(%dma_wait3A_261 : memref<1x128xf32, #tpu.memory_space<vmem>>)
      %dma_wait3A_264 = arith.constant 11 : i32
      %dma_wait3A_265 = arith.constant 0 : i32
      %dma_wait3A_266 = tpu.memref_slice %arg15[%dma_wait3A_264, %dma_wait3A_265] : memref<16x128xf32, #tpu.memory_space<vmem>> -> memref<1x128xf32, #tpu.memory_space<vmem>>
      %dma_wait3A_267 = arith.constant 0 : i32
      %dma_wait3A_268 = tpu.memref_slice %arg2[%get3A_122, %dma_wait3A_267] : memref<32768x128xf32, #tpu.memory_space<hbm>> -> memref<1x128xf32, #tpu.memory_space<hbm>>
      tpu.wait_dma2 semaphore(%arg17 : memref<!tpu.dma_semaphore, #tpu.memory_space<semaphore_mem>>) src(%dma_wait3A_268 : memref<1x128xf32, #tpu.memory_space<hbm>>) dst(%dma_wait3A_266 : memref<1x128xf32, #tpu.memory_space<vmem>>)
      %dma_wait3A_269 = arith.constant 12 : i32
      %dma_wait3A_270 = arith.constant 0 : i32
      %dma_wait3A_271 = tpu.memref_slice %arg15[%dma_wait3A_269, %dma_wait3A_270] : memref<16x128xf32, #tpu.memory_space<vmem>> -> memref<1x128xf32, #tpu.memory_space<vmem>>
      %dma_wait3A_272 = arith.constant 0 : i32
      %dma_wait3A_273 = tpu.memref_slice %arg2[%get3A_124, %dma_wait3A_272] : memref<32768x128xf32, #tpu.memory_space<hbm>> -> memref<1x128xf32, #tpu.memory_space<hbm>>
      tpu.wait_dma2 semaphore(%arg17 : memref<!tpu.dma_semaphore, #tpu.memory_space<semaphore_mem>>) src(%dma_wait3A_273 : memref<1x128xf32, #tpu.memory_space<hbm>>) dst(%dma_wait3A_271 : memref<1x128xf32, #tpu.memory_space<vmem>>)
      %dma_wait3A_274 = arith.constant 13 : i32
      %dma_wait3A_275 = arith.constant 0 : i32
      %dma_wait3A_276 = tpu.memref_slice %arg15[%dma_wait3A_274, %dma_wait3A_275] : memref<16x128xf32, #tpu.memory_space<vmem>> -> memref<1x128xf32, #tpu.memory_space<vmem>>
      %dma_wait3A_277 = arith.constant 0 : i32
      %dma_wait3A_278 = tpu.memref_slice %arg2[%get3A_126, %dma_wait3A_277] : memref<32768x128xf32, #tpu.memory_space<hbm>> -> memref<1x128xf32, #tpu.memory_space<hbm>>
      tpu.wait_dma2 semaphore(%arg17 : memref<!tpu.dma_semaphore, #tpu.memory_space<semaphore_mem>>) src(%dma_wait3A_278 : memref<1x128xf32, #tpu.memory_space<hbm>>) dst(%dma_wait3A_276 : memref<1x128xf32, #tpu.memory_space<vmem>>)
      %dma_wait3A_279 = arith.constant 14 : i32
      %dma_wait3A_280 = arith.constant 0 : i32
      %dma_wait3A_281 = tpu.memref_slice %arg15[%dma_wait3A_279, %dma_wait3A_280] : memref<16x128xf32, #tpu.memory_space<vmem>> -> memref<1x128xf32, #tpu.memory_space<vmem>>
      %dma_wait3A_282 = arith.constant 0 : i32
      %dma_wait3A_283 = tpu.memref_slice %arg2[%get3A_128, %dma_wait3A_282] : memref<32768x128xf32, #tpu.memory_space<hbm>> -> memref<1x128xf32, #tpu.memory_space<hbm>>
      tpu.wait_dma2 semaphore(%arg17 : memref<!tpu.dma_semaphore, #tpu.memory_space<semaphore_mem>>) src(%dma_wait3A_283 : memref<1x128xf32, #tpu.memory_space<hbm>>) dst(%dma_wait3A_281 : memref<1x128xf32, #tpu.memory_space<vmem>>)
      %dma_wait3A_284 = arith.constant 15 : i32
      %dma_wait3A_285 = arith.constant 0 : i32
      %dma_wait3A_286 = tpu.memref_slice %arg15[%dma_wait3A_284, %dma_wait3A_285] : memref<16x128xf32, #tpu.memory_space<vmem>> -> memref<1x128xf32, #tpu.memory_space<vmem>>
      %dma_wait3A_287 = arith.constant 0 : i32
      %dma_wait3A_288 = tpu.memref_slice %arg2[%get3A_130, %dma_wait3A_287] : memref<32768x128xf32, #tpu.memory_space<hbm>> -> memref<1x128xf32, #tpu.memory_space<hbm>>
      tpu.wait_dma2 semaphore(%arg17 : memref<!tpu.dma_semaphore, #tpu.memory_space<semaphore_mem>>) src(%dma_wait3A_288 : memref<1x128xf32, #tpu.memory_space<hbm>>) dst(%dma_wait3A_286 : memref<1x128xf32, #tpu.memory_space<vmem>>)
      %get3A_289 = arith.constant 0 : index
      %get3A_290 = arith.constant 0 : index
      %get3A_291 = vector.load %arg15[%get3A_289, %get3A_290] : memref<16x128xf32, #tpu.memory_space<vmem>>, vector<16x128xf32>
      %get3A_292 = arith.constant 0 : index
      %get3A_293 = arith.constant 0 : index
      %get3A_294 = vector.load %arg5[%get3A_292, %get3A_293] : memref<128x128xf32, #tpu.memory_space<vmem>>, vector<128x128xf32>
      %dot_general3A_295 = arith.constant dense<0.000000e+00> : vector<16x128xf32>
      %dot_general3A_296 = tpu.matmul %get3A_291, %get3A_294, %dot_general3A_295 {dimension_numbers = #tpu.dot_dimension_numbers<[1], [0], [0], [1], [0, 0, 1, 1], [], []>, transpose_lhs_hint = false} : vector<16x128xf32>, vector<128x128xf32>, vector<16x128xf32> -> vector<16x128xf32>
      %get3A_297 = arith.constant 0 : index
      %get3A_298 = arith.constant 0 : index
      %get3A_299 = vector.load %arg6[%get3A_297, %get3A_298] : memref<1x128xf32, #tpu.memory_space<vmem>>, vector<1x128xf32>
      %add3A_300 = vector.broadcast %get3A_299 : vector<1x128xf32> to vector<16x128xf32>
      %add3A_301 = arith.addf %dot_general3A_296, %add3A_300 : vector<16x128xf32>
      %swap3A_302 = arith.constant 0 : index
      %swap3A_303 = arith.constant 0 : index
      %swap3A_304 = vector.load %arg13[%swap3A_302, %swap3A_303] : memref<16x128xf32, #tpu.memory_space<vmem>>, vector<16x128xf32>
      tpu.vector_store %arg13[%swap3A_302, %swap3A_303], %add3A_301 {strides = array<i32>} : memref<16x128xf32, #tpu.memory_space<vmem>>, vector<16x128xf32>,
      %get3A_305 = arith.constant 0 : index
      %get3A_306 = arith.constant 0 : index
      %get3A_307 = vector.load %arg8[%get3A_305, %get3A_306] : memref<128x1xf32, #tpu.memory_space<vmem>>, vector<128x1xf32>
      %max3A = arith.constant 0.000000e+00 : f32
      %max3A_308 = vector.broadcast %max3A : f32 to vector<128x1xf32>
      %max3A_309 = arith.maximumf %get3A_307, %max3A_308 : vector<128x1xf32>
      %reduce_sum3A_310 = vector.shape_cast %max3A_309 : vector<128x1xf32> to vector<1x128x1xf32>
      %reduce_sum3A_311 = arith.constant dense<0.000000e+00> : vector<1xf32>
      %reduce_sum3A_312 = vector.multi_reduction <add>, %reduce_sum3A_310, %reduce_sum3A_311 [1, 2] : vector<1x128x1xf32> to vector<1xf32>
      %reduce_sum3A_313 = vector.shape_cast %reduce_sum3A_312 : vector<1xf32> to vector<1x1x1xf32>
      %reduce_sum3A_314 = vector.extract %reduce_sum3A_313[0, 0, 0] : f32 from vector<1x1x1xf32>
      %get3A_315 = arith.constant 0 : index
      %get3A_316 = arith.constant 0 : index
      %get3A_317 = vector.load %arg9[%get3A_315, %get3A_316] : memref<1x1xf32, #tpu.memory_space<vmem>>, vector<1x1xf32>
      %get3A_318 = vector.extract %get3A_317[0, 0] : f32 from vector<1x1xf32>
      %add3A_319 = arith.addf %reduce_sum3A_314, %get3A_318 : f32
      %swap3A_320 = arith.constant 0 : index
      %swap3A_321 = memref.load %arg16[%swap3A_320] : memref<1xf32, #tpu.memory_space<smem>>
      memref.store %add3A_319, %arg16[%swap3A_320] : memref<1xf32, #tpu.memory_space<smem>>
      %broadcast_in_dim3A_322 = arith.constant 0.000000e+00 : f32
      %broadcast_in_dim3A_323 = vector.broadcast %broadcast_in_dim3A_322 : f32 to vector<16x1xf32>
      %swap3A_324 = arith.constant 0 : index
      %swap3A_325 = arith.constant 0 : index
      %swap3A_326 = vector.load %arg14[%swap3A_324, %swap3A_325] : memref<16x1xf32, #tpu.memory_space<vmem>>, vector<16x1xf32>
      tpu.vector_store %arg14[%swap3A_324, %swap3A_325], %broadcast_in_dim3A_323 {strides = array<i32>} : memref<16x1xf32, #tpu.memory_space<vmem>>, vector<16x1xf32>,
    } else {
    }
    %get3A = arith.constant 0 : index
    %get3A_2 = arith.constant 0 : index
    %get3A_3 = vector.load %arg3[%get3A, %get3A_2] : memref<8192x128xf32, #tpu.memory_space<vmem>>, vector<8192x128xf32>
    %get3A_4 = arith.constant 0 : index
    %get3A_5 = arith.constant 0 : index
    %get3A_6 = arith.constant 0 : index
    %get3A_7 = vector.load %arg4[%get3A_4, %get3A_5, %get3A_6] : memref<1x1x8192xi32, #tpu.memory_space<vmem>>, vector<1x1x8192xi32>
    %get3A_8 = vector.shape_cast %get3A_7 : vector<1x1x8192xi32> to vector<1x8192xi32>
    %iota3A = tpu.iota {dimensions = array<i32: 0>} : vector<16x8192xi32>
    %eq3A_9 = vector.broadcast %get3A_8 : vector<1x8192xi32> to vector<16x8192xi32>
    %eq3A_10 = arith.cmpi eq, %eq3A_9, %iota3A : vector<16x8192xi32>
    %convert_element_type3A_11 = arith.extui %eq3A_10 : vector<16x8192xi1> to vector<16x8192xi32>
    %convert_element_type3A_12 = arith.sitofp %convert_element_type3A_11 : vector<16x8192xi32> to vector<16x8192xf32>
    %get3A_13 = arith.constant 0 : index
    %get3A_14 = arith.constant 0 : index
    %get3A_15 = vector.load %arg7[%get3A_13, %get3A_14] : memref<128x128xf32, #tpu.memory_space<vmem>>, vector<128x128xf32>
    %dot_general3A = arith.constant dense<0.000000e+00> : vector<8192x128xf32>
    %dot_general3A_16 = tpu.matmul %get3A_3, %get3A_15, %dot_general3A {dimension_numbers = #tpu.dot_dimension_numbers<[1], [0], [0], [1], [0, 0, 1, 1], [], []>, transpose_lhs_hint = false} : vector<8192x128xf32>, vector<128x128xf32>, vector<8192x128xf32> -> vector<8192x128xf32>
    %get3A_17 = arith.constant 0 : index
    %get3A_18 = arith.constant 0 : index
    %get3A_19 = vector.load %arg13[%get3A_17, %get3A_18] : memref<16x128xf32, #tpu.memory_space<vmem>>, vector<16x128xf32>
    %dot_general3A_20 = arith.constant dense<0.000000e+00> : vector<8192x128xf32>
    %dot_general3A_21 = tpu.matmul %convert_element_type3A_12, %get3A_19, %dot_general3A_20 {dimension_numbers = #tpu.dot_dimension_numbers<[0], [0], [1], [1], [0, 1, 1, 1], [], []>, transpose_lhs_hint = true} : vector<16x8192xf32>, vector<16x128xf32>, vector<8192x128xf32> -> vector<8192x128xf32>
    %add3A = arith.addf %dot_general3A_16, %dot_general3A_21 : vector<8192x128xf32>
    %mul3A = arith.constant 5.000000e-01 : f32
    %mul3A_22 = vector.broadcast %mul3A : f32 to vector<8192x128xf32>
    %mul3A_23 = arith.mulf %mul3A_22, %add3A : vector<8192x128xf32>
    %tanh3A = math.tanh %mul3A_23 : vector<8192x128xf32>
    %mul3A_24 = arith.constant 5.000000e-01 : f32
    %mul3A_25 = vector.broadcast %mul3A_24 : f32 to vector<8192x128xf32>
    %mul3A_26 = arith.mulf %mul3A_25, %tanh3A : vector<8192x128xf32>
    %add3A_27 = arith.constant 5.000000e-01 : f32
    %add3A_28 = vector.broadcast %add3A_27 : f32 to vector<8192x128xf32>
    %add3A_29 = arith.addf %mul3A_26, %add3A_28 : vector<8192x128xf32>
    %get3A_30 = arith.constant 0 : index
    %get3A_31 = arith.constant 0 : index
    %get3A_32 = vector.load %arg8[%get3A_30, %get3A_31] : memref<128x1xf32, #tpu.memory_space<vmem>>, vector<128x1xf32>
    %dot_general3A_33 = arith.constant dense<0.000000e+00> : vector<1x8192xf32>
    %dot_general3A_34 = tpu.matmul %get3A_32, %add3A_29, %dot_general3A_33 {dimension_numbers = #tpu.dot_dimension_numbers<[0], [1], [1], [0], [0, 1, 1, 0], [], []>, transpose_lhs_hint = true} : vector<128x1xf32>, vector<8192x128xf32>, vector<1x8192xf32> -> vector<1x8192xf32>
    %get3A_35 = arith.constant 0 : index
    %get3A_36 = arith.constant 0 : index
    %get3A_37 = vector.load %arg9[%get3A_35, %get3A_36] : memref<1x1xf32, #tpu.memory_space<vmem>>, vector<1x1xf32>
    %add3A_38 = vector.broadcast %get3A_37 : vector<1x1xf32> to vector<1x8192xf32>
    %add3A_39 = arith.addf %dot_general3A_34, %add3A_38 : vector<1x8192xf32>
    %broadcast_in_dim3A = arith.constant 1.000000e+00 : f32
    %broadcast_in_dim3A_40 = vector.broadcast %broadcast_in_dim3A : f32 to vector<1x1024xf32>
    %slice3A = vector.extract_strided_slice %convert_element_type3A_12 {offsets = [0, 0], sizes = [16, 1024], strides = [1, 1]} : vector<16x8192xf32> to vector<16x1024xf32>
    %dot_general3A_41 = arith.constant dense<0.000000e+00> : vector<1x16xf32>
    %dot_general3A_42 = tpu.matmul %broadcast_in_dim3A_40, %slice3A, %dot_general3A_41 {dimension_numbers = #tpu.dot_dimension_numbers<[1], [1], [0], [0], [0, 0, 1, 0], [], []>, transpose_lhs_hint = false} : vector<1x1024xf32>, vector<16x1024xf32>, vector<1x16xf32> -> vector<1x16xf32>
    %broadcast_in_dim3A_43 = vector.shape_cast %dot_general3A_42 : vector<1x16xf32> to vector<1x1x16xf32>
    %slice3A_44 = vector.extract_strided_slice %convert_element_type3A_12 {offsets = [0, 1024], sizes = [16, 1024], strides = [1, 1]} : vector<16x8192xf32> to vector<16x1024xf32>
    %dot_general3A_45 = arith.constant dense<0.000000e+00> : vector<1x16xf32>
    %dot_general3A_46 = tpu.matmul %broadcast_in_dim3A_40, %slice3A_44, %dot_general3A_45 {dimension_numbers = #tpu.dot_dimension_numbers<[1], [1], [0], [0], [0, 0, 1, 0], [], []>, transpose_lhs_hint = false} : vector<1x1024xf32>, vector<16x1024xf32>, vector<1x16xf32> -> vector<1x16xf32>
    %broadcast_in_dim3A_47 = vector.shape_cast %dot_general3A_46 : vector<1x16xf32> to vector<1x1x16xf32>
    %slice3A_48 = vector.extract_strided_slice %convert_element_type3A_12 {offsets = [0, 2048], sizes = [16, 1024], strides = [1, 1]} : vector<16x8192xf32> to vector<16x1024xf32>
    %dot_general3A_49 = arith.constant dense<0.000000e+00> : vector<1x16xf32>
    %dot_general3A_50 = tpu.matmul %broadcast_in_dim3A_40, %slice3A_48, %dot_general3A_49 {dimension_numbers = #tpu.dot_dimension_numbers<[1], [1], [0], [0], [0, 0, 1, 0], [], []>, transpose_lhs_hint = false} : vector<1x1024xf32>, vector<16x1024xf32>, vector<1x16xf32> -> vector<1x16xf32>
    %broadcast_in_dim3A_51 = vector.shape_cast %dot_general3A_50 : vector<1x16xf32> to vector<1x1x16xf32>
    %slice3A_52 = vector.extract_strided_slice %convert_element_type3A_12 {offsets = [0, 3072], sizes = [16, 1024], strides = [1, 1]} : vector<16x8192xf32> to vector<16x1024xf32>
    %dot_general3A_53 = arith.constant dense<0.000000e+00> : vector<1x16xf32>
    %dot_general3A_54 = tpu.matmul %broadcast_in_dim3A_40, %slice3A_52, %dot_general3A_53 {dimension_numbers = #tpu.dot_dimension_numbers<[1], [1], [0], [0], [0, 0, 1, 0], [], []>, transpose_lhs_hint = false} : vector<1x1024xf32>, vector<16x1024xf32>, vector<1x16xf32> -> vector<1x16xf32>
    %broadcast_in_dim3A_55 = vector.shape_cast %dot_general3A_54 : vector<1x16xf32> to vector<1x1x16xf32>
    %slice3A_56 = vector.extract_strided_slice %convert_element_type3A_12 {offsets = [0, 4096], sizes = [16, 1024], strides = [1, 1]} : vector<16x8192xf32> to vector<16x1024xf32>
    %dot_general3A_57 = arith.constant dense<0.000000e+00> : vector<1x16xf32>
    %dot_general3A_58 = tpu.matmul %broadcast_in_dim3A_40, %slice3A_56, %dot_general3A_57 {dimension_numbers = #tpu.dot_dimension_numbers<[1], [1], [0], [0], [0, 0, 1, 0], [], []>, transpose_lhs_hint = false} : vector<1x1024xf32>, vector<16x1024xf32>, vector<1x16xf32> -> vector<1x16xf32>
    %broadcast_in_dim3A_59 = vector.shape_cast %dot_general3A_58 : vector<1x16xf32> to vector<1x1x16xf32>
    %slice3A_60 = vector.extract_strided_slice %convert_element_type3A_12 {offsets = [0, 5120], sizes = [16, 1024], strides = [1, 1]} : vector<16x8192xf32> to vector<16x1024xf32>
    %dot_general3A_61 = arith.constant dense<0.000000e+00> : vector<1x16xf32>
    %dot_general3A_62 = tpu.matmul %broadcast_in_dim3A_40, %slice3A_60, %dot_general3A_61 {dimension_numbers = #tpu.dot_dimension_numbers<[1], [1], [0], [0], [0, 0, 1, 0], [], []>, transpose_lhs_hint = false} : vector<1x1024xf32>, vector<16x1024xf32>, vector<1x16xf32> -> vector<1x16xf32>
    %broadcast_in_dim3A_63 = vector.shape_cast %dot_general3A_62 : vector<1x16xf32> to vector<1x1x16xf32>
    %slice3A_64 = vector.extract_strided_slice %convert_element_type3A_12 {offsets = [0, 6144], sizes = [16, 1024], strides = [1, 1]} : vector<16x8192xf32> to vector<16x1024xf32>
    %dot_general3A_65 = arith.constant dense<0.000000e+00> : vector<1x16xf32>
    %dot_general3A_66 = tpu.matmul %broadcast_in_dim3A_40, %slice3A_64, %dot_general3A_65 {dimension_numbers = #tpu.dot_dimension_numbers<[1], [1], [0], [0], [0, 0, 1, 0], [], []>, transpose_lhs_hint = false} : vector<1x1024xf32>, vector<16x1024xf32>, vector<1x16xf32> -> vector<1x16xf32>
    %broadcast_in_dim3A_67 = vector.shape_cast %dot_general3A_66 : vector<1x16xf32> to vector<1x1x16xf32>
    %slice3A_68 = vector.extract_strided_slice %convert_element_type3A_12 {offsets = [0, 7168], sizes = [16, 1024], strides = [1, 1]} : vector<16x8192xf32> to vector<16x1024xf32>
    %dot_general3A_69 = arith.constant dense<0.000000e+00> : vector<1x16xf32>
    %dot_general3A_70 = tpu.matmul %broadcast_in_dim3A_40, %slice3A_68, %dot_general3A_69 {dimension_numbers = #tpu.dot_dimension_numbers<[1], [1], [0], [0], [0, 0, 1, 0], [], []>, transpose_lhs_hint = false} : vector<1x1024xf32>, vector<16x1024xf32>, vector<1x16xf32> -> vector<1x16xf32>
    %broadcast_in_dim3A_71 = vector.shape_cast %dot_general3A_70 : vector<1x16xf32> to vector<1x1x16xf32>
    %concatenate3A = tpu.concatenate %broadcast_in_dim3A_43, %broadcast_in_dim3A_47, %broadcast_in_dim3A_51, %broadcast_in_dim3A_55, %broadcast_in_dim3A_59, %broadcast_in_dim3A_63, %broadcast_in_dim3A_67, %broadcast_in_dim3A_71 in 0 : vector<1x1x16xf32>, vector<1x1x16xf32>, vector<1x1x16xf32>, vector<1x1x16xf32>, vector<1x1x16xf32>, vector<1x1x16xf32>, vector<1x1x16xf32>, vector<1x1x16xf32> -> vector<8x1x16xf32>
    %swap3A = arith.constant 0 : index
    %swap3A_72 = arith.constant 0 : index
    %swap3A_73 = arith.constant 0 : index
    %swap3A_74 = vector.load %arg12[%swap3A, %swap3A_72, %swap3A_73] : memref<8x1x16xf32, #tpu.memory_space<vmem>>, vector<8x1x16xf32>
    tpu.vector_store %arg12[%swap3A, %swap3A_72, %swap3A_73], %concatenate3A {strides = array<i32>} : memref<8x1x16xf32, #tpu.memory_space<vmem>>, vector<8x1x16xf32>,
    %get3A_75 = arith.constant 0 : index
    %get3A_76 = memref.load %arg16[%get3A_75] : memref<1xf32, #tpu.memory_space<smem>>
    %sub3A = vector.broadcast %get3A_76 : f32 to vector<1x8192xf32>
    %sub3A_77 = arith.subf %add3A_39, %sub3A : vector<1x8192xf32>
    %exp3A = math.exp %sub3A_77 : vector<1x8192xf32>
    %broadcast_in_dim3A_78 = vector.shape_cast %exp3A : vector<1x8192xf32> to vector<1x1x8192xf32>
    %swap3A_79 = arith.constant 0 : index
    %swap3A_80 = arith.constant 0 : index
    %swap3A_81 = arith.constant 0 : index
    %swap3A_82 = vector.load %arg10[%swap3A_79, %swap3A_80, %swap3A_81] : memref<1x1x8192xf32, #tpu.memory_space<vmem>>, vector<1x1x8192xf32>
    tpu.vector_store %arg10[%swap3A_79, %swap3A_80, %swap3A_81], %broadcast_in_dim3A_78 {strides = array<i32>} : memref<1x1x8192xf32, #tpu.memory_space<vmem>>, vector<1x1x8192xf32>,
    %get3A_83 = arith.constant 0 : index
    %get3A_84 = arith.constant 0 : index
    %get3A_85 = vector.load %arg14[%get3A_83, %get3A_84] : memref<16x1xf32, #tpu.memory_space<vmem>>, vector<16x1xf32>
    %mul3A_86 = vector.broadcast %exp3A : vector<1x8192xf32> to vector<16x8192xf32>
    %mul3A_87 = arith.mulf %convert_element_type3A_12, %mul3A_86 : vector<16x8192xf32>
    %reduce_sum3A = arith.constant dense<0.000000e+00> : vector<16xf32>
    %reduce_sum3A_88 = vector.multi_reduction <add>, %mul3A_87, %reduce_sum3A [1] : vector<16x8192xf32> to vector<16xf32>
    %broadcast_in_dim3A_89 = vector.shape_cast %reduce_sum3A_88 : vector<16xf32> to vector<16x1xf32>
    %add3A_90 = arith.addf %get3A_85, %broadcast_in_dim3A_89 : vector<16x1xf32>
    %swap3A_91 = arith.constant 0 : index
    %swap3A_92 = arith.constant 0 : index
    %swap3A_93 = vector.load %arg14[%swap3A_91, %swap3A_92] : memref<16x1xf32, #tpu.memory_space<vmem>>, vector<16x1xf32>
    tpu.vector_store %arg14[%swap3A_91, %swap3A_92], %add3A_90 {strides = array<i32>} : memref<16x1xf32, #tpu.memory_space<vmem>>, vector<16x1xf32>,
    %eq3A_94 = arith.constant 3 : i32
    %eq3A_95 = arith.cmpi eq, %arg0, %eq3A_94 : i32
    %convert_element_type3A_96 = arith.extui %eq3A_95 : i1 to i32
    %cond3A_97 = arith.constant 0 : i32
    %cond3A_98 = arith.cmpi ne, %convert_element_type3A_96, %cond3A_97 : i32
    scf.if %cond3A_98 {
      %get3A_99 = arith.constant 0 : index
      %get3A_100 = arith.constant 0 : index
      %get3A_101 = vector.load %arg14[%get3A_99, %get3A_100] : memref<16x1xf32, #tpu.memory_space<vmem>>, vector<16x1xf32>
      %swap3A_102 = arith.constant 0 : index
      %swap3A_103 = arith.constant 0 : index
      %swap3A_104 = vector.load %arg11[%swap3A_102, %swap3A_103] : memref<16x1xf32, #tpu.memory_space<vmem>>, vector<16x1xf32>
      tpu.vector_store %arg11[%swap3A_102, %swap3A_103], %get3A_101 {strides = array<i32>} : memref<16x1xf32, #tpu.memory_space<vmem>>, vector<16x1xf32>,
    } else {
    }
    return
  }
  func.func @transform_0(%arg0: i32) -> i32 {
    %c0_i32 = arith.constant 0 : i32
    %c0_i32_0 = arith.constant 0 : i32
    return %c0_i32 : i32
  }
  func.func @transform_2(%arg0: i32) -> (i32, i32) {
    %c0_i32 = arith.constant 0 : i32
    %c0_i32_0 = arith.constant 0 : i32
    return %arg0, %c0_i32 : i32, i32
  }
  func.func @transform_3(%arg0: i32) -> (i32, i32, i32) {
    %c0_i32 = arith.constant 0 : i32
    %c0_i32_0 = arith.constant 0 : i32
    %c0_i32_1 = arith.constant 0 : i32
    return %arg0, %c0_i32, %c0_i32_0 : i32, i32, i32
  }
  func.func @transform_4(%arg0: i32) -> (i32, i32) {
    %c0_i32 = arith.constant 0 : i32
    %c0_i32_0 = arith.constant 0 : i32
    %c0_i32_1 = arith.constant 0 : i32
    return %c0_i32, %c0_i32_0 : i32, i32
  }
  func.func @transform_5(%arg0: i32) -> (i32, i32) {
    %c0_i32 = arith.constant 0 : i32
    %c0_i32_0 = arith.constant 0 : i32
    %c0_i32_1 = arith.constant 0 : i32
    return %c0_i32, %c0_i32_0 : i32, i32
  }
  func.func @transform_6(%arg0: i32) -> (i32, i32) {
    %c0_i32 = arith.constant 0 : i32
    %c0_i32_0 = arith.constant 0 : i32
    %c0_i32_1 = arith.constant 0 : i32
    return %c0_i32, %c0_i32_0 : i32, i32
  }
  func.func @transform_7(%arg0: i32) -> (i32, i32) {
    %c0_i32 = arith.constant 0 : i32
    %c0_i32_0 = arith.constant 0 : i32
    %c0_i32_1 = arith.constant 0 : i32
    return %c0_i32, %c0_i32_0 : i32, i32
  }
  func.func @transform_8(%arg0: i32) -> (i32, i32) {
    %c0_i32 = arith.constant 0 : i32
    %c0_i32_0 = arith.constant 0 : i32
    %c0_i32_1 = arith.constant 0 : i32
    return %c0_i32, %c0_i32_0 : i32, i32
  }
  func.func @transform_9(%arg0: i32) -> (i32, i32, i32) {
    %c0_i32 = arith.constant 0 : i32
    %c0_i32_0 = arith.constant 0 : i32
    %c0_i32_1 = arith.constant 0 : i32
    return %arg0, %c0_i32, %c0_i32_0 : i32, i32, i32
  }
  func.func @transform_10(%arg0: i32) -> (i32, i32) {
    %c0_i32 = arith.constant 0 : i32
    %c0_i32_0 = arith.constant 0 : i32
    %c0_i32_1 = arith.constant 0 : i32
    return %c0_i32, %c0_i32_0 : i32, i32
  }
  func.func @transform_11(%arg0: i32) -> (i32, i32, i32) {
    %c0_i32 = arith.constant 0 : i32
    %c0_i32_0 = arith.constant 0 : i32
    %c0_i32_1 = arith.constant 0 : i32
    return %arg0, %c0_i32, %c0_i32_0 : i32, i32, i32
  }
}

</mosaic_0001>

<sc_bundles>
// kernel: kernel.4.cloned.1.call-start
scs
__scs_entry_jumppad:
0x0: {  	(pc) =	sbr.rel $0x88, $3  }
0x1: {  	(tag) =	ssettag $0x0;
	lr =	simm.s32 $0x1  }
0x2: {  	[smem:$0x3F98] =	sst lr;
	_ =	strace $0xD0000000  }
0x3: {  	_ = 	snop  }
0x4: {  	_ = 	snop  }
0x5: {  	_ = 	snop  }
0x6: {  	_ = 	snop  }
0x7: {  	_ = 	snop  }
__scs_overlays_trampoline_lowered:
0x8: {  	[smem:$0x3FA7] =	sst s0  }
0x9: {  	[smem:$0x3FA8] =	sst s1  }
0xa: {  	[smem:$0x3FA9] =	sst s2  }
0xb: {  	[smem:$0x3FAA] =	sst s3  }
0xc: {  	[smem:$0x3FAB] =	sst s4  }
0xd: {  	[smem:$0x3FAC] =	sst s5  }
0xe: {  	[smem:$0x3FAD] =	sst s6  }
0xf: {  	[smem:$0x3FAE] =	sst s7  }
0x10: {  	[smem:$0x3FAF] =	sst s8  }
0x11: {  	[smem:$0x3FB0] =	sst s9;
	s0 =	simm.s32 @!p0 $0x0  }
0x12: {  	s1 =	sld [smem:$0x3F96];
	s0 =	simm.s32 @p0 $0x1  }
0x13: {  	[smem:$0x3FB1] =	sst s0;
	s0 =	simm.s32 @!p1 $0x0  }
0x14: {  	s2 =	sld [smem:$0x3F95];
	s0 =	simm.s32 @p1 $0x1  }
0x15: {  	[smem:$0x3FB2] =	sst s0;
	s0 =	simm.s32 @!p2 $0x0  }
0x16: {  	s3 =	sld [smem:$0x3FDB];
	s0 =	simm.s32 @p2 $0x1  }
0x17: {  	s4 =	simm.s32 $0x1BF5;
	[smem:$0x3FB4] =	sst s0  }
0x18: {  	s0 =	sld [smem:$0x3F97];
	_ =	swait.ge [sflag:s4], $0x0  }
0x19: {  	s7 =	sld [smem:$0x3F98]  }
0x1a: {  	s8 =	sadd.s32 $0xFFFFE003, lr  }
0x1b: {  	s9 =	sadd.s32 $0xFFFFFEF7, lr;
	s5 =	simm.s32 $0xFFFFFFFF;
	p2 =	slt.u32 s8, $0xFFFFF086  }
0x1c: {  	p1 =	slt.u32 s9, $0xF7A;
	s5 =	simm.s32 @!p2 $0x0  }
0x1d: {  	s5 =	simm.s32 @p1 $0x1;
	p0 =	seq.s32 s7, s2  }
0x1e: {  	s7 =	smul.u32 @!p0 $0xF7A, s2;
	p2 =	seq.s32 @!p0 s5, $0x0  }
0x1f: {  	s9 =	smul.u32 $0xF7A, s1;
	s8 =	simm.s32 @!p0 $0x1BF5;
	p2 =	por !p2, p0  }
0x20: {  	[sflag:s8] =	ssyncset.s32 @!p0 $0xFFFFF086;
	s6 =	sadd.s32 @!p0 s3, s7;
	s7 =	simm.s32 @!p0 $0x108  }
0x21: {  	s3 =	sadd.s32 s3, s9;
	s6 =	sadd.s32 @!p0 $0x88, s6;
	s7 =	simm.s32 @p2 $0x1082  }
0x22: {  	[simem:s7], [sflag:s8] =	dma.local @!p0 [hbm:s6], $0xF7A  }
0x23: {  	s9 =	sor.u32 $0xD0000000, s2;
	s6 =	simm.s32 $0x108;
	_ =	swait.ge @!p0 [sflag:s8], $0x0  }
0x24: {  	s3 =	sadd.s32 $0x88, s3;
	s6 =	simm.s32 @!p1 $0x1082;
	[sflag:s4] =	ssyncset.s32 $0xFFFFF086  }
0x25: {  	[simem:s6], [sflag:s4] =	dma.local [hbm:s3], $0xF7A  }
0x26: {  	[smem:$0x3F98] =	sst s1;
	(tag) =	ssettag s2;
	_ =	strace s9  }
0x27: {  	s1 =	sld [smem:$0x3FA8]  }
0x28: {  	s2 =	sld [smem:$0x3FA9]  }
0x29: {  	s4 =	sld [smem:$0x3FAB]  }
0x2a: {  	p0 =	seq.s32 s5, $0x0;
	s5 =	sld [smem:$0x3FAC]  }
0x2b: {  	s6 =	sld [smem:$0x3FAD]  }
0x2c: {  	s7 =	sld [smem:$0x3FAE]  }
0x2d: {  	s3 =	simm.s32 $0x108;
	s8 =	sld [smem:$0x3FAF]  }
0x2e: {  	s3 =	simm.s32 @!p0 $0x1082;
	s9 =	sld [smem:$0x3FB0]  }
0x2f: {  	lr =	sadd.s32 s0, s3;
	s0 =	sld [smem:$0x3FA7]  }
0x30: {  	s3 =	sld [smem:$0x3FAA]  }
0x31: {  	[smem:$0x3FB3] =	sst s10  }
0x32: {  	s10 =	sld [smem:$0x3FB1];
	_ =	sdelay $0x3  }
0x33: {  	p0 =	seq.s32 s10, $0x1;
	s10 =	sld [smem:$0x3FB3];
	_ =	sdelay $0x3  }
0x34: {  	[smem:$0x3FB3] =	sst s10  }
0x35: {  	s10 =	sld [smem:$0x3FB2];
	_ =	sdelay $0x3  }
0x36: {  	p1 =	seq.s32 s10, $0x1;
	s10 =	sld [smem:$0x3FB3];
	_ =	sdelay $0x3  }
0x37: {  	[smem:$0x3FB3] =	sst s10  }
0x38: {  	s10 =	sld [smem:$0x3FB4]  }
0x39: {  	_ = 	snop;
	(pc) =	sbr.ind lr, $3  }
0x3a: {  	_ = 	snop  }
0x3b: {  	_ = 	snop  }
0x3c: {  	p2 =	seq.s32 s10, $0x1;
	s10 =	sld [smem:$0x3FB3]  }
0x3d: {  	_ =	shalt  }
0x3e: {  	_ =	shalt  }
0x3f: {  	_ =	shalt  }
0x40: {  	_ =	shalt  }
0x41: {  	_ =	shalt  }
0x42: {  	_ =	shalt  }
0x43: {  	_ =	shalt  }
0x44: {  	_ =	shalt  }
0x45: {  	_ =	shalt  }
0x46: {  	_ =	shalt  }
0x47: {  	_ =	shalt  }
0x48: {  	_ =	shalt  }
0x49: {  	_ =	shalt  }
0x4a: {  	_ =	shalt  }
0x4b: {  	_ =	shalt  }
0x4c: {  	_ =	shalt  }
0x4d: {  	_ =	shalt  }
0x4e: {  	_ =	shalt  }
0x4f: {  	_ =	shalt  }
0x50: {  	_ =	shalt  }
0x51: {  	_ =	shalt  }
0x52: {  	_ =	shalt  }
0x53: {  	_ =	shalt  }
0x54: {  	_ =	shalt  }
0x55: {  	_ =	shalt  }
0x56: {  	_ =	shalt  }
0x57: {  	_ =	shalt  }
0x58: {  	_ =	shalt  }
0x59: {  	_ =	shalt  }
0x5a: {  	_ =	shalt  }
0x5b: {  	_ =	shalt  }
0x5c: {  	_ =	shalt  }
0x5d: {  	_ =	shalt  }
0x5e: {  	_ =	shalt  }
0x5f: {  	_ =	shalt  }
0x60: {  	_ =	shalt  }
0x61: {  	_ =	shalt  }
0x62: {  	_ =	shalt  }
0x63: {  	_ =	shalt  }
0x64: {  	_ =	shalt  }
0x65: {  	_ =	shalt  }
0x66: {  	_ =	shalt  }
0x67: {  	_ =	shalt  }
0x68: {  	_ =	shalt  }
0x69: {  	_ =	shalt  }
0x6a: {  	_ =	shalt  }
0x6b: {  	_ =	shalt  }
0x6c: {  	_ =	shalt  }
0x6d: {  	_ =	shalt  }
0x6e: {  	_ =	shalt  }
0x6f: {  	_ =	shalt  }
0x70: {  	_ =	shalt  }
0x71: {  	_ =	shalt  }
0x72: {  	_ =	shalt  }
0x73: {  	_ =	shalt  }
0x74: {  	_ =	shalt  }
0x75: {  	_ =	shalt  }
0x76: {  	_ =	shalt  }
0x77: {  	_ =	shalt  }
0x78: {  	_ =	shalt  }
0x79: {  	_ =	shalt  }
0x7a: {  	_ =	shalt  }
0x7b: {  	_ =	shalt  }
0x7c: {  	_ =	shalt  }
0x7d: {  	_ =	shalt  }
0x7e: {  	_ =	shalt  }
0x7f: {  	_ =	shalt  }
0x80: {  	_ =	shalt  }
0x81: {  	_ =	shalt  }
0x82: {  	_ =	shalt  }
0x83: {  	_ =	shalt  }
0x84: {  	_ =	shalt  }
0x85: {  	_ =	shalt  }
0x86: {  	_ =	shalt  }
0x87: {  	_ =	shalt  }
.Lfunc_end0:
.L_simem_size_0:
called_computation_lowered:
.L_overlay_start_0:
0x88: {  	s2 =	sld [smem:$0x3FD9]  }
0x89: {  	s3 =	sld [smem:$0x3FFE];
	_ =	sdelay $0x1  }
0x8a: {  	s1 =	srdreg.scid  }
0x8b: {  	s0 =	sand.u32 $0x1, s1  }
0x8c: {  	s17 =	sshll.u32 s0, $0xA;
	s2 =	sadd.s32 s3, s2  }
0x8d: {  	s2 =	sadd.s32 s2, s17  }
0x8e: {  	[smem:$0x3FBF] =	sst s2  }
0x8f: {  	_ = 	snop  }
0x90: {  	s2 =	sld [smem:$0x3FC9]  }
0x91: {  	s18 =	sld [smem:$0x3FC8]  }
0x92: {  	s4 =	sld [smem:$0x3FD0];
	(tm) =	ssettm $0x1  }
0x93: {  	s5 =	sld [smem:$0x3FFB];
	_ =	sdelay $0x3  }
0x94: {  	_ =	strace s5  }
0x95: {  	s5 =	sld [smem:$0x3FFC];
	_ =	sdelay $0x3  }
0x96: {  	_ =	strace s5  }
0x97: {  	s5 =	sld [smem:$0x3FFD];
	_ =	sdelay $0x3  }
0x98: {  	_ =	strace s5  }
0x99: {  	_ =	strace $0x8FFFFFFF  }
0x9a: {  	s19 =	sld [smem:$0x3FDB];
	_ =	sdelay $0x1  }
0x9b: {  	s6 =	simm.s32 $_scs_section_size  }
0x9c: {  	s7 =	simm.s32 $_size__tile_overlayer_lowered;
	s8 =	simm.s32 $_tile_overlayer_lowered  }
0x9d: {  	s22 =	simm.s32 $0x1BFF;
	s21 =	sshll.u32 s8, $0x1;
	s5 =	sadd.s32 s6, s19  }
0x9e: {  	s9 =	simm.s32 $0x0;
	s20 =	sshll.u32 s7, $0x1;
	s7 =	sadd.s32 s21, s5  }
0x9f: {  	[timem:s9], [sflag:s22] =	dma.local [hbm:s7], s20  }
0xa0: {  	_ =	swait.ge [sflag:s22], s20  }
0xa1: {  	s6 =	ssub.s32 $0x0, s20;
	[sflag:s22] =	ssyncset.done $0x0  }
0xa2: {  	[sflag:s22] =	ssyncadd.s32 s6;
	_ =	sdelay $0x1  }
0xa3: {  	s23 =	simm.s32 $0x1B8B  }
0xa4: {  	_ =	swait.ge [sflag:s23], $0x1  }
0xa5: {  	[sflag:s23] =	ssyncset.done $0x0  }
0xa6: {  	s25 =	simm.s32 $0x1B8E;
	s24 =	sld [smem:$0x3FFE];
	[sflag:s23] =	ssyncadd.s32 $0xFFFFFFFF  }
0xa7: {  	s26 =	simm.s32 $execute0_lowered;
	[smem:$0x3FD2] =	sst s25  }
0xa8: {  	s7 =	sshll.u32 s26, $0x1;
	_ =	strace $0x80000046;
	[dreg:$0x1] =	wrdreg $0xFFFFFFFF  }
0xa9: {  	s28 =	simm.s32 $_size_execute0_lowered;
	s5 =	sadd.s32 s5, s7;
	[dreg:$0x0] =	wrdreg $0x0  }
0xaa: {  	s7 =	sshll.u32 s28, $0x1;
	[dreg:$0x2] =	wrdreg s5  }
0xab: {  	[dreg:$0x3] =	wrdreg s7  }
0xac: {  	[dreg:$0x4] =	wrdreg $0xC0  }
0xad: {  	_ =	task [dreg:s9], $0x5FFFF  }
0xae: {  	[dreg:$0x1] =	wrdreg $0xFFFFFFFF  }
0xaf: {  	[dreg:$0x0] =	wrdreg $0x60  }
0xb0: {  	[dreg:$0x2] =	wrdreg s2  }
0xb1: {  	[dreg:$0x3] =	wrdreg s24  }
0xb2: {  	[dreg:$0x4] =	wrdreg s18  }
0xb3: {  	[dreg:$0x5] =	wrdreg s4  }
0xb4: {  	[dreg:$0x6] =	wrdreg $0x111800  }
0xb5: {  	[dreg:$0x7] =	wrdreg $0x9  }
0xb6: {  	_ =	task.clear_ibuf [dreg:s9], $0x8FFFF;
	_ =	strace $0x90000046  }
0xb7: {  	s29 =	simm.s32 $0x9;
	_ =	strace $0x80000048  }
0xb8: {  	_ =	swait.ge [sflag:s29], $0x1  }
0xb9: {  	[sflag:s29] =	ssyncadd.s32 $0xFFFFFFFF  }
0xba: {  	_ =	strace $0x90000048  }
0xbb: {  	_ =	sfence  }
0xbc: {  	s30 =	sld [smem:$0x0];
	_ =	sdelay $0x2  }
0xbd: {  	s31 =	sshll.u32 s1, $0xD;
	s1 =	sshrl.u32 s1, $0x2  }
0xbe: {  	s3 =	sand.u32 $0x4000, s31;
	s1 =	sadd.s32 s1, s30  }
0xbf: {  	s0 =	sor.u32 s3, s0;
	s1 =	sshll.u32 s1, $0x11  }
0xc0: {  	s0 =	sor.u32 s1, s0  }
0xc1: {  	s0 =	sadd.s32 $0x8F2B, s0  }
0xc2: {  	[sflag:s0] =	ssyncadd.remote.s32 $0x1  }
0xc3: {  	_ =	sfence.sel $0xFFFF  }
0xc4: {  	[dreg:$0x0] =	wrdreg $0xFFFFFFFF;
	(pc) =	sbr.abs _section_cstart, $3  }
0xc5: {  	[dreg:$0x1] =	wrdreg $0xFFFFFFFF  }
0xc6: {  	_ =	task.clear_ibuf [dreg:s9], $0x2FFFF;
	_ =	strace $0x9FFFFFFF  }
0xc7: {  	(tm) =	ssettm $0x7FFFFFFF  }
tec
execute0_lowered:
.L_overlay_start_1:
0x0: {  	(tag) =	ssettag $0x1  }
0x1: {  	s0 =	rddreg [dreg:$0x0]  }
0x2: {  	s1 =	rddreg [dreg:$0x1]  }
0x3: {  	s2 =	rddreg [dreg:$0x2]  }
0x4: {  	s3 =	rddreg [dreg:$0x4]  }
0x5: {  	s5 =	srdreg.scid;
	s16 =	stileid.u32;
	s4 =	simm.s32 $0x0  }
0x6: {  	s14 =	simm.s32 $0x8000;
	s15 =	simm.s32 $0x10000;
	s17 =	simm.s32 $0x10800  }
0x7: {  	s19 =	simm.s32 $0x3;
	s20 =	simm.s32 $0x1;
	s21 =	simm.s32 $0x2  }
0x8: {  	s22 =	simm.s32 $0x0;
	s5 =	sand.u32 $0x1, s5;
	s6 =	sshll.u32 s16, $0x1  }
0x9: {  	[smem:$0x7FF] =	sst s4;
	p0 =	seq.s32 s16, $0x0;
	s6 =	sor.u32 s5, s6  }
0xa: {  	_ =	strace $0x80000047;
	s31 =	ssub.s32 $0x2, s5;
	s5 =	sshll.u32 s5, $0x8  }
0xb: {  	s8 =	sshll.u32 s6, $0x7;
	s7 =	sshll.u32 s6, $0x4;
	s11 =	sshrl.u32 s31, $0x1  }
.Ltmp0:
0xc: {  	s6 =	sshll.u32 s6, $0xE;
	s9 =	sadd.s32 s8, s1;
	(pc) =	sbr.rel .LBB2_1-.Ltmp0, $4  }
0xd: {  	s10 =	sadd.s32 s7, s1;
	s1 =	sadd.s32 s5, s1;
	s5 =	sadd.s32 s0, s6  }
0xe: {  	s13 =	ssub.s32 s31, s11;
	s8 =	sadd.s32 s2, s8;
	s6 =	sadd.s32 $0x1000, s5  }
0xf: {  	v0 =	vlaneseq.u32;
	s7 =	sadd.s32 $0x1000, s9;
	s9 =	sadd.s32 $0x2000, s10;
	s10 =	sadd.s32 $0x2000, s5  }
0x10: {  	v2 =	vimm.f32 $0.0e+00;
	v1 =	vor.u32 $0x80000000, v0;
	s11 =	sadd.s32 $0x3000, s5;
	s12 =	sadd.s32 $0x2200, s1;
	s13 =	smax.u32 s13, $0x1  }
.LBB2_22:
0x11: {  	_ =	swait.ge [sflag:s21], $0x8000  }
0x12: {  	[sflag:s21] =	ssyncset.done $0x0  }
0x13: {  	[sflag:s21] =	ssyncadd.s32 $0xFFFF8000  }
.LBB2_44:
0x14: {  	[tilespmem:$0x11100] =	vst v0;
	s0 =	simm.s32 @p0 $0x10900  }
0x15: {  	[spmem:s3] =	stream.linear.scatter @p0 [tilespmem:s0], [sflag:$0x4], $0x800, $0x38;
	[tilespmem:$0x11200] =	vst v63  }
0x16: {  	s0 =	simm.s32 @p0 $0x4  }
0x17: {  	_ =	swait.ge @p0 [sflag:s0], $0x800  }
0x18: {  	[sflag:s0] =	ssyncset.done @p0 $0x0  }
0x19: {  	[sflag:s0] =	ssyncadd.s32 @p0 $0xFFFFF800  }
0x1a: {  	[bflag:$0x0] =	sbarrier.arrive @p0 $0xFFFF  }
0x1b: {  	s1 =	sshrl.u32 @p0 s3, $0x3;
	s2 =	simm.s32 @p0 $0x1C04;
	[bflag:$0x0] =	sbarrier.arrive @p0 $0xFFFF  }
0x1c: {  	[hbm:s12], [sflag:s2] =	dma.local @p0 [spmem:s1], $0x100  }
0x1d: {  	_ =	swait.ge @p0 [sflag:s0], $0x100  }
0x1e: {  	[sflag:s0] =	ssyncset.done @p0 $0x0  }
0x1f: {  	s22 =	sadd.s32 $0x1, s22;
	s1 =	simm.s32 @!p0 $0x11100;
	[sflag:s0] =	ssyncadd.s32 @p0 $0xFFFFFF00  }
0x20: {  	s2 =	simm.s32 @!p0 $0x10900;
	s0 =	simm.s32 @!p0 $0x10;
	[bflag:$0x0] =	sbarrier.arrive @!p0 $0xFFFF  }
0x21: {  	[spmem:s3] =	stream.indirect.scatter.add.f32 @!p0 [tilespmem:s2], [sflag:$0x4], $0x80, s1, s0, $0xb8;
	[tilespmem:$0x11200] =	vst v63  }
0x22: {  	p1 =	sne.s32 s22, s13;
	s0 =	simm.s32 @!p0 $0x4  }
.Ltmp1:
0x23: {  	_ =	swait.ge @!p0 [sflag:s0], $0x800;
	(pc) =	sbr.rel @!p1 .LBB2_45-.Ltmp1, $3  }
0x24: {  	[sflag:s0] =	ssyncset.done @!p0 $0x0  }
0x25: {  	[sflag:s0] =	ssyncadd.s32 @!p0 $0xFFFFF800  }
0x26: {  	[bflag:$0x0] =	sbarrier.arrive @!p0 $0xFFFF;
	_ =	sdelay $0x1  }
.LBB2_1:
0x27: {  	[tilespmem:s4], [sflag:$0x1] =	stream.linear.gather [hbm4b:s5+s4], $0x8000, $0x38;
	[tilespmem:$0x11200] =	vst v63  }
0x28: {  	_ = 	snop  }
0x29: {  	[tilespmem:s14], [sflag:$0x2] =	stream.linear.gather [hbm4b:s6+s4], $0x8000, $0x38;
	[tilespmem:$0x11200] =	vst v63  }
0x2a: {  	_ = 	snop  }
0x2b: {  	[tilespmem:s15], [sflag:$0x3] =	stream.linear.gather [hbm4b:s7+s4], $0x400, $0x38;
	[tilespmem:$0x11200] =	vst v63  }
0x2c: {  	s0 =	simm.s32 $0x10400  }
0x2d: {  	[tilespmem:s0], [sflag:$0x3] =	stream.linear.gather [hbm4b:s8+s4], $0x400, $0x38;
	[tilespmem:$0x11200] =	vst v63  }
0x2e: {  	s30 =	rddreg [dreg:$0x3]  }
0x2f: {  	[tilespmem:s17], [sflag:$0x3] =	stream.linear.gather [hbm4b:s30+s4], $0x80, $0x38;
	[tilespmem:$0x11200] =	vst v63  }
0x30: {  	s31 =	simm.s32 $0x10880  }
0x31: {  	[tilespmem:s31], [sflag:$0x3] =	stream.linear.gather [hbm4b:s9+s4], $0x80, $0x38;
	[tilespmem:$0x11200] =	vst v63  }
0x32: {  	_ =	swait.ge [sflag:s19], $0x400  }
0x33: {  	[sflag:s19] =	ssyncset.done $0x0  }
0x34: {  	[sflag:s19] =	ssyncadd.s32 $0xFFFFFC00  }
0x35: {  	_ =	swait.ge [sflag:s19], $0x400  }
0x36: {  	[sflag:s19] =	ssyncset.done $0x0  }
0x37: {  	[sflag:s19] =	ssyncadd.s32 $0xFFFFFC00  }
0x38: {  	_ =	swait.ge [sflag:s19], $0x80  }
0x39: {  	[sflag:s19] =	ssyncset.done $0x0  }
0x3a: {  	[sflag:s19] =	ssyncadd.s32 $0xFFFFFF80  }
0x3b: {  	_ =	swait.ge [sflag:s19], $0x80  }
0x3c: {  	[sflag:s19] =	ssyncset.done $0x0  }
0x3d: {  	[sflag:s19] =	ssyncadd.s32 $0xFFFFFF80  }
0x3e: {  	[tilespmem:$0x10900] =	vst v2  }
0x3f: {  	[tilespmem:$0x10910] =	vst v2  }
0x40: {  	[tilespmem:$0x10920] =	vst v2  }
0x41: {  	[tilespmem:$0x10930] =	vst v2  }
0x42: {  	[tilespmem:$0x10940] =	vst v2  }
0x43: {  	[tilespmem:$0x10950] =	vst v2  }
0x44: {  	[tilespmem:$0x10960] =	vst v2  }
0x45: {  	[tilespmem:$0x10970] =	vst v2  }
0x46: {  	[tilespmem:$0x10980] =	vst v2  }
0x47: {  	[tilespmem:$0x10990] =	vst v2  }
0x48: {  	[tilespmem:$0x109A0] =	vst v2  }
0x49: {  	[tilespmem:$0x109B0] =	vst v2  }
0x4a: {  	[tilespmem:$0x109C0] =	vst v2  }
0x4b: {  	[tilespmem:$0x109D0] =	vst v2  }
0x4c: {  	[tilespmem:$0x109E0] =	vst v2  }
0x4d: {  	[tilespmem:$0x109F0] =	vst v2  }
0x4e: {  	[tilespmem:$0x10A00] =	vst v2  }
0x4f: {  	[tilespmem:$0x10A10] =	vst v2  }
0x50: {  	[tilespmem:$0x10A20] =	vst v2  }
0x51: {  	[tilespmem:$0x10A30] =	vst v2  }
0x52: {  	[tilespmem:$0x10A40] =	vst v2  }
0x53: {  	[tilespmem:$0x10A50] =	vst v2  }
0x54: {  	[tilespmem:$0x10A60] =	vst v2  }
0x55: {  	[tilespmem:$0x10A70] =	vst v2  }
0x56: {  	[tilespmem:$0x10A80] =	vst v2  }
0x57: {  	[tilespmem:$0x10A90] =	vst v2  }
0x58: {  	[tilespmem:$0x10AA0] =	vst v2  }
0x59: {  	[tilespmem:$0x10AB0] =	vst v2  }
0x5a: {  	[tilespmem:$0x10AC0] =	vst v2  }
0x5b: {  	[tilespmem:$0x10AD0] =	vst v2  }
0x5c: {  	[tilespmem:$0x10AE0] =	vst v2  }
0x5d: {  	[tilespmem:$0x10AF0] =	vst v2  }
0x5e: {  	[tilespmem:$0x10B00] =	vst v2  }
0x5f: {  	[tilespmem:$0x10B10] =	vst v2  }
0x60: {  	[tilespmem:$0x10B20] =	vst v2  }
0x61: {  	[tilespmem:$0x10B30] =	vst v2  }
0x62: {  	[tilespmem:$0x10B40] =	vst v2  }
0x63: {  	[tilespmem:$0x10B50] =	vst v2  }
0x64: {  	[tilespmem:$0x10B60] =	vst v2  }
0x65: {  	[tilespmem:$0x10B70] =	vst v2  }
0x66: {  	[tilespmem:$0x10B80] =	vst v2  }
0x67: {  	[tilespmem:$0x10B90] =	vst v2  }
0x68: {  	[tilespmem:$0x10BA0] =	vst v2  }
0x69: {  	[tilespmem:$0x10BB0] =	vst v2  }
0x6a: {  	[tilespmem:$0x10BC0] =	vst v2  }
0x6b: {  	[tilespmem:$0x10BD0] =	vst v2  }
0x6c: {  	[tilespmem:$0x10BE0] =	vst v2  }
0x6d: {  	[tilespmem:$0x10BF0] =	vst v2  }
0x6e: {  	[tilespmem:$0x10C00] =	vst v2  }
0x6f: {  	[tilespmem:$0x10C10] =	vst v2  }
0x70: {  	[tilespmem:$0x10C20] =	vst v2  }
0x71: {  	[tilespmem:$0x10C30] =	vst v2  }
0x72: {  	[tilespmem:$0x10C40] =	vst v2  }
0x73: {  	[tilespmem:$0x10C50] =	vst v2  }
0x74: {  	[tilespmem:$0x10C60] =	vst v2  }
0x75: {  	[tilespmem:$0x10C70] =	vst v2  }
0x76: {  	[tilespmem:$0x10C80] =	vst v2  }
0x77: {  	[tilespmem:$0x10C90] =	vst v2  }
0x78: {  	[tilespmem:$0x10CA0] =	vst v2  }
0x79: {  	[tilespmem:$0x10CB0] =	vst v2  }
0x7a: {  	[tilespmem:$0x10CC0] =	vst v2  }
0x7b: {  	[tilespmem:$0x10CD0] =	vst v2  }
0x7c: {  	[tilespmem:$0x10CE0] =	vst v2  }
0x7d: {  	[tilespmem:$0x10CF0] =	vst v2  }
0x7e: {  	[tilespmem:$0x10D00] =	vst v2  }
0x7f: {  	[tilespmem:$0x10D10] =	vst v2  }
0x80: {  	[tilespmem:$0x10D20] =	vst v2  }
0x81: {  	[tilespmem:$0x10D30] =	vst v2  }
0x82: {  	[tilespmem:$0x10D40] =	vst v2  }
0x83: {  	[tilespmem:$0x10D50] =	vst v2  }
0x84: {  	[tilespmem:$0x10D60] =	vst v2  }
0x85: {  	[tilespmem:$0x10D70] =	vst v2  }
0x86: {  	[tilespmem:$0x10D80] =	vst v2  }
0x87: {  	[tilespmem:$0x10D90] =	vst v2  }
0x88: {  	[tilespmem:$0x10DA0] =	vst v2  }
0x89: {  	[tilespmem:$0x10DB0] =	vst v2  }
0x8a: {  	[tilespmem:$0x10DC0] =	vst v2  }
0x8b: {  	[tilespmem:$0x10DD0] =	vst v2  }
0x8c: {  	[tilespmem:$0x10DE0] =	vst v2  }
0x8d: {  	[tilespmem:$0x10DF0] =	vst v2  }
0x8e: {  	[tilespmem:$0x10E00] =	vst v2  }
0x8f: {  	[tilespmem:$0x10E10] =	vst v2  }
0x90: {  	[tilespmem:$0x10E20] =	vst v2  }
0x91: {  	[tilespmem:$0x10E30] =	vst v2  }
0x92: {  	[tilespmem:$0x10E40] =	vst v2  }
0x93: {  	[tilespmem:$0x10E50] =	vst v2  }
0x94: {  	[tilespmem:$0x10E60] =	vst v2  }
0x95: {  	[tilespmem:$0x10E70] =	vst v2  }
0x96: {  	[tilespmem:$0x10E80] =	vst v2  }
0x97: {  	[tilespmem:$0x10E90] =	vst v2  }
0x98: {  	[tilespmem:$0x10EA0] =	vst v2;
	v3 =	vld [tilespmem:$0x10880]  }
0x99: {  	[tilespmem:$0x10EB0] =	vst v2  }
0x9a: {  	[tilespmem:$0x10EC0] =	vst v2  }
0x9b: {  	[tilespmem:$0x10ED0] =	vst v2  }
0x9c: {  	[tilespmem:$0x10EE0] =	vst v2  }
0x9d: {  	[tilespmem:$0x10EF0] =	vst v2;
	v3 =	vtrunc.f32 v3  }
0x9e: {  	[tilespmem:$0x10F00] =	vst v2;
	v3 =	vcvt.f32.s32 v3  }
0x9f: {  	[tilespmem:$0x10F10] =	vst v2  }
0xa0: {  	[tilespmem:$0x10F20] =	vst v2;
	vm0 =	vgt.s32 v3, $0x0  }
0xa1: {  	[tilespmem:$0x10F30] =	vst v2;
	(xrf0) =	vadd.scan.msk.s32 $0xffff, v3;
	v4 =	vnsel vm0, $0x80000010, v1  }
0xa2: {  	[tilespmem:$0x10F40] =	vst v2;
	(xrf0) =	vmin.scan.msk.u32 $0xffff, v4;
	v4 =	vnsel vm0, $0x7FFFFFFF, v1  }
0xa3: {  	[tilespmem:$0x10F50] =	vst v2;
	(xrf0) =	vmax.scan.msk.u32 $0xffff, v4  }
0xa4: {  	[tilespmem:$0x10F60] =	vst v2  }
0xa5: {  	[tilespmem:$0x10F70] =	vst v2  }
0xa6: {  	[tilespmem:$0x10F80] =	vst v2  }
0xa7: {  	[tilespmem:$0x10F90] =	vst v2;
	v4, _, _ =	vpop (xrf0)  }
0xa8: {  	[tilespmem:$0x10FA0] =	vst v2;
	v5, _, _ =	vpop (xrf0)  }
0xa9: {  	[tilespmem:$0x10FB0] =	vst v2;
	(v2sf) =	vpush v5, $0xF;
	v5, _, _ =	vpop (xrf0)  }
0xaa: {  	[tilespmem:$0x10FC0] =	vst v2;
	(v2sf) =	vpush v5, $0xF  }
0xab: {  	[tilespmem:$0x10FD0] =	vst v2  }
0xac: {  	[tilespmem:$0x10FE0] =	vst v2  }
0xad: {  	[tilespmem:$0x10FF0] =	vst v2  }
0xae: {  	[tilespmem:$0x11000] =	vst v2  }
0xaf: {  	[tilespmem:$0x11010] =	vst v2  }
0xb0: {  	[tilespmem:$0x11020] =	vst v2  }
0xb1: {  	[tilespmem:$0x11030] =	vst v2  }
0xb2: {  	[tilespmem:$0x11040] =	vst v2  }
0xb3: {  	[tilespmem:$0x11050] =	vst v2  }
0xb4: {  	[tilespmem:$0x11060] =	vst v2  }
0xb5: {  	[tilespmem:$0x11070] =	vst v2  }
0xb6: {  	[tilespmem:$0x11080] =	vst v2  }
0xb7: {  	[tilespmem:$0x11090] =	vst v2  }
0xb8: {  	[tilespmem:$0x110A0] =	vst v2;
	s24 =	spop (v2sf)  }
0xb9: {  	[tilespmem:$0x110B0] =	vst v2;
	s23 =	spop (v2sf)  }
0xba: {  	[tilespmem:$0x110C0] =	vst v2;
	s25 =	sxor.u32 $0x80000000, s24;
	s26 =	sadd.s32 $0x80000001, s23  }
0xbb: {  	[tilespmem:$0x110D0] =	vst v2;
	p1 =	sge.s32 s25, s26  }
.Ltmp2:
0xbc: {  	[tilespmem:$0x110E0] =	vst v2;
	(pc) =	sbr.rel @p1 .LBB2_20-.Ltmp2, $4  }
0xbd: {  	[tilespmem:$0x110F0] =	vst v2  }
0xbe: {  	_ =	swait.ge [sflag:s20], $0x8000  }
0xbf: {  	v3 =	vsub.s32 v4, v3;
	[sflag:s20] =	ssyncset.done $0x0  }
0xc0: {  	v4 =	vxor.u32 $0x80000000, v4;
	v3 =	vxor.u32 $0x80000000, v3;
	[sflag:s20] =	ssyncadd.s32 $0xFFFF8000  }
.Ltmp3:
0xc1: {  	(pc) =	sbr.rel .LBB2_3-.Ltmp3, $2  }
0xc2: {  	_ =	sdelay $0x2  }
0xc3: {  	s28 =	smov.u32 s25  }
.LBB2_10:
0xc4: {  	s0 =	sshll.u32 s28, $0x9  }
0xc5: {  	s0 =	sshra.s32 s0, $0x2  }
0xc6: {  	v13 =	vld [tilespmem:s0+$0x10900]  }
0xc7: {  	v14 =	vld [tilespmem:s0+$0x10910]  }
0xc8: {  	v15 =	vld [tilespmem:s0+$0x10920]  }
0xc9: {  	v16 =	vld [tilespmem:s0+$0x10930]  }
0xca: {  	v17 =	vld [tilespmem:s0+$0x10940]  }
0xcb: {  	v59 =	vld [tilespmem:s0+$0x10950];
	v9 =	vadd.f32 v13, v9  }
0xcc: {  	v60 =	vld [tilespmem:s0+$0x10960];
	v10 =	vadd.f32 v14, v10  }
0xcd: {  	v62 =	vld [tilespmem:s0+$0x10970];
	v61 =	vadd.f32 v15, v12;
	[tilespmem:s0+$0x10900] =	vst v9  }
0xce: {  	s28 =	sadd.s32 $0x1, s28;
	v63 =	vadd.f32 v16, v11;
	[tilespmem:s0+$0x10910] =	vst v10  }
0xcf: {  	p1 =	sne.s32 s28, s26;
	v5 =	vadd.f32 v17, v5;
	[tilespmem:s0+$0x10920] =	vst v61  }
.Ltmp4:
0xd0: {  	v6 =	vadd.f32 v59, v6;
	[tilespmem:s0+$0x10930] =	vst v63;
	(pc) =	sbr.rel @!p1 .LBB2_11-.Ltmp4, $4  }
0xd1: {  	[tilespmem:s0+$0x10940] =	vst v5;
	v5 =	vadd.f32 v60, v7  }
0xd2: {  	[tilespmem:s0+$0x10950] =	vst v6;
	v6 =	vadd.f32 v62, v8  }
0xd3: {  	[tilespmem:s0+$0x10960] =	vst v5  }
0xd4: {  	[tilespmem:s0+$0x10970] =	vst v6  }
.LBB2_3:
0xd5: {  	v5 =	vmov s28  }
0xd6: {  	vm0 =	veq.s32 v5, v0  }
0xd7: {  	v5 =	vnsel vm0, $0x80000000, v3  }
0xd8: {  	(xrf0) =	vmax.scan.msk.u32 $0xffff, v5;
	v5 =	vnsel vm0, $0x80000000, v4  }
0xd9: {  	(xrf0) =	vmax.scan.msk.u32 $0xffff, v5;
	_ =	sdelay $0x4  }
0xda: {  	v5, _, _ =	vpop (xrf0)  }
0xdb: {  	(v2sf) =	vpush v5, $0xF;
	v5, _, _ =	vpop (xrf0)  }
0xdc: {  	(v2sf) =	vpush v5, $0xF;
	_ =	sdelay $0xd  }
0xdd: {  	s0 =	spop (v2sf)  }
0xde: {  	s2 =	spop (v2sf)  }
0xdf: {  	s1 =	sxor.u32 $0x80000000, s0;
	s29 =	sxor.u32 $0x80000000, s2  }
0xe0: {  	p1 =	sgt.s32 s1, $0x0;
	p2 =	slt.s32 s29, $0x100  }
0xe1: {  	s1 =	simm.s32 @!p1 $0x0;
	s29 =	simm.s32 @!p2 $0x100  }
0xe2: {  	s30 =	ssub.s32 s29, s1  }
0xe3: {  	s18 =	sshra.s32 s30, $0x1F  }
0xe4: {  	s0 =	sshrl.u32 s18, $0x1D  }
0xe5: {  	s0 =	sadd.s32 s0, s30  }
0xe6: {  	s31 =	sand.u32 $0xFFFFFFF8, s0  }
0xe7: {  	s0 =	sadd.s32 s1, s31  }
0xe8: {  	p1 =	sge.s32 s1, s0  }
.Ltmp5:
0xe9: {  	_ = 	snop;
	(pc) =	sbr.rel @p1 .LBB2_7-.Ltmp5, $4  }
0xea: {  	_ = 	snop  }
0xeb: {  	v9 =	vimm.f32 $0.0e+00;
	v10 =	vimm.f32 $0.0e+00  }
0xec: {  	v12 =	vimm.f32 $0.0e+00;
	v11 =	vimm.f32 $0.0e+00;
	v6 =	vimm.f32 $0.0e+00  }
0xed: {  	v7 =	vimm.f32 $0.0e+00;
	v8 =	vimm.f32 $0.0e+00;
	v5 =	vimm.f32 $0.0e+00  }
0xee: {  	s2 =	sshll.u32 s1, $0x9  }
0xef: {  	s2 =	sshra.s32 s2, $0x2  }
0xf0: {  	s16 =	sadd.s32 $0x200, s2  }
0xf1: {  	v7 =	vld [tilespmem:s16+$0x180]  }
0xf2: {  	v8 =	vld [tilespmem:s16+$0x190]  }
0xf3: {  	v9 =	vld [tilespmem:s16+$0x1A0]  }
0xf4: {  	v10 =	vld [tilespmem:s16+$0x1B0]  }
0xf5: {  	v11 =	vld [tilespmem:s16+$0x1C0]  }
0xf6: {  	v12 =	vld [tilespmem:s16+$0x1D0]  }
0xf7: {  	v14 =	vld [tilespmem:s16+$0x100]  }
0xf8: {  	v15 =	vld [tilespmem:s16+$0x110]  }
0xf9: {  	v16 =	vld [tilespmem:s16+$0x120]  }
0xfa: {  	v17 =	vld [tilespmem:s16+$0x130]  }
0xfb: {  	v19 =	vld [tilespmem:s16+$0x140]  }
0xfc: {  	v20 =	vld [tilespmem:s16+$0x150]  }
0xfd: {  	v21 =	vld [tilespmem:s16+$0x80]  }
0xfe: {  	v22 =	vld [tilespmem:s16+$0x90]  }
0xff: {  	v23 =	vld [tilespmem:s16+$0xA0]  }
0x100: {  	v25 =	vld [tilespmem:s16+$0xC0]  }
0x101: {  	v26 =	vld [tilespmem:s16+$0xD0]  }
0x102: {  	v27 =	vld [tilespmem:s16+$0x0]  }
0x103: {  	v6 =	vld [tilespmem:s16+$0xFFFFFE00]  }
0x104: {  	v13 =	vld [tilespmem:s16+$0xFFFFFE10]  }
0x105: {  	v28 =	vld [tilespmem:s16+$0xFFFFFE20]  }
0x106: {  	v5 =	vmov s1;
	v29 =	vld [tilespmem:s16+$0xFFFFFE30]  }
0x107: {  	v30 =	vld [tilespmem:s16+$0xFFFFFE40]  }
0x108: {  	v33 =	vld [tilespmem:s16+$0xFFFFFE50]  }
0x109: {  	s18 =	sadd.s32 $0x7, s1;
	v34 =	vld [tilespmem:s16+$0xFFFFFE60]  }
0x10a: {  	v31 =	vmov s18;
	v36 =	vld [tilespmem:s16+$0xFFFFFE70]  }
0x10b: {  	v32 =	vld.idx.msk [tilespmem:v5+s15+$0x0], $0xffff  }
0x10c: {  	s2 =	sadd.s32 $0x4, s1;
	v40 =	vld [tilespmem:s16+$0xFFFFFF80]  }
0x10d: {  	s18 =	sadd.s32 $0x6, s1;
	v59 =	vld [tilespmem:s16+$0xFFFFFF90];
	v41 =	vmov s2  }
0x10e: {  	v35 =	vmov s18;
	v60 =	vld [tilespmem:s16+$0xFFFFFF00]  }
0x10f: {  	v5 =	vld.idx.msk [tilespmem:v31+s15+$0x0], $0xffff  }
0x110: {  	s18 =	sadd.s32 $0x5, s1;
	v46 =	vld [tilespmem:s16+$0xFFFFFF10];
	v38 =	vmul.f32 v6, v32  }
0x111: {  	v37 =	vmov s18;
	s18 =	sadd.s32 $0x3, s1;
	v53 =	vld [tilespmem:s16+$0x20];
	v39 =	vmul.f32 v13, v32;
	v28 =	vmul.f32 v28, v32  }
0x112: {  	s2 =	sadd.s32 $0x2, s1;
	v42 =	vmov s18;
	v41 =	vld.idx.msk [tilespmem:v41+s15+$0x0], $0xffff;
	v29 =	vmul.f32 v29, v32;
	v30 =	vmul.f32 v30, v32  }
0x113: {  	v43 =	vmov s2;
	v6 =	vld.idx.msk [tilespmem:v35+s15+$0x0], $0xffff;
	v33 =	vmul.f32 v33, v32;
	v34 =	vmul.f32 v34, v32  }
0x114: {  	v62 =	vld [tilespmem:s16+$0xFFFFFEA0];
	s18 =	sadd.s32 $0x1, s1;
	v32 =	vmul.f32 v36, v32;
	v61 =	vmul.f32 v7, v5  }
0x115: {  	v45 =	vmov s18;
	v31 =	vld [tilespmem:s16+$0x10];
	v44 =	vmul.f32 v8, v5;
	v47 =	vmul.f32 v9, v5  }
0x116: {  	v13 =	vld.idx.msk [tilespmem:v37+s15+$0x0], $0xffff;
	v48 =	vmul.f32 v10, v5;
	v7 =	vmul.f32 v11, v5  }
0x117: {  	v42 =	vld.idx.msk [tilespmem:v42+s15+$0x0], $0xffff;
	v8 =	vmul.f32 v12, v5;
	v56 =	vmul.f32 v53, v41  }
0x118: {  	v43 =	vld.idx.msk [tilespmem:v43+s15+$0x0], $0xffff;
	v10 =	vmul.f32 v14, v6;
	v11 =	vmul.f32 v15, v6  }
0x119: {  	v9 =	vld [tilespmem:s16+$0xFFFFFE80];
	v12 =	vmul.f32 v16, v6;
	v49 =	vmul.f32 v17, v6  }
0x11a: {  	v14 =	vmul.f32 v19, v6;
	v15 =	vmul.f32 v20, v6;
	v19 =	vld.idx.msk [tilespmem:v45+s15+$0x0], $0xffff  }
0x11b: {  	v20 =	vmul.f32 v21, v13;
	v21 =	vmul.f32 v22, v13;
	v22 =	vld [tilespmem:s16+$0xFFFFFE90]  }
0x11c: {  	v18 =	vimm.f32 $0.0e+00;
	v16 =	vmul.f32 v25, v13;
	v17 =	vmul.f32 v26, v13;
	v25 =	vld [tilespmem:s16+$0xFFFFFEB0]  }
0x11d: {  	v38 =	vadd.f32 v38, v18;
	v26 =	vmul.f32 v27, v41;
	v27 =	vmul.f32 v31, v41;
	v31 =	vld [tilespmem:s16+$0xFFFFFF20]  }
0x11e: {  	v50 =	vld [tilespmem:s16+$0xFFFFFF30];
	v39 =	vadd.f32 v39, v18;
	v40 =	vmul.f32 v40, v42;
	v35 =	vmul.f32 v59, v42  }
0x11f: {  	v51 =	vld [tilespmem:s16+$0xFFFFFFA0];
	v28 =	vadd.f32 v28, v18;
	v36 =	vmul.f32 v60, v43;
	v46 =	vmul.f32 v46, v43  }
0x120: {  	v52 =	vld [tilespmem:s16+$0xFFFFFFB0];
	v29 =	vadd.f32 v29, v18;
	v9 =	vmul.f32 v9, v19;
	v22 =	vmul.f32 v22, v19  }
0x121: {  	v54 =	vld [tilespmem:s16+$0x50];
	v34 =	vadd.f32 v34, v18;
	v45 =	vmul.f32 v62, v19;
	v25 =	vmul.f32 v25, v19  }
0x122: {  	v63 =	vld [tilespmem:s16+$0x30];
	v31 =	vmul.f32 v31, v43;
	v9 =	vadd.f32 v9, v38;
	v22 =	vadd.f32 v22, v39  }
0x123: {  	v24 =	vld [tilespmem:s16+$0xB0];
	v28 =	vadd.f32 v45, v28;
	v25 =	vadd.f32 v25, v29;
	v29 =	vmul.f32 v50, v43  }
0x124: {  	v55 =	vld [tilespmem:s16+$0xFFFFFFD0];
	v51 =	vmul.f32 v51, v42;
	v9 =	vadd.f32 v36, v9;
	v22 =	vadd.f32 v46, v22  }
0x125: {  	v50 =	vld [tilespmem:s16+$0x40];
	v28 =	vadd.f32 v31, v28;
	v25 =	vadd.f32 v29, v25;
	v29 =	vmul.f32 v52, v42  }
0x126: {  	v59 =	vmul.f32 v54, v41;
	v31 =	vld [tilespmem:s16+$0xFFFFFFC0];
	v9 =	vadd.f32 v40, v9;
	v22 =	vadd.f32 v35, v22  }
0x127: {  	v57 =	vld [tilespmem:s16+$0xFFFFFF40];
	v28 =	vadd.f32 v51, v28;
	v25 =	vadd.f32 v29, v25;
	v29 =	vmul.f32 v63, v41  }
0x128: {  	v58 =	vld [tilespmem:s16+$0xFFFFFF50];
	v23 =	vmul.f32 v23, v13;
	v9 =	vadd.f32 v26, v9;
	v22 =	vadd.f32 v27, v22  }
0x129: {  	v24 =	vmul.f32 v24, v13;
	v26 =	vld [tilespmem:s16+$0xFFFFFEC0];
	v28 =	vadd.f32 v56, v28;
	v25 =	vadd.f32 v29, v25  }
0x12a: {  	v27 =	vmul.f32 v50, v41;
	v29 =	vld [tilespmem:s16+$0xFFFFFED0];
	v9 =	vadd.f32 v20, v9;
	v20 =	vadd.f32 v21, v22  }
0x12b: {  	v31 =	vmul.f32 v31, v42;
	v21 =	vld [tilespmem:s16+$0xFFFFFEE0];
	v23 =	vadd.f32 v23, v28;
	v24 =	vadd.f32 v24, v25  }
0x12c: {  	v22 =	vmul.f32 v55, v42;
	v25 =	vld [tilespmem:s16+$0xFFFFFEF0];
	v9 =	vadd.f32 v10, v9;
	v10 =	vadd.f32 v11, v20  }
0x12d: {  	v60 =	vld [tilespmem:s16+$0xFFFFFF60];
	v28 =	vmul.f32 v57, v43;
	v11 =	vadd.f32 v12, v23;
	v23 =	vadd.f32 v49, v24  }
0x12e: {  	v24 =	vmul.f32 v26, v19;
	v26 =	vld [tilespmem:s16+$0xFFFFFF70];
	v9 =	vadd.f32 v61, v9;
	v10 =	vadd.f32 v44, v10  }
0x12f: {  	v62 =	vld [tilespmem:s16+$0xFFFFFFF0];
	v20 =	vmul.f32 v58, v43;
	v12 =	vadd.f32 v47, v11;
	v11 =	vadd.f32 v48, v23  }
0x130: {  	v29 =	vmul.f32 v29, v19;
	v61 =	vld [tilespmem:s16+$0xFFFFFFE0];
	v23 =	vadd.f32 v30, v18;
	v30 =	vadd.f32 v33, v18  }
0x131: {  	v18 =	vadd.f32 v32, v18;
	v21 =	vmul.f32 v21, v19;
	v19 =	vmul.f32 v25, v19;
	v25 =	vld [tilespmem:s16+$0x60]  }
0x132: {  	s2 =	sadd.s32 $0x8, s1;
	v23 =	vadd.f32 v24, v23;
	v24 =	vadd.f32 v29, v30;
	v29 =	vmul.f32 v60, v43;
	v30 =	vld [tilespmem:s16+$0x70]  }
0x133: {  	p1 =	slt.s32 s2, s0;
	v63 =	vld [tilespmem:s16+$0xE0];
	v21 =	vadd.f32 v21, v34;
	v19 =	vadd.f32 v19, v18;
	v26 =	vmul.f32 v26, v43  }
.Ltmp6:
0x134: {  	v18 =	vld [tilespmem:s16+$0xF0];
	v23 =	vadd.f32 v28, v23;
	v20 =	vadd.f32 v20, v24;
	v28 =	vmul.f32 v62, v42;
	(pc) =	sbr.rel @!p1 .LBB2_6-.Ltmp6, $4  }
0x135: {  	v24 =	vmul.f32 v61, v42;
	v21 =	vadd.f32 v29, v21;
	v26 =	vadd.f32 v26, v19;
	v19 =	vld [tilespmem:s16+$0x160]  }
0x136: {  	v31 =	vadd.f32 v31, v23;
	v22 =	vadd.f32 v22, v20;
	v23 =	vmul.f32 v25, v41;
	v20 =	vld [tilespmem:s16+$0x170]  }
0x137: {  	v25 =	vadd.f32 v24, v21;
	v29 =	vmul.f32 v30, v41;
	v21 =	vld [tilespmem:s16+$0x1E0];
	v26 =	vadd.f32 v28, v26  }
0x138: {  	s1 =	sadd.s32 $0x400, s16;
	v24 =	vmul.f32 v63, v13;
	v27 =	vadd.f32 v27, v31;
	v28 =	vadd.f32 v59, v22;
	v22 =	vld [tilespmem:s16+$0x1F0]  }
.LBB2_5:
0x139: {  	v30 =	vld [tilespmem:s1+$0x180];
	v23 =	vadd.f32 v23, v25;
	v25 =	vadd.f32 v29, v26;
	v13 =	vmul.f32 v18, v13  }
0x13a: {  	v29 =	vld [tilespmem:s1+$0x190];
	v16 =	vadd.f32 v16, v27;
	v17 =	vadd.f32 v17, v28;
	v18 =	vmul.f32 v19, v6  }
0x13b: {  	v27 =	vld [tilespmem:s1+$0x1A0];
	v19 =	vadd.f32 v24, v23;
	v13 =	vadd.f32 v13, v25;
	v6 =	vmul.f32 v20, v6  }
0x13c: {  	v28 =	vld [tilespmem:s1+$0x1B0];
	v14 =	vadd.f32 v14, v16;
	v15 =	vadd.f32 v15, v17;
	v16 =	vmul.f32 v21, v5  }
0x13d: {  	v17 =	vld [tilespmem:s1+$0x1C0];
	v18 =	vadd.f32 v18, v19;
	v6 =	vadd.f32 v6, v13;
	v5 =	vmul.f32 v22, v5  }
0x13e: {  	v22 =	vld [tilespmem:s1+$0x1D0];
	v20 =	vadd.f32 v7, v14;
	v21 =	vadd.f32 v8, v15  }
0x13f: {  	v14 =	vld [tilespmem:s1+$0x100];
	v18 =	vadd.f32 v16, v18;
	v19 =	vadd.f32 v5, v6  }
0x140: {  	v15 =	vld [tilespmem:s1+$0x110]  }
0x141: {  	v16 =	vld [tilespmem:s1+$0x120]  }
0x142: {  	v31 =	vld [tilespmem:s1+$0x130]  }
0x143: {  	v32 =	vld [tilespmem:s1+$0x140]  }
0x144: {  	v33 =	vld [tilespmem:s1+$0x150]  }
0x145: {  	v34 =	vld [tilespmem:s1+$0x80]  }
0x146: {  	v35 =	vld [tilespmem:s1+$0x90]  }
0x147: {  	v36 =	vld [tilespmem:s1+$0xA0]  }
0x148: {  	v37 =	vld [tilespmem:s1+$0xB0]  }
0x149: {  	v38 =	vld [tilespmem:s1+$0xC0]  }
0x14a: {  	v39 =	vld [tilespmem:s1+$0xD0]  }
0x14b: {  	v40 =	vld [tilespmem:s1+$0x0]  }
0x14c: {  	v5 =	vmov s2;
	v6 =	vld [tilespmem:s1+$0xFFFFFE00]  }
0x14d: {  	v7 =	vld [tilespmem:s1+$0xFFFFFE10]  }
0x14e: {  	v8 =	vld [tilespmem:s1+$0xFFFFFE20]  }
0x14f: {  	s16 =	sadd.s32 $0x7, s2;
	v13 =	vld [tilespmem:s1+$0xFFFFFE30]  }
0x150: {  	v24 =	vmov s16;
	v23 =	vld [tilespmem:s1+$0xFFFFFE40]  }
0x151: {  	v26 =	vld.idx.msk [tilespmem:v5+s15+$0x0], $0xffff  }
0x152: {  	s16 =	sadd.s32 $0x6, s2;
	v25 =	vld [tilespmem:s1+$0xFFFFFE50]  }
0x153: {  	v42 =	vmov s16;
	v41 =	vld [tilespmem:s1+$0xFFFFFE60]  }
0x154: {  	v43 =	vld [tilespmem:s1+$0xFFFFFE70]  }
0x155: {  	s16 =	sadd.s32 $0x5, s2;
	v5 =	vld.idx.msk [tilespmem:v24+s15+$0x0], $0xffff  }
0x156: {  	v45 =	vmov s16;
	v44 =	vld [tilespmem:s1+$0x10]  }
0x157: {  	v46 =	vmul.f32 v6, v26;
	v47 =	vmul.f32 v7, v26;
	v48 =	vld [tilespmem:s1+$0xFFFFFF80]  }
0x158: {  	s16 =	sadd.s32 $0x4, s2;
	v49 =	vmul.f32 v8, v26;
	v50 =	vmul.f32 v13, v26;
	v6 =	vld.idx.msk [tilespmem:v42+s15+$0x0], $0xffff  }
0x159: {  	s18 =	sadd.s32 $0x3, s2;
	v51 =	vmov s16;
	v23 =	vmul.f32 v23, v26;
	v24 =	vmul.f32 v25, v26;
	v42 =	vld [tilespmem:s1+$0xFFFFFF90]  }
0x15a: {  	s16 =	sadd.s32 $0x2, s2;
	v25 =	vmul.f32 v41, v26;
	v26 =	vmul.f32 v43, v26;
	v43 =	vmov s18;
	v41 =	vld [tilespmem:s1+$0xFFFFFF00]  }
0x15b: {  	v52 =	vmov s16;
	s18 =	sadd.s32 $0x1, s2;
	v30 =	vmul.f32 v30, v5;
	v29 =	vmul.f32 v29, v5;
	v13 =	vld.idx.msk [tilespmem:v45+s15+$0x0], $0xffff  }
0x15c: {  	v54 =	vmul.f32 v27, v5;
	v55 =	vmul.f32 v28, v5;
	v45 =	vmov s18;
	v53 =	vld [tilespmem:s1+$0xFFFFFF10]  }
0x15d: {  	v7 =	vmul.f32 v17, v5;
	v8 =	vmul.f32 v22, v5;
	v56 =	vld [tilespmem:s1+$0xFFFFFE80]  }
0x15e: {  	v57 =	vmul.f32 v15, v6;
	v22 =	vld.idx.msk [tilespmem:v51+s15+$0x0], $0xffff;
	v51 =	vmul.f32 v14, v6  }
0x15f: {  	v31 =	vmul.f32 v31, v6;
	v27 =	vld.idx.msk [tilespmem:v43+s15+$0x0], $0xffff;
	v43 =	vmul.f32 v16, v6  }
0x160: {  	v15 =	vmul.f32 v33, v6;
	v14 =	vmul.f32 v32, v6;
	v28 =	vld.idx.msk [tilespmem:v52+s15+$0x0], $0xffff  }
0x161: {  	v33 =	vmul.f32 v34, v13;
	v34 =	vmul.f32 v35, v13;
	v32 =	vld.idx.msk [tilespmem:v45+s15+$0x0], $0xffff  }
0x162: {  	v36 =	vmul.f32 v36, v13;
	v37 =	vmul.f32 v37, v13;
	v35 =	vld [tilespmem:s1+$0xFFFFFE90]  }
0x163: {  	v16 =	vmul.f32 v38, v13;
	v17 =	vmul.f32 v39, v13;
	v45 =	vld [tilespmem:s1+$0xFFFFFEA0]  }
0x164: {  	v39 =	vmul.f32 v40, v22;
	v40 =	vmul.f32 v44, v22;
	v38 =	vld [tilespmem:s1+$0xFFFFFEB0]  }
0x165: {  	v48 =	vmul.f32 v48, v27;
	v42 =	vmul.f32 v42, v27;
	v44 =	vld [tilespmem:s1+$0xFFFFFF20]  }
0x166: {  	v41 =	vmul.f32 v41, v28;
	v52 =	vmul.f32 v53, v28;
	v53 =	vld [tilespmem:s1+$0xFFFFFF30]  }
0x167: {  	v56 =	vmul.f32 v56, v32;
	v35 =	vmul.f32 v35, v32;
	v58 =	vld [tilespmem:s1+$0xFFFFFFA0]  }
0x168: {  	v9 =	vadd.f32 v46, v9;
	v10 =	vadd.f32 v47, v10;
	v45 =	vmul.f32 v45, v32;
	v46 =	vld [tilespmem:s1+$0xFFFFFFB0]  }
0x169: {  	v12 =	vadd.f32 v49, v12;
	v11 =	vadd.f32 v50, v11;
	v38 =	vmul.f32 v38, v32;
	v47 =	vld [tilespmem:s1+$0x20]  }
0x16a: {  	v9 =	vadd.f32 v56, v9;
	v10 =	vadd.f32 v35, v10;
	v35 =	vmul.f32 v44, v28;
	v44 =	vld [tilespmem:s1+$0x30]  }
0x16b: {  	v12 =	vadd.f32 v45, v12;
	v11 =	vadd.f32 v38, v11;
	v38 =	vmul.f32 v53, v28;
	v45 =	vld [tilespmem:s1+$0x40]  }
0x16c: {  	s2 =	sadd.s32 $0x8, s2;
	v9 =	vadd.f32 v41, v9;
	v10 =	vadd.f32 v52, v10;
	v41 =	vmul.f32 v58, v27;
	v49 =	vld [tilespmem:s1+$0x50]  }
0x16d: {  	p1 =	slt.s32 s2, s0;
	v12 =	vadd.f32 v35, v12;
	v11 =	vadd.f32 v38, v11;
	v35 =	vmul.f32 v46, v27;
	v38 =	vld [tilespmem:s1+$0xFFFFFFC0]  }
0x16e: {  	v9 =	vadd.f32 v48, v9;
	v10 =	vadd.f32 v42, v10;
	v42 =	vld [tilespmem:s1+$0xFFFFFFD0];
	v46 =	vmul.f32 v47, v22  }
0x16f: {  	v12 =	vadd.f32 v41, v12;
	v47 =	vld [tilespmem:s1+$0xFFFFFF40];
	v11 =	vadd.f32 v35, v11;
	v35 =	vmul.f32 v44, v22  }
0x170: {  	v9 =	vadd.f32 v39, v9;
	v10 =	vadd.f32 v40, v10;
	v41 =	vld [tilespmem:s1+$0xFFFFFF50];
	v39 =	vmul.f32 v45, v22  }
0x171: {  	v12 =	vadd.f32 v46, v12;
	v40 =	vld [tilespmem:s1+$0xFFFFFEC0];
	v11 =	vadd.f32 v35, v11;
	v35 =	vmul.f32 v49, v22  }
0x172: {  	v9 =	vadd.f32 v33, v9;
	v10 =	vadd.f32 v34, v10;
	v44 =	vld [tilespmem:s1+$0xFFFFFED0];
	v38 =	vmul.f32 v38, v27  }
0x173: {  	v12 =	vadd.f32 v36, v12;
	v33 =	vld [tilespmem:s1+$0xFFFFFEE0];
	v34 =	vmul.f32 v42, v27;
	v11 =	vadd.f32 v37, v11  }
0x174: {  	v9 =	vadd.f32 v51, v9;
	v10 =	vadd.f32 v57, v10;
	v36 =	vld [tilespmem:s1+$0xFFFFFEF0];
	v37 =	vmul.f32 v47, v28  }
0x175: {  	v12 =	vadd.f32 v43, v12;
	v41 =	vmul.f32 v41, v28;
	v42 =	vld [tilespmem:s1+$0xFFFFFF60];
	v11 =	vadd.f32 v31, v11  }
0x176: {  	v9 =	vadd.f32 v30, v9;
	v10 =	vadd.f32 v29, v10;
	v31 =	vmul.f32 v40, v32;
	v40 =	vld [tilespmem:s1+$0xFFFFFF70]  }
0x177: {  	v12 =	vadd.f32 v54, v12;
	v29 =	vmul.f32 v44, v32;
	v30 =	vld [tilespmem:s1+$0xFFFFFFE0];
	v11 =	vadd.f32 v55, v11  }
0x178: {  	v20 =	vadd.f32 v23, v20;
	v21 =	vadd.f32 v24, v21;
	v23 =	vmul.f32 v33, v32;
	v24 =	vld [tilespmem:s1+$0xFFFFFFF0]  }
0x179: {  	v18 =	vadd.f32 v25, v18;
	v19 =	vadd.f32 v26, v19;
	v25 =	vmul.f32 v36, v32;
	v26 =	vld [tilespmem:s1+$0x60]  }
0x17a: {  	v20 =	vadd.f32 v31, v20;
	v21 =	vadd.f32 v29, v21;
	v29 =	vmul.f32 v42, v28;
	v31 =	vld [tilespmem:s1+$0x70]  }
0x17b: {  	v23 =	vadd.f32 v23, v18;
	v19 =	vadd.f32 v25, v19;
	v25 =	vmul.f32 v40, v28;
	v32 =	vld [tilespmem:s1+$0xE0]  }
.Ltmp7:
0x17c: {  	v20 =	vadd.f32 v37, v20;
	v21 =	vadd.f32 v41, v21;
	v28 =	vmul.f32 v30, v27;
	v18 =	vld [tilespmem:s1+$0xF0];
	(pc) =	sbr.rel @p1 .LBB2_5-.Ltmp7, $4  }
0x17d: {  	v29 =	vadd.f32 v29, v23;
	v30 =	vadd.f32 v25, v19;
	v24 =	vmul.f32 v24, v27;
	v19 =	vld [tilespmem:s1+$0x160]  }
0x17e: {  	v27 =	vadd.f32 v38, v20;
	v33 =	vadd.f32 v34, v21;
	v23 =	vmul.f32 v26, v22;
	v20 =	vld [tilespmem:s1+$0x170]  }
0x17f: {  	v25 =	vadd.f32 v28, v29;
	v26 =	vadd.f32 v24, v30;
	v29 =	vmul.f32 v31, v22;
	v21 =	vld [tilespmem:s1+$0x1E0]  }
0x180: {  	v27 =	vadd.f32 v39, v27;
	v28 =	vadd.f32 v35, v33;
	v24 =	vmul.f32 v32, v13;
	v22 =	vld [tilespmem:s1+$0x1F0];
	s1 =	sadd.s32 $0x400, s1  }
.LBB2_6:
0x181: {  	v23 =	vadd.f32 v23, v25;
	v58 =	vadd.f32 v29, v26;
	v13 =	vmul.f32 v18, v13  }
0x182: {  	v16 =	vadd.f32 v16, v27;
	v17 =	vadd.f32 v17, v28;
	v59 =	vmul.f32 v19, v6  }
0x183: {  	v60 =	vadd.f32 v24, v23;
	v13 =	vadd.f32 v13, v58;
	v6 =	vmul.f32 v20, v6  }
0x184: {  	v14 =	vadd.f32 v14, v16;
	v15 =	vadd.f32 v15, v17;
	v61 =	vmul.f32 v21, v5  }
0x185: {  	v62 =	vadd.f32 v59, v60;
	v13 =	vadd.f32 v6, v13;
	v63 =	vmul.f32 v22, v5  }
0x186: {  	v5 =	vadd.f32 v7, v14;
	v6 =	vadd.f32 v8, v15  }
0x187: {  	v7 =	vadd.f32 v61, v62;
	v8 =	vadd.f32 v63, v13  }
.LBB2_7:
0x188: {  	p1 =	sge.s32 s0, s29  }
.Ltmp8:
0x189: {  	_ = 	snop;
	(pc) =	sbr.rel @p1 .LBB2_10-.Ltmp8, $1  }
0x18a: {  	_ =	sdelay $0x3  }
0x18b: {  	s0 =	ssub.s32 s30, s31  }
0x18c: {  	s1 =	sshll.u32 s29, $0x9;
	s2 =	sshll.u32 s0, $0x9  }
0x18d: {  	s1 =	ssub.s32 s1, s2  }
0x18e: {  	s1 =	sshra.s32 s1, $0x2  }
0x18f: {  	s0 =	ssub.s32 $0x0, s0;
	s1 =	sor.u32 $0x40, s1  }
.LBB2_9:
0x190: {  	s2 =	sadd.s32 s0, s29  }
0x191: {  	v13 =	vmov s2  }
0x192: {  	v14 =	vld [tilespmem:s1+$0xFFFFFFC0]  }
0x193: {  	v15 =	vld [tilespmem:s1+$0xFFFFFFD0]  }
0x194: {  	v16 =	vld [tilespmem:s1+$0xFFFFFFE0]  }
0x195: {  	v17 =	vld [tilespmem:s1+$0xFFFFFFF0]  }
0x196: {  	v13 =	vld.idx.msk [tilespmem:v13+s15+$0x0], $0xffff  }
0x197: {  	v18 =	vld [tilespmem:s1+$0x0]  }
0x198: {  	v19 =	vld [tilespmem:s1+$0x10]  }
0x199: {  	v20 =	vld [tilespmem:s1+$0x20]  }
0x19a: {  	v21 =	vld [tilespmem:s1+$0x30]  }
0x19b: {  	s0 =	sadd.s32 $0x1, s0;
	v14 =	vmul.f32 v14, v13  }
0x19c: {  	p1 =	seq.s32 s0, $0x0;
	v15 =	vmul.f32 v15, v13;
	v16 =	vmul.f32 v16, v13  }
.Ltmp9:
0x19d: {  	v63 =	vmul.f32 v19, v13;
	v9 =	vadd.f32 v14, v9;
	v14 =	vmul.f32 v17, v13;
	(pc) =	sbr.rel @!p1 .LBB2_9-.Ltmp9, $4  }
0x19e: {  	v10 =	vadd.f32 v15, v10;
	v12 =	vadd.f32 v16, v12;
	v15 =	vmul.f32 v18, v13  }
0x19f: {  	v11 =	vadd.f32 v14, v11;
	v14 =	vmul.f32 v20, v13;
	v13 =	vmul.f32 v21, v13  }
0x1a0: {  	v6 =	vadd.f32 v63, v6;
	v5 =	vadd.f32 v15, v5  }
0x1a1: {  	s1 =	sadd.s32 $0x80, s1;
	v7 =	vadd.f32 v14, v7;
	v8 =	vadd.f32 v13, v8  }
.Ltmp10:
0x1a2: {  	_ = 	snop;
	(pc) =	sbr.rel .LBB2_10-.Ltmp10, $1  }
0x1a3: {  	_ =	sdelay $0x3  }
.LBB2_20:
0x1a4: {  	[tilespmem:s4], [sflag:$0x1] =	stream.linear.gather [hbm4b:s10+s4], $0x8000, $0x38;
	[tilespmem:$0x11200] =	vst v63  }
0x1a5: {  	_ =	swait.ge [sflag:s21], $0x8000  }
0x1a6: {  	[sflag:s21] =	ssyncset.done $0x0  }
0x1a7: {  	[sflag:s21] =	ssyncadd.s32 $0xFFFF8000  }
.LBB2_21:
0x1a8: {  	p1 =	slt.s32 s25, s26  }
.Ltmp11:
0x1a9: {  	_ = 	snop;
	(pc) =	sbr.rel @!p1 .LBB2_22-.Ltmp11, $4  }
0x1aa: {  	[tilespmem:s14], [sflag:$0x2] =	stream.linear.gather [hbm4b:s11+s4], $0x8000, $0x38;
	[tilespmem:$0x11200] =	vst v63  }
0x1ab: {  	_ =	swait.ge [sflag:s20], $0x8000  }
0x1ac: {  	[sflag:s20] =	ssyncset.done $0x0  }
0x1ad: {  	[sflag:s20] =	ssyncadd.s32 $0xFFFF8000  }
.Ltmp12:
0x1ae: {  	(pc) =	sbr.rel .LBB2_24-.Ltmp12, $2  }
0x1af: {  	_ =	sdelay $0x2  }
0x1b0: {  	s28 =	smov.u32 s25  }
.LBB2_31:
0x1b1: {  	s0 =	sshll.u32 s28, $0x9  }
0x1b2: {  	s0 =	sshra.s32 s0, $0x2  }
0x1b3: {  	v13 =	vld [tilespmem:s0+$0x10900]  }
0x1b4: {  	v14 =	vld [tilespmem:s0+$0x10910]  }
0x1b5: {  	v15 =	vld [tilespmem:s0+$0x10920]  }
0x1b6: {  	v16 =	vld [tilespmem:s0+$0x10930]  }
0x1b7: {  	v17 =	vld [tilespmem:s0+$0x10940]  }
0x1b8: {  	v59 =	vld [tilespmem:s0+$0x10950];
	v9 =	vadd.f32 v13, v9  }
0x1b9: {  	v60 =	vld [tilespmem:s0+$0x10960];
	v10 =	vadd.f32 v14, v10  }
0x1ba: {  	v62 =	vld [tilespmem:s0+$0x10970];
	v61 =	vadd.f32 v15, v12;
	[tilespmem:s0+$0x10900] =	vst v9  }
0x1bb: {  	s28 =	sadd.s32 $0x1, s28;
	v63 =	vadd.f32 v16, v11;
	[tilespmem:s0+$0x10910] =	vst v10  }
0x1bc: {  	p1 =	sne.s32 s28, s26;
	v5 =	vadd.f32 v17, v5;
	[tilespmem:s0+$0x10920] =	vst v61  }
.Ltmp13:
0x1bd: {  	v6 =	vadd.f32 v59, v6;
	[tilespmem:s0+$0x10930] =	vst v63;
	(pc) =	sbr.rel @!p1 .LBB2_32-.Ltmp13, $4  }
0x1be: {  	[tilespmem:s0+$0x10940] =	vst v5;
	v5 =	vadd.f32 v60, v7  }
0x1bf: {  	[tilespmem:s0+$0x10950] =	vst v6;
	v6 =	vadd.f32 v62, v8  }
0x1c0: {  	[tilespmem:s0+$0x10960] =	vst v5  }
0x1c1: {  	[tilespmem:s0+$0x10970] =	vst v6  }
.LBB2_24:
0x1c2: {  	v5 =	vmov s28  }
0x1c3: {  	vm0 =	veq.s32 v5, v0  }
0x1c4: {  	v5 =	vnsel vm0, $0x80000000, v3  }
0x1c5: {  	(xrf0) =	vmax.scan.msk.u32 $0xffff, v5;
	v5 =	vnsel vm0, $0x80000000, v4  }
0x1c6: {  	(xrf0) =	vmax.scan.msk.u32 $0xffff, v5;
	_ =	sdelay $0x4  }
0x1c7: {  	v5, _, _ =	vpop (xrf0)  }
0x1c8: {  	(v2sf) =	vpush v5, $0xF;
	v5, _, _ =	vpop (xrf0)  }
0x1c9: {  	(v2sf) =	vpush v5, $0xF;
	_ =	sdelay $0xd  }
0x1ca: {  	s0 =	spop (v2sf)  }
0x1cb: {  	s2 =	spop (v2sf)  }
0x1cc: {  	s1 =	sxor.u32 $0x80000000, s0;
	s29 =	sxor.u32 $0x80000000, s2  }
0x1cd: {  	p1 =	sgt.s32 s1, $0x200;
	p2 =	slt.s32 s29, $0x300  }
0x1ce: {  	s1 =	simm.s32 @!p1 $0x200;
	s29 =	simm.s32 @!p2 $0x300  }
0x1cf: {  	s30 =	ssub.s32 s29, s1  }
0x1d0: {  	s18 =	sshra.s32 s30, $0x1F  }
0x1d1: {  	s0 =	sshrl.u32 s18, $0x1D  }
0x1d2: {  	s0 =	sadd.s32 s0, s30  }
0x1d3: {  	s31 =	sand.u32 $0xFFFFFFF8, s0  }
0x1d4: {  	s0 =	sadd.s32 s1, s31  }
0x1d5: {  	p1 =	sge.s32 s1, s0  }
.Ltmp14:
0x1d6: {  	_ = 	snop;
	(pc) =	sbr.rel @p1 .LBB2_28-.Ltmp14, $4  }
0x1d7: {  	_ = 	snop  }
0x1d8: {  	v9 =	vimm.f32 $0.0e+00;
	v10 =	vimm.f32 $0.0e+00  }
0x1d9: {  	v12 =	vimm.f32 $0.0e+00;
	v11 =	vimm.f32 $0.0e+00;
	v6 =	vimm.f32 $0.0e+00  }
0x1da: {  	v7 =	vimm.f32 $0.0e+00;
	v8 =	vimm.f32 $0.0e+00;
	v5 =	vimm.f32 $0.0e+00  }
0x1db: {  	s2 =	sshll.u32 s1, $0x9  }
0x1dc: {  	s2 =	sshra.s32 s2, $0x2  }
0x1dd: {  	s16 =	sadd.s32 $0xFFFF0000, s2  }
0x1de: {  	v7 =	vld [tilespmem:s16+$0x380]  }
0x1df: {  	v8 =	vld [tilespmem:s16+$0x390]  }
0x1e0: {  	v9 =	vld [tilespmem:s16+$0x3A0]  }
0x1e1: {  	v10 =	vld [tilespmem:s16+$0x3B0]  }
0x1e2: {  	v11 =	vld [tilespmem:s16+$0x3C0]  }
0x1e3: {  	v12 =	vld [tilespmem:s16+$0x3D0]  }
0x1e4: {  	v14 =	vld [tilespmem:s16+$0x300]  }
0x1e5: {  	v15 =	vld [tilespmem:s16+$0x310]  }
0x1e6: {  	v16 =	vld [tilespmem:s16+$0x320]  }
0x1e7: {  	v17 =	vld [tilespmem:s16+$0x330]  }
0x1e8: {  	v19 =	vld [tilespmem:s16+$0x340]  }
0x1e9: {  	v20 =	vld [tilespmem:s16+$0x350]  }
0x1ea: {  	v21 =	vld [tilespmem:s16+$0x280]  }
0x1eb: {  	v22 =	vld [tilespmem:s16+$0x290]  }
0x1ec: {  	v23 =	vld [tilespmem:s16+$0x2A0]  }
0x1ed: {  	v25 =	vld [tilespmem:s16+$0x2C0]  }
0x1ee: {  	v26 =	vld [tilespmem:s16+$0x2D0]  }
0x1ef: {  	v27 =	vld [tilespmem:s16+$0x200]  }
0x1f0: {  	v6 =	vld [tilespmem:s16+$0x0]  }
0x1f1: {  	v13 =	vld [tilespmem:s16+$0x10]  }
0x1f2: {  	v28 =	vld [tilespmem:s16+$0x20]  }
0x1f3: {  	v5 =	vmov s1;
	v29 =	vld [tilespmem:s16+$0x30]  }
0x1f4: {  	v30 =	vld [tilespmem:s16+$0x40]  }
0x1f5: {  	v33 =	vld [tilespmem:s16+$0x50]  }
0x1f6: {  	s18 =	sadd.s32 $0x7, s1;
	v34 =	vld [tilespmem:s16+$0x60]  }
0x1f7: {  	v31 =	vmov s18;
	v36 =	vld [tilespmem:s16+$0x70]  }
0x1f8: {  	v32 =	vld.idx.msk [tilespmem:v5+s15+$0x0], $0xffff  }
0x1f9: {  	s2 =	sadd.s32 $0x4, s1;
	v40 =	vld [tilespmem:s16+$0x180]  }
0x1fa: {  	s18 =	sadd.s32 $0x6, s1;
	v59 =	vld [tilespmem:s16+$0x190];
	v41 =	vmov s2  }
0x1fb: {  	v35 =	vmov s18;
	v60 =	vld [tilespmem:s16+$0x100]  }
0x1fc: {  	v5 =	vld.idx.msk [tilespmem:v31+s15+$0x0], $0xffff  }
0x1fd: {  	s18 =	sadd.s32 $0x5, s1;
	v46 =	vld [tilespmem:s16+$0x110];
	v38 =	vmul.f32 v6, v32  }
0x1fe: {  	v37 =	vmov s18;
	s18 =	sadd.s32 $0x3, s1;
	v53 =	vld [tilespmem:s16+$0x220];
	v39 =	vmul.f32 v13, v32;
	v28 =	vmul.f32 v28, v32  }
0x1ff: {  	s2 =	sadd.s32 $0x2, s1;
	v42 =	vmov s18;
	v41 =	vld.idx.msk [tilespmem:v41+s15+$0x0], $0xffff;
	v29 =	vmul.f32 v29, v32;
	v30 =	vmul.f32 v30, v32  }
0x200: {  	v43 =	vmov s2;
	v6 =	vld.idx.msk [tilespmem:v35+s15+$0x0], $0xffff;
	v33 =	vmul.f32 v33, v32;
	v34 =	vmul.f32 v34, v32  }
0x201: {  	v62 =	vld [tilespmem:s16+$0xA0];
	s18 =	sadd.s32 $0x1, s1;
	v32 =	vmul.f32 v36, v32;
	v61 =	vmul.f32 v7, v5  }
0x202: {  	v45 =	vmov s18;
	v31 =	vld [tilespmem:s16+$0x210];
	v44 =	vmul.f32 v8, v5;
	v47 =	vmul.f32 v9, v5  }
0x203: {  	v13 =	vld.idx.msk [tilespmem:v37+s15+$0x0], $0xffff;
	v48 =	vmul.f32 v10, v5;
	v7 =	vmul.f32 v11, v5  }
0x204: {  	v42 =	vld.idx.msk [tilespmem:v42+s15+$0x0], $0xffff;
	v8 =	vmul.f32 v12, v5;
	v56 =	vmul.f32 v53, v41  }
0x205: {  	v43 =	vld.idx.msk [tilespmem:v43+s15+$0x0], $0xffff;
	v10 =	vmul.f32 v14, v6;
	v11 =	vmul.f32 v15, v6  }
0x206: {  	v9 =	vld [tilespmem:s16+$0x80];
	v12 =	vmul.f32 v16, v6;
	v49 =	vmul.f32 v17, v6  }
0x207: {  	v14 =	vmul.f32 v19, v6;
	v15 =	vmul.f32 v20, v6;
	v19 =	vld.idx.msk [tilespmem:v45+s15+$0x0], $0xffff  }
0x208: {  	v20 =	vmul.f32 v21, v13;
	v21 =	vmul.f32 v22, v13;
	v22 =	vld [tilespmem:s16+$0x90]  }
0x209: {  	v18 =	vimm.f32 $0.0e+00;
	v16 =	vmul.f32 v25, v13;
	v17 =	vmul.f32 v26, v13;
	v25 =	vld [tilespmem:s16+$0xB0]  }
0x20a: {  	v38 =	vadd.f32 v38, v18;
	v26 =	vmul.f32 v27, v41;
	v27 =	vmul.f32 v31, v41;
	v31 =	vld [tilespmem:s16+$0x120]  }
0x20b: {  	v50 =	vld [tilespmem:s16+$0x130];
	v39 =	vadd.f32 v39, v18;
	v40 =	vmul.f32 v40, v42;
	v35 =	vmul.f32 v59, v42  }
0x20c: {  	v51 =	vld [tilespmem:s16+$0x1A0];
	v28 =	vadd.f32 v28, v18;
	v36 =	vmul.f32 v60, v43;
	v46 =	vmul.f32 v46, v43  }
0x20d: {  	v52 =	vld [tilespmem:s16+$0x1B0];
	v29 =	vadd.f32 v29, v18;
	v9 =	vmul.f32 v9, v19;
	v22 =	vmul.f32 v22, v19  }
0x20e: {  	v54 =	vld [tilespmem:s16+$0x250];
	v34 =	vadd.f32 v34, v18;
	v45 =	vmul.f32 v62, v19;
	v25 =	vmul.f32 v25, v19  }
0x20f: {  	v63 =	vld [tilespmem:s16+$0x230];
	v31 =	vmul.f32 v31, v43;
	v9 =	vadd.f32 v9, v38;
	v22 =	vadd.f32 v22, v39  }
0x210: {  	v24 =	vld [tilespmem:s16+$0x2B0];
	v28 =	vadd.f32 v45, v28;
	v25 =	vadd.f32 v25, v29;
	v29 =	vmul.f32 v50, v43  }
0x211: {  	v55 =	vld [tilespmem:s16+$0x1D0];
	v51 =	vmul.f32 v51, v42;
	v9 =	vadd.f32 v36, v9;
	v22 =	vadd.f32 v46, v22  }
0x212: {  	v50 =	vld [tilespmem:s16+$0x240];
	v28 =	vadd.f32 v31, v28;
	v25 =	vadd.f32 v29, v25;
	v29 =	vmul.f32 v52, v42  }
0x213: {  	v59 =	vmul.f32 v54, v41;
	v31 =	vld [tilespmem:s16+$0x1C0];
	v9 =	vadd.f32 v40, v9;
	v22 =	vadd.f32 v35, v22  }
0x214: {  	v57 =	vld [tilespmem:s16+$0x140];
	v28 =	vadd.f32 v51, v28;
	v25 =	vadd.f32 v29, v25;
	v29 =	vmul.f32 v63, v41  }
0x215: {  	v58 =	vld [tilespmem:s16+$0x150];
	v23 =	vmul.f32 v23, v13;
	v9 =	vadd.f32 v26, v9;
	v22 =	vadd.f32 v27, v22  }
0x216: {  	v24 =	vmul.f32 v24, v13;
	v26 =	vld [tilespmem:s16+$0xC0];
	v28 =	vadd.f32 v56, v28;
	v25 =	vadd.f32 v29, v25  }
0x217: {  	v27 =	vmul.f32 v50, v41;
	v29 =	vld [tilespmem:s16+$0xD0];
	v9 =	vadd.f32 v20, v9;
	v20 =	vadd.f32 v21, v22  }
0x218: {  	v31 =	vmul.f32 v31, v42;
	v21 =	vld [tilespmem:s16+$0xE0];
	v23 =	vadd.f32 v23, v28;
	v24 =	vadd.f32 v24, v25  }
0x219: {  	v22 =	vmul.f32 v55, v42;
	v25 =	vld [tilespmem:s16+$0xF0];
	v9 =	vadd.f32 v10, v9;
	v10 =	vadd.f32 v11, v20  }
0x21a: {  	v60 =	vld [tilespmem:s16+$0x160];
	v28 =	vmul.f32 v57, v43;
	v11 =	vadd.f32 v12, v23;
	v23 =	vadd.f32 v49, v24  }
0x21b: {  	v24 =	vmul.f32 v26, v19;
	v26 =	vld [tilespmem:s16+$0x170];
	v9 =	vadd.f32 v61, v9;
	v10 =	vadd.f32 v44, v10  }
0x21c: {  	v62 =	vld [tilespmem:s16+$0x1F0];
	v20 =	vmul.f32 v58, v43;
	v12 =	vadd.f32 v47, v11;
	v11 =	vadd.f32 v48, v23  }
0x21d: {  	v29 =	vmul.f32 v29, v19;
	v61 =	vld [tilespmem:s16+$0x1E0];
	v23 =	vadd.f32 v30, v18;
	v30 =	vadd.f32 v33, v18  }
0x21e: {  	v18 =	vadd.f32 v32, v18;
	v21 =	vmul.f32 v21, v19;
	v19 =	vmul.f32 v25, v19;
	v25 =	vld [tilespmem:s16+$0x260]  }
0x21f: {  	s2 =	sadd.s32 $0x8, s1;
	v23 =	vadd.f32 v24, v23;
	v24 =	vadd.f32 v29, v30;
	v29 =	vmul.f32 v60, v43;
	v30 =	vld [tilespmem:s16+$0x270]  }
0x220: {  	p1 =	slt.s32 s2, s0;
	v63 =	vld [tilespmem:s16+$0x2E0];
	v21 =	vadd.f32 v21, v34;
	v19 =	vadd.f32 v19, v18;
	v26 =	vmul.f32 v26, v43  }
.Ltmp15:
0x221: {  	v18 =	vld [tilespmem:s16+$0x2F0];
	v23 =	vadd.f32 v28, v23;
	v20 =	vadd.f32 v20, v24;
	v28 =	vmul.f32 v62, v42;
	(pc) =	sbr.rel @!p1 .LBB2_27-.Ltmp15, $4  }
0x222: {  	v24 =	vmul.f32 v61, v42;
	v21 =	vadd.f32 v29, v21;
	v26 =	vadd.f32 v26, v19;
	v19 =	vld [tilespmem:s16+$0x360]  }
0x223: {  	v31 =	vadd.f32 v31, v23;
	v22 =	vadd.f32 v22, v20;
	v23 =	vmul.f32 v25, v41;
	v20 =	vld [tilespmem:s16+$0x370]  }
0x224: {  	v25 =	vadd.f32 v24, v21;
	v29 =	vmul.f32 v30, v41;
	v21 =	vld [tilespmem:s16+$0x3E0];
	v26 =	vadd.f32 v28, v26  }
0x225: {  	s1 =	sadd.s32 $0x400, s16;
	v24 =	vmul.f32 v63, v13;
	v27 =	vadd.f32 v27, v31;
	v28 =	vadd.f32 v59, v22;
	v22 =	vld [tilespmem:s16+$0x3F0]  }
.LBB2_26:
0x226: {  	v30 =	vld [tilespmem:s1+$0x380];
	v23 =	vadd.f32 v23, v25;
	v25 =	vadd.f32 v29, v26;
	v13 =	vmul.f32 v18, v13  }
0x227: {  	v29 =	vld [tilespmem:s1+$0x390];
	v16 =	vadd.f32 v16, v27;
	v17 =	vadd.f32 v17, v28;
	v18 =	vmul.f32 v19, v6  }
0x228: {  	v27 =	vld [tilespmem:s1+$0x3A0];
	v19 =	vadd.f32 v24, v23;
	v13 =	vadd.f32 v13, v25;
	v6 =	vmul.f32 v20, v6  }
0x229: {  	v28 =	vld [tilespmem:s1+$0x3B0];
	v14 =	vadd.f32 v14, v16;
	v15 =	vadd.f32 v15, v17;
	v16 =	vmul.f32 v21, v5  }
0x22a: {  	v17 =	vld [tilespmem:s1+$0x3C0];
	v18 =	vadd.f32 v18, v19;
	v6 =	vadd.f32 v6, v13;
	v5 =	vmul.f32 v22, v5  }
0x22b: {  	v22 =	vld [tilespmem:s1+$0x3D0];
	v20 =	vadd.f32 v7, v14;
	v21 =	vadd.f32 v8, v15  }
0x22c: {  	v14 =	vld [tilespmem:s1+$0x300];
	v18 =	vadd.f32 v16, v18;
	v19 =	vadd.f32 v5, v6  }
0x22d: {  	v15 =	vld [tilespmem:s1+$0x310]  }
0x22e: {  	v16 =	vld [tilespmem:s1+$0x320]  }
0x22f: {  	v31 =	vld [tilespmem:s1+$0x330]  }
0x230: {  	v32 =	vld [tilespmem:s1+$0x340]  }
0x231: {  	v33 =	vld [tilespmem:s1+$0x350]  }
0x232: {  	v34 =	vld [tilespmem:s1+$0x280]  }
0x233: {  	v35 =	vld [tilespmem:s1+$0x290]  }
0x234: {  	v36 =	vld [tilespmem:s1+$0x2A0]  }
0x235: {  	v37 =	vld [tilespmem:s1+$0x2B0]  }
0x236: {  	v38 =	vld [tilespmem:s1+$0x2C0]  }
0x237: {  	v39 =	vld [tilespmem:s1+$0x2D0]  }
0x238: {  	v40 =	vld [tilespmem:s1+$0x200]  }
0x239: {  	v5 =	vmov s2;
	v6 =	vld [tilespmem:s1+$0x0]  }
0x23a: {  	v7 =	vld [tilespmem:s1+$0x10]  }
0x23b: {  	v8 =	vld [tilespmem:s1+$0x20]  }
0x23c: {  	s16 =	sadd.s32 $0x7, s2;
	v13 =	vld [tilespmem:s1+$0x30]  }
0x23d: {  	v24 =	vmov s16;
	v23 =	vld [tilespmem:s1+$0x40]  }
0x23e: {  	v26 =	vld.idx.msk [tilespmem:v5+s15+$0x0], $0xffff  }
0x23f: {  	s16 =	sadd.s32 $0x6, s2;
	v25 =	vld [tilespmem:s1+$0x50]  }
0x240: {  	v42 =	vmov s16;
	v41 =	vld [tilespmem:s1+$0x60]  }
0x241: {  	v43 =	vld [tilespmem:s1+$0x70]  }
0x242: {  	s16 =	sadd.s32 $0x5, s2;
	v5 =	vld.idx.msk [tilespmem:v24+s15+$0x0], $0xffff  }
0x243: {  	v45 =	vmov s16;
	v44 =	vld [tilespmem:s1+$0x210]  }
0x244: {  	v46 =	vmul.f32 v6, v26;
	v47 =	vmul.f32 v7, v26;
	v48 =	vld [tilespmem:s1+$0x180]  }
0x245: {  	s16 =	sadd.s32 $0x4, s2;
	v49 =	vmul.f32 v8, v26;
	v50 =	vmul.f32 v13, v26;
	v6 =	vld.idx.msk [tilespmem:v42+s15+$0x0], $0xffff  }
0x246: {  	s18 =	sadd.s32 $0x3, s2;
	v51 =	vmov s16;
	v23 =	vmul.f32 v23, v26;
	v24 =	vmul.f32 v25, v26;
	v42 =	vld [tilespmem:s1+$0x190]  }
0x247: {  	s16 =	sadd.s32 $0x2, s2;
	v25 =	vmul.f32 v41, v26;
	v26 =	vmul.f32 v43, v26;
	v43 =	vmov s18;
	v41 =	vld [tilespmem:s1+$0x100]  }
0x248: {  	v52 =	vmov s16;
	s18 =	sadd.s32 $0x1, s2;
	v30 =	vmul.f32 v30, v5;
	v29 =	vmul.f32 v29, v5;
	v13 =	vld.idx.msk [tilespmem:v45+s15+$0x0], $0xffff  }
0x249: {  	v54 =	vmul.f32 v27, v5;
	v55 =	vmul.f32 v28, v5;
	v45 =	vmov s18;
	v53 =	vld [tilespmem:s1+$0x110]  }
0x24a: {  	v7 =	vmul.f32 v17, v5;
	v8 =	vmul.f32 v22, v5;
	v56 =	vld [tilespmem:s1+$0x80]  }
0x24b: {  	v57 =	vmul.f32 v15, v6;
	v22 =	vld.idx.msk [tilespmem:v51+s15+$0x0], $0xffff;
	v51 =	vmul.f32 v14, v6  }
0x24c: {  	v31 =	vmul.f32 v31, v6;
	v27 =	vld.idx.msk [tilespmem:v43+s15+$0x0], $0xffff;
	v43 =	vmul.f32 v16, v6  }
0x24d: {  	v15 =	vmul.f32 v33, v6;
	v14 =	vmul.f32 v32, v6;
	v28 =	vld.idx.msk [tilespmem:v52+s15+$0x0], $0xffff  }
0x24e: {  	v33 =	vmul.f32 v34, v13;
	v34 =	vmul.f32 v35, v13;
	v32 =	vld.idx.msk [tilespmem:v45+s15+$0x0], $0xffff  }
0x24f: {  	v36 =	vmul.f32 v36, v13;
	v37 =	vmul.f32 v37, v13;
	v35 =	vld [tilespmem:s1+$0x90]  }
0x250: {  	v16 =	vmul.f32 v38, v13;
	v17 =	vmul.f32 v39, v13;
	v45 =	vld [tilespmem:s1+$0xA0]  }
0x251: {  	v39 =	vmul.f32 v40, v22;
	v40 =	vmul.f32 v44, v22;
	v38 =	vld [tilespmem:s1+$0xB0]  }
0x252: {  	v48 =	vmul.f32 v48, v27;
	v42 =	vmul.f32 v42, v27;
	v44 =	vld [tilespmem:s1+$0x120]  }
0x253: {  	v41 =	vmul.f32 v41, v28;
	v52 =	vmul.f32 v53, v28;
	v53 =	vld [tilespmem:s1+$0x130]  }
0x254: {  	v56 =	vmul.f32 v56, v32;
	v35 =	vmul.f32 v35, v32;
	v58 =	vld [tilespmem:s1+$0x1A0]  }
0x255: {  	v9 =	vadd.f32 v46, v9;
	v10 =	vadd.f32 v47, v10;
	v45 =	vmul.f32 v45, v32;
	v46 =	vld [tilespmem:s1+$0x1B0]  }
0x256: {  	v12 =	vadd.f32 v49, v12;
	v11 =	vadd.f32 v50, v11;
	v38 =	vmul.f32 v38, v32;
	v47 =	vld [tilespmem:s1+$0x220]  }
0x257: {  	v9 =	vadd.f32 v56, v9;
	v10 =	vadd.f32 v35, v10;
	v35 =	vmul.f32 v44, v28;
	v44 =	vld [tilespmem:s1+$0x230]  }
0x258: {  	v12 =	vadd.f32 v45, v12;
	v11 =	vadd.f32 v38, v11;
	v38 =	vmul.f32 v53, v28;
	v45 =	vld [tilespmem:s1+$0x240]  }
0x259: {  	s2 =	sadd.s32 $0x8, s2;
	v9 =	vadd.f32 v41, v9;
	v10 =	vadd.f32 v52, v10;
	v41 =	vmul.f32 v58, v27;
	v49 =	vld [tilespmem:s1+$0x250]  }
0x25a: {  	p1 =	slt.s32 s2, s0;
	v12 =	vadd.f32 v35, v12;
	v11 =	vadd.f32 v38, v11;
	v35 =	vmul.f32 v46, v27;
	v38 =	vld [tilespmem:s1+$0x1C0]  }
0x25b: {  	v9 =	vadd.f32 v48, v9;
	v10 =	vadd.f32 v42, v10;
	v42 =	vld [tilespmem:s1+$0x1D0];
	v46 =	vmul.f32 v47, v22  }
0x25c: {  	v12 =	vadd.f32 v41, v12;
	v47 =	vld [tilespmem:s1+$0x140];
	v11 =	vadd.f32 v35, v11;
	v35 =	vmul.f32 v44, v22  }
0x25d: {  	v9 =	vadd.f32 v39, v9;
	v10 =	vadd.f32 v40, v10;
	v41 =	vld [tilespmem:s1+$0x150];
	v39 =	vmul.f32 v45, v22  }
0x25e: {  	v12 =	vadd.f32 v46, v12;
	v40 =	vld [tilespmem:s1+$0xC0];
	v11 =	vadd.f32 v35, v11;
	v35 =	vmul.f32 v49, v22  }
0x25f: {  	v9 =	vadd.f32 v33, v9;
	v10 =	vadd.f32 v34, v10;
	v44 =	vld [tilespmem:s1+$0xD0];
	v38 =	vmul.f32 v38, v27  }
0x260: {  	v12 =	vadd.f32 v36, v12;
	v33 =	vld [tilespmem:s1+$0xE0];
	v34 =	vmul.f32 v42, v27;
	v11 =	vadd.f32 v37, v11  }
0x261: {  	v9 =	vadd.f32 v51, v9;
	v10 =	vadd.f32 v57, v10;
	v36 =	vld [tilespmem:s1+$0xF0];
	v37 =	vmul.f32 v47, v28  }
0x262: {  	v12 =	vadd.f32 v43, v12;
	v41 =	vmul.f32 v41, v28;
	v42 =	vld [tilespmem:s1+$0x160];
	v11 =	vadd.f32 v31, v11  }
0x263: {  	v9 =	vadd.f32 v30, v9;
	v10 =	vadd.f32 v29, v10;
	v31 =	vmul.f32 v40, v32;
	v40 =	vld [tilespmem:s1+$0x170]  }
0x264: {  	v12 =	vadd.f32 v54, v12;
	v29 =	vmul.f32 v44, v32;
	v30 =	vld [tilespmem:s1+$0x1E0];
	v11 =	vadd.f32 v55, v11  }
0x265: {  	v20 =	vadd.f32 v23, v20;
	v21 =	vadd.f32 v24, v21;
	v23 =	vmul.f32 v33, v32;
	v24 =	vld [tilespmem:s1+$0x1F0]  }
0x266: {  	v18 =	vadd.f32 v25, v18;
	v19 =	vadd.f32 v26, v19;
	v25 =	vmul.f32 v36, v32;
	v26 =	vld [tilespmem:s1+$0x260]  }
0x267: {  	v20 =	vadd.f32 v31, v20;
	v21 =	vadd.f32 v29, v21;
	v29 =	vmul.f32 v42, v28;
	v31 =	vld [tilespmem:s1+$0x270]  }
0x268: {  	v23 =	vadd.f32 v23, v18;
	v19 =	vadd.f32 v25, v19;
	v25 =	vmul.f32 v40, v28;
	v32 =	vld [tilespmem:s1+$0x2E0]  }
.Ltmp16:
0x269: {  	v20 =	vadd.f32 v37, v20;
	v21 =	vadd.f32 v41, v21;
	v28 =	vmul.f32 v30, v27;
	v18 =	vld [tilespmem:s1+$0x2F0];
	(pc) =	sbr.rel @p1 .LBB2_26-.Ltmp16, $4  }
0x26a: {  	v29 =	vadd.f32 v29, v23;
	v30 =	vadd.f32 v25, v19;
	v24 =	vmul.f32 v24, v27;
	v19 =	vld [tilespmem:s1+$0x360]  }
0x26b: {  	v27 =	vadd.f32 v38, v20;
	v33 =	vadd.f32 v34, v21;
	v23 =	vmul.f32 v26, v22;
	v20 =	vld [tilespmem:s1+$0x370]  }
0x26c: {  	v25 =	vadd.f32 v28, v29;
	v26 =	vadd.f32 v24, v30;
	v29 =	vmul.f32 v31, v22;
	v21 =	vld [tilespmem:s1+$0x3E0]  }
0x26d: {  	v27 =	vadd.f32 v39, v27;
	v28 =	vadd.f32 v35, v33;
	v24 =	vmul.f32 v32, v13;
	v22 =	vld [tilespmem:s1+$0x3F0];
	s1 =	sadd.s32 $0x400, s1  }
.LBB2_27:
0x26e: {  	v23 =	vadd.f32 v23, v25;
	v58 =	vadd.f32 v29, v26;
	v13 =	vmul.f32 v18, v13  }
0x26f: {  	v16 =	vadd.f32 v16, v27;
	v17 =	vadd.f32 v17, v28;
	v59 =	vmul.f32 v19, v6  }
0x270: {  	v60 =	vadd.f32 v24, v23;
	v13 =	vadd.f32 v13, v58;
	v6 =	vmul.f32 v20, v6  }
0x271: {  	v14 =	vadd.f32 v14, v16;
	v15 =	vadd.f32 v15, v17;
	v61 =	vmul.f32 v21, v5  }
0x272: {  	v62 =	vadd.f32 v59, v60;
	v13 =	vadd.f32 v6, v13;
	v63 =	vmul.f32 v22, v5  }
0x273: {  	v5 =	vadd.f32 v7, v14;
	v6 =	vadd.f32 v8, v15  }
0x274: {  	v7 =	vadd.f32 v61, v62;
	v8 =	vadd.f32 v63, v13  }
.LBB2_28:
0x275: {  	p1 =	sge.s32 s0, s29  }
.Ltmp17:
0x276: {  	_ = 	snop;
	(pc) =	sbr.rel @p1 .LBB2_31-.Ltmp17, $1  }
0x277: {  	_ =	sdelay $0x3  }
0x278: {  	s0 =	ssub.s32 s30, s31  }
0x279: {  	s1 =	sshll.u32 s29, $0x9;
	s2 =	sshll.u32 s0, $0x9  }
0x27a: {  	s1 =	ssub.s32 s1, s2  }
0x27b: {  	s1 =	sshra.s32 s1, $0x2  }
0x27c: {  	s0 =	ssub.s32 $0x0, s0;
	s1 =	sadd.s32 $0xFFFF0000, s1  }
.LBB2_30:
0x27d: {  	s2 =	sadd.s32 s0, s29  }
0x27e: {  	v13 =	vmov s2  }
0x27f: {  	v14 =	vld [tilespmem:s1+$0x0]  }
0x280: {  	v15 =	vld [tilespmem:s1+$0x10]  }
0x281: {  	v16 =	vld [tilespmem:s1+$0x20]  }
0x282: {  	v17 =	vld [tilespmem:s1+$0x30]  }
0x283: {  	v13 =	vld.idx.msk [tilespmem:v13+s15+$0x0], $0xffff  }
0x284: {  	v18 =	vld [tilespmem:s1+$0x40]  }
0x285: {  	v19 =	vld [tilespmem:s1+$0x50]  }
0x286: {  	v20 =	vld [tilespmem:s1+$0x60]  }
0x287: {  	v21 =	vld [tilespmem:s1+$0x70]  }
0x288: {  	s0 =	sadd.s32 $0x1, s0;
	v14 =	vmul.f32 v14, v13  }
0x289: {  	p1 =	seq.s32 s0, $0x0;
	v15 =	vmul.f32 v15, v13;
	v16 =	vmul.f32 v16, v13  }
.Ltmp18:
0x28a: {  	v63 =	vmul.f32 v19, v13;
	v9 =	vadd.f32 v14, v9;
	v14 =	vmul.f32 v17, v13;
	(pc) =	sbr.rel @!p1 .LBB2_30-.Ltmp18, $4  }
0x28b: {  	v10 =	vadd.f32 v15, v10;
	v12 =	vadd.f32 v16, v12;
	v15 =	vmul.f32 v18, v13  }
0x28c: {  	v11 =	vadd.f32 v14, v11;
	v14 =	vmul.f32 v20, v13;
	v13 =	vmul.f32 v21, v13  }
0x28d: {  	v6 =	vadd.f32 v63, v6;
	v5 =	vadd.f32 v15, v5  }
0x28e: {  	s1 =	sadd.s32 $0x80, s1;
	v7 =	vadd.f32 v14, v7;
	v8 =	vadd.f32 v13, v8  }
.Ltmp19:
0x28f: {  	_ = 	snop;
	(pc) =	sbr.rel .LBB2_31-.Ltmp19, $1  }
0x290: {  	_ =	sdelay $0x3  }
.LBB2_11:
.Ltmp20:
0x291: {  	(pc) =	sbr.rel .LBB2_12-.Ltmp20, $4  }
0x292: {  	[tilespmem:s4], [sflag:$0x1] =	stream.linear.gather [hbm4b:s10+s4], $0x8000, $0x38;
	[tilespmem:$0x11200] =	vst v63  }
0x293: {  	_ =	swait.ge [sflag:s21], $0x8000  }
0x294: {  	[sflag:s21] =	ssyncset.done $0x0  }
0x295: {  	s28 =	smov.u32 s25;
	[sflag:s21] =	ssyncadd.s32 $0xFFFF8000  }
.LBB2_19:
0x296: {  	s0 =	sshll.u32 s28, $0x9  }
0x297: {  	s0 =	sshra.s32 s0, $0x2  }
0x298: {  	v13 =	vld [tilespmem:s0+$0x10900]  }
0x299: {  	v14 =	vld [tilespmem:s0+$0x10910]  }
0x29a: {  	v15 =	vld [tilespmem:s0+$0x10920]  }
0x29b: {  	v16 =	vld [tilespmem:s0+$0x10930]  }
0x29c: {  	v17 =	vld [tilespmem:s0+$0x10940]  }
0x29d: {  	v59 =	vld [tilespmem:s0+$0x10950];
	v9 =	vadd.f32 v13, v9  }
0x29e: {  	v60 =	vld [tilespmem:s0+$0x10960];
	v10 =	vadd.f32 v14, v10  }
0x29f: {  	v62 =	vld [tilespmem:s0+$0x10970];
	v61 =	vadd.f32 v15, v12;
	[tilespmem:s0+$0x10900] =	vst v9  }
0x2a0: {  	s28 =	sadd.s32 $0x1, s28;
	v63 =	vadd.f32 v16, v11;
	[tilespmem:s0+$0x10910] =	vst v10  }
0x2a1: {  	p1 =	seq.s32 s28, s26;
	v5 =	vadd.f32 v17, v5;
	[tilespmem:s0+$0x10920] =	vst v61  }
.Ltmp21:
0x2a2: {  	v6 =	vadd.f32 v59, v6;
	[tilespmem:s0+$0x10930] =	vst v63;
	(pc) =	sbr.rel @p1 .LBB2_21-.Ltmp21, $4  }
0x2a3: {  	[tilespmem:s0+$0x10940] =	vst v5;
	v5 =	vadd.f32 v60, v7  }
0x2a4: {  	[tilespmem:s0+$0x10950] =	vst v6;
	v6 =	vadd.f32 v62, v8  }
0x2a5: {  	[tilespmem:s0+$0x10960] =	vst v5  }
0x2a6: {  	[tilespmem:s0+$0x10970] =	vst v6  }
.LBB2_12:
0x2a7: {  	v5 =	vmov s28  }
0x2a8: {  	vm0 =	veq.s32 v5, v0  }
0x2a9: {  	v5 =	vnsel vm0, $0x80000000, v3  }
0x2aa: {  	(xrf0) =	vmax.scan.msk.u32 $0xffff, v5;
	v5 =	vnsel vm0, $0x80000000, v4  }
0x2ab: {  	(xrf0) =	vmax.scan.msk.u32 $0xffff, v5;
	_ =	sdelay $0x4  }
0x2ac: {  	v5, _, _ =	vpop (xrf0)  }
0x2ad: {  	(v2sf) =	vpush v5, $0xF;
	v5, _, _ =	vpop (xrf0)  }
0x2ae: {  	(v2sf) =	vpush v5, $0xF;
	_ =	sdelay $0xd  }
0x2af: {  	s0 =	spop (v2sf)  }
0x2b0: {  	s2 =	spop (v2sf)  }
0x2b1: {  	s1 =	sxor.u32 $0x80000000, s0;
	s29 =	sxor.u32 $0x80000000, s2  }
0x2b2: {  	p1 =	sgt.s32 s1, $0x100;
	p2 =	slt.s32 s29, $0x200  }
0x2b3: {  	s1 =	simm.s32 @!p1 $0x100;
	s29 =	simm.s32 @!p2 $0x200  }
0x2b4: {  	s30 =	ssub.s32 s29, s1  }
0x2b5: {  	s18 =	sshra.s32 s30, $0x1F  }
0x2b6: {  	s0 =	sshrl.u32 s18, $0x1D  }
0x2b7: {  	s0 =	sadd.s32 s0, s30  }
0x2b8: {  	s31 =	sand.u32 $0xFFFFFFF8, s0  }
0x2b9: {  	s0 =	sadd.s32 s1, s31  }
0x2ba: {  	p1 =	sge.s32 s1, s0  }
.Ltmp22:
0x2bb: {  	_ = 	snop;
	(pc) =	sbr.rel @p1 .LBB2_16-.Ltmp22, $4  }
0x2bc: {  	_ = 	snop  }
0x2bd: {  	v9 =	vimm.f32 $0.0e+00;
	v10 =	vimm.f32 $0.0e+00  }
0x2be: {  	v12 =	vimm.f32 $0.0e+00;
	v11 =	vimm.f32 $0.0e+00;
	v6 =	vimm.f32 $0.0e+00  }
0x2bf: {  	v7 =	vimm.f32 $0.0e+00;
	v8 =	vimm.f32 $0.0e+00;
	v5 =	vimm.f32 $0.0e+00  }
0x2c0: {  	s2 =	sshll.u32 s1, $0x9  }
0x2c1: {  	s2 =	sshra.s32 s2, $0x2  }
0x2c2: {  	s16 =	sadd.s32 $0x200, s2  }
0x2c3: {  	v7 =	vld [tilespmem:s16+$0x180]  }
0x2c4: {  	v8 =	vld [tilespmem:s16+$0x190]  }
0x2c5: {  	v9 =	vld [tilespmem:s16+$0x1A0]  }
0x2c6: {  	v10 =	vld [tilespmem:s16+$0x1B0]  }
0x2c7: {  	v11 =	vld [tilespmem:s16+$0x1C0]  }
0x2c8: {  	v12 =	vld [tilespmem:s16+$0x1D0]  }
0x2c9: {  	v14 =	vld [tilespmem:s16+$0x100]  }
0x2ca: {  	v15 =	vld [tilespmem:s16+$0x110]  }
0x2cb: {  	v16 =	vld [tilespmem:s16+$0x120]  }
0x2cc: {  	v17 =	vld [tilespmem:s16+$0x130]  }
0x2cd: {  	v19 =	vld [tilespmem:s16+$0x140]  }
0x2ce: {  	v20 =	vld [tilespmem:s16+$0x150]  }
0x2cf: {  	v21 =	vld [tilespmem:s16+$0x80]  }
0x2d0: {  	v22 =	vld [tilespmem:s16+$0x90]  }
0x2d1: {  	v23 =	vld [tilespmem:s16+$0xA0]  }
0x2d2: {  	v25 =	vld [tilespmem:s16+$0xC0]  }
0x2d3: {  	v26 =	vld [tilespmem:s16+$0xD0]  }
0x2d4: {  	v27 =	vld [tilespmem:s16+$0x0]  }
0x2d5: {  	v6 =	vld [tilespmem:s16+$0xFFFFFE00]  }
0x2d6: {  	v13 =	vld [tilespmem:s16+$0xFFFFFE10]  }
0x2d7: {  	v28 =	vld [tilespmem:s16+$0xFFFFFE20]  }
0x2d8: {  	v5 =	vmov s1;
	v29 =	vld [tilespmem:s16+$0xFFFFFE30]  }
0x2d9: {  	v30 =	vld [tilespmem:s16+$0xFFFFFE40]  }
0x2da: {  	v33 =	vld [tilespmem:s16+$0xFFFFFE50]  }
0x2db: {  	s18 =	sadd.s32 $0x7, s1;
	v34 =	vld [tilespmem:s16+$0xFFFFFE60]  }
0x2dc: {  	v31 =	vmov s18;
	v36 =	vld [tilespmem:s16+$0xFFFFFE70]  }
0x2dd: {  	v32 =	vld.idx.msk [tilespmem:v5+s15+$0x0], $0xffff  }
0x2de: {  	s2 =	sadd.s32 $0x4, s1;
	v40 =	vld [tilespmem:s16+$0xFFFFFF80]  }
0x2df: {  	s18 =	sadd.s32 $0x6, s1;
	v59 =	vld [tilespmem:s16+$0xFFFFFF90];
	v41 =	vmov s2  }
0x2e0: {  	v35 =	vmov s18;
	v60 =	vld [tilespmem:s16+$0xFFFFFF00]  }
0x2e1: {  	v5 =	vld.idx.msk [tilespmem:v31+s15+$0x0], $0xffff  }
0x2e2: {  	s18 =	sadd.s32 $0x5, s1;
	v46 =	vld [tilespmem:s16+$0xFFFFFF10];
	v38 =	vmul.f32 v6, v32  }
0x2e3: {  	v37 =	vmov s18;
	s18 =	sadd.s32 $0x3, s1;
	v53 =	vld [tilespmem:s16+$0x20];
	v39 =	vmul.f32 v13, v32;
	v28 =	vmul.f32 v28, v32  }
0x2e4: {  	s2 =	sadd.s32 $0x2, s1;
	v42 =	vmov s18;
	v41 =	vld.idx.msk [tilespmem:v41+s15+$0x0], $0xffff;
	v29 =	vmul.f32 v29, v32;
	v30 =	vmul.f32 v30, v32  }
0x2e5: {  	v43 =	vmov s2;
	v6 =	vld.idx.msk [tilespmem:v35+s15+$0x0], $0xffff;
	v33 =	vmul.f32 v33, v32;
	v34 =	vmul.f32 v34, v32  }
0x2e6: {  	v62 =	vld [tilespmem:s16+$0xFFFFFEA0];
	s18 =	sadd.s32 $0x1, s1;
	v32 =	vmul.f32 v36, v32;
	v61 =	vmul.f32 v7, v5  }
0x2e7: {  	v45 =	vmov s18;
	v31 =	vld [tilespmem:s16+$0x10];
	v44 =	vmul.f32 v8, v5;
	v47 =	vmul.f32 v9, v5  }
0x2e8: {  	v13 =	vld.idx.msk [tilespmem:v37+s15+$0x0], $0xffff;
	v48 =	vmul.f32 v10, v5;
	v7 =	vmul.f32 v11, v5  }
0x2e9: {  	v42 =	vld.idx.msk [tilespmem:v42+s15+$0x0], $0xffff;
	v8 =	vmul.f32 v12, v5;
	v56 =	vmul.f32 v53, v41  }
0x2ea: {  	v43 =	vld.idx.msk [tilespmem:v43+s15+$0x0], $0xffff;
	v10 =	vmul.f32 v14, v6;
	v11 =	vmul.f32 v15, v6  }
0x2eb: {  	v9 =	vld [tilespmem:s16+$0xFFFFFE80];
	v12 =	vmul.f32 v16, v6;
	v49 =	vmul.f32 v17, v6  }
0x2ec: {  	v14 =	vmul.f32 v19, v6;
	v15 =	vmul.f32 v20, v6;
	v19 =	vld.idx.msk [tilespmem:v45+s15+$0x0], $0xffff  }
0x2ed: {  	v20 =	vmul.f32 v21, v13;
	v21 =	vmul.f32 v22, v13;
	v22 =	vld [tilespmem:s16+$0xFFFFFE90]  }
0x2ee: {  	v18 =	vimm.f32 $0.0e+00;
	v16 =	vmul.f32 v25, v13;
	v17 =	vmul.f32 v26, v13;
	v25 =	vld [tilespmem:s16+$0xFFFFFEB0]  }
0x2ef: {  	v38 =	vadd.f32 v38, v18;
	v26 =	vmul.f32 v27, v41;
	v27 =	vmul.f32 v31, v41;
	v31 =	vld [tilespmem:s16+$0xFFFFFF20]  }
0x2f0: {  	v50 =	vld [tilespmem:s16+$0xFFFFFF30];
	v39 =	vadd.f32 v39, v18;
	v40 =	vmul.f32 v40, v42;
	v35 =	vmul.f32 v59, v42  }
0x2f1: {  	v51 =	vld [tilespmem:s16+$0xFFFFFFA0];
	v28 =	vadd.f32 v28, v18;
	v36 =	vmul.f32 v60, v43;
	v46 =	vmul.f32 v46, v43  }
0x2f2: {  	v52 =	vld [tilespmem:s16+$0xFFFFFFB0];
	v29 =	vadd.f32 v29, v18;
	v9 =	vmul.f32 v9, v19;
	v22 =	vmul.f32 v22, v19  }
0x2f3: {  	v54 =	vld [tilespmem:s16+$0x50];
	v34 =	vadd.f32 v34, v18;
	v45 =	vmul.f32 v62, v19;
	v25 =	vmul.f32 v25, v19  }
0x2f4: {  	v63 =	vld [tilespmem:s16+$0x30];
	v31 =	vmul.f32 v31, v43;
	v9 =	vadd.f32 v9, v38;
	v22 =	vadd.f32 v22, v39  }
0x2f5: {  	v24 =	vld [tilespmem:s16+$0xB0];
	v28 =	vadd.f32 v45, v28;
	v25 =	vadd.f32 v25, v29;
	v29 =	vmul.f32 v50, v43  }
0x2f6: {  	v55 =	vld [tilespmem:s16+$0xFFFFFFD0];
	v51 =	vmul.f32 v51, v42;
	v9 =	vadd.f32 v36, v9;
	v22 =	vadd.f32 v46, v22  }
0x2f7: {  	v50 =	vld [tilespmem:s16+$0x40];
	v28 =	vadd.f32 v31, v28;
	v25 =	vadd.f32 v29, v25;
	v29 =	vmul.f32 v52, v42  }
0x2f8: {  	v59 =	vmul.f32 v54, v41;
	v31 =	vld [tilespmem:s16+$0xFFFFFFC0];
	v9 =	vadd.f32 v40, v9;
	v22 =	vadd.f32 v35, v22  }
0x2f9: {  	v57 =	vld [tilespmem:s16+$0xFFFFFF40];
	v28 =	vadd.f32 v51, v28;
	v25 =	vadd.f32 v29, v25;
	v29 =	vmul.f32 v63, v41  }
0x2fa: {  	v58 =	vld [tilespmem:s16+$0xFFFFFF50];
	v23 =	vmul.f32 v23, v13;
	v9 =	vadd.f32 v26, v9;
	v22 =	vadd.f32 v27, v22  }
0x2fb: {  	v24 =	vmul.f32 v24, v13;
	v26 =	vld [tilespmem:s16+$0xFFFFFEC0];
	v28 =	vadd.f32 v56, v28;
	v25 =	vadd.f32 v29, v25  }
0x2fc: {  	v27 =	vmul.f32 v50, v41;
	v29 =	vld [tilespmem:s16+$0xFFFFFED0];
	v9 =	vadd.f32 v20, v9;
	v20 =	vadd.f32 v21, v22  }
0x2fd: {  	v31 =	vmul.f32 v31, v42;
	v21 =	vld [tilespmem:s16+$0xFFFFFEE0];
	v23 =	vadd.f32 v23, v28;
	v24 =	vadd.f32 v24, v25  }
0x2fe: {  	v22 =	vmul.f32 v55, v42;
	v25 =	vld [tilespmem:s16+$0xFFFFFEF0];
	v9 =	vadd.f32 v10, v9;
	v10 =	vadd.f32 v11, v20  }
0x2ff: {  	v60 =	vld [tilespmem:s16+$0xFFFFFF60];
	v28 =	vmul.f32 v57, v43;
	v11 =	vadd.f32 v12, v23;
	v23 =	vadd.f32 v49, v24  }
0x300: {  	v24 =	vmul.f32 v26, v19;
	v26 =	vld [tilespmem:s16+$0xFFFFFF70];
	v9 =	vadd.f32 v61, v9;
	v10 =	vadd.f32 v44, v10  }
0x301: {  	v62 =	vld [tilespmem:s16+$0xFFFFFFF0];
	v20 =	vmul.f32 v58, v43;
	v12 =	vadd.f32 v47, v11;
	v11 =	vadd.f32 v48, v23  }
0x302: {  	v29 =	vmul.f32 v29, v19;
	v61 =	vld [tilespmem:s16+$0xFFFFFFE0];
	v23 =	vadd.f32 v30, v18;
	v30 =	vadd.f32 v33, v18  }
0x303: {  	v18 =	vadd.f32 v32, v18;
	v21 =	vmul.f32 v21, v19;
	v19 =	vmul.f32 v25, v19;
	v25 =	vld [tilespmem:s16+$0x60]  }
0x304: {  	s2 =	sadd.s32 $0x8, s1;
	v23 =	vadd.f32 v24, v23;
	v24 =	vadd.f32 v29, v30;
	v29 =	vmul.f32 v60, v43;
	v30 =	vld [tilespmem:s16+$0x70]  }
0x305: {  	p1 =	slt.s32 s2, s0;
	v63 =	vld [tilespmem:s16+$0xE0];
	v21 =	vadd.f32 v21, v34;
	v19 =	vadd.f32 v19, v18;
	v26 =	vmul.f32 v26, v43  }
.Ltmp23:
0x306: {  	v18 =	vld [tilespmem:s16+$0xF0];
	v23 =	vadd.f32 v28, v23;
	v20 =	vadd.f32 v20, v24;
	v28 =	vmul.f32 v62, v42;
	(pc) =	sbr.rel @!p1 .LBB2_15-.Ltmp23, $4  }
0x307: {  	v24 =	vmul.f32 v61, v42;
	v21 =	vadd.f32 v29, v21;
	v26 =	vadd.f32 v26, v19;
	v19 =	vld [tilespmem:s16+$0x160]  }
0x308: {  	v31 =	vadd.f32 v31, v23;
	v22 =	vadd.f32 v22, v20;
	v23 =	vmul.f32 v25, v41;
	v20 =	vld [tilespmem:s16+$0x170]  }
0x309: {  	v25 =	vadd.f32 v24, v21;
	v29 =	vmul.f32 v30, v41;
	v21 =	vld [tilespmem:s16+$0x1E0];
	v26 =	vadd.f32 v28, v26  }
0x30a: {  	s1 =	sadd.s32 $0x400, s16;
	v24 =	vmul.f32 v63, v13;
	v27 =	vadd.f32 v27, v31;
	v28 =	vadd.f32 v59, v22;
	v22 =	vld [tilespmem:s16+$0x1F0]  }
.LBB2_14:
0x30b: {  	v30 =	vld [tilespmem:s1+$0x180];
	v23 =	vadd.f32 v23, v25;
	v25 =	vadd.f32 v29, v26;
	v13 =	vmul.f32 v18, v13  }
0x30c: {  	v29 =	vld [tilespmem:s1+$0x190];
	v16 =	vadd.f32 v16, v27;
	v17 =	vadd.f32 v17, v28;
	v18 =	vmul.f32 v19, v6  }
0x30d: {  	v27 =	vld [tilespmem:s1+$0x1A0];
	v19 =	vadd.f32 v24, v23;
	v13 =	vadd.f32 v13, v25;
	v6 =	vmul.f32 v20, v6  }
0x30e: {  	v28 =	vld [tilespmem:s1+$0x1B0];
	v14 =	vadd.f32 v14, v16;
	v15 =	vadd.f32 v15, v17;
	v16 =	vmul.f32 v21, v5  }
0x30f: {  	v17 =	vld [tilespmem:s1+$0x1C0];
	v18 =	vadd.f32 v18, v19;
	v6 =	vadd.f32 v6, v13;
	v5 =	vmul.f32 v22, v5  }
0x310: {  	v22 =	vld [tilespmem:s1+$0x1D0];
	v20 =	vadd.f32 v7, v14;
	v21 =	vadd.f32 v8, v15  }
0x311: {  	v14 =	vld [tilespmem:s1+$0x100];
	v18 =	vadd.f32 v16, v18;
	v19 =	vadd.f32 v5, v6  }
0x312: {  	v15 =	vld [tilespmem:s1+$0x110]  }
0x313: {  	v16 =	vld [tilespmem:s1+$0x120]  }
0x314: {  	v31 =	vld [tilespmem:s1+$0x130]  }
0x315: {  	v32 =	vld [tilespmem:s1+$0x140]  }
0x316: {  	v33 =	vld [tilespmem:s1+$0x150]  }
0x317: {  	v34 =	vld [tilespmem:s1+$0x80]  }
0x318: {  	v35 =	vld [tilespmem:s1+$0x90]  }
0x319: {  	v36 =	vld [tilespmem:s1+$0xA0]  }
0x31a: {  	v37 =	vld [tilespmem:s1+$0xB0]  }
0x31b: {  	v38 =	vld [tilespmem:s1+$0xC0]  }
0x31c: {  	v39 =	vld [tilespmem:s1+$0xD0]  }
0x31d: {  	v40 =	vld [tilespmem:s1+$0x0]  }
0x31e: {  	v5 =	vmov s2;
	v6 =	vld [tilespmem:s1+$0xFFFFFE00]  }
0x31f: {  	v7 =	vld [tilespmem:s1+$0xFFFFFE10]  }
0x320: {  	v8 =	vld [tilespmem:s1+$0xFFFFFE20]  }
0x321: {  	s16 =	sadd.s32 $0x7, s2;
	v13 =	vld [tilespmem:s1+$0xFFFFFE30]  }
0x322: {  	v24 =	vmov s16;
	v23 =	vld [tilespmem:s1+$0xFFFFFE40]  }
0x323: {  	v26 =	vld.idx.msk [tilespmem:v5+s15+$0x0], $0xffff  }
0x324: {  	s16 =	sadd.s32 $0x6, s2;
	v25 =	vld [tilespmem:s1+$0xFFFFFE50]  }
0x325: {  	v42 =	vmov s16;
	v41 =	vld [tilespmem:s1+$0xFFFFFE60]  }
0x326: {  	v43 =	vld [tilespmem:s1+$0xFFFFFE70]  }
0x327: {  	s16 =	sadd.s32 $0x5, s2;
	v5 =	vld.idx.msk [tilespmem:v24+s15+$0x0], $0xffff  }
0x328: {  	v45 =	vmov s16;
	v44 =	vld [tilespmem:s1+$0x10]  }
0x329: {  	v46 =	vmul.f32 v6, v26;
	v47 =	vmul.f32 v7, v26;
	v48 =	vld [tilespmem:s1+$0xFFFFFF80]  }
0x32a: {  	s16 =	sadd.s32 $0x4, s2;
	v49 =	vmul.f32 v8, v26;
	v50 =	vmul.f32 v13, v26;
	v6 =	vld.idx.msk [tilespmem:v42+s15+$0x0], $0xffff  }
0x32b: {  	s18 =	sadd.s32 $0x3, s2;
	v51 =	vmov s16;
	v23 =	vmul.f32 v23, v26;
	v24 =	vmul.f32 v25, v26;
	v42 =	vld [tilespmem:s1+$0xFFFFFF90]  }
0x32c: {  	s16 =	sadd.s32 $0x2, s2;
	v25 =	vmul.f32 v41, v26;
	v26 =	vmul.f32 v43, v26;
	v43 =	vmov s18;
	v41 =	vld [tilespmem:s1+$0xFFFFFF00]  }
0x32d: {  	v52 =	vmov s16;
	s18 =	sadd.s32 $0x1, s2;
	v30 =	vmul.f32 v30, v5;
	v29 =	vmul.f32 v29, v5;
	v13 =	vld.idx.msk [tilespmem:v45+s15+$0x0], $0xffff  }
0x32e: {  	v54 =	vmul.f32 v27, v5;
	v55 =	vmul.f32 v28, v5;
	v45 =	vmov s18;
	v53 =	vld [tilespmem:s1+$0xFFFFFF10]  }
0x32f: {  	v7 =	vmul.f32 v17, v5;
	v8 =	vmul.f32 v22, v5;
	v56 =	vld [tilespmem:s1+$0xFFFFFE80]  }
0x330: {  	v57 =	vmul.f32 v15, v6;
	v22 =	vld.idx.msk [tilespmem:v51+s15+$0x0], $0xffff;
	v51 =	vmul.f32 v14, v6  }
0x331: {  	v31 =	vmul.f32 v31, v6;
	v27 =	vld.idx.msk [tilespmem:v43+s15+$0x0], $0xffff;
	v43 =	vmul.f32 v16, v6  }
0x332: {  	v15 =	vmul.f32 v33, v6;
	v14 =	vmul.f32 v32, v6;
	v28 =	vld.idx.msk [tilespmem:v52+s15+$0x0], $0xffff  }
0x333: {  	v33 =	vmul.f32 v34, v13;
	v34 =	vmul.f32 v35, v13;
	v32 =	vld.idx.msk [tilespmem:v45+s15+$0x0], $0xffff  }
0x334: {  	v36 =	vmul.f32 v36, v13;
	v37 =	vmul.f32 v37, v13;
	v35 =	vld [tilespmem:s1+$0xFFFFFE90]  }
0x335: {  	v16 =	vmul.f32 v38, v13;
	v17 =	vmul.f32 v39, v13;
	v45 =	vld [tilespmem:s1+$0xFFFFFEA0]  }
0x336: {  	v39 =	vmul.f32 v40, v22;
	v40 =	vmul.f32 v44, v22;
	v38 =	vld [tilespmem:s1+$0xFFFFFEB0]  }
0x337: {  	v48 =	vmul.f32 v48, v27;
	v42 =	vmul.f32 v42, v27;
	v44 =	vld [tilespmem:s1+$0xFFFFFF20]  }
0x338: {  	v41 =	vmul.f32 v41, v28;
	v52 =	vmul.f32 v53, v28;
	v53 =	vld [tilespmem:s1+$0xFFFFFF30]  }
0x339: {  	v56 =	vmul.f32 v56, v32;
	v35 =	vmul.f32 v35, v32;
	v58 =	vld [tilespmem:s1+$0xFFFFFFA0]  }
0x33a: {  	v9 =	vadd.f32 v46, v9;
	v10 =	vadd.f32 v47, v10;
	v45 =	vmul.f32 v45, v32;
	v46 =	vld [tilespmem:s1+$0xFFFFFFB0]  }
0x33b: {  	v12 =	vadd.f32 v49, v12;
	v11 =	vadd.f32 v50, v11;
	v38 =	vmul.f32 v38, v32;
	v47 =	vld [tilespmem:s1+$0x20]  }
0x33c: {  	v9 =	vadd.f32 v56, v9;
	v10 =	vadd.f32 v35, v10;
	v35 =	vmul.f32 v44, v28;
	v44 =	vld [tilespmem:s1+$0x30]  }
0x33d: {  	v12 =	vadd.f32 v45, v12;
	v11 =	vadd.f32 v38, v11;
	v38 =	vmul.f32 v53, v28;
	v45 =	vld [tilespmem:s1+$0x40]  }
0x33e: {  	s2 =	sadd.s32 $0x8, s2;
	v9 =	vadd.f32 v41, v9;
	v10 =	vadd.f32 v52, v10;
	v41 =	vmul.f32 v58, v27;
	v49 =	vld [tilespmem:s1+$0x50]  }
0x33f: {  	p1 =	slt.s32 s2, s0;
	v12 =	vadd.f32 v35, v12;
	v11 =	vadd.f32 v38, v11;
	v35 =	vmul.f32 v46, v27;
	v38 =	vld [tilespmem:s1+$0xFFFFFFC0]  }
0x340: {  	v9 =	vadd.f32 v48, v9;
	v10 =	vadd.f32 v42, v10;
	v42 =	vld [tilespmem:s1+$0xFFFFFFD0];
	v46 =	vmul.f32 v47, v22  }
0x341: {  	v12 =	vadd.f32 v41, v12;
	v47 =	vld [tilespmem:s1+$0xFFFFFF40];
	v11 =	vadd.f32 v35, v11;
	v35 =	vmul.f32 v44, v22  }
0x342: {  	v9 =	vadd.f32 v39, v9;
	v10 =	vadd.f32 v40, v10;
	v41 =	vld [tilespmem:s1+$0xFFFFFF50];
	v39 =	vmul.f32 v45, v22  }
0x343: {  	v12 =	vadd.f32 v46, v12;
	v40 =	vld [tilespmem:s1+$0xFFFFFEC0];
	v11 =	vadd.f32 v35, v11;
	v35 =	vmul.f32 v49, v22  }
0x344: {  	v9 =	vadd.f32 v33, v9;
	v10 =	vadd.f32 v34, v10;
	v44 =	vld [tilespmem:s1+$0xFFFFFED0];
	v38 =	vmul.f32 v38, v27  }
0x345: {  	v12 =	vadd.f32 v36, v12;
	v33 =	vld [tilespmem:s1+$0xFFFFFEE0];
	v34 =	vmul.f32 v42, v27;
	v11 =	vadd.f32 v37, v11  }
0x346: {  	v9 =	vadd.f32 v51, v9;
	v10 =	vadd.f32 v57, v10;
	v36 =	vld [tilespmem:s1+$0xFFFFFEF0];
	v37 =	vmul.f32 v47, v28  }
0x347: {  	v12 =	vadd.f32 v43, v12;
	v41 =	vmul.f32 v41, v28;
	v42 =	vld [tilespmem:s1+$0xFFFFFF60];
	v11 =	vadd.f32 v31, v11  }
0x348: {  	v9 =	vadd.f32 v30, v9;
	v10 =	vadd.f32 v29, v10;
	v31 =	vmul.f32 v40, v32;
	v40 =	vld [tilespmem:s1+$0xFFFFFF70]  }
0x349: {  	v12 =	vadd.f32 v54, v12;
	v29 =	vmul.f32 v44, v32;
	v30 =	vld [tilespmem:s1+$0xFFFFFFE0];
	v11 =	vadd.f32 v55, v11  }
0x34a: {  	v20 =	vadd.f32 v23, v20;
	v21 =	vadd.f32 v24, v21;
	v23 =	vmul.f32 v33, v32;
	v24 =	vld [tilespmem:s1+$0xFFFFFFF0]  }
0x34b: {  	v18 =	vadd.f32 v25, v18;
	v19 =	vadd.f32 v26, v19;
	v25 =	vmul.f32 v36, v32;
	v26 =	vld [tilespmem:s1+$0x60]  }
0x34c: {  	v20 =	vadd.f32 v31, v20;
	v21 =	vadd.f32 v29, v21;
	v29 =	vmul.f32 v42, v28;
	v31 =	vld [tilespmem:s1+$0x70]  }
0x34d: {  	v23 =	vadd.f32 v23, v18;
	v19 =	vadd.f32 v25, v19;
	v25 =	vmul.f32 v40, v28;
	v32 =	vld [tilespmem:s1+$0xE0]  }
.Ltmp24:
0x34e: {  	v20 =	vadd.f32 v37, v20;
	v21 =	vadd.f32 v41, v21;
	v28 =	vmul.f32 v30, v27;
	v18 =	vld [tilespmem:s1+$0xF0];
	(pc) =	sbr.rel @p1 .LBB2_14-.Ltmp24, $4  }
0x34f: {  	v29 =	vadd.f32 v29, v23;
	v30 =	vadd.f32 v25, v19;
	v24 =	vmul.f32 v24, v27;
	v19 =	vld [tilespmem:s1+$0x160]  }
0x350: {  	v27 =	vadd.f32 v38, v20;
	v33 =	vadd.f32 v34, v21;
	v23 =	vmul.f32 v26, v22;
	v20 =	vld [tilespmem:s1+$0x170]  }
0x351: {  	v25 =	vadd.f32 v28, v29;
	v26 =	vadd.f32 v24, v30;
	v29 =	vmul.f32 v31, v22;
	v21 =	vld [tilespmem:s1+$0x1E0]  }
0x352: {  	v27 =	vadd.f32 v39, v27;
	v28 =	vadd.f32 v35, v33;
	v24 =	vmul.f32 v32, v13;
	v22 =	vld [tilespmem:s1+$0x1F0];
	s1 =	sadd.s32 $0x400, s1  }
.LBB2_15:
0x353: {  	v23 =	vadd.f32 v23, v25;
	v58 =	vadd.f32 v29, v26;
	v13 =	vmul.f32 v18, v13  }
0x354: {  	v16 =	vadd.f32 v16, v27;
	v17 =	vadd.f32 v17, v28;
	v59 =	vmul.f32 v19, v6  }
0x355: {  	v60 =	vadd.f32 v24, v23;
	v13 =	vadd.f32 v13, v58;
	v6 =	vmul.f32 v20, v6  }
0x356: {  	v14 =	vadd.f32 v14, v16;
	v15 =	vadd.f32 v15, v17;
	v61 =	vmul.f32 v21, v5  }
0x357: {  	v62 =	vadd.f32 v59, v60;
	v13 =	vadd.f32 v6, v13;
	v63 =	vmul.f32 v22, v5  }
0x358: {  	v5 =	vadd.f32 v7, v14;
	v6 =	vadd.f32 v8, v15  }
0x359: {  	v7 =	vadd.f32 v61, v62;
	v8 =	vadd.f32 v63, v13  }
.LBB2_16:
0x35a: {  	p1 =	sge.s32 s0, s29  }
.Ltmp25:
0x35b: {  	_ = 	snop;
	(pc) =	sbr.rel @p1 .LBB2_19-.Ltmp25, $1  }
0x35c: {  	_ =	sdelay $0x3  }
0x35d: {  	s0 =	ssub.s32 s30, s31  }
0x35e: {  	s1 =	sshll.u32 s29, $0x9;
	s2 =	sshll.u32 s0, $0x9  }
0x35f: {  	s1 =	ssub.s32 s1, s2  }
0x360: {  	s1 =	sshra.s32 s1, $0x2  }
0x361: {  	s0 =	ssub.s32 $0x0, s0;
	s1 =	sor.u32 $0x40, s1  }
.LBB2_18:
0x362: {  	s2 =	sadd.s32 s0, s29  }
0x363: {  	v13 =	vmov s2  }
0x364: {  	v14 =	vld [tilespmem:s1+$0xFFFFFFC0]  }
0x365: {  	v15 =	vld [tilespmem:s1+$0xFFFFFFD0]  }
0x366: {  	v16 =	vld [tilespmem:s1+$0xFFFFFFE0]  }
0x367: {  	v17 =	vld [tilespmem:s1+$0xFFFFFFF0]  }
0x368: {  	v13 =	vld.idx.msk [tilespmem:v13+s15+$0x0], $0xffff  }
0x369: {  	v18 =	vld [tilespmem:s1+$0x0]  }
0x36a: {  	v19 =	vld [tilespmem:s1+$0x10]  }
0x36b: {  	v20 =	vld [tilespmem:s1+$0x20]  }
0x36c: {  	v21 =	vld [tilespmem:s1+$0x30]  }
0x36d: {  	s0 =	sadd.s32 $0x1, s0;
	v14 =	vmul.f32 v14, v13  }
0x36e: {  	p1 =	seq.s32 s0, $0x0;
	v15 =	vmul.f32 v15, v13;
	v16 =	vmul.f32 v16, v13  }
.Ltmp26:
0x36f: {  	v63 =	vmul.f32 v19, v13;
	v9 =	vadd.f32 v14, v9;
	v14 =	vmul.f32 v17, v13;
	(pc) =	sbr.rel @!p1 .LBB2_18-.Ltmp26, $4  }
0x370: {  	v10 =	vadd.f32 v15, v10;
	v12 =	vadd.f32 v16, v12;
	v15 =	vmul.f32 v18, v13  }
0x371: {  	v11 =	vadd.f32 v14, v11;
	v14 =	vmul.f32 v20, v13;
	v13 =	vmul.f32 v21, v13  }
0x372: {  	v6 =	vadd.f32 v63, v6;
	v5 =	vadd.f32 v15, v5  }
0x373: {  	s1 =	sadd.s32 $0x80, s1;
	v7 =	vadd.f32 v14, v7;
	v8 =	vadd.f32 v13, v8  }
.Ltmp27:
0x374: {  	_ = 	snop;
	(pc) =	sbr.rel .LBB2_19-.Ltmp27, $1  }
0x375: {  	_ =	sdelay $0x3  }
.LBB2_32:
.Ltmp28:
0x376: {  	(pc) =	sbr.rel .LBB2_33-.Ltmp28, $4  }
0x377: {  	_ = 	snop  }
0x378: {  	_ =	swait.ge [sflag:s21], $0x8000  }
0x379: {  	[sflag:s21] =	ssyncset.done $0x0  }
0x37a: {  	[sflag:s21] =	ssyncadd.s32 $0xFFFF8000  }
.LBB2_40:
0x37b: {  	s0 =	sshll.u32 s25, $0x9  }
0x37c: {  	s0 =	sshra.s32 s0, $0x2  }
0x37d: {  	v13 =	vld [tilespmem:s0+$0x10900]  }
0x37e: {  	v14 =	vld [tilespmem:s0+$0x10910]  }
0x37f: {  	v15 =	vld [tilespmem:s0+$0x10920]  }
0x380: {  	v16 =	vld [tilespmem:s0+$0x10930]  }
0x381: {  	v17 =	vld [tilespmem:s0+$0x10940]  }
0x382: {  	v59 =	vld [tilespmem:s0+$0x10950];
	v9 =	vadd.f32 v13, v9  }
0x383: {  	v60 =	vld [tilespmem:s0+$0x10960];
	v10 =	vadd.f32 v14, v10  }
0x384: {  	v62 =	vld [tilespmem:s0+$0x10970];
	v61 =	vadd.f32 v15, v12;
	[tilespmem:s0+$0x10900] =	vst v9  }
0x385: {  	s25 =	sadd.s32 $0x1, s25;
	v63 =	vadd.f32 v16, v11;
	[tilespmem:s0+$0x10910] =	vst v10  }
0x386: {  	p1 =	sne.s32 s25, s26;
	v5 =	vadd.f32 v17, v5;
	[tilespmem:s0+$0x10920] =	vst v61  }
.Ltmp29:
0x387: {  	v6 =	vadd.f32 v59, v6;
	[tilespmem:s0+$0x10930] =	vst v63;
	(pc) =	sbr.rel @!p1 .LBB2_41-.Ltmp29, $4  }
0x388: {  	[tilespmem:s0+$0x10940] =	vst v5;
	v5 =	vadd.f32 v60, v7  }
0x389: {  	[tilespmem:s0+$0x10950] =	vst v6;
	v6 =	vadd.f32 v62, v8  }
0x38a: {  	[tilespmem:s0+$0x10960] =	vst v5  }
0x38b: {  	[tilespmem:s0+$0x10970] =	vst v6  }
.LBB2_33:
0x38c: {  	v5 =	vmov s25  }
0x38d: {  	vm0 =	veq.s32 v5, v0  }
0x38e: {  	v5 =	vnsel vm0, $0x80000000, v3  }
0x38f: {  	(xrf0) =	vmax.scan.msk.u32 $0xffff, v5;
	v5 =	vnsel vm0, $0x80000000, v4  }
0x390: {  	(xrf0) =	vmax.scan.msk.u32 $0xffff, v5;
	_ =	sdelay $0x4  }
0x391: {  	v5, _, _ =	vpop (xrf0)  }
0x392: {  	(v2sf) =	vpush v5, $0xF;
	v5, _, _ =	vpop (xrf0)  }
0x393: {  	(v2sf) =	vpush v5, $0xF;
	_ =	sdelay $0xd  }
0x394: {  	s0 =	spop (v2sf)  }
0x395: {  	s2 =	spop (v2sf)  }
0x396: {  	s1 =	sxor.u32 $0x80000000, s0;
	s28 =	sxor.u32 $0x80000000, s2  }
0x397: {  	p1 =	sgt.s32 s1, $0x300;
	p2 =	slt.s32 s28, $0x400  }
0x398: {  	s1 =	simm.s32 @!p1 $0x300;
	s28 =	simm.s32 @!p2 $0x400  }
0x399: {  	s29 =	ssub.s32 s28, s1  }
0x39a: {  	s31 =	sshra.s32 s29, $0x1F  }
0x39b: {  	s0 =	sshrl.u32 s31, $0x1D  }
0x39c: {  	s0 =	sadd.s32 s0, s29  }
0x39d: {  	s30 =	sand.u32 $0xFFFFFFF8, s0  }
0x39e: {  	s0 =	sadd.s32 s1, s30  }
0x39f: {  	p1 =	sge.s32 s1, s0  }
.Ltmp30:
0x3a0: {  	_ = 	snop;
	(pc) =	sbr.rel @p1 .LBB2_37-.Ltmp30, $4  }
0x3a1: {  	_ = 	snop  }
0x3a2: {  	v9 =	vimm.f32 $0.0e+00;
	v10 =	vimm.f32 $0.0e+00  }
0x3a3: {  	v12 =	vimm.f32 $0.0e+00;
	v11 =	vimm.f32 $0.0e+00;
	v6 =	vimm.f32 $0.0e+00  }
0x3a4: {  	v7 =	vimm.f32 $0.0e+00;
	v8 =	vimm.f32 $0.0e+00;
	v5 =	vimm.f32 $0.0e+00  }
0x3a5: {  	s2 =	sshll.u32 s1, $0x9  }
0x3a6: {  	s2 =	sshra.s32 s2, $0x2  }
0x3a7: {  	s16 =	sadd.s32 $0xFFFF0000, s2  }
0x3a8: {  	v7 =	vld [tilespmem:s16+$0x380]  }
0x3a9: {  	v8 =	vld [tilespmem:s16+$0x390]  }
0x3aa: {  	v9 =	vld [tilespmem:s16+$0x3A0]  }
0x3ab: {  	v10 =	vld [tilespmem:s16+$0x3B0]  }
0x3ac: {  	v11 =	vld [tilespmem:s16+$0x3C0]  }
0x3ad: {  	v12 =	vld [tilespmem:s16+$0x3D0]  }
0x3ae: {  	v14 =	vld [tilespmem:s16+$0x300]  }
0x3af: {  	v15 =	vld [tilespmem:s16+$0x310]  }
0x3b0: {  	v16 =	vld [tilespmem:s16+$0x320]  }
0x3b1: {  	v17 =	vld [tilespmem:s16+$0x330]  }
0x3b2: {  	v19 =	vld [tilespmem:s16+$0x340]  }
0x3b3: {  	v20 =	vld [tilespmem:s16+$0x350]  }
0x3b4: {  	v21 =	vld [tilespmem:s16+$0x280]  }
0x3b5: {  	v22 =	vld [tilespmem:s16+$0x290]  }
0x3b6: {  	v23 =	vld [tilespmem:s16+$0x2A0]  }
0x3b7: {  	v25 =	vld [tilespmem:s16+$0x2C0]  }
0x3b8: {  	v26 =	vld [tilespmem:s16+$0x2D0]  }
0x3b9: {  	v27 =	vld [tilespmem:s16+$0x200]  }
0x3ba: {  	v6 =	vld [tilespmem:s16+$0x0]  }
0x3bb: {  	v13 =	vld [tilespmem:s16+$0x10]  }
0x3bc: {  	v28 =	vld [tilespmem:s16+$0x20]  }
0x3bd: {  	v5 =	vmov s1;
	v29 =	vld [tilespmem:s16+$0x30]  }
0x3be: {  	v30 =	vld [tilespmem:s16+$0x40]  }
0x3bf: {  	v33 =	vld [tilespmem:s16+$0x50]  }
0x3c0: {  	s18 =	sadd.s32 $0x7, s1;
	v34 =	vld [tilespmem:s16+$0x60]  }
0x3c1: {  	v31 =	vmov s18;
	v36 =	vld [tilespmem:s16+$0x70]  }
0x3c2: {  	s31 =	sadd.s32 $0x6, s1;
	v32 =	vld.idx.msk [tilespmem:v5+s15+$0x0], $0xffff  }
0x3c3: {  	v35 =	vmov s31;
	s31 =	sadd.s32 $0x4, s1;
	v40 =	vld [tilespmem:s16+$0x180]  }
0x3c4: {  	v41 =	vmov s31;
	v59 =	vld [tilespmem:s16+$0x190]  }
0x3c5: {  	v60 =	vld [tilespmem:s16+$0x100]  }
0x3c6: {  	v5 =	vld.idx.msk [tilespmem:v31+s15+$0x0], $0xffff  }
0x3c7: {  	s18 =	sadd.s32 $0x5, s1;
	v46 =	vld [tilespmem:s16+$0x110];
	v38 =	vmul.f32 v6, v32  }
0x3c8: {  	v37 =	vmov s18;
	s18 =	sadd.s32 $0x3, s1;
	v53 =	vld [tilespmem:s16+$0x220];
	v39 =	vmul.f32 v13, v32;
	v28 =	vmul.f32 v28, v32  }
0x3c9: {  	s2 =	sadd.s32 $0x2, s1;
	v42 =	vmov s18;
	v41 =	vld.idx.msk [tilespmem:v41+s15+$0x0], $0xffff;
	v29 =	vmul.f32 v29, v32;
	v30 =	vmul.f32 v30, v32  }
0x3ca: {  	v43 =	vmov s2;
	v6 =	vld.idx.msk [tilespmem:v35+s15+$0x0], $0xffff;
	v33 =	vmul.f32 v33, v32;
	v34 =	vmul.f32 v34, v32  }
0x3cb: {  	s31 =	sadd.s32 $0x1, s1;
	v62 =	vld [tilespmem:s16+$0xA0];
	v32 =	vmul.f32 v36, v32;
	v61 =	vmul.f32 v7, v5  }
0x3cc: {  	v45 =	vmov s31;
	v31 =	vld [tilespmem:s16+$0x210];
	v44 =	vmul.f32 v8, v5;
	v47 =	vmul.f32 v9, v5  }
0x3cd: {  	v13 =	vld.idx.msk [tilespmem:v37+s15+$0x0], $0xffff;
	v48 =	vmul.f32 v10, v5;
	v7 =	vmul.f32 v11, v5  }
0x3ce: {  	v42 =	vld.idx.msk [tilespmem:v42+s15+$0x0], $0xffff;
	v8 =	vmul.f32 v12, v5;
	v56 =	vmul.f32 v53, v41  }
0x3cf: {  	v43 =	vld.idx.msk [tilespmem:v43+s15+$0x0], $0xffff;
	v10 =	vmul.f32 v14, v6;
	v11 =	vmul.f32 v15, v6  }
0x3d0: {  	v9 =	vld [tilespmem:s16+$0x80];
	v12 =	vmul.f32 v16, v6;
	v49 =	vmul.f32 v17, v6  }
0x3d1: {  	v14 =	vmul.f32 v19, v6;
	v15 =	vmul.f32 v20, v6;
	v19 =	vld.idx.msk [tilespmem:v45+s15+$0x0], $0xffff  }
0x3d2: {  	v20 =	vmul.f32 v21, v13;
	v21 =	vmul.f32 v22, v13;
	v22 =	vld [tilespmem:s16+$0x90]  }
0x3d3: {  	v18 =	vimm.f32 $0.0e+00;
	v16 =	vmul.f32 v25, v13;
	v17 =	vmul.f32 v26, v13;
	v25 =	vld [tilespmem:s16+$0xB0]  }
0x3d4: {  	v38 =	vadd.f32 v38, v18;
	v26 =	vmul.f32 v27, v41;
	v27 =	vmul.f32 v31, v41;
	v31 =	vld [tilespmem:s16+$0x120]  }
0x3d5: {  	v50 =	vld [tilespmem:s16+$0x130];
	v39 =	vadd.f32 v39, v18;
	v40 =	vmul.f32 v40, v42;
	v35 =	vmul.f32 v59, v42  }
0x3d6: {  	v51 =	vld [tilespmem:s16+$0x1A0];
	v28 =	vadd.f32 v28, v18;
	v36 =	vmul.f32 v60, v43;
	v46 =	vmul.f32 v46, v43  }
0x3d7: {  	v52 =	vld [tilespmem:s16+$0x1B0];
	v29 =	vadd.f32 v29, v18;
	v9 =	vmul.f32 v9, v19;
	v22 =	vmul.f32 v22, v19  }
0x3d8: {  	v54 =	vld [tilespmem:s16+$0x250];
	v34 =	vadd.f32 v34, v18;
	v45 =	vmul.f32 v62, v19;
	v25 =	vmul.f32 v25, v19  }
0x3d9: {  	v63 =	vld [tilespmem:s16+$0x230];
	v31 =	vmul.f32 v31, v43;
	v9 =	vadd.f32 v9, v38;
	v22 =	vadd.f32 v22, v39  }
0x3da: {  	v24 =	vld [tilespmem:s16+$0x2B0];
	v28 =	vadd.f32 v45, v28;
	v25 =	vadd.f32 v25, v29;
	v29 =	vmul.f32 v50, v43  }
0x3db: {  	v55 =	vld [tilespmem:s16+$0x1D0];
	v51 =	vmul.f32 v51, v42;
	v9 =	vadd.f32 v36, v9;
	v22 =	vadd.f32 v46, v22  }
0x3dc: {  	v50 =	vld [tilespmem:s16+$0x240];
	v28 =	vadd.f32 v31, v28;
	v25 =	vadd.f32 v29, v25;
	v29 =	vmul.f32 v52, v42  }
0x3dd: {  	v59 =	vmul.f32 v54, v41;
	v31 =	vld [tilespmem:s16+$0x1C0];
	v9 =	vadd.f32 v40, v9;
	v22 =	vadd.f32 v35, v22  }
0x3de: {  	v57 =	vld [tilespmem:s16+$0x140];
	v28 =	vadd.f32 v51, v28;
	v25 =	vadd.f32 v29, v25;
	v29 =	vmul.f32 v63, v41  }
0x3df: {  	v58 =	vld [tilespmem:s16+$0x150];
	v23 =	vmul.f32 v23, v13;
	v9 =	vadd.f32 v26, v9;
	v22 =	vadd.f32 v27, v22  }
0x3e0: {  	v24 =	vmul.f32 v24, v13;
	v26 =	vld [tilespmem:s16+$0xC0];
	v28 =	vadd.f32 v56, v28;
	v25 =	vadd.f32 v29, v25  }
0x3e1: {  	v27 =	vmul.f32 v50, v41;
	v29 =	vld [tilespmem:s16+$0xD0];
	v9 =	vadd.f32 v20, v9;
	v20 =	vadd.f32 v21, v22  }
0x3e2: {  	v31 =	vmul.f32 v31, v42;
	v21 =	vld [tilespmem:s16+$0xE0];
	v23 =	vadd.f32 v23, v28;
	v24 =	vadd.f32 v24, v25  }
0x3e3: {  	v22 =	vmul.f32 v55, v42;
	v25 =	vld [tilespmem:s16+$0xF0];
	v9 =	vadd.f32 v10, v9;
	v10 =	vadd.f32 v11, v20  }
0x3e4: {  	v60 =	vld [tilespmem:s16+$0x160];
	v28 =	vmul.f32 v57, v43;
	v11 =	vadd.f32 v12, v23;
	v23 =	vadd.f32 v49, v24  }
0x3e5: {  	v24 =	vmul.f32 v26, v19;
	v26 =	vld [tilespmem:s16+$0x170];
	v9 =	vadd.f32 v61, v9;
	v10 =	vadd.f32 v44, v10  }
0x3e6: {  	v62 =	vld [tilespmem:s16+$0x1F0];
	v20 =	vmul.f32 v58, v43;
	v12 =	vadd.f32 v47, v11;
	v11 =	vadd.f32 v48, v23  }
0x3e7: {  	v29 =	vmul.f32 v29, v19;
	v61 =	vld [tilespmem:s16+$0x1E0];
	v23 =	vadd.f32 v30, v18;
	v30 =	vadd.f32 v33, v18  }
0x3e8: {  	v18 =	vadd.f32 v32, v18;
	v21 =	vmul.f32 v21, v19;
	v19 =	vmul.f32 v25, v19;
	v25 =	vld [tilespmem:s16+$0x260]  }
0x3e9: {  	s2 =	sadd.s32 $0x8, s1;
	v23 =	vadd.f32 v24, v23;
	v24 =	vadd.f32 v29, v30;
	v29 =	vmul.f32 v60, v43;
	v30 =	vld [tilespmem:s16+$0x270]  }
0x3ea: {  	p1 =	slt.s32 s2, s0;
	v63 =	vld [tilespmem:s16+$0x2E0];
	v21 =	vadd.f32 v21, v34;
	v19 =	vadd.f32 v19, v18;
	v26 =	vmul.f32 v26, v43  }
.Ltmp31:
0x3eb: {  	v18 =	vld [tilespmem:s16+$0x2F0];
	v23 =	vadd.f32 v28, v23;
	v20 =	vadd.f32 v20, v24;
	v28 =	vmul.f32 v62, v42;
	(pc) =	sbr.rel @!p1 .LBB2_36-.Ltmp31, $4  }
0x3ec: {  	v24 =	vmul.f32 v61, v42;
	v21 =	vadd.f32 v29, v21;
	v26 =	vadd.f32 v26, v19;
	v19 =	vld [tilespmem:s16+$0x360]  }
0x3ed: {  	v31 =	vadd.f32 v31, v23;
	v22 =	vadd.f32 v22, v20;
	v23 =	vmul.f32 v25, v41;
	v20 =	vld [tilespmem:s16+$0x370]  }
0x3ee: {  	v25 =	vadd.f32 v24, v21;
	v29 =	vmul.f32 v30, v41;
	v21 =	vld [tilespmem:s16+$0x3E0];
	v26 =	vadd.f32 v28, v26  }
0x3ef: {  	s1 =	sadd.s32 $0x400, s16;
	v24 =	vmul.f32 v63, v13;
	v27 =	vadd.f32 v27, v31;
	v28 =	vadd.f32 v59, v22;
	v22 =	vld [tilespmem:s16+$0x3F0]  }
.LBB2_35:
0x3f0: {  	v30 =	vld [tilespmem:s1+$0x380];
	v23 =	vadd.f32 v23, v25;
	v25 =	vadd.f32 v29, v26;
	v13 =	vmul.f32 v18, v13  }
0x3f1: {  	v29 =	vld [tilespmem:s1+$0x390];
	v16 =	vadd.f32 v16, v27;
	v17 =	vadd.f32 v17, v28;
	v18 =	vmul.f32 v19, v6  }
0x3f2: {  	v27 =	vld [tilespmem:s1+$0x3A0];
	v19 =	vadd.f32 v24, v23;
	v13 =	vadd.f32 v13, v25;
	v6 =	vmul.f32 v20, v6  }
0x3f3: {  	v28 =	vld [tilespmem:s1+$0x3B0];
	v14 =	vadd.f32 v14, v16;
	v15 =	vadd.f32 v15, v17;
	v16 =	vmul.f32 v21, v5  }
0x3f4: {  	v17 =	vld [tilespmem:s1+$0x3C0];
	v18 =	vadd.f32 v18, v19;
	v6 =	vadd.f32 v6, v13;
	v5 =	vmul.f32 v22, v5  }
0x3f5: {  	v22 =	vld [tilespmem:s1+$0x3D0];
	v20 =	vadd.f32 v7, v14;
	v21 =	vadd.f32 v8, v15  }
0x3f6: {  	v14 =	vld [tilespmem:s1+$0x300];
	v18 =	vadd.f32 v16, v18;
	v19 =	vadd.f32 v5, v6  }
0x3f7: {  	v15 =	vld [tilespmem:s1+$0x310]  }
0x3f8: {  	v16 =	vld [tilespmem:s1+$0x320]  }
0x3f9: {  	v31 =	vld [tilespmem:s1+$0x330]  }
0x3fa: {  	v32 =	vld [tilespmem:s1+$0x340]  }
0x3fb: {  	v33 =	vld [tilespmem:s1+$0x350]  }
0x3fc: {  	v34 =	vld [tilespmem:s1+$0x280]  }
0x3fd: {  	v35 =	vld [tilespmem:s1+$0x290]  }
0x3fe: {  	v36 =	vld [tilespmem:s1+$0x2A0]  }
0x3ff: {  	v37 =	vld [tilespmem:s1+$0x2B0]  }
0x400: {  	v38 =	vld [tilespmem:s1+$0x2C0]  }
0x401: {  	v39 =	vld [tilespmem:s1+$0x2D0]  }
0x402: {  	v40 =	vld [tilespmem:s1+$0x200]  }
0x403: {  	v5 =	vmov s2;
	v6 =	vld [tilespmem:s1+$0x0]  }
0x404: {  	v7 =	vld [tilespmem:s1+$0x10]  }
0x405: {  	v8 =	vld [tilespmem:s1+$0x20]  }
0x406: {  	s16 =	sadd.s32 $0x7, s2;
	v13 =	vld [tilespmem:s1+$0x30]  }
0x407: {  	v24 =	vmov s16;
	v23 =	vld [tilespmem:s1+$0x40]  }
0x408: {  	v26 =	vld.idx.msk [tilespmem:v5+s15+$0x0], $0xffff  }
0x409: {  	s16 =	sadd.s32 $0x6, s2;
	v25 =	vld [tilespmem:s1+$0x50]  }
0x40a: {  	v42 =	vmov s16;
	v41 =	vld [tilespmem:s1+$0x60]  }
0x40b: {  	v43 =	vld [tilespmem:s1+$0x70]  }
0x40c: {  	s16 =	sadd.s32 $0x5, s2;
	v5 =	vld.idx.msk [tilespmem:v24+s15+$0x0], $0xffff  }
0x40d: {  	v45 =	vmov s16;
	v44 =	vld [tilespmem:s1+$0x210]  }
0x40e: {  	v46 =	vmul.f32 v6, v26;
	v47 =	vmul.f32 v7, v26;
	v48 =	vld [tilespmem:s1+$0x180]  }
0x40f: {  	s16 =	sadd.s32 $0x4, s2;
	v49 =	vmul.f32 v8, v26;
	v50 =	vmul.f32 v13, v26;
	v6 =	vld.idx.msk [tilespmem:v42+s15+$0x0], $0xffff  }
0x410: {  	s18 =	sadd.s32 $0x3, s2;
	v51 =	vmov s16;
	v23 =	vmul.f32 v23, v26;
	v24 =	vmul.f32 v25, v26;
	v42 =	vld [tilespmem:s1+$0x190]  }
0x411: {  	s16 =	sadd.s32 $0x2, s2;
	v25 =	vmul.f32 v41, v26;
	v26 =	vmul.f32 v43, v26;
	v43 =	vmov s18;
	v41 =	vld [tilespmem:s1+$0x100]  }
0x412: {  	v52 =	vmov s16;
	s18 =	sadd.s32 $0x1, s2;
	v30 =	vmul.f32 v30, v5;
	v29 =	vmul.f32 v29, v5;
	v13 =	vld.idx.msk [tilespmem:v45+s15+$0x0], $0xffff  }
0x413: {  	v54 =	vmul.f32 v27, v5;
	v55 =	vmul.f32 v28, v5;
	v45 =	vmov s18;
	v53 =	vld [tilespmem:s1+$0x110]  }
0x414: {  	v7 =	vmul.f32 v17, v5;
	v8 =	vmul.f32 v22, v5;
	v56 =	vld [tilespmem:s1+$0x80]  }
0x415: {  	v57 =	vmul.f32 v15, v6;
	v22 =	vld.idx.msk [tilespmem:v51+s15+$0x0], $0xffff;
	v51 =	vmul.f32 v14, v6  }
0x416: {  	v31 =	vmul.f32 v31, v6;
	v27 =	vld.idx.msk [tilespmem:v43+s15+$0x0], $0xffff;
	v43 =	vmul.f32 v16, v6  }
0x417: {  	v15 =	vmul.f32 v33, v6;
	v14 =	vmul.f32 v32, v6;
	v28 =	vld.idx.msk [tilespmem:v52+s15+$0x0], $0xffff  }
0x418: {  	v33 =	vmul.f32 v34, v13;
	v34 =	vmul.f32 v35, v13;
	v32 =	vld.idx.msk [tilespmem:v45+s15+$0x0], $0xffff  }
0x419: {  	v36 =	vmul.f32 v36, v13;
	v37 =	vmul.f32 v37, v13;
	v35 =	vld [tilespmem:s1+$0x90]  }
0x41a: {  	v16 =	vmul.f32 v38, v13;
	v17 =	vmul.f32 v39, v13;
	v45 =	vld [tilespmem:s1+$0xA0]  }
0x41b: {  	v39 =	vmul.f32 v40, v22;
	v40 =	vmul.f32 v44, v22;
	v38 =	vld [tilespmem:s1+$0xB0]  }
0x41c: {  	v48 =	vmul.f32 v48, v27;
	v42 =	vmul.f32 v42, v27;
	v44 =	vld [tilespmem:s1+$0x120]  }
0x41d: {  	v41 =	vmul.f32 v41, v28;
	v52 =	vmul.f32 v53, v28;
	v53 =	vld [tilespmem:s1+$0x130]  }
0x41e: {  	v56 =	vmul.f32 v56, v32;
	v35 =	vmul.f32 v35, v32;
	v58 =	vld [tilespmem:s1+$0x1A0]  }
0x41f: {  	v9 =	vadd.f32 v46, v9;
	v10 =	vadd.f32 v47, v10;
	v45 =	vmul.f32 v45, v32;
	v46 =	vld [tilespmem:s1+$0x1B0]  }
0x420: {  	v12 =	vadd.f32 v49, v12;
	v11 =	vadd.f32 v50, v11;
	v38 =	vmul.f32 v38, v32;
	v47 =	vld [tilespmem:s1+$0x220]  }
0x421: {  	v9 =	vadd.f32 v56, v9;
	v10 =	vadd.f32 v35, v10;
	v35 =	vmul.f32 v44, v28;
	v44 =	vld [tilespmem:s1+$0x230]  }
0x422: {  	v12 =	vadd.f32 v45, v12;
	v11 =	vadd.f32 v38, v11;
	v38 =	vmul.f32 v53, v28;
	v45 =	vld [tilespmem:s1+$0x240]  }
0x423: {  	s2 =	sadd.s32 $0x8, s2;
	v9 =	vadd.f32 v41, v9;
	v10 =	vadd.f32 v52, v10;
	v41 =	vmul.f32 v58, v27;
	v49 =	vld [tilespmem:s1+$0x250]  }
0x424: {  	p1 =	slt.s32 s2, s0;
	v12 =	vadd.f32 v35, v12;
	v11 =	vadd.f32 v38, v11;
	v35 =	vmul.f32 v46, v27;
	v38 =	vld [tilespmem:s1+$0x1C0]  }
0x425: {  	v9 =	vadd.f32 v48, v9;
	v10 =	vadd.f32 v42, v10;
	v42 =	vld [tilespmem:s1+$0x1D0];
	v46 =	vmul.f32 v47, v22  }
0x426: {  	v12 =	vadd.f32 v41, v12;
	v47 =	vld [tilespmem:s1+$0x140];
	v11 =	vadd.f32 v35, v11;
	v35 =	vmul.f32 v44, v22  }
0x427: {  	v9 =	vadd.f32 v39, v9;
	v10 =	vadd.f32 v40, v10;
	v41 =	vld [tilespmem:s1+$0x150];
	v39 =	vmul.f32 v45, v22  }
0x428: {  	v12 =	vadd.f32 v46, v12;
	v40 =	vld [tilespmem:s1+$0xC0];
	v11 =	vadd.f32 v35, v11;
	v35 =	vmul.f32 v49, v22  }
0x429: {  	v9 =	vadd.f32 v33, v9;
	v10 =	vadd.f32 v34, v10;
	v44 =	vld [tilespmem:s1+$0xD0];
	v38 =	vmul.f32 v38, v27  }
0x42a: {  	v12 =	vadd.f32 v36, v12;
	v33 =	vld [tilespmem:s1+$0xE0];
	v34 =	vmul.f32 v42, v27;
	v11 =	vadd.f32 v37, v11  }
0x42b: {  	v9 =	vadd.f32 v51, v9;
	v10 =	vadd.f32 v57, v10;
	v36 =	vld [tilespmem:s1+$0xF0];
	v37 =	vmul.f32 v47, v28  }
0x42c: {  	v12 =	vadd.f32 v43, v12;
	v41 =	vmul.f32 v41, v28;
	v42 =	vld [tilespmem:s1+$0x160];
	v11 =	vadd.f32 v31, v11  }
0x42d: {  	v9 =	vadd.f32 v30, v9;
	v10 =	vadd.f32 v29, v10;
	v31 =	vmul.f32 v40, v32;
	v40 =	vld [tilespmem:s1+$0x170]  }
0x42e: {  	v12 =	vadd.f32 v54, v12;
	v29 =	vmul.f32 v44, v32;
	v30 =	vld [tilespmem:s1+$0x1E0];
	v11 =	vadd.f32 v55, v11  }
0x42f: {  	v20 =	vadd.f32 v23, v20;
	v21 =	vadd.f32 v24, v21;
	v23 =	vmul.f32 v33, v32;
	v24 =	vld [tilespmem:s1+$0x1F0]  }
0x430: {  	v18 =	vadd.f32 v25, v18;
	v19 =	vadd.f32 v26, v19;
	v25 =	vmul.f32 v36, v32;
	v26 =	vld [tilespmem:s1+$0x260]  }
0x431: {  	v20 =	vadd.f32 v31, v20;
	v21 =	vadd.f32 v29, v21;
	v29 =	vmul.f32 v42, v28;
	v31 =	vld [tilespmem:s1+$0x270]  }
0x432: {  	v23 =	vadd.f32 v23, v18;
	v19 =	vadd.f32 v25, v19;
	v25 =	vmul.f32 v40, v28;
	v32 =	vld [tilespmem:s1+$0x2E0]  }
.Ltmp32:
0x433: {  	v20 =	vadd.f32 v37, v20;
	v21 =	vadd.f32 v41, v21;
	v28 =	vmul.f32 v30, v27;
	v18 =	vld [tilespmem:s1+$0x2F0];
	(pc) =	sbr.rel @p1 .LBB2_35-.Ltmp32, $4  }
0x434: {  	v29 =	vadd.f32 v29, v23;
	v30 =	vadd.f32 v25, v19;
	v24 =	vmul.f32 v24, v27;
	v19 =	vld [tilespmem:s1+$0x360]  }
0x435: {  	v27 =	vadd.f32 v38, v20;
	v33 =	vadd.f32 v34, v21;
	v23 =	vmul.f32 v26, v22;
	v20 =	vld [tilespmem:s1+$0x370]  }
0x436: {  	v25 =	vadd.f32 v28, v29;
	v26 =	vadd.f32 v24, v30;
	v29 =	vmul.f32 v31, v22;
	v21 =	vld [tilespmem:s1+$0x3E0]  }
0x437: {  	v27 =	vadd.f32 v39, v27;
	v28 =	vadd.f32 v35, v33;
	v24 =	vmul.f32 v32, v13;
	v22 =	vld [tilespmem:s1+$0x3F0];
	s1 =	sadd.s32 $0x400, s1  }
.LBB2_36:
0x438: {  	v23 =	vadd.f32 v23, v25;
	v58 =	vadd.f32 v29, v26;
	v13 =	vmul.f32 v18, v13  }
0x439: {  	v16 =	vadd.f32 v16, v27;
	v17 =	vadd.f32 v17, v28;
	v59 =	vmul.f32 v19, v6  }
0x43a: {  	v60 =	vadd.f32 v24, v23;
	v13 =	vadd.f32 v13, v58;
	v6 =	vmul.f32 v20, v6  }
0x43b: {  	v14 =	vadd.f32 v14, v16;
	v15 =	vadd.f32 v15, v17;
	v61 =	vmul.f32 v21, v5  }
0x43c: {  	v62 =	vadd.f32 v59, v60;
	v13 =	vadd.f32 v6, v13;
	v63 =	vmul.f32 v22, v5  }
0x43d: {  	v5 =	vadd.f32 v7, v14;
	v6 =	vadd.f32 v8, v15  }
0x43e: {  	v7 =	vadd.f32 v61, v62;
	v8 =	vadd.f32 v63, v13  }
.LBB2_37:
0x43f: {  	p1 =	sge.s32 s0, s28  }
.Ltmp33:
0x440: {  	_ = 	snop;
	(pc) =	sbr.rel @p1 .LBB2_40-.Ltmp33, $1  }
0x441: {  	_ =	sdelay $0x3  }
0x442: {  	s0 =	ssub.s32 s29, s30  }
0x443: {  	s1 =	sshll.u32 s28, $0x9;
	s2 =	sshll.u32 s0, $0x9  }
0x444: {  	s1 =	ssub.s32 s1, s2  }
0x445: {  	s1 =	sshra.s32 s1, $0x2  }
0x446: {  	s0 =	ssub.s32 $0x0, s0;
	s1 =	sadd.s32 $0xFFFF0000, s1  }
.LBB2_39:
0x447: {  	s2 =	sadd.s32 s0, s28  }
0x448: {  	v13 =	vmov s2  }
0x449: {  	v14 =	vld [tilespmem:s1+$0x0]  }
0x44a: {  	v15 =	vld [tilespmem:s1+$0x10]  }
0x44b: {  	v16 =	vld [tilespmem:s1+$0x20]  }
0x44c: {  	v17 =	vld [tilespmem:s1+$0x30]  }
0x44d: {  	v13 =	vld.idx.msk [tilespmem:v13+s15+$0x0], $0xffff  }
0x44e: {  	v18 =	vld [tilespmem:s1+$0x40]  }
0x44f: {  	v19 =	vld [tilespmem:s1+$0x50]  }
0x450: {  	v20 =	vld [tilespmem:s1+$0x60]  }
0x451: {  	v21 =	vld [tilespmem:s1+$0x70]  }
0x452: {  	s0 =	sadd.s32 $0x1, s0;
	v14 =	vmul.f32 v14, v13  }
0x453: {  	p1 =	seq.s32 s0, $0x0;
	v15 =	vmul.f32 v15, v13;
	v16 =	vmul.f32 v16, v13  }
.Ltmp34:
0x454: {  	v63 =	vmul.f32 v19, v13;
	v9 =	vadd.f32 v14, v9;
	v14 =	vmul.f32 v17, v13;
	(pc) =	sbr.rel @!p1 .LBB2_39-.Ltmp34, $4  }
0x455: {  	v10 =	vadd.f32 v15, v10;
	v12 =	vadd.f32 v16, v12;
	v15 =	vmul.f32 v18, v13  }
0x456: {  	v11 =	vadd.f32 v14, v11;
	v14 =	vmul.f32 v20, v13;
	v13 =	vmul.f32 v21, v13  }
0x457: {  	v6 =	vadd.f32 v63, v6;
	v5 =	vadd.f32 v15, v5  }
0x458: {  	s1 =	sadd.s32 $0x80, s1;
	v7 =	vadd.f32 v14, v7;
	v8 =	vadd.f32 v13, v8  }
.Ltmp35:
0x459: {  	_ = 	snop;
	(pc) =	sbr.rel .LBB2_40-.Ltmp35, $1  }
0x45a: {  	_ =	sdelay $0x3  }
.LBB2_41:
0x45b: {  	s1 =	sadd.s32 $0xFFFFFFFF, s24  }
0x45c: {  	s0 =	sadd.s32 $0x80000001, s1  }
0x45d: {  	v3 =	vmov s0;
	_ =	sdelay $0x4  }
0x45e: {  	v3 =	vld.idx.msk [tilespmem:v3+s17+$0x0], $0xffff;
	_ =	sdelay $0x4  }
0x45f: {  	s31 =	sshll.u32 s24, $0x9;
	v3 =	vadd.f32 $1.000000020e-16, v3  }
0x460: {  	s0 =	sshra.s32 s31, $0x2  }
0x461: {  	s0 =	sadd.s32 $0x10940, s0;
	(erf) = vrcp.f32 v3  }
0x462: {  	v7 =	vld [tilespmem:s0+$0x30]  }
0x463: {  	v4 =	vld [tilespmem:s0+$0x10]  }
0x464: {  	v5 =	vld [tilespmem:s0+$0xFFFFFFD0]  }
0x465: {  	v6 =	vld [tilespmem:s0+$0xFFFFFFC0]  }
0x466: {  	v8 =	vld [tilespmem:s0+$0xFFFFFFE0]  }
0x467: {  	v3 =	vld [tilespmem:s0+$0xFFFFFFF0]  }
0x468: {  	s1 =	sadd.s32 $0x1, s1;
	v10 =	vld [tilespmem:s0+$0x20]  }
0x469: {  	p1 =	sne.s32 s23, s1;
	v9 =	vld [tilespmem:s0+$0x0]  }
.Ltmp36:
0x46a: {  	v11 =	vpop (erf);
	(pc) =	sbr.rel @!p1 .LBB2_43-.Ltmp36, $4  }
0x46b: {  	v6 =	vmul.f32 v11, v6;
	v12 =	vmul.f32 v5, v11  }
0x46c: {  	v5 =	vmul.f32 v8, v11;
	v3 =	vmul.f32 v3, v11  }
0x46d: {  	v4 =	vmul.f32 v4, v11;
	v8 =	vmul.f32 v10, v11;
	[tilespmem:s0+$0xFFFFFFC0] =	vst v6  }
0x46e: {  	v7 =	vmul.f32 v7, v11;
	v6 =	vmul.f32 v9, v11;
	[tilespmem:s0+$0xFFFFFFD0] =	vst v12  }
.LBB2_42:
0x46f: {  	s2 =	sadd.s32 $0x80000001, s1;
	s1 =	sadd.s32 $0x1, s1;
	[tilespmem:s0+$0xFFFFFFE0] =	vst v5  }
0x470: {  	v5 =	vmov s2;
	p1 =	sne.s32 s23, s1;
	[tilespmem:s0+$0xFFFFFFF0] =	vst v3  }
0x471: {  	[tilespmem:s0+$0x0] =	vst v6  }
0x472: {  	[tilespmem:s0+$0x10] =	vst v4  }
0x473: {  	[tilespmem:s0+$0x20] =	vst v8  }
0x474: {  	[tilespmem:s0+$0x30] =	vst v7  }
0x475: {  	v3 =	vld.idx.msk [tilespmem:v5+s17+$0x0], $0xffff;
	_ =	sdelay $0x5  }
0x476: {  	v3 =	vadd.f32 $1.000000020e-16, v3;
	_ =	sdelay $0x1  }
0x477: {  	s0 =	sadd.s32 $0x80, s0;
	(erf) = vrcp.f32 v3  }
0x478: {  	v3 =	vld [tilespmem:s0+$0xFFFFFFF0]  }
0x479: {  	v7 =	vld [tilespmem:s0+$0x30]  }
0x47a: {  	v4 =	vld [tilespmem:s0+$0x10]  }
0x47b: {  	v5 =	vld [tilespmem:s0+$0xFFFFFFD0]  }
0x47c: {  	v6 =	vld [tilespmem:s0+$0xFFFFFFC0]  }
0x47d: {  	v8 =	vld [tilespmem:s0+$0xFFFFFFE0]  }
0x47e: {  	v9 =	vld [tilespmem:s0+$0x0]  }
0x47f: {  	v10 =	vld [tilespmem:s0+$0x20]  }
.Ltmp37:
0x480: {  	v11 =	vpop (erf);
	(pc) =	sbr.rel @p1 .LBB2_42-.Ltmp37, $4  }
0x481: {  	v6 =	vmul.f32 v11, v6;
	v12 =	vmul.f32 v5, v11  }
0x482: {  	v3 =	vmul.f32 v3, v11;
	v5 =	vmul.f32 v8, v11  }
0x483: {  	v4 =	vmul.f32 v4, v11;
	[tilespmem:s0+$0xFFFFFFC0] =	vst v6;
	v6 =	vmul.f32 v9, v11  }
0x484: {  	v7 =	vmul.f32 v7, v11;
	[tilespmem:s0+$0xFFFFFFD0] =	vst v12;
	v8 =	vmul.f32 v10, v11  }
.LBB2_43:
0x485: {  	[tilespmem:s0+$0xFFFFFFE0] =	vst v5  }
.Ltmp38:
0x486: {  	[tilespmem:s0+$0xFFFFFFF0] =	vst v3;
	(pc) =	sbr.rel .LBB2_44-.Ltmp38, $4  }
0x487: {  	[tilespmem:s0+$0x10] =	vst v4  }
0x488: {  	[tilespmem:s0+$0x0] =	vst v6  }
0x489: {  	[tilespmem:s0+$0x20] =	vst v8  }
0x48a: {  	[tilespmem:s0+$0x30] =	vst v7  }
.LBB2_45:
0x48b: {  	_ =	sfence.sel $0x180000  }
0x48c: {  	[bflag:$0x0] =	sbarrier.arrive $0xFFFF  }
0x48d: {  	_ =	strace $0x90000047  }
0x48e: {  	s0 =	stileid.u32;
	[bflag:$0x2] =	sbarrier.arrive $0xFFFF  }
0x48f: {  	p0 =	sne.s32 s0, $0x0;
	s0 =	rddreg [dreg:$0x5]  }
0x490: {  	s0 =	sadd.s32 @!p0 $0x100000, s0  }
0x491: {  	[sflag:s0] =	ssyncadd.tile.s32 @!p0 $0x1;
	_ =	shalt  }
.Lfunc_end2:
_tile_overlayer_lowered:
.L_overlay_start_2:
0x492: {  	(tag) =	ssettag $0x2  }
0x493: {  	s0 =	rddreg [dreg:$0x0];
	s2 =	stileid.u32  }
0x494: {  	s1 =	rddreg [dreg:$0x1];
	p0 =	sne.s32 s2, $0x0  }
0x495: {  	s3 =	rddreg [dreg:$0x2];
	[bflag:$0x3] =	sbarrier.arrive $0xFFFF;
	s2 =	simm.s32 @!p0 $0x1C04  }
0x496: {  	[timem:s3], [sflag:s2] =	dma.local @!p0 [hbm:s0], s1  }
0x497: {  	s0 =	simm.s32 @!p0 $0x4  }
0x498: {  	_ =	swait.ge @!p0 [sflag:s0], s1  }
0x499: {  	s1 =	ssub.s32 @!p0 $0x0, s1;
	[sflag:s0] =	ssyncset.done @!p0 $0x0  }
0x49a: {  	[sflag:s0] =	ssyncadd.s32 @!p0 s1  }
0x49b: {  	[bflag:$0x3] =	sbarrier.arrive $0xFFFF  }
0x49c: {  	_ =	shalt  }

</sc_bundles>
